<compile_context>
chip_gen: v7x
topology: tpu7x:2x2x1
jax: 0.10.2.dev20260603
libtpu: 0.0.44.dev20260713+nightly
codegen_flags: <defaults>
</compile_context>

<pallas_src>
import functools

import jax
from jax import lax
import jax.numpy as jnp
from jax.experimental import pallas as pl
from jax.experimental.pallas import tpu as pltpu
from jax.experimental.pallas import tpu_sc as plsc

NC = 2
NS = 16
NW = NC * NS
LANES = 8
BATCH = 128

_MESH = plsc.VectorSubcoreMesh(core_axis_name="c", subcore_axis_name="s")
_SC_PARAMS = pltpu.CompilerParams(use_tc_tiling_on_sc=False)


def _deg_body(ktile, np_, col_hbm, zeros_hbm, ones_hbm, out_hbm,
              col_v, ones_v, acc_sh, sem):
    cid = lax.axis_index("c")
    sid = lax.axis_index("s")
    chunk = np_ // NS
    base = sid * chunk
    wid = cid * NS + sid
    setup = [
        pltpu.async_copy(zeros_hbm.at[pl.ds(base, chunk)],
                         acc_sh.at[pl.ds(base, chunk)], sem),
        pltpu.async_copy(ones_hbm, ones_v, sem),
        pltpu.async_copy(col_hbm.at[wid], col_v, sem),
    ]
    for c in setup:
        c.wait()
    plsc.subcore_barrier()
    adds = [pltpu.async_copy(ones_v, acc_sh.at[col_v.at[j]], sem, add=True)
            for j in range(ktile)]
    for c in adds:
        c.wait()
    plsc.subcore_barrier()
    pltpu.sync_copy(acc_sh.at[pl.ds(base, chunk)],
                    out_hbm.at[cid].at[pl.ds(base, chunk)])


def _agg_body(ktile, np_, row_hbm, col_hbm, y_hbm, zeros_hbm, out_hbm,
              row_v, col_v, rows_v, y_sh, acc_sh, gsems, ssem):
    cid = lax.axis_index("c")
    sid = lax.axis_index("s")
    chunk = np_ // NS
    base = sid * chunk
    wid = cid * NS + sid
    setup = [
        pltpu.async_copy(zeros_hbm.at[pl.ds(base, chunk)],
                         acc_sh.at[pl.ds(base, chunk)], ssem),
        pltpu.async_copy(y_hbm.at[pl.ds(base, chunk)],
                         y_sh.at[pl.ds(base, chunk)], ssem),
        pltpu.async_copy(row_hbm.at[wid], row_v, ssem),
        pltpu.async_copy(col_hbm.at[wid], col_v, ssem),
    ]
    for c in setup:
        c.wait()
    plsc.subcore_barrier()
    gathers = [pltpu.async_copy(y_sh.at[row_v.at[j]], rows_v.at[j],
                                gsems.at[j])
               for j in range(ktile)]
    adds = []
    for j in range(ktile):
        gathers[j].wait()
        adds.append(pltpu.async_copy(rows_v.at[j], acc_sh.at[col_v.at[j]],
                                     ssem, add=True))
    for c in adds:
        c.wait()
    plsc.subcore_barrier()
    pltpu.sync_copy(acc_sh.at[pl.ds(base, chunk)],
                    out_hbm.at[cid].at[pl.ds(base, chunk)])


def _mm_kernel(x_ref, w_ref, o_ref):
    o_ref[...] = jax.lax.dot_general(
        x_ref[...], w_ref[...], (((1,), (0,)), ((), ())),
        preferred_element_type=jnp.float32,
        precision=jax.lax.Precision.DEFAULT)


def _y_kernel(xw_ref, d_ref, o_ref):
    deg = 1.0 + d_ref[0] + d_ref[1]
    o_ref[...] = xw_ref[...] * jax.lax.rsqrt(deg)


def _out_kernel(s_ref, d_ref, y_ref, b_ref, o_ref):
    dinv = jax.lax.rsqrt(1.0 + d_ref[0] + d_ref[1])
    t = dinv * (s_ref[0] + s_ref[1] + y_ref[...]) + b_ref[...]
    o_ref[...] = jnp.maximum(t, 0.0)


def kernel(x, edge_index, W, b):
    n, d_in = x.shape
    d_out = W.shape[1]
    e = edge_index.shape[1]

    ktile = pl.cdiv(e, NW * BATCH)
    e_pad = NW * ktile * BATCH
    np_ = ((n + 1 + NS * 8 - 1) // (NS * 8)) * (NS * 8)

    row = jnp.concatenate(
        [edge_index[0], jnp.full((e_pad - e,), n, jnp.int32)]
    ).reshape(NW, ktile, BATCH)
    col = jnp.concatenate(
        [edge_index[1], jnp.full((e_pad - e,), n, jnp.int32)]
    ).reshape(NW, ktile, BATCH)
    w_pad = jnp.pad(W, ((0, 0), (0, LANES - d_out)))
    b_row = jnp.tile(jnp.pad(b, (0, LANES - d_out)), 128 // LANES).reshape(1, 128)
    zeros_np = jnp.zeros((np_, LANES), jnp.float32)
    ones_blk = jnp.ones((BATCH, LANES), jnp.float32)

    deg_parts = pl.kernel(
        functools.partial(_deg_body, ktile, np_),
        out_type=jax.ShapeDtypeStruct((NC, np_, LANES), jnp.float32),
        mesh=_MESH,
        compiler_params=_SC_PARAMS,
        scratch_types=[
            pltpu.VMEM((ktile, BATCH), jnp.int32),
            pltpu.VMEM((BATCH, LANES), jnp.float32),
            pltpu.VMEM_SHARED((np_, LANES), jnp.float32),
            pltpu.SemaphoreType.DMA,
        ],
    )(col, zeros_np, ones_blk)

    rblk = 2000
    xw = pl.pallas_call(
        _mm_kernel,
        grid=(n // rblk,),
        in_specs=[
            pl.BlockSpec((rblk, d_in), lambda i: (i, 0)),
            pl.BlockSpec((d_in, LANES), lambda i: (0, 0)),
        ],
        out_specs=pl.BlockSpec((rblk, LANES), lambda i: (i, 0)),
        out_shape=jax.ShapeDtypeStruct((np_, LANES), jnp.float32),
    )(x, w_pad)

    nv = np_ * LANES // 128
    deg_v = deg_parts.reshape(NC, nv, 128)
    y_v = pl.pallas_call(
        _y_kernel,
        out_shape=jax.ShapeDtypeStruct((nv, 128), jnp.float32),
    )(xw.reshape(nv, 128), deg_v)
    y = y_v.reshape(np_, LANES)

    s_parts = pl.kernel(
        functools.partial(_agg_body, ktile, np_),
        out_type=jax.ShapeDtypeStruct((NC, np_, LANES), jnp.float32),
        mesh=_MESH,
        compiler_params=_SC_PARAMS,
        scratch_types=[
            pltpu.VMEM((ktile, BATCH), jnp.int32),
            pltpu.VMEM((ktile, BATCH), jnp.int32),
            pltpu.VMEM((ktile, BATCH, LANES), jnp.float32),
            pltpu.VMEM_SHARED((np_, LANES), jnp.float32),
            pltpu.VMEM_SHARED((np_, LANES), jnp.float32),
            pltpu.SemaphoreType.DMA((ktile,)),
            pltpu.SemaphoreType.DMA,
        ],
    )(row, col, y, zeros_np)

    out_v = pl.pallas_call(
        _out_kernel,
        out_shape=jax.ShapeDtypeStruct((nv, 128), jnp.float32),
    )(s_parts.reshape(NC, nv, 128), deg_v, y_v, b_row)

    return out_v.reshape(np_, LANES)[:n, :d_out]

# --- scband reference (transcript-rebuilt; emitter-appended) ---
"""Pipeline reference for scband-method-classification-71004399337893 (READ-ONLY COPY).

The authoritative reference and input builder live on the scoring server;
editing this copy changes nothing except your own understanding.
"""

import jax, jax.numpy as jnp
import numpy as np

N = 10000
E = 100000
D_IN = 768
D_OUT = 7


def setup_inputs(seed: int = 0) -> dict:
    key = jax.random.key(seed)
    k1, k2, k3 = jax.random.split(key, 3)
    x = jax.random.normal(k1, (N, D_IN), dtype=jnp.float32)
    edge_index = jax.random.randint(k2, (2, E), 0, N, dtype=jnp.int32)
    # GCNConv learned parameters: weight [D_IN, D_OUT], bias [D_OUT]
    W = jax.random.normal(k3, (D_IN, D_OUT), dtype=jnp.float32) * (1.0 / np.sqrt(D_IN))
    b = jnp.zeros((D_OUT,), dtype=jnp.float32)
    return {"x": x, "edge_index": edge_index, "W": W, "b": b}


def _gcn_conv(x, W, b, edge_index):
    # Faithful PyG GCNConv: add self-loops, symmetric normalization D^-1/2 (A+I) D^-1/2
    row = edge_index[0]
    col = edge_index[1]
    loop = jnp.arange(N, dtype=edge_index.dtype)
    row = jnp.concatenate([row, loop])
    col = jnp.concatenate([col, loop])
    # degree computed on destination (col) with edge weight 1
    deg = jnp.zeros((N,), dtype=jnp.float32).at[col].add(1.0)
    deg_inv_sqrt = jnp.where(deg > 0.0, 1.0 / jnp.sqrt(deg), 0.0)
    norm = deg_inv_sqrt[row] * deg_inv_sqrt[col]
    # linear transform first (D_OUT << D_IN)
    xw = x @ W
    # gather messages from source nodes, scale, scatter-add to destinations
    msg = jnp.take(xw, row, axis=0) * norm[:, None]
    out = jnp.zeros((N, W.shape[1]), dtype=jnp.float32).at[col].add(msg)
    out = out + b
    return out


def reference(x, edge_index, W, b):
    out = _gcn_conv(x, W, b, edge_index)
    return jax.nn.relu(out)

if __name__ == "__main__":
    import jax
    _d = setup_inputs()
    print(jax.jit(kernel)(*tuple(_d.values())))

</pallas_src>

<mosaic_0001>
#map = affine_map<(d0, d1) -> (0, 0, 0)>
#map1 = affine_map<(d0, d1) -> (0, 0)>
module attributes {stable_mosaic.version = 14 : i64} {
  func.func @_agg_body(%arg0: i32, %arg1: i32, %arg2: memref<32x25x128xi32, #tpu.memory_space<hbm>>, %arg3: memref<32x25x128xi32, #tpu.memory_space<hbm>>, %arg4: memref<10112x8xf32, #tpu.memory_space<hbm>>, %arg5: memref<10112x8xf32, #tpu.memory_space<hbm>>, %arg6: memref<2x10112x8xf32, #tpu.memory_space<hbm>>, %arg7: memref<25x128xi32, #tpu.memory_space<vmem>>, %arg8: memref<25x128xi32, #tpu.memory_space<vmem>>, %arg9: memref<25x128x8xf32, #tpu.memory_space<vmem>>, %arg10: memref<10112x8xf32, #tpu.memory_space<vmem_shared>>, %arg11: memref<10112x8xf32, #tpu.memory_space<vmem_shared>>, %arg12: memref<25x!tpu.dma_semaphore, #tpu.memory_space<semaphore_mem>>, %arg13: memref<!tpu.dma_semaphore, #tpu.memory_space<semaphore_mem>>) attributes {dimension_semantics = [#tpu.dimension_semantics<core_parallel>, #tpu.dimension_semantics<subcore_parallel>], iteration_bounds = array<i64: 2, 16>, scalar_prefetch = 0 : i64, scratch_operands = 7 : i64, tpu.core_type = #tpu.core_type<sc_vector_subcore>, window_params = [{transform_indices = #map}, {transform_indices = #map}, {transform_indices = #map1}, {transform_indices = #map1}, {transform_indices = #map}]} {
    %mul3A = arith.constant 632 : i32
    %mul3A_0 = arith.muli %arg1, %mul3A : i32
    %mul3A_1 = arith.constant 16 : i32
    %mul3A_2 = arith.muli %arg0, %mul3A_1 : i32
    %add3A = arith.addi %mul3A_2, %arg1 : i32
    %dma_start3A = arith.constant 0 : i32
    %dma_start3A_3 = tpu.memref_slice %arg11[%mul3A_0, %dma_start3A] : memref<10112x8xf32, #tpu.memory_space<vmem_shared>> -> memref<632x8xf32, #tpu.memory_space<vmem_shared>>
    %dma_start3A_4 = arith.constant 0 : i32
    %dma_start3A_5 = tpu.memref_slice %arg5[%mul3A_0, %dma_start3A_4] : memref<10112x8xf32, #tpu.memory_space<hbm>> -> memref<632x8xf32, #tpu.memory_space<hbm>>
    tpu.enqueue_dma source(%dma_start3A_5 : memref<632x8xf32, #tpu.memory_space<hbm>>) target(%dma_start3A_3 : memref<632x8xf32, #tpu.memory_space<vmem_shared>>) target_semaphore(%arg13 : memref<!tpu.dma_semaphore, #tpu.memory_space<semaphore_mem>>)
    %dma_start3A_6 = arith.constant 0 : i32
    %dma_start3A_7 = tpu.memref_slice %arg10[%mul3A_0, %dma_start3A_6] : memref<10112x8xf32, #tpu.memory_space<vmem_shared>> -> memref<632x8xf32, #tpu.memory_space<vmem_shared>>
    %dma_start3A_8 = arith.constant 0 : i32
    %dma_start3A_9 = tpu.memref_slice %arg4[%mul3A_0, %dma_start3A_8] : memref<10112x8xf32, #tpu.memory_space<hbm>> -> memref<632x8xf32, #tpu.memory_space<hbm>>
    tpu.enqueue_dma source(%dma_start3A_9 : memref<632x8xf32, #tpu.memory_space<hbm>>) target(%dma_start3A_7 : memref<632x8xf32, #tpu.memory_space<vmem_shared>>) target_semaphore(%arg13 : memref<!tpu.dma_semaphore, #tpu.memory_space<semaphore_mem>>)
    %dma_start3A_10 = arith.constant 0 : i32
    %dma_start3A_11 = arith.constant 0 : i32
    %dma_start3A_12 = tpu.memref_slice %arg2[%add3A, %dma_start3A_10, %dma_start3A_11] : memref<32x25x128xi32, #tpu.memory_space<hbm>> -> memref<1x25x128xi32, #tpu.memory_space<hbm>>
    %dma_start3A_13 = tpu.memref_squeeze %dma_start3A_12 : memref<1x25x128xi32, #tpu.memory_space<hbm>> -> memref<25x128xi32, #tpu.memory_space<hbm>>
    %dma_start3A_14 = arith.constant 0 : i32
    %dma_start3A_15 = arith.constant 0 : i32
    %dma_start3A_16 = tpu.memref_slice %arg2[%add3A, %dma_start3A_14, %dma_start3A_15] : memref<32x25x128xi32, #tpu.memory_space<hbm>> -> memref<1x25x128xi32, #tpu.memory_space<hbm>>
    %dma_start3A_17 = tpu.memref_squeeze %dma_start3A_16 : memref<1x25x128xi32, #tpu.memory_space<hbm>> -> memref<25x128xi32, #tpu.memory_space<hbm>>
    tpu.enqueue_dma source(%dma_start3A_17 : memref<25x128xi32, #tpu.memory_space<hbm>>) target(%arg7 : memref<25x128xi32, #tpu.memory_space<vmem>>) target_semaphore(%arg13 : memref<!tpu.dma_semaphore, #tpu.memory_space<semaphore_mem>>)
    %dma_start3A_18 = arith.constant 0 : i32
    %dma_start3A_19 = arith.constant 0 : i32
    %dma_start3A_20 = tpu.memref_slice %arg3[%add3A, %dma_start3A_18, %dma_start3A_19] : memref<32x25x128xi32, #tpu.memory_space<hbm>> -> memref<1x25x128xi32, #tpu.memory_space<hbm>>
    %dma_start3A_21 = tpu.memref_squeeze %dma_start3A_20 : memref<1x25x128xi32, #tpu.memory_space<hbm>> -> memref<25x128xi32, #tpu.memory_space<hbm>>
    %dma_start3A_22 = arith.constant 0 : i32
    %dma_start3A_23 = arith.constant 0 : i32
    %dma_start3A_24 = tpu.memref_slice %arg3[%add3A, %dma_start3A_22, %dma_start3A_23] : memref<32x25x128xi32, #tpu.memory_space<hbm>> -> memref<1x25x128xi32, #tpu.memory_space<hbm>>
    %dma_start3A_25 = tpu.memref_squeeze %dma_start3A_24 : memref<1x25x128xi32, #tpu.memory_space<hbm>> -> memref<25x128xi32, #tpu.memory_space<hbm>>
    tpu.enqueue_dma source(%dma_start3A_25 : memref<25x128xi32, #tpu.memory_space<hbm>>) target(%arg8 : memref<25x128xi32, #tpu.memory_space<vmem>>) target_semaphore(%arg13 : memref<!tpu.dma_semaphore, #tpu.memory_space<semaphore_mem>>)
    %dma_wait3A = arith.constant 0 : i32
    %dma_wait3A_26 = tpu.memref_slice %arg11[%mul3A_0, %dma_wait3A] : memref<10112x8xf32, #tpu.memory_space<vmem_shared>> -> memref<632x8xf32, #tpu.memory_space<vmem_shared>>
    %dma_wait3A_27 = arith.constant 0 : i32
    %dma_wait3A_28 = tpu.memref_slice %arg5[%mul3A_0, %dma_wait3A_27] : memref<10112x8xf32, #tpu.memory_space<hbm>> -> memref<632x8xf32, #tpu.memory_space<hbm>>
    tpu.wait_dma2 semaphore(%arg13 : memref<!tpu.dma_semaphore, #tpu.memory_space<semaphore_mem>>) src(%dma_wait3A_28 : memref<632x8xf32, #tpu.memory_space<hbm>>) dst(%dma_wait3A_26 : memref<632x8xf32, #tpu.memory_space<vmem_shared>>)
    %dma_wait3A_29 = arith.constant 0 : i32
    %dma_wait3A_30 = tpu.memref_slice %arg10[%mul3A_0, %dma_wait3A_29] : memref<10112x8xf32, #tpu.memory_space<vmem_shared>> -> memref<632x8xf32, #tpu.memory_space<vmem_shared>>
    %dma_wait3A_31 = arith.constant 0 : i32
    %dma_wait3A_32 = tpu.memref_slice %arg4[%mul3A_0, %dma_wait3A_31] : memref<10112x8xf32, #tpu.memory_space<hbm>> -> memref<632x8xf32, #tpu.memory_space<hbm>>
    tpu.wait_dma2 semaphore(%arg13 : memref<!tpu.dma_semaphore, #tpu.memory_space<semaphore_mem>>) src(%dma_wait3A_32 : memref<632x8xf32, #tpu.memory_space<hbm>>) dst(%dma_wait3A_30 : memref<632x8xf32, #tpu.memory_space<vmem_shared>>)
    %dma_wait3A_33 = arith.constant 0 : i32
    %dma_wait3A_34 = arith.constant 0 : i32
    %dma_wait3A_35 = tpu.memref_slice %arg2[%add3A, %dma_wait3A_33, %dma_wait3A_34] : memref<32x25x128xi32, #tpu.memory_space<hbm>> -> memref<1x25x128xi32, #tpu.memory_space<hbm>>
    %dma_wait3A_36 = tpu.memref_squeeze %dma_wait3A_35 : memref<1x25x128xi32, #tpu.memory_space<hbm>> -> memref<25x128xi32, #tpu.memory_space<hbm>>
    %dma_wait3A_37 = arith.constant 0 : i32
    %dma_wait3A_38 = arith.constant 0 : i32
    %dma_wait3A_39 = tpu.memref_slice %arg2[%add3A, %dma_wait3A_37, %dma_wait3A_38] : memref<32x25x128xi32, #tpu.memory_space<hbm>> -> memref<1x25x128xi32, #tpu.memory_space<hbm>>
    %dma_wait3A_40 = tpu.memref_squeeze %dma_wait3A_39 : memref<1x25x128xi32, #tpu.memory_space<hbm>> -> memref<25x128xi32, #tpu.memory_space<hbm>>
    tpu.wait_dma2 semaphore(%arg13 : memref<!tpu.dma_semaphore, #tpu.memory_space<semaphore_mem>>) src(%dma_wait3A_40 : memref<25x128xi32, #tpu.memory_space<hbm>>) dst(%arg7 : memref<25x128xi32, #tpu.memory_space<vmem>>)
    %dma_wait3A_41 = arith.constant 0 : i32
    %dma_wait3A_42 = arith.constant 0 : i32
    %dma_wait3A_43 = tpu.memref_slice %arg3[%add3A, %dma_wait3A_41, %dma_wait3A_42] : memref<32x25x128xi32, #tpu.memory_space<hbm>> -> memref<1x25x128xi32, #tpu.memory_space<hbm>>
    %dma_wait3A_44 = tpu.memref_squeeze %dma_wait3A_43 : memref<1x25x128xi32, #tpu.memory_space<hbm>> -> memref<25x128xi32, #tpu.memory_space<hbm>>
    %dma_wait3A_45 = arith.constant 0 : i32
    %dma_wait3A_46 = arith.constant 0 : i32
    %dma_wait3A_47 = tpu.memref_slice %arg3[%add3A, %dma_wait3A_45, %dma_wait3A_46] : memref<32x25x128xi32, #tpu.memory_space<hbm>> -> memref<1x25x128xi32, #tpu.memory_space<hbm>>
    %dma_wait3A_48 = tpu.memref_squeeze %dma_wait3A_47 : memref<1x25x128xi32, #tpu.memory_space<hbm>> -> memref<25x128xi32, #tpu.memory_space<hbm>>
    tpu.wait_dma2 semaphore(%arg13 : memref<!tpu.dma_semaphore, #tpu.memory_space<semaphore_mem>>) src(%dma_wait3A_48 : memref<25x128xi32, #tpu.memory_space<hbm>>) dst(%arg8 : memref<25x128xi32, #tpu.memory_space<vmem>>)
    %barrier3A = arith.constant 0 : index
    tpu.barrier barrier_id(%barrier3A)
    %dma_start3A_49 = arith.constant 0 : i32
    %dma_start3A_50 = arith.constant 0 : i32
    %dma_start3A_51 = arith.constant 0 : i32
    %dma_start3A_52 = arith.constant 0 : i32
    %dma_start3A_53 = arith.constant 0 : i32
    %dma_start3A_54 = tpu.memref_slice %arg9[%dma_start3A_50, %dma_start3A_52, %dma_start3A_53] : memref<25x128x8xf32, #tpu.memory_space<vmem>> -> memref<1x128x8xf32, #tpu.memory_space<vmem>>
    %dma_start3A_55 = tpu.memref_squeeze %dma_start3A_54 : memref<1x128x8xf32, #tpu.memory_space<vmem>> -> memref<128x8xf32, #tpu.memory_space<vmem>>
    %dma_start3A_56 = arith.constant 0 : i32
    %dma_start3A_57 = tpu.memref_slice %arg7[%dma_start3A_49, %dma_start3A_56] : memref<25x128xi32, #tpu.memory_space<vmem>> -> memref<1x128xi32, #tpu.memory_space<vmem>>
    %dma_start3A_58 = tpu.memref_squeeze %dma_start3A_57 : memref<1x128xi32, #tpu.memory_space<vmem>> -> memref<128xi32, #tpu.memory_space<vmem>>
    %dma_start3A_59 = arith.constant 0 : i32
    %dma_start3A_60 = arith.constant 0 : i32
    %dma_start3A_61 = tpu.memref_slice %arg10[%dma_start3A_59, %dma_start3A_60] : memref<10112x8xf32, #tpu.memory_space<vmem_shared>> -> memref<10112x8xf32, #tpu.memory_space<vmem_shared>>
    %dma_start3A_62 = tpu.memref_slice %arg12[%dma_start3A_51] : memref<25x!tpu.dma_semaphore, #tpu.memory_space<semaphore_mem>> -> memref<1x!tpu.dma_semaphore, #tpu.memory_space<semaphore_mem>>
    %dma_start3A_63 = tpu.memref_squeeze %dma_start3A_62 : memref<1x!tpu.dma_semaphore, #tpu.memory_space<semaphore_mem>> -> memref<!tpu.dma_semaphore, #tpu.memory_space<semaphore_mem>>
    tpu.enqueue_indirect_dma source(%dma_start3A_61 : memref<10112x8xf32, #tpu.memory_space<vmem_shared>>) target(%dma_start3A_55 : memref<128x8xf32, #tpu.memory_space<vmem>>) offsets(%dma_start3A_58 : memref<128xi32, #tpu.memory_space<vmem>>) semaphore(%dma_start3A_63 : memref<!tpu.dma_semaphore, #tpu.memory_space<semaphore_mem>>)
    %dma_start3A_64 = arith.constant 1 : i32
    %dma_start3A_65 = arith.constant 1 : i32
    %dma_start3A_66 = arith.constant 1 : i32
    %dma_start3A_67 = arith.constant 0 : i32
    %dma_start3A_68 = arith.constant 0 : i32
    %dma_start3A_69 = tpu.memref_slice %arg9[%dma_start3A_65, %dma_start3A_67, %dma_start3A_68] : memref<25x128x8xf32, #tpu.memory_space<vmem>> -> memref<1x128x8xf32, #tpu.memory_space<vmem>>
    %dma_start3A_70 = tpu.memref_squeeze %dma_start3A_69 : memref<1x128x8xf32, #tpu.memory_space<vmem>> -> memref<128x8xf32, #tpu.memory_space<vmem>>
    %dma_start3A_71 = arith.constant 0 : i32
    %dma_start3A_72 = tpu.memref_slice %arg7[%dma_start3A_64, %dma_start3A_71] : memref<25x128xi32, #tpu.memory_space<vmem>> -> memref<1x128xi32, #tpu.memory_space<vmem>>
    %dma_start3A_73 = tpu.memref_squeeze %dma_start3A_72 : memref<1x128xi32, #tpu.memory_space<vmem>> -> memref<128xi32, #tpu.memory_space<vmem>>
    %dma_start3A_74 = arith.constant 0 : i32
    %dma_start3A_75 = arith.constant 0 : i32
    %dma_start3A_76 = tpu.memref_slice %arg10[%dma_start3A_74, %dma_start3A_75] : memref<10112x8xf32, #tpu.memory_space<vmem_shared>> -> memref<10112x8xf32, #tpu.memory_space<vmem_shared>>
    %dma_start3A_77 = tpu.memref_slice %arg12[%dma_start3A_66] : memref<25x!tpu.dma_semaphore, #tpu.memory_space<semaphore_mem>> -> memref<1x!tpu.dma_semaphore, #tpu.memory_space<semaphore_mem>>
    %dma_start3A_78 = tpu.memref_squeeze %dma_start3A_77 : memref<1x!tpu.dma_semaphore, #tpu.memory_space<semaphore_mem>> -> memref<!tpu.dma_semaphore, #tpu.memory_space<semaphore_mem>>
    tpu.enqueue_indirect_dma source(%dma_start3A_76 : memref<10112x8xf32, #tpu.memory_space<vmem_shared>>) target(%dma_start3A_70 : memref<128x8xf32, #tpu.memory_space<vmem>>) offsets(%dma_start3A_73 : memref<128xi32, #tpu.memory_space<vmem>>) semaphore(%dma_start3A_78 : memref<!tpu.dma_semaphore, #tpu.memory_space<semaphore_mem>>)
    %dma_start3A_79 = arith.constant 2 : i32
    %dma_start3A_80 = arith.constant 2 : i32
    %dma_start3A_81 = arith.constant 2 : i32
    %dma_start3A_82 = arith.constant 0 : i32
    %dma_start3A_83 = arith.constant 0 : i32
    %dma_start3A_84 = tpu.memref_slice %arg9[%dma_start3A_80, %dma_start3A_82, %dma_start3A_83] : memref<25x128x8xf32, #tpu.memory_space<vmem>> -> memref<1x128x8xf32, #tpu.memory_space<vmem>>
    %dma_start3A_85 = tpu.memref_squeeze %dma_start3A_84 : memref<1x128x8xf32, #tpu.memory_space<vmem>> -> memref<128x8xf32, #tpu.memory_space<vmem>>
    %dma_start3A_86 = arith.constant 0 : i32
    %dma_start3A_87 = tpu.memref_slice %arg7[%dma_start3A_79, %dma_start3A_86] : memref<25x128xi32, #tpu.memory_space<vmem>> -> memref<1x128xi32, #tpu.memory_space<vmem>>
    %dma_start3A_88 = tpu.memref_squeeze %dma_start3A_87 : memref<1x128xi32, #tpu.memory_space<vmem>> -> memref<128xi32, #tpu.memory_space<vmem>>
    %dma_start3A_89 = arith.constant 0 : i32
    %dma_start3A_90 = arith.constant 0 : i32
    %dma_start3A_91 = tpu.memref_slice %arg10[%dma_start3A_89, %dma_start3A_90] : memref<10112x8xf32, #tpu.memory_space<vmem_shared>> -> memref<10112x8xf32, #tpu.memory_space<vmem_shared>>
    %dma_start3A_92 = tpu.memref_slice %arg12[%dma_start3A_81] : memref<25x!tpu.dma_semaphore, #tpu.memory_space<semaphore_mem>> -> memref<1x!tpu.dma_semaphore, #tpu.memory_space<semaphore_mem>>
    %dma_start3A_93 = tpu.memref_squeeze %dma_start3A_92 : memref<1x!tpu.dma_semaphore, #tpu.memory_space<semaphore_mem>> -> memref<!tpu.dma_semaphore, #tpu.memory_space<semaphore_mem>>
    tpu.enqueue_indirect_dma source(%dma_start3A_91 : memref<10112x8xf32, #tpu.memory_space<vmem_shared>>) target(%dma_start3A_85 : memref<128x8xf32, #tpu.memory_space<vmem>>) offsets(%dma_start3A_88 : memref<128xi32, #tpu.memory_space<vmem>>) semaphore(%dma_start3A_93 : memref<!tpu.dma_semaphore, #tpu.memory_space<semaphore_mem>>)
    %dma_start3A_94 = arith.constant 3 : i32
    %dma_start3A_95 = arith.constant 3 : i32
    %dma_start3A_96 = arith.constant 3 : i32
    %dma_start3A_97 = arith.constant 0 : i32
    %dma_start3A_98 = arith.constant 0 : i32
    %dma_start3A_99 = tpu.memref_slice %arg9[%dma_start3A_95, %dma_start3A_97, %dma_start3A_98] : memref<25x128x8xf32, #tpu.memory_space<vmem>> -> memref<1x128x8xf32, #tpu.memory_space<vmem>>
    %dma_start3A_100 = tpu.memref_squeeze %dma_start3A_99 : memref<1x128x8xf32, #tpu.memory_space<vmem>> -> memref<128x8xf32, #tpu.memory_space<vmem>>
    %dma_start3A_101 = arith.constant 0 : i32
    %dma_start3A_102 = tpu.memref_slice %arg7[%dma_start3A_94, %dma_start3A_101] : memref<25x128xi32, #tpu.memory_space<vmem>> -> memref<1x128xi32, #tpu.memory_space<vmem>>
    %dma_start3A_103 = tpu.memref_squeeze %dma_start3A_102 : memref<1x128xi32, #tpu.memory_space<vmem>> -> memref<128xi32, #tpu.memory_space<vmem>>
    %dma_start3A_104 = arith.constant 0 : i32
    %dma_start3A_105 = arith.constant 0 : i32
    %dma_start3A_106 = tpu.memref_slice %arg10[%dma_start3A_104, %dma_start3A_105] : memref<10112x8xf32, #tpu.memory_space<vmem_shared>> -> memref<10112x8xf32, #tpu.memory_space<vmem_shared>>
    %dma_start3A_107 = tpu.memref_slice %arg12[%dma_start3A_96] : memref<25x!tpu.dma_semaphore, #tpu.memory_space<semaphore_mem>> -> memref<1x!tpu.dma_semaphore, #tpu.memory_space<semaphore_mem>>
    %dma_start3A_108 = tpu.memref_squeeze %dma_start3A_107 : memref<1x!tpu.dma_semaphore, #tpu.memory_space<semaphore_mem>> -> memref<!tpu.dma_semaphore, #tpu.memory_space<semaphore_mem>>
    tpu.enqueue_indirect_dma source(%dma_start3A_106 : memref<10112x8xf32, #tpu.memory_space<vmem_shared>>) target(%dma_start3A_100 : memref<128x8xf32, #tpu.memory_space<vmem>>) offsets(%dma_start3A_103 : memref<128xi32, #tpu.memory_space<vmem>>) semaphore(%dma_start3A_108 : memref<!tpu.dma_semaphore, #tpu.memory_space<semaphore_mem>>)
    %dma_start3A_109 = arith.constant 4 : i32
    %dma_start3A_110 = arith.constant 4 : i32
    %dma_start3A_111 = arith.constant 4 : i32
    %dma_start3A_112 = arith.constant 0 : i32
    %dma_start3A_113 = arith.constant 0 : i32
    %dma_start3A_114 = tpu.memref_slice %arg9[%dma_start3A_110, %dma_start3A_112, %dma_start3A_113] : memref<25x128x8xf32, #tpu.memory_space<vmem>> -> memref<1x128x8xf32, #tpu.memory_space<vmem>>
    %dma_start3A_115 = tpu.memref_squeeze %dma_start3A_114 : memref<1x128x8xf32, #tpu.memory_space<vmem>> -> memref<128x8xf32, #tpu.memory_space<vmem>>
    %dma_start3A_116 = arith.constant 0 : i32
    %dma_start3A_117 = tpu.memref_slice %arg7[%dma_start3A_109, %dma_start3A_116] : memref<25x128xi32, #tpu.memory_space<vmem>> -> memref<1x128xi32, #tpu.memory_space<vmem>>
    %dma_start3A_118 = tpu.memref_squeeze %dma_start3A_117 : memref<1x128xi32, #tpu.memory_space<vmem>> -> memref<128xi32, #tpu.memory_space<vmem>>
    %dma_start3A_119 = arith.constant 0 : i32
    %dma_start3A_120 = arith.constant 0 : i32
    %dma_start3A_121 = tpu.memref_slice %arg10[%dma_start3A_119, %dma_start3A_120] : memref<10112x8xf32, #tpu.memory_space<vmem_shared>> -> memref<10112x8xf32, #tpu.memory_space<vmem_shared>>
    %dma_start3A_122 = tpu.memref_slice %arg12[%dma_start3A_111] : memref<25x!tpu.dma_semaphore, #tpu.memory_space<semaphore_mem>> -> memref<1x!tpu.dma_semaphore, #tpu.memory_space<semaphore_mem>>
    %dma_start3A_123 = tpu.memref_squeeze %dma_start3A_122 : memref<1x!tpu.dma_semaphore, #tpu.memory_space<semaphore_mem>> -> memref<!tpu.dma_semaphore, #tpu.memory_space<semaphore_mem>>
    tpu.enqueue_indirect_dma source(%dma_start3A_121 : memref<10112x8xf32, #tpu.memory_space<vmem_shared>>) target(%dma_start3A_115 : memref<128x8xf32, #tpu.memory_space<vmem>>) offsets(%dma_start3A_118 : memref<128xi32, #tpu.memory_space<vmem>>) semaphore(%dma_start3A_123 : memref<!tpu.dma_semaphore, #tpu.memory_space<semaphore_mem>>)
    %dma_start3A_124 = arith.constant 5 : i32
    %dma_start3A_125 = arith.constant 5 : i32
    %dma_start3A_126 = arith.constant 5 : i32
    %dma_start3A_127 = arith.constant 0 : i32
    %dma_start3A_128 = arith.constant 0 : i32
    %dma_start3A_129 = tpu.memref_slice %arg9[%dma_start3A_125, %dma_start3A_127, %dma_start3A_128] : memref<25x128x8xf32, #tpu.memory_space<vmem>> -> memref<1x128x8xf32, #tpu.memory_space<vmem>>
    %dma_start3A_130 = tpu.memref_squeeze %dma_start3A_129 : memref<1x128x8xf32, #tpu.memory_space<vmem>> -> memref<128x8xf32, #tpu.memory_space<vmem>>
    %dma_start3A_131 = arith.constant 0 : i32
    %dma_start3A_132 = tpu.memref_slice %arg7[%dma_start3A_124, %dma_start3A_131] : memref<25x128xi32, #tpu.memory_space<vmem>> -> memref<1x128xi32, #tpu.memory_space<vmem>>
    %dma_start3A_133 = tpu.memref_squeeze %dma_start3A_132 : memref<1x128xi32, #tpu.memory_space<vmem>> -> memref<128xi32, #tpu.memory_space<vmem>>
    %dma_start3A_134 = arith.constant 0 : i32
    %dma_start3A_135 = arith.constant 0 : i32
    %dma_start3A_136 = tpu.memref_slice %arg10[%dma_start3A_134, %dma_start3A_135] : memref<10112x8xf32, #tpu.memory_space<vmem_shared>> -> memref<10112x8xf32, #tpu.memory_space<vmem_shared>>
    %dma_start3A_137 = tpu.memref_slice %arg12[%dma_start3A_126] : memref<25x!tpu.dma_semaphore, #tpu.memory_space<semaphore_mem>> -> memref<1x!tpu.dma_semaphore, #tpu.memory_space<semaphore_mem>>
    %dma_start3A_138 = tpu.memref_squeeze %dma_start3A_137 : memref<1x!tpu.dma_semaphore, #tpu.memory_space<semaphore_mem>> -> memref<!tpu.dma_semaphore, #tpu.memory_space<semaphore_mem>>
    tpu.enqueue_indirect_dma source(%dma_start3A_136 : memref<10112x8xf32, #tpu.memory_space<vmem_shared>>) target(%dma_start3A_130 : memref<128x8xf32, #tpu.memory_space<vmem>>) offsets(%dma_start3A_133 : memref<128xi32, #tpu.memory_space<vmem>>) semaphore(%dma_start3A_138 : memref<!tpu.dma_semaphore, #tpu.memory_space<semaphore_mem>>)
    %dma_start3A_139 = arith.constant 6 : i32
    %dma_start3A_140 = arith.constant 6 : i32
    %dma_start3A_141 = arith.constant 6 : i32
    %dma_start3A_142 = arith.constant 0 : i32
    %dma_start3A_143 = arith.constant 0 : i32
    %dma_start3A_144 = tpu.memref_slice %arg9[%dma_start3A_140, %dma_start3A_142, %dma_start3A_143] : memref<25x128x8xf32, #tpu.memory_space<vmem>> -> memref<1x128x8xf32, #tpu.memory_space<vmem>>
    %dma_start3A_145 = tpu.memref_squeeze %dma_start3A_144 : memref<1x128x8xf32, #tpu.memory_space<vmem>> -> memref<128x8xf32, #tpu.memory_space<vmem>>
    %dma_start3A_146 = arith.constant 0 : i32
    %dma_start3A_147 = tpu.memref_slice %arg7[%dma_start3A_139, %dma_start3A_146] : memref<25x128xi32, #tpu.memory_space<vmem>> -> memref<1x128xi32, #tpu.memory_space<vmem>>
    %dma_start3A_148 = tpu.memref_squeeze %dma_start3A_147 : memref<1x128xi32, #tpu.memory_space<vmem>> -> memref<128xi32, #tpu.memory_space<vmem>>
    %dma_start3A_149 = arith.constant 0 : i32
    %dma_start3A_150 = arith.constant 0 : i32
    %dma_start3A_151 = tpu.memref_slice %arg10[%dma_start3A_149, %dma_start3A_150] : memref<10112x8xf32, #tpu.memory_space<vmem_shared>> -> memref<10112x8xf32, #tpu.memory_space<vmem_shared>>
    %dma_start3A_152 = tpu.memref_slice %arg12[%dma_start3A_141] : memref<25x!tpu.dma_semaphore, #tpu.memory_space<semaphore_mem>> -> memref<1x!tpu.dma_semaphore, #tpu.memory_space<semaphore_mem>>
    %dma_start3A_153 = tpu.memref_squeeze %dma_start3A_152 : memref<1x!tpu.dma_semaphore, #tpu.memory_space<semaphore_mem>> -> memref<!tpu.dma_semaphore, #tpu.memory_space<semaphore_mem>>
    tpu.enqueue_indirect_dma source(%dma_start3A_151 : memref<10112x8xf32, #tpu.memory_space<vmem_shared>>) target(%dma_start3A_145 : memref<128x8xf32, #tpu.memory_space<vmem>>) offsets(%dma_start3A_148 : memref<128xi32, #tpu.memory_space<vmem>>) semaphore(%dma_start3A_153 : memref<!tpu.dma_semaphore, #tpu.memory_space<semaphore_mem>>)
    %dma_start3A_154 = arith.constant 7 : i32
    %dma_start3A_155 = arith.constant 7 : i32
    %dma_start3A_156 = arith.constant 7 : i32
    %dma_start3A_157 = arith.constant 0 : i32
    %dma_start3A_158 = arith.constant 0 : i32
    %dma_start3A_159 = tpu.memref_slice %arg9[%dma_start3A_155, %dma_start3A_157, %dma_start3A_158] : memref<25x128x8xf32, #tpu.memory_space<vmem>> -> memref<1x128x8xf32, #tpu.memory_space<vmem>>
    %dma_start3A_160 = tpu.memref_squeeze %dma_start3A_159 : memref<1x128x8xf32, #tpu.memory_space<vmem>> -> memref<128x8xf32, #tpu.memory_space<vmem>>
    %dma_start3A_161 = arith.constant 0 : i32
    %dma_start3A_162 = tpu.memref_slice %arg7[%dma_start3A_154, %dma_start3A_161] : memref<25x128xi32, #tpu.memory_space<vmem>> -> memref<1x128xi32, #tpu.memory_space<vmem>>
    %dma_start3A_163 = tpu.memref_squeeze %dma_start3A_162 : memref<1x128xi32, #tpu.memory_space<vmem>> -> memref<128xi32, #tpu.memory_space<vmem>>
    %dma_start3A_164 = arith.constant 0 : i32
    %dma_start3A_165 = arith.constant 0 : i32
    %dma_start3A_166 = tpu.memref_slice %arg10[%dma_start3A_164, %dma_start3A_165] : memref<10112x8xf32, #tpu.memory_space<vmem_shared>> -> memref<10112x8xf32, #tpu.memory_space<vmem_shared>>
    %dma_start3A_167 = tpu.memref_slice %arg12[%dma_start3A_156] : memref<25x!tpu.dma_semaphore, #tpu.memory_space<semaphore_mem>> -> memref<1x!tpu.dma_semaphore, #tpu.memory_space<semaphore_mem>>
    %dma_start3A_168 = tpu.memref_squeeze %dma_start3A_167 : memref<1x!tpu.dma_semaphore, #tpu.memory_space<semaphore_mem>> -> memref<!tpu.dma_semaphore, #tpu.memory_space<semaphore_mem>>
    tpu.enqueue_indirect_dma source(%dma_start3A_166 : memref<10112x8xf32, #tpu.memory_space<vmem_shared>>) target(%dma_start3A_160 : memref<128x8xf32, #tpu.memory_space<vmem>>) offsets(%dma_start3A_163 : memref<128xi32, #tpu.memory_space<vmem>>) semaphore(%dma_start3A_168 : memref<!tpu.dma_semaphore, #tpu.memory_space<semaphore_mem>>)
    %dma_start3A_169 = arith.constant 8 : i32
    %dma_start3A_170 = arith.constant 8 : i32
    %dma_start3A_171 = arith.constant 8 : i32
    %dma_start3A_172 = arith.constant 0 : i32
    %dma_start3A_173 = arith.constant 0 : i32
    %dma_start3A_174 = tpu.memref_slice %arg9[%dma_start3A_170, %dma_start3A_172, %dma_start3A_173] : memref<25x128x8xf32, #tpu.memory_space<vmem>> -> memref<1x128x8xf32, #tpu.memory_space<vmem>>
    %dma_start3A_175 = tpu.memref_squeeze %dma_start3A_174 : memref<1x128x8xf32, #tpu.memory_space<vmem>> -> memref<128x8xf32, #tpu.memory_space<vmem>>
    %dma_start3A_176 = arith.constant 0 : i32
    %dma_start3A_177 = tpu.memref_slice %arg7[%dma_start3A_169, %dma_start3A_176] : memref<25x128xi32, #tpu.memory_space<vmem>> -> memref<1x128xi32, #tpu.memory_space<vmem>>
    %dma_start3A_178 = tpu.memref_squeeze %dma_start3A_177 : memref<1x128xi32, #tpu.memory_space<vmem>> -> memref<128xi32, #tpu.memory_space<vmem>>
    %dma_start3A_179 = arith.constant 0 : i32
    %dma_start3A_180 = arith.constant 0 : i32
    %dma_start3A_181 = tpu.memref_slice %arg10[%dma_start3A_179, %dma_start3A_180] : memref<10112x8xf32, #tpu.memory_space<vmem_shared>> -> memref<10112x8xf32, #tpu.memory_space<vmem_shared>>
    %dma_start3A_182 = tpu.memref_slice %arg12[%dma_start3A_171] : memref<25x!tpu.dma_semaphore, #tpu.memory_space<semaphore_mem>> -> memref<1x!tpu.dma_semaphore, #tpu.memory_space<semaphore_mem>>
    %dma_start3A_183 = tpu.memref_squeeze %dma_start3A_182 : memref<1x!tpu.dma_semaphore, #tpu.memory_space<semaphore_mem>> -> memref<!tpu.dma_semaphore, #tpu.memory_space<semaphore_mem>>
    tpu.enqueue_indirect_dma source(%dma_start3A_181 : memref<10112x8xf32, #tpu.memory_space<vmem_shared>>) target(%dma_start3A_175 : memref<128x8xf32, #tpu.memory_space<vmem>>) offsets(%dma_start3A_178 : memref<128xi32, #tpu.memory_space<vmem>>) semaphore(%dma_start3A_183 : memref<!tpu.dma_semaphore, #tpu.memory_space<semaphore_mem>>)
    %dma_start3A_184 = arith.constant 9 : i32
    %dma_start3A_185 = arith.constant 9 : i32
    %dma_start3A_186 = arith.constant 9 : i32
    %dma_start3A_187 = arith.constant 0 : i32
    %dma_start3A_188 = arith.constant 0 : i32
    %dma_start3A_189 = tpu.memref_slice %arg9[%dma_start3A_185, %dma_start3A_187, %dma_start3A_188] : memref<25x128x8xf32, #tpu.memory_space<vmem>> -> memref<1x128x8xf32, #tpu.memory_space<vmem>>
    %dma_start3A_190 = tpu.memref_squeeze %dma_start3A_189 : memref<1x128x8xf32, #tpu.memory_space<vmem>> -> memref<128x8xf32, #tpu.memory_space<vmem>>
    %dma_start3A_191 = arith.constant 0 : i32
    %dma_start3A_192 = tpu.memref_slice %arg7[%dma_start3A_184, %dma_start3A_191] : memref<25x128xi32, #tpu.memory_space<vmem>> -> memref<1x128xi32, #tpu.memory_space<vmem>>
    %dma_start3A_193 = tpu.memref_squeeze %dma_start3A_192 : memref<1x128xi32, #tpu.memory_space<vmem>> -> memref<128xi32, #tpu.memory_space<vmem>>
    %dma_start3A_194 = arith.constant 0 : i32
    %dma_start3A_195 = arith.constant 0 : i32
    %dma_start3A_196 = tpu.memref_slice %arg10[%dma_start3A_194, %dma_start3A_195] : memref<10112x8xf32, #tpu.memory_space<vmem_shared>> -> memref<10112x8xf32, #tpu.memory_space<vmem_shared>>
    %dma_start3A_197 = tpu.memref_slice %arg12[%dma_start3A_186] : memref<25x!tpu.dma_semaphore, #tpu.memory_space<semaphore_mem>> -> memref<1x!tpu.dma_semaphore, #tpu.memory_space<semaphore_mem>>
    %dma_start3A_198 = tpu.memref_squeeze %dma_start3A_197 : memref<1x!tpu.dma_semaphore, #tpu.memory_space<semaphore_mem>> -> memref<!tpu.dma_semaphore, #tpu.memory_space<semaphore_mem>>
    tpu.enqueue_indirect_dma source(%dma_start3A_196 : memref<10112x8xf32, #tpu.memory_space<vmem_shared>>) target(%dma_start3A_190 : memref<128x8xf32, #tpu.memory_space<vmem>>) offsets(%dma_start3A_193 : memref<128xi32, #tpu.memory_space<vmem>>) semaphore(%dma_start3A_198 : memref<!tpu.dma_semaphore, #tpu.memory_space<semaphore_mem>>)
    %dma_start3A_199 = arith.constant 10 : i32
    %dma_start3A_200 = arith.constant 10 : i32
    %dma_start3A_201 = arith.constant 10 : i32
    %dma_start3A_202 = arith.constant 0 : i32
    %dma_start3A_203 = arith.constant 0 : i32
    %dma_start3A_204 = tpu.memref_slice %arg9[%dma_start3A_200, %dma_start3A_202, %dma_start3A_203] : memref<25x128x8xf32, #tpu.memory_space<vmem>> -> memref<1x128x8xf32, #tpu.memory_space<vmem>>
    %dma_start3A_205 = tpu.memref_squeeze %dma_start3A_204 : memref<1x128x8xf32, #tpu.memory_space<vmem>> -> memref<128x8xf32, #tpu.memory_space<vmem>>
    %dma_start3A_206 = arith.constant 0 : i32
    %dma_start3A_207 = tpu.memref_slice %arg7[%dma_start3A_199, %dma_start3A_206] : memref<25x128xi32, #tpu.memory_space<vmem>> -> memref<1x128xi32, #tpu.memory_space<vmem>>
    %dma_start3A_208 = tpu.memref_squeeze %dma_start3A_207 : memref<1x128xi32, #tpu.memory_space<vmem>> -> memref<128xi32, #tpu.memory_space<vmem>>
    %dma_start3A_209 = arith.constant 0 : i32
    %dma_start3A_210 = arith.constant 0 : i32
    %dma_start3A_211 = tpu.memref_slice %arg10[%dma_start3A_209, %dma_start3A_210] : memref<10112x8xf32, #tpu.memory_space<vmem_shared>> -> memref<10112x8xf32, #tpu.memory_space<vmem_shared>>
    %dma_start3A_212 = tpu.memref_slice %arg12[%dma_start3A_201] : memref<25x!tpu.dma_semaphore, #tpu.memory_space<semaphore_mem>> -> memref<1x!tpu.dma_semaphore, #tpu.memory_space<semaphore_mem>>
    %dma_start3A_213 = tpu.memref_squeeze %dma_start3A_212 : memref<1x!tpu.dma_semaphore, #tpu.memory_space<semaphore_mem>> -> memref<!tpu.dma_semaphore, #tpu.memory_space<semaphore_mem>>
    tpu.enqueue_indirect_dma source(%dma_start3A_211 : memref<10112x8xf32, #tpu.memory_space<vmem_shared>>) target(%dma_start3A_205 : memref<128x8xf32, #tpu.memory_space<vmem>>) offsets(%dma_start3A_208 : memref<128xi32, #tpu.memory_space<vmem>>) semaphore(%dma_start3A_213 : memref<!tpu.dma_semaphore, #tpu.memory_space<semaphore_mem>>)
    %dma_start3A_214 = arith.constant 11 : i32
    %dma_start3A_215 = arith.constant 11 : i32
    %dma_start3A_216 = arith.constant 11 : i32
    %dma_start3A_217 = arith.constant 0 : i32
    %dma_start3A_218 = arith.constant 0 : i32
    %dma_start3A_219 = tpu.memref_slice %arg9[%dma_start3A_215, %dma_start3A_217, %dma_start3A_218] : memref<25x128x8xf32, #tpu.memory_space<vmem>> -> memref<1x128x8xf32, #tpu.memory_space<vmem>>
    %dma_start3A_220 = tpu.memref_squeeze %dma_start3A_219 : memref<1x128x8xf32, #tpu.memory_space<vmem>> -> memref<128x8xf32, #tpu.memory_space<vmem>>
    %dma_start3A_221 = arith.constant 0 : i32
    %dma_start3A_222 = tpu.memref_slice %arg7[%dma_start3A_214, %dma_start3A_221] : memref<25x128xi32, #tpu.memory_space<vmem>> -> memref<1x128xi32, #tpu.memory_space<vmem>>
    %dma_start3A_223 = tpu.memref_squeeze %dma_start3A_222 : memref<1x128xi32, #tpu.memory_space<vmem>> -> memref<128xi32, #tpu.memory_space<vmem>>
    %dma_start3A_224 = arith.constant 0 : i32
    %dma_start3A_225 = arith.constant 0 : i32
    %dma_start3A_226 = tpu.memref_slice %arg10[%dma_start3A_224, %dma_start3A_225] : memref<10112x8xf32, #tpu.memory_space<vmem_shared>> -> memref<10112x8xf32, #tpu.memory_space<vmem_shared>>
    %dma_start3A_227 = tpu.memref_slice %arg12[%dma_start3A_216] : memref<25x!tpu.dma_semaphore, #tpu.memory_space<semaphore_mem>> -> memref<1x!tpu.dma_semaphore, #tpu.memory_space<semaphore_mem>>
    %dma_start3A_228 = tpu.memref_squeeze %dma_start3A_227 : memref<1x!tpu.dma_semaphore, #tpu.memory_space<semaphore_mem>> -> memref<!tpu.dma_semaphore, #tpu.memory_space<semaphore_mem>>
    tpu.enqueue_indirect_dma source(%dma_start3A_226 : memref<10112x8xf32, #tpu.memory_space<vmem_shared>>) target(%dma_start3A_220 : memref<128x8xf32, #tpu.memory_space<vmem>>) offsets(%dma_start3A_223 : memref<128xi32, #tpu.memory_space<vmem>>) semaphore(%dma_start3A_228 : memref<!tpu.dma_semaphore, #tpu.memory_space<semaphore_mem>>)
    %dma_start3A_229 = arith.constant 12 : i32
    %dma_start3A_230 = arith.constant 12 : i32
    %dma_start3A_231 = arith.constant 12 : i32
    %dma_start3A_232 = arith.constant 0 : i32
    %dma_start3A_233 = arith.constant 0 : i32
    %dma_start3A_234 = tpu.memref_slice %arg9[%dma_start3A_230, %dma_start3A_232, %dma_start3A_233] : memref<25x128x8xf32, #tpu.memory_space<vmem>> -> memref<1x128x8xf32, #tpu.memory_space<vmem>>
    %dma_start3A_235 = tpu.memref_squeeze %dma_start3A_234 : memref<1x128x8xf32, #tpu.memory_space<vmem>> -> memref<128x8xf32, #tpu.memory_space<vmem>>
    %dma_start3A_236 = arith.constant 0 : i32
    %dma_start3A_237 = tpu.memref_slice %arg7[%dma_start3A_229, %dma_start3A_236] : memref<25x128xi32, #tpu.memory_space<vmem>> -> memref<1x128xi32, #tpu.memory_space<vmem>>
    %dma_start3A_238 = tpu.memref_squeeze %dma_start3A_237 : memref<1x128xi32, #tpu.memory_space<vmem>> -> memref<128xi32, #tpu.memory_space<vmem>>
    %dma_start3A_239 = arith.constant 0 : i32
    %dma_start3A_240 = arith.constant 0 : i32
    %dma_start3A_241 = tpu.memref_slice %arg10[%dma_start3A_239, %dma_start3A_240] : memref<10112x8xf32, #tpu.memory_space<vmem_shared>> -> memref<10112x8xf32, #tpu.memory_space<vmem_shared>>
    %dma_start3A_242 = tpu.memref_slice %arg12[%dma_start3A_231] : memref<25x!tpu.dma_semaphore, #tpu.memory_space<semaphore_mem>> -> memref<1x!tpu.dma_semaphore, #tpu.memory_space<semaphore_mem>>
    %dma_start3A_243 = tpu.memref_squeeze %dma_start3A_242 : memref<1x!tpu.dma_semaphore, #tpu.memory_space<semaphore_mem>> -> memref<!tpu.dma_semaphore, #tpu.memory_space<semaphore_mem>>
    tpu.enqueue_indirect_dma source(%dma_start3A_241 : memref<10112x8xf32, #tpu.memory_space<vmem_shared>>) target(%dma_start3A_235 : memref<128x8xf32, #tpu.memory_space<vmem>>) offsets(%dma_start3A_238 : memref<128xi32, #tpu.memory_space<vmem>>) semaphore(%dma_start3A_243 : memref<!tpu.dma_semaphore, #tpu.memory_space<semaphore_mem>>)
    %dma_start3A_244 = arith.constant 13 : i32
    %dma_start3A_245 = arith.constant 13 : i32
    %dma_start3A_246 = arith.constant 13 : i32
    %dma_start3A_247 = arith.constant 0 : i32
    %dma_start3A_248 = arith.constant 0 : i32
    %dma_start3A_249 = tpu.memref_slice %arg9[%dma_start3A_245, %dma_start3A_247, %dma_start3A_248] : memref<25x128x8xf32, #tpu.memory_space<vmem>> -> memref<1x128x8xf32, #tpu.memory_space<vmem>>
    %dma_start3A_250 = tpu.memref_squeeze %dma_start3A_249 : memref<1x128x8xf32, #tpu.memory_space<vmem>> -> memref<128x8xf32, #tpu.memory_space<vmem>>
    %dma_start3A_251 = arith.constant 0 : i32
    %dma_start3A_252 = tpu.memref_slice %arg7[%dma_start3A_244, %dma_start3A_251] : memref<25x128xi32, #tpu.memory_space<vmem>> -> memref<1x128xi32, #tpu.memory_space<vmem>>
    %dma_start3A_253 = tpu.memref_squeeze %dma_start3A_252 : memref<1x128xi32, #tpu.memory_space<vmem>> -> memref<128xi32, #tpu.memory_space<vmem>>
    %dma_start3A_254 = arith.constant 0 : i32
    %dma_start3A_255 = arith.constant 0 : i32
    %dma_start3A_256 = tpu.memref_slice %arg10[%dma_start3A_254, %dma_start3A_255] : memref<10112x8xf32, #tpu.memory_space<vmem_shared>> -> memref<10112x8xf32, #tpu.memory_space<vmem_shared>>
    %dma_start3A_257 = tpu.memref_slice %arg12[%dma_start3A_246] : memref<25x!tpu.dma_semaphore, #tpu.memory_space<semaphore_mem>> -> memref<1x!tpu.dma_semaphore, #tpu.memory_space<semaphore_mem>>
    %dma_start3A_258 = tpu.memref_squeeze %dma_start3A_257 : memref<1x!tpu.dma_semaphore, #tpu.memory_space<semaphore_mem>> -> memref<!tpu.dma_semaphore, #tpu.memory_space<semaphore_mem>>
    tpu.enqueue_indirect_dma source(%dma_start3A_256 : memref<10112x8xf32, #tpu.memory_space<vmem_shared>>) target(%dma_start3A_250 : memref<128x8xf32, #tpu.memory_space<vmem>>) offsets(%dma_start3A_253 : memref<128xi32, #tpu.memory_space<vmem>>) semaphore(%dma_start3A_258 : memref<!tpu.dma_semaphore, #tpu.memory_space<semaphore_mem>>)
    %dma_start3A_259 = arith.constant 14 : i32
    %dma_start3A_260 = arith.constant 14 : i32
    %dma_start3A_261 = arith.constant 14 : i32
    %dma_start3A_262 = arith.constant 0 : i32
    %dma_start3A_263 = arith.constant 0 : i32
    %dma_start3A_264 = tpu.memref_slice %arg9[%dma_start3A_260, %dma_start3A_262, %dma_start3A_263] : memref<25x128x8xf32, #tpu.memory_space<vmem>> -> memref<1x128x8xf32, #tpu.memory_space<vmem>>
    %dma_start3A_265 = tpu.memref_squeeze %dma_start3A_264 : memref<1x128x8xf32, #tpu.memory_space<vmem>> -> memref<128x8xf32, #tpu.memory_space<vmem>>
    %dma_start3A_266 = arith.constant 0 : i32
    %dma_start3A_267 = tpu.memref_slice %arg7[%dma_start3A_259, %dma_start3A_266] : memref<25x128xi32, #tpu.memory_space<vmem>> -> memref<1x128xi32, #tpu.memory_space<vmem>>
    %dma_start3A_268 = tpu.memref_squeeze %dma_start3A_267 : memref<1x128xi32, #tpu.memory_space<vmem>> -> memref<128xi32, #tpu.memory_space<vmem>>
    %dma_start3A_269 = arith.constant 0 : i32
    %dma_start3A_270 = arith.constant 0 : i32
    %dma_start3A_271 = tpu.memref_slice %arg10[%dma_start3A_269, %dma_start3A_270] : memref<10112x8xf32, #tpu.memory_space<vmem_shared>> -> memref<10112x8xf32, #tpu.memory_space<vmem_shared>>
    %dma_start3A_272 = tpu.memref_slice %arg12[%dma_start3A_261] : memref<25x!tpu.dma_semaphore, #tpu.memory_space<semaphore_mem>> -> memref<1x!tpu.dma_semaphore, #tpu.memory_space<semaphore_mem>>
    %dma_start3A_273 = tpu.memref_squeeze %dma_start3A_272 : memref<1x!tpu.dma_semaphore, #tpu.memory_space<semaphore_mem>> -> memref<!tpu.dma_semaphore, #tpu.memory_space<semaphore_mem>>
    tpu.enqueue_indirect_dma source(%dma_start3A_271 : memref<10112x8xf32, #tpu.memory_space<vmem_shared>>) target(%dma_start3A_265 : memref<128x8xf32, #tpu.memory_space<vmem>>) offsets(%dma_start3A_268 : memref<128xi32, #tpu.memory_space<vmem>>) semaphore(%dma_start3A_273 : memref<!tpu.dma_semaphore, #tpu.memory_space<semaphore_mem>>)
    %dma_start3A_274 = arith.constant 15 : i32
    %dma_start3A_275 = arith.constant 15 : i32
    %dma_start3A_276 = arith.constant 15 : i32
    %dma_start3A_277 = arith.constant 0 : i32
    %dma_start3A_278 = arith.constant 0 : i32
    %dma_start3A_279 = tpu.memref_slice %arg9[%dma_start3A_275, %dma_start3A_277, %dma_start3A_278] : memref<25x128x8xf32, #tpu.memory_space<vmem>> -> memref<1x128x8xf32, #tpu.memory_space<vmem>>
    %dma_start3A_280 = tpu.memref_squeeze %dma_start3A_279 : memref<1x128x8xf32, #tpu.memory_space<vmem>> -> memref<128x8xf32, #tpu.memory_space<vmem>>
    %dma_start3A_281 = arith.constant 0 : i32
    %dma_start3A_282 = tpu.memref_slice %arg7[%dma_start3A_274, %dma_start3A_281] : memref<25x128xi32, #tpu.memory_space<vmem>> -> memref<1x128xi32, #tpu.memory_space<vmem>>
    %dma_start3A_283 = tpu.memref_squeeze %dma_start3A_282 : memref<1x128xi32, #tpu.memory_space<vmem>> -> memref<128xi32, #tpu.memory_space<vmem>>
    %dma_start3A_284 = arith.constant 0 : i32
    %dma_start3A_285 = arith.constant 0 : i32
    %dma_start3A_286 = tpu.memref_slice %arg10[%dma_start3A_284, %dma_start3A_285] : memref<10112x8xf32, #tpu.memory_space<vmem_shared>> -> memref<10112x8xf32, #tpu.memory_space<vmem_shared>>
    %dma_start3A_287 = tpu.memref_slice %arg12[%dma_start3A_276] : memref<25x!tpu.dma_semaphore, #tpu.memory_space<semaphore_mem>> -> memref<1x!tpu.dma_semaphore, #tpu.memory_space<semaphore_mem>>
    %dma_start3A_288 = tpu.memref_squeeze %dma_start3A_287 : memref<1x!tpu.dma_semaphore, #tpu.memory_space<semaphore_mem>> -> memref<!tpu.dma_semaphore, #tpu.memory_space<semaphore_mem>>
    tpu.enqueue_indirect_dma source(%dma_start3A_286 : memref<10112x8xf32, #tpu.memory_space<vmem_shared>>) target(%dma_start3A_280 : memref<128x8xf32, #tpu.memory_space<vmem>>) offsets(%dma_start3A_283 : memref<128xi32, #tpu.memory_space<vmem>>) semaphore(%dma_start3A_288 : memref<!tpu.dma_semaphore, #tpu.memory_space<semaphore_mem>>)
    %dma_start3A_289 = arith.constant 16 : i32
    %dma_start3A_290 = arith.constant 16 : i32
    %dma_start3A_291 = arith.constant 16 : i32
    %dma_start3A_292 = arith.constant 0 : i32
    %dma_start3A_293 = arith.constant 0 : i32
    %dma_start3A_294 = tpu.memref_slice %arg9[%dma_start3A_290, %dma_start3A_292, %dma_start3A_293] : memref<25x128x8xf32, #tpu.memory_space<vmem>> -> memref<1x128x8xf32, #tpu.memory_space<vmem>>
    %dma_start3A_295 = tpu.memref_squeeze %dma_start3A_294 : memref<1x128x8xf32, #tpu.memory_space<vmem>> -> memref<128x8xf32, #tpu.memory_space<vmem>>
    %dma_start3A_296 = arith.constant 0 : i32
    %dma_start3A_297 = tpu.memref_slice %arg7[%dma_start3A_289, %dma_start3A_296] : memref<25x128xi32, #tpu.memory_space<vmem>> -> memref<1x128xi32, #tpu.memory_space<vmem>>
    %dma_start3A_298 = tpu.memref_squeeze %dma_start3A_297 : memref<1x128xi32, #tpu.memory_space<vmem>> -> memref<128xi32, #tpu.memory_space<vmem>>
    %dma_start3A_299 = arith.constant 0 : i32
    %dma_start3A_300 = arith.constant 0 : i32
    %dma_start3A_301 = tpu.memref_slice %arg10[%dma_start3A_299, %dma_start3A_300] : memref<10112x8xf32, #tpu.memory_space<vmem_shared>> -> memref<10112x8xf32, #tpu.memory_space<vmem_shared>>
    %dma_start3A_302 = tpu.memref_slice %arg12[%dma_start3A_291] : memref<25x!tpu.dma_semaphore, #tpu.memory_space<semaphore_mem>> -> memref<1x!tpu.dma_semaphore, #tpu.memory_space<semaphore_mem>>
    %dma_start3A_303 = tpu.memref_squeeze %dma_start3A_302 : memref<1x!tpu.dma_semaphore, #tpu.memory_space<semaphore_mem>> -> memref<!tpu.dma_semaphore, #tpu.memory_space<semaphore_mem>>
    tpu.enqueue_indirect_dma source(%dma_start3A_301 : memref<10112x8xf32, #tpu.memory_space<vmem_shared>>) target(%dma_start3A_295 : memref<128x8xf32, #tpu.memory_space<vmem>>) offsets(%dma_start3A_298 : memref<128xi32, #tpu.memory_space<vmem>>) semaphore(%dma_start3A_303 : memref<!tpu.dma_semaphore, #tpu.memory_space<semaphore_mem>>)
    %dma_start3A_304 = arith.constant 17 : i32
    %dma_start3A_305 = arith.constant 17 : i32
    %dma_start3A_306 = arith.constant 17 : i32
    %dma_start3A_307 = arith.constant 0 : i32
    %dma_start3A_308 = arith.constant 0 : i32
    %dma_start3A_309 = tpu.memref_slice %arg9[%dma_start3A_305, %dma_start3A_307, %dma_start3A_308] : memref<25x128x8xf32, #tpu.memory_space<vmem>> -> memref<1x128x8xf32, #tpu.memory_space<vmem>>
    %dma_start3A_310 = tpu.memref_squeeze %dma_start3A_309 : memref<1x128x8xf32, #tpu.memory_space<vmem>> -> memref<128x8xf32, #tpu.memory_space<vmem>>
    %dma_start3A_311 = arith.constant 0 : i32
    %dma_start3A_312 = tpu.memref_slice %arg7[%dma_start3A_304, %dma_start3A_311] : memref<25x128xi32, #tpu.memory_space<vmem>> -> memref<1x128xi32, #tpu.memory_space<vmem>>
    %dma_start3A_313 = tpu.memref_squeeze %dma_start3A_312 : memref<1x128xi32, #tpu.memory_space<vmem>> -> memref<128xi32, #tpu.memory_space<vmem>>
    %dma_start3A_314 = arith.constant 0 : i32
    %dma_start3A_315 = arith.constant 0 : i32
    %dma_start3A_316 = tpu.memref_slice %arg10[%dma_start3A_314, %dma_start3A_315] : memref<10112x8xf32, #tpu.memory_space<vmem_shared>> -> memref<10112x8xf32, #tpu.memory_space<vmem_shared>>
    %dma_start3A_317 = tpu.memref_slice %arg12[%dma_start3A_306] : memref<25x!tpu.dma_semaphore, #tpu.memory_space<semaphore_mem>> -> memref<1x!tpu.dma_semaphore, #tpu.memory_space<semaphore_mem>>
    %dma_start3A_318 = tpu.memref_squeeze %dma_start3A_317 : memref<1x!tpu.dma_semaphore, #tpu.memory_space<semaphore_mem>> -> memref<!tpu.dma_semaphore, #tpu.memory_space<semaphore_mem>>
    tpu.enqueue_indirect_dma source(%dma_start3A_316 : memref<10112x8xf32, #tpu.memory_space<vmem_shared>>) target(%dma_start3A_310 : memref<128x8xf32, #tpu.memory_space<vmem>>) offsets(%dma_start3A_313 : memref<128xi32, #tpu.memory_space<vmem>>) semaphore(%dma_start3A_318 : memref<!tpu.dma_semaphore, #tpu.memory_space<semaphore_mem>>)
    %dma_start3A_319 = arith.constant 18 : i32
    %dma_start3A_320 = arith.constant 18 : i32
    %dma_start3A_321 = arith.constant 18 : i32
    %dma_start3A_322 = arith.constant 0 : i32
    %dma_start3A_323 = arith.constant 0 : i32
    %dma_start3A_324 = tpu.memref_slice %arg9[%dma_start3A_320, %dma_start3A_322, %dma_start3A_323] : memref<25x128x8xf32, #tpu.memory_space<vmem>> -> memref<1x128x8xf32, #tpu.memory_space<vmem>>
    %dma_start3A_325 = tpu.memref_squeeze %dma_start3A_324 : memref<1x128x8xf32, #tpu.memory_space<vmem>> -> memref<128x8xf32, #tpu.memory_space<vmem>>
    %dma_start3A_326 = arith.constant 0 : i32
    %dma_start3A_327 = tpu.memref_slice %arg7[%dma_start3A_319, %dma_start3A_326] : memref<25x128xi32, #tpu.memory_space<vmem>> -> memref<1x128xi32, #tpu.memory_space<vmem>>
    %dma_start3A_328 = tpu.memref_squeeze %dma_start3A_327 : memref<1x128xi32, #tpu.memory_space<vmem>> -> memref<128xi32, #tpu.memory_space<vmem>>
    %dma_start3A_329 = arith.constant 0 : i32
    %dma_start3A_330 = arith.constant 0 : i32
    %dma_start3A_331 = tpu.memref_slice %arg10[%dma_start3A_329, %dma_start3A_330] : memref<10112x8xf32, #tpu.memory_space<vmem_shared>> -> memref<10112x8xf32, #tpu.memory_space<vmem_shared>>
    %dma_start3A_332 = tpu.memref_slice %arg12[%dma_start3A_321] : memref<25x!tpu.dma_semaphore, #tpu.memory_space<semaphore_mem>> -> memref<1x!tpu.dma_semaphore, #tpu.memory_space<semaphore_mem>>
    %dma_start3A_333 = tpu.memref_squeeze %dma_start3A_332 : memref<1x!tpu.dma_semaphore, #tpu.memory_space<semaphore_mem>> -> memref<!tpu.dma_semaphore, #tpu.memory_space<semaphore_mem>>
    tpu.enqueue_indirect_dma source(%dma_start3A_331 : memref<10112x8xf32, #tpu.memory_space<vmem_shared>>) target(%dma_start3A_325 : memref<128x8xf32, #tpu.memory_space<vmem>>) offsets(%dma_start3A_328 : memref<128xi32, #tpu.memory_space<vmem>>) semaphore(%dma_start3A_333 : memref<!tpu.dma_semaphore, #tpu.memory_space<semaphore_mem>>)
    %dma_start3A_334 = arith.constant 19 : i32
    %dma_start3A_335 = arith.constant 19 : i32
    %dma_start3A_336 = arith.constant 19 : i32
    %dma_start3A_337 = arith.constant 0 : i32
    %dma_start3A_338 = arith.constant 0 : i32
    %dma_start3A_339 = tpu.memref_slice %arg9[%dma_start3A_335, %dma_start3A_337, %dma_start3A_338] : memref<25x128x8xf32, #tpu.memory_space<vmem>> -> memref<1x128x8xf32, #tpu.memory_space<vmem>>
    %dma_start3A_340 = tpu.memref_squeeze %dma_start3A_339 : memref<1x128x8xf32, #tpu.memory_space<vmem>> -> memref<128x8xf32, #tpu.memory_space<vmem>>
    %dma_start3A_341 = arith.constant 0 : i32
    %dma_start3A_342 = tpu.memref_slice %arg7[%dma_start3A_334, %dma_start3A_341] : memref<25x128xi32, #tpu.memory_space<vmem>> -> memref<1x128xi32, #tpu.memory_space<vmem>>
    %dma_start3A_343 = tpu.memref_squeeze %dma_start3A_342 : memref<1x128xi32, #tpu.memory_space<vmem>> -> memref<128xi32, #tpu.memory_space<vmem>>
    %dma_start3A_344 = arith.constant 0 : i32
    %dma_start3A_345 = arith.constant 0 : i32
    %dma_start3A_346 = tpu.memref_slice %arg10[%dma_start3A_344, %dma_start3A_345] : memref<10112x8xf32, #tpu.memory_space<vmem_shared>> -> memref<10112x8xf32, #tpu.memory_space<vmem_shared>>
    %dma_start3A_347 = tpu.memref_slice %arg12[%dma_start3A_336] : memref<25x!tpu.dma_semaphore, #tpu.memory_space<semaphore_mem>> -> memref<1x!tpu.dma_semaphore, #tpu.memory_space<semaphore_mem>>
    %dma_start3A_348 = tpu.memref_squeeze %dma_start3A_347 : memref<1x!tpu.dma_semaphore, #tpu.memory_space<semaphore_mem>> -> memref<!tpu.dma_semaphore, #tpu.memory_space<semaphore_mem>>
    tpu.enqueue_indirect_dma source(%dma_start3A_346 : memref<10112x8xf32, #tpu.memory_space<vmem_shared>>) target(%dma_start3A_340 : memref<128x8xf32, #tpu.memory_space<vmem>>) offsets(%dma_start3A_343 : memref<128xi32, #tpu.memory_space<vmem>>) semaphore(%dma_start3A_348 : memref<!tpu.dma_semaphore, #tpu.memory_space<semaphore_mem>>)
    %dma_start3A_349 = arith.constant 20 : i32
    %dma_start3A_350 = arith.constant 20 : i32
    %dma_start3A_351 = arith.constant 20 : i32
    %dma_start3A_352 = arith.constant 0 : i32
    %dma_start3A_353 = arith.constant 0 : i32
    %dma_start3A_354 = tpu.memref_slice %arg9[%dma_start3A_350, %dma_start3A_352, %dma_start3A_353] : memref<25x128x8xf32, #tpu.memory_space<vmem>> -> memref<1x128x8xf32, #tpu.memory_space<vmem>>
    %dma_start3A_355 = tpu.memref_squeeze %dma_start3A_354 : memref<1x128x8xf32, #tpu.memory_space<vmem>> -> memref<128x8xf32, #tpu.memory_space<vmem>>
    %dma_start3A_356 = arith.constant 0 : i32
    %dma_start3A_357 = tpu.memref_slice %arg7[%dma_start3A_349, %dma_start3A_356] : memref<25x128xi32, #tpu.memory_space<vmem>> -> memref<1x128xi32, #tpu.memory_space<vmem>>
    %dma_start3A_358 = tpu.memref_squeeze %dma_start3A_357 : memref<1x128xi32, #tpu.memory_space<vmem>> -> memref<128xi32, #tpu.memory_space<vmem>>
    %dma_start3A_359 = arith.constant 0 : i32
    %dma_start3A_360 = arith.constant 0 : i32
    %dma_start3A_361 = tpu.memref_slice %arg10[%dma_start3A_359, %dma_start3A_360] : memref<10112x8xf32, #tpu.memory_space<vmem_shared>> -> memref<10112x8xf32, #tpu.memory_space<vmem_shared>>
    %dma_start3A_362 = tpu.memref_slice %arg12[%dma_start3A_351] : memref<25x!tpu.dma_semaphore, #tpu.memory_space<semaphore_mem>> -> memref<1x!tpu.dma_semaphore, #tpu.memory_space<semaphore_mem>>
    %dma_start3A_363 = tpu.memref_squeeze %dma_start3A_362 : memref<1x!tpu.dma_semaphore, #tpu.memory_space<semaphore_mem>> -> memref<!tpu.dma_semaphore, #tpu.memory_space<semaphore_mem>>
    tpu.enqueue_indirect_dma source(%dma_start3A_361 : memref<10112x8xf32, #tpu.memory_space<vmem_shared>>) target(%dma_start3A_355 : memref<128x8xf32, #tpu.memory_space<vmem>>) offsets(%dma_start3A_358 : memref<128xi32, #tpu.memory_space<vmem>>) semaphore(%dma_start3A_363 : memref<!tpu.dma_semaphore, #tpu.memory_space<semaphore_mem>>)
    %dma_start3A_364 = arith.constant 21 : i32
    %dma_start3A_365 = arith.constant 21 : i32
    %dma_start3A_366 = arith.constant 21 : i32
    %dma_start3A_367 = arith.constant 0 : i32
    %dma_start3A_368 = arith.constant 0 : i32
    %dma_start3A_369 = tpu.memref_slice %arg9[%dma_start3A_365, %dma_start3A_367, %dma_start3A_368] : memref<25x128x8xf32, #tpu.memory_space<vmem>> -> memref<1x128x8xf32, #tpu.memory_space<vmem>>
    %dma_start3A_370 = tpu.memref_squeeze %dma_start3A_369 : memref<1x128x8xf32, #tpu.memory_space<vmem>> -> memref<128x8xf32, #tpu.memory_space<vmem>>
    %dma_start3A_371 = arith.constant 0 : i32
    %dma_start3A_372 = tpu.memref_slice %arg7[%dma_start3A_364, %dma_start3A_371] : memref<25x128xi32, #tpu.memory_space<vmem>> -> memref<1x128xi32, #tpu.memory_space<vmem>>
    %dma_start3A_373 = tpu.memref_squeeze %dma_start3A_372 : memref<1x128xi32, #tpu.memory_space<vmem>> -> memref<128xi32, #tpu.memory_space<vmem>>
    %dma_start3A_374 = arith.constant 0 : i32
    %dma_start3A_375 = arith.constant 0 : i32
    %dma_start3A_376 = tpu.memref_slice %arg10[%dma_start3A_374, %dma_start3A_375] : memref<10112x8xf32, #tpu.memory_space<vmem_shared>> -> memref<10112x8xf32, #tpu.memory_space<vmem_shared>>
    %dma_start3A_377 = tpu.memref_slice %arg12[%dma_start3A_366] : memref<25x!tpu.dma_semaphore, #tpu.memory_space<semaphore_mem>> -> memref<1x!tpu.dma_semaphore, #tpu.memory_space<semaphore_mem>>
    %dma_start3A_378 = tpu.memref_squeeze %dma_start3A_377 : memref<1x!tpu.dma_semaphore, #tpu.memory_space<semaphore_mem>> -> memref<!tpu.dma_semaphore, #tpu.memory_space<semaphore_mem>>
    tpu.enqueue_indirect_dma source(%dma_start3A_376 : memref<10112x8xf32, #tpu.memory_space<vmem_shared>>) target(%dma_start3A_370 : memref<128x8xf32, #tpu.memory_space<vmem>>) offsets(%dma_start3A_373 : memref<128xi32, #tpu.memory_space<vmem>>) semaphore(%dma_start3A_378 : memref<!tpu.dma_semaphore, #tpu.memory_space<semaphore_mem>>)
    %dma_start3A_379 = arith.constant 22 : i32
    %dma_start3A_380 = arith.constant 22 : i32
    %dma_start3A_381 = arith.constant 22 : i32
    %dma_start3A_382 = arith.constant 0 : i32
    %dma_start3A_383 = arith.constant 0 : i32
    %dma_start3A_384 = tpu.memref_slice %arg9[%dma_start3A_380, %dma_start3A_382, %dma_start3A_383] : memref<25x128x8xf32, #tpu.memory_space<vmem>> -> memref<1x128x8xf32, #tpu.memory_space<vmem>>
    %dma_start3A_385 = tpu.memref_squeeze %dma_start3A_384 : memref<1x128x8xf32, #tpu.memory_space<vmem>> -> memref<128x8xf32, #tpu.memory_space<vmem>>
    %dma_start3A_386 = arith.constant 0 : i32
    %dma_start3A_387 = tpu.memref_slice %arg7[%dma_start3A_379, %dma_start3A_386] : memref<25x128xi32, #tpu.memory_space<vmem>> -> memref<1x128xi32, #tpu.memory_space<vmem>>
    %dma_start3A_388 = tpu.memref_squeeze %dma_start3A_387 : memref<1x128xi32, #tpu.memory_space<vmem>> -> memref<128xi32, #tpu.memory_space<vmem>>
    %dma_start3A_389 = arith.constant 0 : i32
    %dma_start3A_390 = arith.constant 0 : i32
    %dma_start3A_391 = tpu.memref_slice %arg10[%dma_start3A_389, %dma_start3A_390] : memref<10112x8xf32, #tpu.memory_space<vmem_shared>> -> memref<10112x8xf32, #tpu.memory_space<vmem_shared>>
    %dma_start3A_392 = tpu.memref_slice %arg12[%dma_start3A_381] : memref<25x!tpu.dma_semaphore, #tpu.memory_space<semaphore_mem>> -> memref<1x!tpu.dma_semaphore, #tpu.memory_space<semaphore_mem>>
    %dma_start3A_393 = tpu.memref_squeeze %dma_start3A_392 : memref<1x!tpu.dma_semaphore, #tpu.memory_space<semaphore_mem>> -> memref<!tpu.dma_semaphore, #tpu.memory_space<semaphore_mem>>
    tpu.enqueue_indirect_dma source(%dma_start3A_391 : memref<10112x8xf32, #tpu.memory_space<vmem_shared>>) target(%dma_start3A_385 : memref<128x8xf32, #tpu.memory_space<vmem>>) offsets(%dma_start3A_388 : memref<128xi32, #tpu.memory_space<vmem>>) semaphore(%dma_start3A_393 : memref<!tpu.dma_semaphore, #tpu.memory_space<semaphore_mem>>)
    %dma_start3A_394 = arith.constant 23 : i32
    %dma_start3A_395 = arith.constant 23 : i32
    %dma_start3A_396 = arith.constant 23 : i32
    %dma_start3A_397 = arith.constant 0 : i32
    %dma_start3A_398 = arith.constant 0 : i32
    %dma_start3A_399 = tpu.memref_slice %arg9[%dma_start3A_395, %dma_start3A_397, %dma_start3A_398] : memref<25x128x8xf32, #tpu.memory_space<vmem>> -> memref<1x128x8xf32, #tpu.memory_space<vmem>>
    %dma_start3A_400 = tpu.memref_squeeze %dma_start3A_399 : memref<1x128x8xf32, #tpu.memory_space<vmem>> -> memref<128x8xf32, #tpu.memory_space<vmem>>
    %dma_start3A_401 = arith.constant 0 : i32
    %dma_start3A_402 = tpu.memref_slice %arg7[%dma_start3A_394, %dma_start3A_401] : memref<25x128xi32, #tpu.memory_space<vmem>> -> memref<1x128xi32, #tpu.memory_space<vmem>>
    %dma_start3A_403 = tpu.memref_squeeze %dma_start3A_402 : memref<1x128xi32, #tpu.memory_space<vmem>> -> memref<128xi32, #tpu.memory_space<vmem>>
    %dma_start3A_404 = arith.constant 0 : i32
    %dma_start3A_405 = arith.constant 0 : i32
    %dma_start3A_406 = tpu.memref_slice %arg10[%dma_start3A_404, %dma_start3A_405] : memref<10112x8xf32, #tpu.memory_space<vmem_shared>> -> memref<10112x8xf32, #tpu.memory_space<vmem_shared>>
    %dma_start3A_407 = tpu.memref_slice %arg12[%dma_start3A_396] : memref<25x!tpu.dma_semaphore, #tpu.memory_space<semaphore_mem>> -> memref<1x!tpu.dma_semaphore, #tpu.memory_space<semaphore_mem>>
    %dma_start3A_408 = tpu.memref_squeeze %dma_start3A_407 : memref<1x!tpu.dma_semaphore, #tpu.memory_space<semaphore_mem>> -> memref<!tpu.dma_semaphore, #tpu.memory_space<semaphore_mem>>
    tpu.enqueue_indirect_dma source(%dma_start3A_406 : memref<10112x8xf32, #tpu.memory_space<vmem_shared>>) target(%dma_start3A_400 : memref<128x8xf32, #tpu.memory_space<vmem>>) offsets(%dma_start3A_403 : memref<128xi32, #tpu.memory_space<vmem>>) semaphore(%dma_start3A_408 : memref<!tpu.dma_semaphore, #tpu.memory_space<semaphore_mem>>)
    %dma_start3A_409 = arith.constant 24 : i32
    %dma_start3A_410 = arith.constant 24 : i32
    %dma_start3A_411 = arith.constant 24 : i32
    %dma_start3A_412 = arith.constant 0 : i32
    %dma_start3A_413 = arith.constant 0 : i32
    %dma_start3A_414 = tpu.memref_slice %arg9[%dma_start3A_410, %dma_start3A_412, %dma_start3A_413] : memref<25x128x8xf32, #tpu.memory_space<vmem>> -> memref<1x128x8xf32, #tpu.memory_space<vmem>>
    %dma_start3A_415 = tpu.memref_squeeze %dma_start3A_414 : memref<1x128x8xf32, #tpu.memory_space<vmem>> -> memref<128x8xf32, #tpu.memory_space<vmem>>
    %dma_start3A_416 = arith.constant 0 : i32
    %dma_start3A_417 = tpu.memref_slice %arg7[%dma_start3A_409, %dma_start3A_416] : memref<25x128xi32, #tpu.memory_space<vmem>> -> memref<1x128xi32, #tpu.memory_space<vmem>>
    %dma_start3A_418 = tpu.memref_squeeze %dma_start3A_417 : memref<1x128xi32, #tpu.memory_space<vmem>> -> memref<128xi32, #tpu.memory_space<vmem>>
    %dma_start3A_419 = arith.constant 0 : i32
    %dma_start3A_420 = arith.constant 0 : i32
    %dma_start3A_421 = tpu.memref_slice %arg10[%dma_start3A_419, %dma_start3A_420] : memref<10112x8xf32, #tpu.memory_space<vmem_shared>> -> memref<10112x8xf32, #tpu.memory_space<vmem_shared>>
    %dma_start3A_422 = tpu.memref_slice %arg12[%dma_start3A_411] : memref<25x!tpu.dma_semaphore, #tpu.memory_space<semaphore_mem>> -> memref<1x!tpu.dma_semaphore, #tpu.memory_space<semaphore_mem>>
    %dma_start3A_423 = tpu.memref_squeeze %dma_start3A_422 : memref<1x!tpu.dma_semaphore, #tpu.memory_space<semaphore_mem>> -> memref<!tpu.dma_semaphore, #tpu.memory_space<semaphore_mem>>
    tpu.enqueue_indirect_dma source(%dma_start3A_421 : memref<10112x8xf32, #tpu.memory_space<vmem_shared>>) target(%dma_start3A_415 : memref<128x8xf32, #tpu.memory_space<vmem>>) offsets(%dma_start3A_418 : memref<128xi32, #tpu.memory_space<vmem>>) semaphore(%dma_start3A_423 : memref<!tpu.dma_semaphore, #tpu.memory_space<semaphore_mem>>)
    %dma_wait3A_424 = arith.constant 0 : i32
    %dma_wait3A_425 = arith.constant 0 : i32
    %dma_wait3A_426 = arith.constant 0 : i32
    %dma_wait3A_427 = arith.constant 0 : i32
    %dma_wait3A_428 = arith.constant 0 : i32
    %dma_wait3A_429 = tpu.memref_slice %arg9[%dma_wait3A_425, %dma_wait3A_427, %dma_wait3A_428] : memref<25x128x8xf32, #tpu.memory_space<vmem>> -> memref<1x128x8xf32, #tpu.memory_space<vmem>>
    %dma_wait3A_430 = tpu.memref_squeeze %dma_wait3A_429 : memref<1x128x8xf32, #tpu.memory_space<vmem>> -> memref<128x8xf32, #tpu.memory_space<vmem>>
    %dma_wait3A_431 = arith.constant 0 : i32
    %dma_wait3A_432 = tpu.memref_slice %arg7[%dma_wait3A_424, %dma_wait3A_431] : memref<25x128xi32, #tpu.memory_space<vmem>> -> memref<1x128xi32, #tpu.memory_space<vmem>>
    %dma_wait3A_433 = tpu.memref_squeeze %dma_wait3A_432 : memref<1x128xi32, #tpu.memory_space<vmem>> -> memref<128xi32, #tpu.memory_space<vmem>>
    %dma_wait3A_434 = arith.constant 0 : i32
    %dma_wait3A_435 = arith.constant 0 : i32
    %dma_wait3A_436 = tpu.memref_slice %arg10[%dma_wait3A_434, %dma_wait3A_435] : memref<10112x8xf32, #tpu.memory_space<vmem_shared>> -> memref<10112x8xf32, #tpu.memory_space<vmem_shared>>
    %dma_wait3A_437 = tpu.memref_slice %arg12[%dma_wait3A_426] : memref<25x!tpu.dma_semaphore, #tpu.memory_space<semaphore_mem>> -> memref<1x!tpu.dma_semaphore, #tpu.memory_space<semaphore_mem>>
    %dma_wait3A_438 = tpu.memref_squeeze %dma_wait3A_437 : memref<1x!tpu.dma_semaphore, #tpu.memory_space<semaphore_mem>> -> memref<!tpu.dma_semaphore, #tpu.memory_space<semaphore_mem>>
    tpu.wait_indirect_dma semaphore(%dma_wait3A_438 : memref<!tpu.dma_semaphore, #tpu.memory_space<semaphore_mem>>) src(%dma_wait3A_436 : memref<10112x8xf32, #tpu.memory_space<vmem_shared>>) dst(%dma_wait3A_430 : memref<128x8xf32, #tpu.memory_space<vmem>>)
    %dma_start3A_439 = arith.constant 0 : i32
    %dma_start3A_440 = arith.constant 0 : i32
    %dma_start3A_441 = arith.constant 0 : i32
    %dma_start3A_442 = arith.constant 0 : i32
    %dma_start3A_443 = tpu.memref_slice %arg9[%dma_start3A_439, %dma_start3A_441, %dma_start3A_442] : memref<25x128x8xf32, #tpu.memory_space<vmem>> -> memref<1x128x8xf32, #tpu.memory_space<vmem>>
    %dma_start3A_444 = tpu.memref_squeeze %dma_start3A_443 : memref<1x128x8xf32, #tpu.memory_space<vmem>> -> memref<128x8xf32, #tpu.memory_space<vmem>>
    %dma_start3A_445 = arith.constant 0 : i32
    %dma_start3A_446 = tpu.memref_slice %arg8[%dma_start3A_440, %dma_start3A_445] : memref<25x128xi32, #tpu.memory_space<vmem>> -> memref<1x128xi32, #tpu.memory_space<vmem>>
    %dma_start3A_447 = tpu.memref_squeeze %dma_start3A_446 : memref<1x128xi32, #tpu.memory_space<vmem>> -> memref<128xi32, #tpu.memory_space<vmem>>
    %dma_start3A_448 = arith.constant 0 : i32
    %dma_start3A_449 = arith.constant 0 : i32
    %dma_start3A_450 = tpu.memref_slice %arg11[%dma_start3A_448, %dma_start3A_449] : memref<10112x8xf32, #tpu.memory_space<vmem_shared>> -> memref<10112x8xf32, #tpu.memory_space<vmem_shared>>
    tpu.enqueue_indirect_dma source(%dma_start3A_444 : memref<128x8xf32, #tpu.memory_space<vmem>>) target(%dma_start3A_450 : memref<10112x8xf32, #tpu.memory_space<vmem_shared>>) offsets(%dma_start3A_447 : memref<128xi32, #tpu.memory_space<vmem>>) semaphore(%arg13 : memref<!tpu.dma_semaphore, #tpu.memory_space<semaphore_mem>>) {add = true}
    %dma_wait3A_451 = arith.constant 1 : i32
    %dma_wait3A_452 = arith.constant 1 : i32
    %dma_wait3A_453 = arith.constant 1 : i32
    %dma_wait3A_454 = arith.constant 0 : i32
    %dma_wait3A_455 = arith.constant 0 : i32
    %dma_wait3A_456 = tpu.memref_slice %arg9[%dma_wait3A_452, %dma_wait3A_454, %dma_wait3A_455] : memref<25x128x8xf32, #tpu.memory_space<vmem>> -> memref<1x128x8xf32, #tpu.memory_space<vmem>>
    %dma_wait3A_457 = tpu.memref_squeeze %dma_wait3A_456 : memref<1x128x8xf32, #tpu.memory_space<vmem>> -> memref<128x8xf32, #tpu.memory_space<vmem>>
    %dma_wait3A_458 = arith.constant 0 : i32
    %dma_wait3A_459 = tpu.memref_slice %arg7[%dma_wait3A_451, %dma_wait3A_458] : memref<25x128xi32, #tpu.memory_space<vmem>> -> memref<1x128xi32, #tpu.memory_space<vmem>>
    %dma_wait3A_460 = tpu.memref_squeeze %dma_wait3A_459 : memref<1x128xi32, #tpu.memory_space<vmem>> -> memref<128xi32, #tpu.memory_space<vmem>>
    %dma_wait3A_461 = arith.constant 0 : i32
    %dma_wait3A_462 = arith.constant 0 : i32
    %dma_wait3A_463 = tpu.memref_slice %arg10[%dma_wait3A_461, %dma_wait3A_462] : memref<10112x8xf32, #tpu.memory_space<vmem_shared>> -> memref<10112x8xf32, #tpu.memory_space<vmem_shared>>
    %dma_wait3A_464 = tpu.memref_slice %arg12[%dma_wait3A_453] : memref<25x!tpu.dma_semaphore, #tpu.memory_space<semaphore_mem>> -> memref<1x!tpu.dma_semaphore, #tpu.memory_space<semaphore_mem>>
    %dma_wait3A_465 = tpu.memref_squeeze %dma_wait3A_464 : memref<1x!tpu.dma_semaphore, #tpu.memory_space<semaphore_mem>> -> memref<!tpu.dma_semaphore, #tpu.memory_space<semaphore_mem>>
    tpu.wait_indirect_dma semaphore(%dma_wait3A_465 : memref<!tpu.dma_semaphore, #tpu.memory_space<semaphore_mem>>) src(%dma_wait3A_463 : memref<10112x8xf32, #tpu.memory_space<vmem_shared>>) dst(%dma_wait3A_457 : memref<128x8xf32, #tpu.memory_space<vmem>>)
    %dma_start3A_466 = arith.constant 1 : i32
    %dma_start3A_467 = arith.constant 1 : i32
    %dma_start3A_468 = arith.constant 0 : i32
    %dma_start3A_469 = arith.constant 0 : i32
    %dma_start3A_470 = tpu.memref_slice %arg9[%dma_start3A_466, %dma_start3A_468, %dma_start3A_469] : memref<25x128x8xf32, #tpu.memory_space<vmem>> -> memref<1x128x8xf32, #tpu.memory_space<vmem>>
    %dma_start3A_471 = tpu.memref_squeeze %dma_start3A_470 : memref<1x128x8xf32, #tpu.memory_space<vmem>> -> memref<128x8xf32, #tpu.memory_space<vmem>>
    %dma_start3A_472 = arith.constant 0 : i32
    %dma_start3A_473 = tpu.memref_slice %arg8[%dma_start3A_467, %dma_start3A_472] : memref<25x128xi32, #tpu.memory_space<vmem>> -> memref<1x128xi32, #tpu.memory_space<vmem>>
    %dma_start3A_474 = tpu.memref_squeeze %dma_start3A_473 : memref<1x128xi32, #tpu.memory_space<vmem>> -> memref<128xi32, #tpu.memory_space<vmem>>
    %dma_start3A_475 = arith.constant 0 : i32
    %dma_start3A_476 = arith.constant 0 : i32
    %dma_start3A_477 = tpu.memref_slice %arg11[%dma_start3A_475, %dma_start3A_476] : memref<10112x8xf32, #tpu.memory_space<vmem_shared>> -> memref<10112x8xf32, #tpu.memory_space<vmem_shared>>
    tpu.enqueue_indirect_dma source(%dma_start3A_471 : memref<128x8xf32, #tpu.memory_space<vmem>>) target(%dma_start3A_477 : memref<10112x8xf32, #tpu.memory_space<vmem_shared>>) offsets(%dma_start3A_474 : memref<128xi32, #tpu.memory_space<vmem>>) semaphore(%arg13 : memref<!tpu.dma_semaphore, #tpu.memory_space<semaphore_mem>>) {add = true}
    %dma_wait3A_478 = arith.constant 2 : i32
    %dma_wait3A_479 = arith.constant 2 : i32
    %dma_wait3A_480 = arith.constant 2 : i32
    %dma_wait3A_481 = arith.constant 0 : i32
    %dma_wait3A_482 = arith.constant 0 : i32
    %dma_wait3A_483 = tpu.memref_slice %arg9[%dma_wait3A_479, %dma_wait3A_481, %dma_wait3A_482] : memref<25x128x8xf32, #tpu.memory_space<vmem>> -> memref<1x128x8xf32, #tpu.memory_space<vmem>>
    %dma_wait3A_484 = tpu.memref_squeeze %dma_wait3A_483 : memref<1x128x8xf32, #tpu.memory_space<vmem>> -> memref<128x8xf32, #tpu.memory_space<vmem>>
    %dma_wait3A_485 = arith.constant 0 : i32
    %dma_wait3A_486 = tpu.memref_slice %arg7[%dma_wait3A_478, %dma_wait3A_485] : memref<25x128xi32, #tpu.memory_space<vmem>> -> memref<1x128xi32, #tpu.memory_space<vmem>>
    %dma_wait3A_487 = tpu.memref_squeeze %dma_wait3A_486 : memref<1x128xi32, #tpu.memory_space<vmem>> -> memref<128xi32, #tpu.memory_space<vmem>>
    %dma_wait3A_488 = arith.constant 0 : i32
    %dma_wait3A_489 = arith.constant 0 : i32
    %dma_wait3A_490 = tpu.memref_slice %arg10[%dma_wait3A_488, %dma_wait3A_489] : memref<10112x8xf32, #tpu.memory_space<vmem_shared>> -> memref<10112x8xf32, #tpu.memory_space<vmem_shared>>
    %dma_wait3A_491 = tpu.memref_slice %arg12[%dma_wait3A_480] : memref<25x!tpu.dma_semaphore, #tpu.memory_space<semaphore_mem>> -> memref<1x!tpu.dma_semaphore, #tpu.memory_space<semaphore_mem>>
    %dma_wait3A_492 = tpu.memref_squeeze %dma_wait3A_491 : memref<1x!tpu.dma_semaphore, #tpu.memory_space<semaphore_mem>> -> memref<!tpu.dma_semaphore, #tpu.memory_space<semaphore_mem>>
    tpu.wait_indirect_dma semaphore(%dma_wait3A_492 : memref<!tpu.dma_semaphore, #tpu.memory_space<semaphore_mem>>) src(%dma_wait3A_490 : memref<10112x8xf32, #tpu.memory_space<vmem_shared>>) dst(%dma_wait3A_484 : memref<128x8xf32, #tpu.memory_space<vmem>>)
    %dma_start3A_493 = arith.constant 2 : i32
    %dma_start3A_494 = arith.constant 2 : i32
    %dma_start3A_495 = arith.constant 0 : i32
    %dma_start3A_496 = arith.constant 0 : i32
    %dma_start3A_497 = tpu.memref_slice %arg9[%dma_start3A_493, %dma_start3A_495, %dma_start3A_496] : memref<25x128x8xf32, #tpu.memory_space<vmem>> -> memref<1x128x8xf32, #tpu.memory_space<vmem>>
    %dma_start3A_498 = tpu.memref_squeeze %dma_start3A_497 : memref<1x128x8xf32, #tpu.memory_space<vmem>> -> memref<128x8xf32, #tpu.memory_space<vmem>>
    %dma_start3A_499 = arith.constant 0 : i32
    %dma_start3A_500 = tpu.memref_slice %arg8[%dma_start3A_494, %dma_start3A_499] : memref<25x128xi32, #tpu.memory_space<vmem>> -> memref<1x128xi32, #tpu.memory_space<vmem>>
    %dma_start3A_501 = tpu.memref_squeeze %dma_start3A_500 : memref<1x128xi32, #tpu.memory_space<vmem>> -> memref<128xi32, #tpu.memory_space<vmem>>
    %dma_start3A_502 = arith.constant 0 : i32
    %dma_start3A_503 = arith.constant 0 : i32
    %dma_start3A_504 = tpu.memref_slice %arg11[%dma_start3A_502, %dma_start3A_503] : memref<10112x8xf32, #tpu.memory_space<vmem_shared>> -> memref<10112x8xf32, #tpu.memory_space<vmem_shared>>
    tpu.enqueue_indirect_dma source(%dma_start3A_498 : memref<128x8xf32, #tpu.memory_space<vmem>>) target(%dma_start3A_504 : memref<10112x8xf32, #tpu.memory_space<vmem_shared>>) offsets(%dma_start3A_501 : memref<128xi32, #tpu.memory_space<vmem>>) semaphore(%arg13 : memref<!tpu.dma_semaphore, #tpu.memory_space<semaphore_mem>>) {add = true}
    %dma_wait3A_505 = arith.constant 3 : i32
    %dma_wait3A_506 = arith.constant 3 : i32
    %dma_wait3A_507 = arith.constant 3 : i32
    %dma_wait3A_508 = arith.constant 0 : i32
    %dma_wait3A_509 = arith.constant 0 : i32
    %dma_wait3A_510 = tpu.memref_slice %arg9[%dma_wait3A_506, %dma_wait3A_508, %dma_wait3A_509] : memref<25x128x8xf32, #tpu.memory_space<vmem>> -> memref<1x128x8xf32, #tpu.memory_space<vmem>>
    %dma_wait3A_511 = tpu.memref_squeeze %dma_wait3A_510 : memref<1x128x8xf32, #tpu.memory_space<vmem>> -> memref<128x8xf32, #tpu.memory_space<vmem>>
    %dma_wait3A_512 = arith.constant 0 : i32
    %dma_wait3A_513 = tpu.memref_slice %arg7[%dma_wait3A_505, %dma_wait3A_512] : memref<25x128xi32, #tpu.memory_space<vmem>> -> memref<1x128xi32, #tpu.memory_space<vmem>>
    %dma_wait3A_514 = tpu.memref_squeeze %dma_wait3A_513 : memref<1x128xi32, #tpu.memory_space<vmem>> -> memref<128xi32, #tpu.memory_space<vmem>>
    %dma_wait3A_515 = arith.constant 0 : i32
    %dma_wait3A_516 = arith.constant 0 : i32
    %dma_wait3A_517 = tpu.memref_slice %arg10[%dma_wait3A_515, %dma_wait3A_516] : memref<10112x8xf32, #tpu.memory_space<vmem_shared>> -> memref<10112x8xf32, #tpu.memory_space<vmem_shared>>
    %dma_wait3A_518 = tpu.memref_slice %arg12[%dma_wait3A_507] : memref<25x!tpu.dma_semaphore, #tpu.memory_space<semaphore_mem>> -> memref<1x!tpu.dma_semaphore, #tpu.memory_space<semaphore_mem>>
    %dma_wait3A_519 = tpu.memref_squeeze %dma_wait3A_518 : memref<1x!tpu.dma_semaphore, #tpu.memory_space<semaphore_mem>> -> memref<!tpu.dma_semaphore, #tpu.memory_space<semaphore_mem>>
    tpu.wait_indirect_dma semaphore(%dma_wait3A_519 : memref<!tpu.dma_semaphore, #tpu.memory_space<semaphore_mem>>) src(%dma_wait3A_517 : memref<10112x8xf32, #tpu.memory_space<vmem_shared>>) dst(%dma_wait3A_511 : memref<128x8xf32, #tpu.memory_space<vmem>>)
    %dma_start3A_520 = arith.constant 3 : i32
    %dma_start3A_521 = arith.constant 3 : i32
    %dma_start3A_522 = arith.constant 0 : i32
    %dma_start3A_523 = arith.constant 0 : i32
    %dma_start3A_524 = tpu.memref_slice %arg9[%dma_start3A_520, %dma_start3A_522, %dma_start3A_523] : memref<25x128x8xf32, #tpu.memory_space<vmem>> -> memref<1x128x8xf32, #tpu.memory_space<vmem>>
    %dma_start3A_525 = tpu.memref_squeeze %dma_start3A_524 : memref<1x128x8xf32, #tpu.memory_space<vmem>> -> memref<128x8xf32, #tpu.memory_space<vmem>>
    %dma_start3A_526 = arith.constant 0 : i32
    %dma_start3A_527 = tpu.memref_slice %arg8[%dma_start3A_521, %dma_start3A_526] : memref<25x128xi32, #tpu.memory_space<vmem>> -> memref<1x128xi32, #tpu.memory_space<vmem>>
    %dma_start3A_528 = tpu.memref_squeeze %dma_start3A_527 : memref<1x128xi32, #tpu.memory_space<vmem>> -> memref<128xi32, #tpu.memory_space<vmem>>
    %dma_start3A_529 = arith.constant 0 : i32
    %dma_start3A_530 = arith.constant 0 : i32
    %dma_start3A_531 = tpu.memref_slice %arg11[%dma_start3A_529, %dma_start3A_530] : memref<10112x8xf32, #tpu.memory_space<vmem_shared>> -> memref<10112x8xf32, #tpu.memory_space<vmem_shared>>
    tpu.enqueue_indirect_dma source(%dma_start3A_525 : memref<128x8xf32, #tpu.memory_space<vmem>>) target(%dma_start3A_531 : memref<10112x8xf32, #tpu.memory_space<vmem_shared>>) offsets(%dma_start3A_528 : memref<128xi32, #tpu.memory_space<vmem>>) semaphore(%arg13 : memref<!tpu.dma_semaphore, #tpu.memory_space<semaphore_mem>>) {add = true}
    %dma_wait3A_532 = arith.constant 4 : i32
    %dma_wait3A_533 = arith.constant 4 : i32
    %dma_wait3A_534 = arith.constant 4 : i32
    %dma_wait3A_535 = arith.constant 0 : i32
    %dma_wait3A_536 = arith.constant 0 : i32
    %dma_wait3A_537 = tpu.memref_slice %arg9[%dma_wait3A_533, %dma_wait3A_535, %dma_wait3A_536] : memref<25x128x8xf32, #tpu.memory_space<vmem>> -> memref<1x128x8xf32, #tpu.memory_space<vmem>>
    %dma_wait3A_538 = tpu.memref_squeeze %dma_wait3A_537 : memref<1x128x8xf32, #tpu.memory_space<vmem>> -> memref<128x8xf32, #tpu.memory_space<vmem>>
    %dma_wait3A_539 = arith.constant 0 : i32
    %dma_wait3A_540 = tpu.memref_slice %arg7[%dma_wait3A_532, %dma_wait3A_539] : memref<25x128xi32, #tpu.memory_space<vmem>> -> memref<1x128xi32, #tpu.memory_space<vmem>>
    %dma_wait3A_541 = tpu.memref_squeeze %dma_wait3A_540 : memref<1x128xi32, #tpu.memory_space<vmem>> -> memref<128xi32, #tpu.memory_space<vmem>>
    %dma_wait3A_542 = arith.constant 0 : i32
    %dma_wait3A_543 = arith.constant 0 : i32
    %dma_wait3A_544 = tpu.memref_slice %arg10[%dma_wait3A_542, %dma_wait3A_543] : memref<10112x8xf32, #tpu.memory_space<vmem_shared>> -> memref<10112x8xf32, #tpu.memory_space<vmem_shared>>
    %dma_wait3A_545 = tpu.memref_slice %arg12[%dma_wait3A_534] : memref<25x!tpu.dma_semaphore, #tpu.memory_space<semaphore_mem>> -> memref<1x!tpu.dma_semaphore, #tpu.memory_space<semaphore_mem>>
    %dma_wait3A_546 = tpu.memref_squeeze %dma_wait3A_545 : memref<1x!tpu.dma_semaphore, #tpu.memory_space<semaphore_mem>> -> memref<!tpu.dma_semaphore, #tpu.memory_space<semaphore_mem>>
    tpu.wait_indirect_dma semaphore(%dma_wait3A_546 : memref<!tpu.dma_semaphore, #tpu.memory_space<semaphore_mem>>) src(%dma_wait3A_544 : memref<10112x8xf32, #tpu.memory_space<vmem_shared>>) dst(%dma_wait3A_538 : memref<128x8xf32, #tpu.memory_space<vmem>>)
    %dma_start3A_547 = arith.constant 4 : i32
    %dma_start3A_548 = arith.constant 4 : i32
    %dma_start3A_549 = arith.constant 0 : i32
    %dma_start3A_550 = arith.constant 0 : i32
    %dma_start3A_551 = tpu.memref_slice %arg9[%dma_start3A_547, %dma_start3A_549, %dma_start3A_550] : memref<25x128x8xf32, #tpu.memory_space<vmem>> -> memref<1x128x8xf32, #tpu.memory_space<vmem>>
    %dma_start3A_552 = tpu.memref_squeeze %dma_start3A_551 : memref<1x128x8xf32, #tpu.memory_space<vmem>> -> memref<128x8xf32, #tpu.memory_space<vmem>>
    %dma_start3A_553 = arith.constant 0 : i32
    %dma_start3A_554 = tpu.memref_slice %arg8[%dma_start3A_548, %dma_start3A_553] : memref<25x128xi32, #tpu.memory_space<vmem>> -> memref<1x128xi32, #tpu.memory_space<vmem>>
    %dma_start3A_555 = tpu.memref_squeeze %dma_start3A_554 : memref<1x128xi32, #tpu.memory_space<vmem>> -> memref<128xi32, #tpu.memory_space<vmem>>
    %dma_start3A_556 = arith.constant 0 : i32
    %dma_start3A_557 = arith.constant 0 : i32
    %dma_start3A_558 = tpu.memref_slice %arg11[%dma_start3A_556, %dma_start3A_557] : memref<10112x8xf32, #tpu.memory_space<vmem_shared>> -> memref<10112x8xf32, #tpu.memory_space<vmem_shared>>
    tpu.enqueue_indirect_dma source(%dma_start3A_552 : memref<128x8xf32, #tpu.memory_space<vmem>>) target(%dma_start3A_558 : memref<10112x8xf32, #tpu.memory_space<vmem_shared>>) offsets(%dma_start3A_555 : memref<128xi32, #tpu.memory_space<vmem>>) semaphore(%arg13 : memref<!tpu.dma_semaphore, #tpu.memory_space<semaphore_mem>>) {add = true}
    %dma_wait3A_559 = arith.constant 5 : i32
    %dma_wait3A_560 = arith.constant 5 : i32
    %dma_wait3A_561 = arith.constant 5 : i32
    %dma_wait3A_562 = arith.constant 0 : i32
    %dma_wait3A_563 = arith.constant 0 : i32
    %dma_wait3A_564 = tpu.memref_slice %arg9[%dma_wait3A_560, %dma_wait3A_562, %dma_wait3A_563] : memref<25x128x8xf32, #tpu.memory_space<vmem>> -> memref<1x128x8xf32, #tpu.memory_space<vmem>>
    %dma_wait3A_565 = tpu.memref_squeeze %dma_wait3A_564 : memref<1x128x8xf32, #tpu.memory_space<vmem>> -> memref<128x8xf32, #tpu.memory_space<vmem>>
    %dma_wait3A_566 = arith.constant 0 : i32
    %dma_wait3A_567 = tpu.memref_slice %arg7[%dma_wait3A_559, %dma_wait3A_566] : memref<25x128xi32, #tpu.memory_space<vmem>> -> memref<1x128xi32, #tpu.memory_space<vmem>>
    %dma_wait3A_568 = tpu.memref_squeeze %dma_wait3A_567 : memref<1x128xi32, #tpu.memory_space<vmem>> -> memref<128xi32, #tpu.memory_space<vmem>>
    %dma_wait3A_569 = arith.constant 0 : i32
    %dma_wait3A_570 = arith.constant 0 : i32
    %dma_wait3A_571 = tpu.memref_slice %arg10[%dma_wait3A_569, %dma_wait3A_570] : memref<10112x8xf32, #tpu.memory_space<vmem_shared>> -> memref<10112x8xf32, #tpu.memory_space<vmem_shared>>
    %dma_wait3A_572 = tpu.memref_slice %arg12[%dma_wait3A_561] : memref<25x!tpu.dma_semaphore, #tpu.memory_space<semaphore_mem>> -> memref<1x!tpu.dma_semaphore, #tpu.memory_space<semaphore_mem>>
    %dma_wait3A_573 = tpu.memref_squeeze %dma_wait3A_572 : memref<1x!tpu.dma_semaphore, #tpu.memory_space<semaphore_mem>> -> memref<!tpu.dma_semaphore, #tpu.memory_space<semaphore_mem>>
    tpu.wait_indirect_dma semaphore(%dma_wait3A_573 : memref<!tpu.dma_semaphore, #tpu.memory_space<semaphore_mem>>) src(%dma_wait3A_571 : memref<10112x8xf32, #tpu.memory_space<vmem_shared>>) dst(%dma_wait3A_565 : memref<128x8xf32, #tpu.memory_space<vmem>>)
    %dma_start3A_574 = arith.constant 5 : i32
    %dma_start3A_575 = arith.constant 5 : i32
    %dma_start3A_576 = arith.constant 0 : i32
    %dma_start3A_577 = arith.constant 0 : i32
    %dma_start3A_578 = tpu.memref_slice %arg9[%dma_start3A_574, %dma_start3A_576, %dma_start3A_577] : memref<25x128x8xf32, #tpu.memory_space<vmem>> -> memref<1x128x8xf32, #tpu.memory_space<vmem>>
    %dma_start3A_579 = tpu.memref_squeeze %dma_start3A_578 : memref<1x128x8xf32, #tpu.memory_space<vmem>> -> memref<128x8xf32, #tpu.memory_space<vmem>>
    %dma_start3A_580 = arith.constant 0 : i32
    %dma_start3A_581 = tpu.memref_slice %arg8[%dma_start3A_575, %dma_start3A_580] : memref<25x128xi32, #tpu.memory_space<vmem>> -> memref<1x128xi32, #tpu.memory_space<vmem>>
    %dma_start3A_582 = tpu.memref_squeeze %dma_start3A_581 : memref<1x128xi32, #tpu.memory_space<vmem>> -> memref<128xi32, #tpu.memory_space<vmem>>
    %dma_start3A_583 = arith.constant 0 : i32
    %dma_start3A_584 = arith.constant 0 : i32
    %dma_start3A_585 = tpu.memref_slice %arg11[%dma_start3A_583, %dma_start3A_584] : memref<10112x8xf32, #tpu.memory_space<vmem_shared>> -> memref<10112x8xf32, #tpu.memory_space<vmem_shared>>
    tpu.enqueue_indirect_dma source(%dma_start3A_579 : memref<128x8xf32, #tpu.memory_space<vmem>>) target(%dma_start3A_585 : memref<10112x8xf32, #tpu.memory_space<vmem_shared>>) offsets(%dma_start3A_582 : memref<128xi32, #tpu.memory_space<vmem>>) semaphore(%arg13 : memref<!tpu.dma_semaphore, #tpu.memory_space<semaphore_mem>>) {add = true}
    %dma_wait3A_586 = arith.constant 6 : i32
    %dma_wait3A_587 = arith.constant 6 : i32
    %dma_wait3A_588 = arith.constant 6 : i32
    %dma_wait3A_589 = arith.constant 0 : i32
    %dma_wait3A_590 = arith.constant 0 : i32
    %dma_wait3A_591 = tpu.memref_slice %arg9[%dma_wait3A_587, %dma_wait3A_589, %dma_wait3A_590] : memref<25x128x8xf32, #tpu.memory_space<vmem>> -> memref<1x128x8xf32, #tpu.memory_space<vmem>>
    %dma_wait3A_592 = tpu.memref_squeeze %dma_wait3A_591 : memref<1x128x8xf32, #tpu.memory_space<vmem>> -> memref<128x8xf32, #tpu.memory_space<vmem>>
    %dma_wait3A_593 = arith.constant 0 : i32
    %dma_wait3A_594 = tpu.memref_slice %arg7[%dma_wait3A_586, %dma_wait3A_593] : memref<25x128xi32, #tpu.memory_space<vmem>> -> memref<1x128xi32, #tpu.memory_space<vmem>>
    %dma_wait3A_595 = tpu.memref_squeeze %dma_wait3A_594 : memref<1x128xi32, #tpu.memory_space<vmem>> -> memref<128xi32, #tpu.memory_space<vmem>>
    %dma_wait3A_596 = arith.constant 0 : i32
    %dma_wait3A_597 = arith.constant 0 : i32
    %dma_wait3A_598 = tpu.memref_slice %arg10[%dma_wait3A_596, %dma_wait3A_597] : memref<10112x8xf32, #tpu.memory_space<vmem_shared>> -> memref<10112x8xf32, #tpu.memory_space<vmem_shared>>
    %dma_wait3A_599 = tpu.memref_slice %arg12[%dma_wait3A_588] : memref<25x!tpu.dma_semaphore, #tpu.memory_space<semaphore_mem>> -> memref<1x!tpu.dma_semaphore, #tpu.memory_space<semaphore_mem>>
    %dma_wait3A_600 = tpu.memref_squeeze %dma_wait3A_599 : memref<1x!tpu.dma_semaphore, #tpu.memory_space<semaphore_mem>> -> memref<!tpu.dma_semaphore, #tpu.memory_space<semaphore_mem>>
    tpu.wait_indirect_dma semaphore(%dma_wait3A_600 : memref<!tpu.dma_semaphore, #tpu.memory_space<semaphore_mem>>) src(%dma_wait3A_598 : memref<10112x8xf32, #tpu.memory_space<vmem_shared>>) dst(%dma_wait3A_592 : memref<128x8xf32, #tpu.memory_space<vmem>>)
    %dma_start3A_601 = arith.constant 6 : i32
    %dma_start3A_602 = arith.constant 6 : i32
    %dma_start3A_603 = arith.constant 0 : i32
    %dma_start3A_604 = arith.constant 0 : i32
    %dma_start3A_605 = tpu.memref_slice %arg9[%dma_start3A_601, %dma_start3A_603, %dma_start3A_604] : memref<25x128x8xf32, #tpu.memory_space<vmem>> -> memref<1x128x8xf32, #tpu.memory_space<vmem>>
    %dma_start3A_606 = tpu.memref_squeeze %dma_start3A_605 : memref<1x128x8xf32, #tpu.memory_space<vmem>> -> memref<128x8xf32, #tpu.memory_space<vmem>>
    %dma_start3A_607 = arith.constant 0 : i32
    %dma_start3A_608 = tpu.memref_slice %arg8[%dma_start3A_602, %dma_start3A_607] : memref<25x128xi32, #tpu.memory_space<vmem>> -> memref<1x128xi32, #tpu.memory_space<vmem>>
    %dma_start3A_609 = tpu.memref_squeeze %dma_start3A_608 : memref<1x128xi32, #tpu.memory_space<vmem>> -> memref<128xi32, #tpu.memory_space<vmem>>
    %dma_start3A_610 = arith.constant 0 : i32
    %dma_start3A_611 = arith.constant 0 : i32
    %dma_start3A_612 = tpu.memref_slice %arg11[%dma_start3A_610, %dma_start3A_611] : memref<10112x8xf32, #tpu.memory_space<vmem_shared>> -> memref<10112x8xf32, #tpu.memory_space<vmem_shared>>
    tpu.enqueue_indirect_dma source(%dma_start3A_606 : memref<128x8xf32, #tpu.memory_space<vmem>>) target(%dma_start3A_612 : memref<10112x8xf32, #tpu.memory_space<vmem_shared>>) offsets(%dma_start3A_609 : memref<128xi32, #tpu.memory_space<vmem>>) semaphore(%arg13 : memref<!tpu.dma_semaphore, #tpu.memory_space<semaphore_mem>>) {add = true}
    %dma_wait3A_613 = arith.constant 7 : i32
    %dma_wait3A_614 = arith.constant 7 : i32
    %dma_wait3A_615 = arith.constant 7 : i32
    %dma_wait3A_616 = arith.constant 0 : i32
    %dma_wait3A_617 = arith.constant 0 : i32
    %dma_wait3A_618 = tpu.memref_slice %arg9[%dma_wait3A_614, %dma_wait3A_616, %dma_wait3A_617] : memref<25x128x8xf32, #tpu.memory_space<vmem>> -> memref<1x128x8xf32, #tpu.memory_space<vmem>>
    %dma_wait3A_619 = tpu.memref_squeeze %dma_wait3A_618 : memref<1x128x8xf32, #tpu.memory_space<vmem>> -> memref<128x8xf32, #tpu.memory_space<vmem>>
    %dma_wait3A_620 = arith.constant 0 : i32
    %dma_wait3A_621 = tpu.memref_slice %arg7[%dma_wait3A_613, %dma_wait3A_620] : memref<25x128xi32, #tpu.memory_space<vmem>> -> memref<1x128xi32, #tpu.memory_space<vmem>>
    %dma_wait3A_622 = tpu.memref_squeeze %dma_wait3A_621 : memref<1x128xi32, #tpu.memory_space<vmem>> -> memref<128xi32, #tpu.memory_space<vmem>>
    %dma_wait3A_623 = arith.constant 0 : i32
    %dma_wait3A_624 = arith.constant 0 : i32
    %dma_wait3A_625 = tpu.memref_slice %arg10[%dma_wait3A_623, %dma_wait3A_624] : memref<10112x8xf32, #tpu.memory_space<vmem_shared>> -> memref<10112x8xf32, #tpu.memory_space<vmem_shared>>
    %dma_wait3A_626 = tpu.memref_slice %arg12[%dma_wait3A_615] : memref<25x!tpu.dma_semaphore, #tpu.memory_space<semaphore_mem>> -> memref<1x!tpu.dma_semaphore, #tpu.memory_space<semaphore_mem>>
    %dma_wait3A_627 = tpu.memref_squeeze %dma_wait3A_626 : memref<1x!tpu.dma_semaphore, #tpu.memory_space<semaphore_mem>> -> memref<!tpu.dma_semaphore, #tpu.memory_space<semaphore_mem>>
    tpu.wait_indirect_dma semaphore(%dma_wait3A_627 : memref<!tpu.dma_semaphore, #tpu.memory_space<semaphore_mem>>) src(%dma_wait3A_625 : memref<10112x8xf32, #tpu.memory_space<vmem_shared>>) dst(%dma_wait3A_619 : memref<128x8xf32, #tpu.memory_space<vmem>>)
    %dma_start3A_628 = arith.constant 7 : i32
    %dma_start3A_629 = arith.constant 7 : i32
    %dma_start3A_630 = arith.constant 0 : i32
    %dma_start3A_631 = arith.constant 0 : i32
    %dma_start3A_632 = tpu.memref_slice %arg9[%dma_start3A_628, %dma_start3A_630, %dma_start3A_631] : memref<25x128x8xf32, #tpu.memory_space<vmem>> -> memref<1x128x8xf32, #tpu.memory_space<vmem>>
    %dma_start3A_633 = tpu.memref_squeeze %dma_start3A_632 : memref<1x128x8xf32, #tpu.memory_space<vmem>> -> memref<128x8xf32, #tpu.memory_space<vmem>>
    %dma_start3A_634 = arith.constant 0 : i32
    %dma_start3A_635 = tpu.memref_slice %arg8[%dma_start3A_629, %dma_start3A_634] : memref<25x128xi32, #tpu.memory_space<vmem>> -> memref<1x128xi32, #tpu.memory_space<vmem>>
    %dma_start3A_636 = tpu.memref_squeeze %dma_start3A_635 : memref<1x128xi32, #tpu.memory_space<vmem>> -> memref<128xi32, #tpu.memory_space<vmem>>
    %dma_start3A_637 = arith.constant 0 : i32
    %dma_start3A_638 = arith.constant 0 : i32
    %dma_start3A_639 = tpu.memref_slice %arg11[%dma_start3A_637, %dma_start3A_638] : memref<10112x8xf32, #tpu.memory_space<vmem_shared>> -> memref<10112x8xf32, #tpu.memory_space<vmem_shared>>
    tpu.enqueue_indirect_dma source(%dma_start3A_633 : memref<128x8xf32, #tpu.memory_space<vmem>>) target(%dma_start3A_639 : memref<10112x8xf32, #tpu.memory_space<vmem_shared>>) offsets(%dma_start3A_636 : memref<128xi32, #tpu.memory_space<vmem>>) semaphore(%arg13 : memref<!tpu.dma_semaphore, #tpu.memory_space<semaphore_mem>>) {add = true}
    %dma_wait3A_640 = arith.constant 8 : i32
    %dma_wait3A_641 = arith.constant 8 : i32
    %dma_wait3A_642 = arith.constant 8 : i32
    %dma_wait3A_643 = arith.constant 0 : i32
    %dma_wait3A_644 = arith.constant 0 : i32
    %dma_wait3A_645 = tpu.memref_slice %arg9[%dma_wait3A_641, %dma_wait3A_643, %dma_wait3A_644] : memref<25x128x8xf32, #tpu.memory_space<vmem>> -> memref<1x128x8xf32, #tpu.memory_space<vmem>>
    %dma_wait3A_646 = tpu.memref_squeeze %dma_wait3A_645 : memref<1x128x8xf32, #tpu.memory_space<vmem>> -> memref<128x8xf32, #tpu.memory_space<vmem>>
    %dma_wait3A_647 = arith.constant 0 : i32
    %dma_wait3A_648 = tpu.memref_slice %arg7[%dma_wait3A_640, %dma_wait3A_647] : memref<25x128xi32, #tpu.memory_space<vmem>> -> memref<1x128xi32, #tpu.memory_space<vmem>>
    %dma_wait3A_649 = tpu.memref_squeeze %dma_wait3A_648 : memref<1x128xi32, #tpu.memory_space<vmem>> -> memref<128xi32, #tpu.memory_space<vmem>>
    %dma_wait3A_650 = arith.constant 0 : i32
    %dma_wait3A_651 = arith.constant 0 : i32
    %dma_wait3A_652 = tpu.memref_slice %arg10[%dma_wait3A_650, %dma_wait3A_651] : memref<10112x8xf32, #tpu.memory_space<vmem_shared>> -> memref<10112x8xf32, #tpu.memory_space<vmem_shared>>
    %dma_wait3A_653 = tpu.memref_slice %arg12[%dma_wait3A_642] : memref<25x!tpu.dma_semaphore, #tpu.memory_space<semaphore_mem>> -> memref<1x!tpu.dma_semaphore, #tpu.memory_space<semaphore_mem>>
    %dma_wait3A_654 = tpu.memref_squeeze %dma_wait3A_653 : memref<1x!tpu.dma_semaphore, #tpu.memory_space<semaphore_mem>> -> memref<!tpu.dma_semaphore, #tpu.memory_space<semaphore_mem>>
    tpu.wait_indirect_dma semaphore(%dma_wait3A_654 : memref<!tpu.dma_semaphore, #tpu.memory_space<semaphore_mem>>) src(%dma_wait3A_652 : memref<10112x8xf32, #tpu.memory_space<vmem_shared>>) dst(%dma_wait3A_646 : memref<128x8xf32, #tpu.memory_space<vmem>>)
    %dma_start3A_655 = arith.constant 8 : i32
    %dma_start3A_656 = arith.constant 8 : i32
    %dma_start3A_657 = arith.constant 0 : i32
    %dma_start3A_658 = arith.constant 0 : i32
    %dma_start3A_659 = tpu.memref_slice %arg9[%dma_start3A_655, %dma_start3A_657, %dma_start3A_658] : memref<25x128x8xf32, #tpu.memory_space<vmem>> -> memref<1x128x8xf32, #tpu.memory_space<vmem>>
    %dma_start3A_660 = tpu.memref_squeeze %dma_start3A_659 : memref<1x128x8xf32, #tpu.memory_space<vmem>> -> memref<128x8xf32, #tpu.memory_space<vmem>>
    %dma_start3A_661 = arith.constant 0 : i32
    %dma_start3A_662 = tpu.memref_slice %arg8[%dma_start3A_656, %dma_start3A_661] : memref<25x128xi32, #tpu.memory_space<vmem>> -> memref<1x128xi32, #tpu.memory_space<vmem>>
    %dma_start3A_663 = tpu.memref_squeeze %dma_start3A_662 : memref<1x128xi32, #tpu.memory_space<vmem>> -> memref<128xi32, #tpu.memory_space<vmem>>
    %dma_start3A_664 = arith.constant 0 : i32
    %dma_start3A_665 = arith.constant 0 : i32
    %dma_start3A_666 = tpu.memref_slice %arg11[%dma_start3A_664, %dma_start3A_665] : memref<10112x8xf32, #tpu.memory_space<vmem_shared>> -> memref<10112x8xf32, #tpu.memory_space<vmem_shared>>
    tpu.enqueue_indirect_dma source(%dma_start3A_660 : memref<128x8xf32, #tpu.memory_space<vmem>>) target(%dma_start3A_666 : memref<10112x8xf32, #tpu.memory_space<vmem_shared>>) offsets(%dma_start3A_663 : memref<128xi32, #tpu.memory_space<vmem>>) semaphore(%arg13 : memref<!tpu.dma_semaphore, #tpu.memory_space<semaphore_mem>>) {add = true}
    %dma_wait3A_667 = arith.constant 9 : i32
    %dma_wait3A_668 = arith.constant 9 : i32
    %dma_wait3A_669 = arith.constant 9 : i32
    %dma_wait3A_670 = arith.constant 0 : i32
    %dma_wait3A_671 = arith.constant 0 : i32
    %dma_wait3A_672 = tpu.memref_slice %arg9[%dma_wait3A_668, %dma_wait3A_670, %dma_wait3A_671] : memref<25x128x8xf32, #tpu.memory_space<vmem>> -> memref<1x128x8xf32, #tpu.memory_space<vmem>>
    %dma_wait3A_673 = tpu.memref_squeeze %dma_wait3A_672 : memref<1x128x8xf32, #tpu.memory_space<vmem>> -> memref<128x8xf32, #tpu.memory_space<vmem>>
    %dma_wait3A_674 = arith.constant 0 : i32
    %dma_wait3A_675 = tpu.memref_slice %arg7[%dma_wait3A_667, %dma_wait3A_674] : memref<25x128xi32, #tpu.memory_space<vmem>> -> memref<1x128xi32, #tpu.memory_space<vmem>>
    %dma_wait3A_676 = tpu.memref_squeeze %dma_wait3A_675 : memref<1x128xi32, #tpu.memory_space<vmem>> -> memref<128xi32, #tpu.memory_space<vmem>>
    %dma_wait3A_677 = arith.constant 0 : i32
    %dma_wait3A_678 = arith.constant 0 : i32
    %dma_wait3A_679 = tpu.memref_slice %arg10[%dma_wait3A_677, %dma_wait3A_678] : memref<10112x8xf32, #tpu.memory_space<vmem_shared>> -> memref<10112x8xf32, #tpu.memory_space<vmem_shared>>
    %dma_wait3A_680 = tpu.memref_slice %arg12[%dma_wait3A_669] : memref<25x!tpu.dma_semaphore, #tpu.memory_space<semaphore_mem>> -> memref<1x!tpu.dma_semaphore, #tpu.memory_space<semaphore_mem>>
    %dma_wait3A_681 = tpu.memref_squeeze %dma_wait3A_680 : memref<1x!tpu.dma_semaphore, #tpu.memory_space<semaphore_mem>> -> memref<!tpu.dma_semaphore, #tpu.memory_space<semaphore_mem>>
    tpu.wait_indirect_dma semaphore(%dma_wait3A_681 : memref<!tpu.dma_semaphore, #tpu.memory_space<semaphore_mem>>) src(%dma_wait3A_679 : memref<10112x8xf32, #tpu.memory_space<vmem_shared>>) dst(%dma_wait3A_673 : memref<128x8xf32, #tpu.memory_space<vmem>>)
    %dma_start3A_682 = arith.constant 9 : i32
    %dma_start3A_683 = arith.constant 9 : i32
    %dma_start3A_684 = arith.constant 0 : i32
    %dma_start3A_685 = arith.constant 0 : i32
    %dma_start3A_686 = tpu.memref_slice %arg9[%dma_start3A_682, %dma_start3A_684, %dma_start3A_685] : memref<25x128x8xf32, #tpu.memory_space<vmem>> -> memref<1x128x8xf32, #tpu.memory_space<vmem>>
    %dma_start3A_687 = tpu.memref_squeeze %dma_start3A_686 : memref<1x128x8xf32, #tpu.memory_space<vmem>> -> memref<128x8xf32, #tpu.memory_space<vmem>>
    %dma_start3A_688 = arith.constant 0 : i32
    %dma_start3A_689 = tpu.memref_slice %arg8[%dma_start3A_683, %dma_start3A_688] : memref<25x128xi32, #tpu.memory_space<vmem>> -> memref<1x128xi32, #tpu.memory_space<vmem>>
    %dma_start3A_690 = tpu.memref_squeeze %dma_start3A_689 : memref<1x128xi32, #tpu.memory_space<vmem>> -> memref<128xi32, #tpu.memory_space<vmem>>
    %dma_start3A_691 = arith.constant 0 : i32
    %dma_start3A_692 = arith.constant 0 : i32
    %dma_start3A_693 = tpu.memref_slice %arg11[%dma_start3A_691, %dma_start3A_692] : memref<10112x8xf32, #tpu.memory_space<vmem_shared>> -> memref<10112x8xf32, #tpu.memory_space<vmem_shared>>
    tpu.enqueue_indirect_dma source(%dma_start3A_687 : memref<128x8xf32, #tpu.memory_space<vmem>>) target(%dma_start3A_693 : memref<10112x8xf32, #tpu.memory_space<vmem_shared>>) offsets(%dma_start3A_690 : memref<128xi32, #tpu.memory_space<vmem>>) semaphore(%arg13 : memref<!tpu.dma_semaphore, #tpu.memory_space<semaphore_mem>>) {add = true}
    %dma_wait3A_694 = arith.constant 10 : i32
    %dma_wait3A_695 = arith.constant 10 : i32
    %dma_wait3A_696 = arith.constant 10 : i32
    %dma_wait3A_697 = arith.constant 0 : i32
    %dma_wait3A_698 = arith.constant 0 : i32
    %dma_wait3A_699 = tpu.memref_slice %arg9[%dma_wait3A_695, %dma_wait3A_697, %dma_wait3A_698] : memref<25x128x8xf32, #tpu.memory_space<vmem>> -> memref<1x128x8xf32, #tpu.memory_space<vmem>>
    %dma_wait3A_700 = tpu.memref_squeeze %dma_wait3A_699 : memref<1x128x8xf32, #tpu.memory_space<vmem>> -> memref<128x8xf32, #tpu.memory_space<vmem>>
    %dma_wait3A_701 = arith.constant 0 : i32
    %dma_wait3A_702 = tpu.memref_slice %arg7[%dma_wait3A_694, %dma_wait3A_701] : memref<25x128xi32, #tpu.memory_space<vmem>> -> memref<1x128xi32, #tpu.memory_space<vmem>>
    %dma_wait3A_703 = tpu.memref_squeeze %dma_wait3A_702 : memref<1x128xi32, #tpu.memory_space<vmem>> -> memref<128xi32, #tpu.memory_space<vmem>>
    %dma_wait3A_704 = arith.constant 0 : i32
    %dma_wait3A_705 = arith.constant 0 : i32
    %dma_wait3A_706 = tpu.memref_slice %arg10[%dma_wait3A_704, %dma_wait3A_705] : memref<10112x8xf32, #tpu.memory_space<vmem_shared>> -> memref<10112x8xf32, #tpu.memory_space<vmem_shared>>
    %dma_wait3A_707 = tpu.memref_slice %arg12[%dma_wait3A_696] : memref<25x!tpu.dma_semaphore, #tpu.memory_space<semaphore_mem>> -> memref<1x!tpu.dma_semaphore, #tpu.memory_space<semaphore_mem>>
    %dma_wait3A_708 = tpu.memref_squeeze %dma_wait3A_707 : memref<1x!tpu.dma_semaphore, #tpu.memory_space<semaphore_mem>> -> memref<!tpu.dma_semaphore, #tpu.memory_space<semaphore_mem>>
    tpu.wait_indirect_dma semaphore(%dma_wait3A_708 : memref<!tpu.dma_semaphore, #tpu.memory_space<semaphore_mem>>) src(%dma_wait3A_706 : memref<10112x8xf32, #tpu.memory_space<vmem_shared>>) dst(%dma_wait3A_700 : memref<128x8xf32, #tpu.memory_space<vmem>>)
    %dma_start3A_709 = arith.constant 10 : i32
    %dma_start3A_710 = arith.constant 10 : i32
    %dma_start3A_711 = arith.constant 0 : i32
    %dma_start3A_712 = arith.constant 0 : i32
    %dma_start3A_713 = tpu.memref_slice %arg9[%dma_start3A_709, %dma_start3A_711, %dma_start3A_712] : memref<25x128x8xf32, #tpu.memory_space<vmem>> -> memref<1x128x8xf32, #tpu.memory_space<vmem>>
    %dma_start3A_714 = tpu.memref_squeeze %dma_start3A_713 : memref<1x128x8xf32, #tpu.memory_space<vmem>> -> memref<128x8xf32, #tpu.memory_space<vmem>>
    %dma_start3A_715 = arith.constant 0 : i32
    %dma_start3A_716 = tpu.memref_slice %arg8[%dma_start3A_710, %dma_start3A_715] : memref<25x128xi32, #tpu.memory_space<vmem>> -> memref<1x128xi32, #tpu.memory_space<vmem>>
    %dma_start3A_717 = tpu.memref_squeeze %dma_start3A_716 : memref<1x128xi32, #tpu.memory_space<vmem>> -> memref<128xi32, #tpu.memory_space<vmem>>
    %dma_start3A_718 = arith.constant 0 : i32
    %dma_start3A_719 = arith.constant 0 : i32
    %dma_start3A_720 = tpu.memref_slice %arg11[%dma_start3A_718, %dma_start3A_719] : memref<10112x8xf32, #tpu.memory_space<vmem_shared>> -> memref<10112x8xf32, #tpu.memory_space<vmem_shared>>
    tpu.enqueue_indirect_dma source(%dma_start3A_714 : memref<128x8xf32, #tpu.memory_space<vmem>>) target(%dma_start3A_720 : memref<10112x8xf32, #tpu.memory_space<vmem_shared>>) offsets(%dma_start3A_717 : memref<128xi32, #tpu.memory_space<vmem>>) semaphore(%arg13 : memref<!tpu.dma_semaphore, #tpu.memory_space<semaphore_mem>>) {add = true}
    %dma_wait3A_721 = arith.constant 11 : i32
    %dma_wait3A_722 = arith.constant 11 : i32
    %dma_wait3A_723 = arith.constant 11 : i32
    %dma_wait3A_724 = arith.constant 0 : i32
    %dma_wait3A_725 = arith.constant 0 : i32
    %dma_wait3A_726 = tpu.memref_slice %arg9[%dma_wait3A_722, %dma_wait3A_724, %dma_wait3A_725] : memref<25x128x8xf32, #tpu.memory_space<vmem>> -> memref<1x128x8xf32, #tpu.memory_space<vmem>>
    %dma_wait3A_727 = tpu.memref_squeeze %dma_wait3A_726 : memref<1x128x8xf32, #tpu.memory_space<vmem>> -> memref<128x8xf32, #tpu.memory_space<vmem>>
    %dma_wait3A_728 = arith.constant 0 : i32
    %dma_wait3A_729 = tpu.memref_slice %arg7[%dma_wait3A_721, %dma_wait3A_728] : memref<25x128xi32, #tpu.memory_space<vmem>> -> memref<1x128xi32, #tpu.memory_space<vmem>>
    %dma_wait3A_730 = tpu.memref_squeeze %dma_wait3A_729 : memref<1x128xi32, #tpu.memory_space<vmem>> -> memref<128xi32, #tpu.memory_space<vmem>>
    %dma_wait3A_731 = arith.constant 0 : i32
    %dma_wait3A_732 = arith.constant 0 : i32
    %dma_wait3A_733 = tpu.memref_slice %arg10[%dma_wait3A_731, %dma_wait3A_732] : memref<10112x8xf32, #tpu.memory_space<vmem_shared>> -> memref<10112x8xf32, #tpu.memory_space<vmem_shared>>
    %dma_wait3A_734 = tpu.memref_slice %arg12[%dma_wait3A_723] : memref<25x!tpu.dma_semaphore, #tpu.memory_space<semaphore_mem>> -> memref<1x!tpu.dma_semaphore, #tpu.memory_space<semaphore_mem>>
    %dma_wait3A_735 = tpu.memref_squeeze %dma_wait3A_734 : memref<1x!tpu.dma_semaphore, #tpu.memory_space<semaphore_mem>> -> memref<!tpu.dma_semaphore, #tpu.memory_space<semaphore_mem>>
    tpu.wait_indirect_dma semaphore(%dma_wait3A_735 : memref<!tpu.dma_semaphore, #tpu.memory_space<semaphore_mem>>) src(%dma_wait3A_733 : memref<10112x8xf32, #tpu.memory_space<vmem_shared>>) dst(%dma_wait3A_727 : memref<128x8xf32, #tpu.memory_space<vmem>>)
    %dma_start3A_736 = arith.constant 11 : i32
    %dma_start3A_737 = arith.constant 11 : i32
    %dma_start3A_738 = arith.constant 0 : i32
    %dma_start3A_739 = arith.constant 0 : i32
    %dma_start3A_740 = tpu.memref_slice %arg9[%dma_start3A_736, %dma_start3A_738, %dma_start3A_739] : memref<25x128x8xf32, #tpu.memory_space<vmem>> -> memref<1x128x8xf32, #tpu.memory_space<vmem>>
    %dma_start3A_741 = tpu.memref_squeeze %dma_start3A_740 : memref<1x128x8xf32, #tpu.memory_space<vmem>> -> memref<128x8xf32, #tpu.memory_space<vmem>>
    %dma_start3A_742 = arith.constant 0 : i32
    %dma_start3A_743 = tpu.memref_slice %arg8[%dma_start3A_737, %dma_start3A_742] : memref<25x128xi32, #tpu.memory_space<vmem>> -> memref<1x128xi32, #tpu.memory_space<vmem>>
    %dma_start3A_744 = tpu.memref_squeeze %dma_start3A_743 : memref<1x128xi32, #tpu.memory_space<vmem>> -> memref<128xi32, #tpu.memory_space<vmem>>
    %dma_start3A_745 = arith.constant 0 : i32
    %dma_start3A_746 = arith.constant 0 : i32
    %dma_start3A_747 = tpu.memref_slice %arg11[%dma_start3A_745, %dma_start3A_746] : memref<10112x8xf32, #tpu.memory_space<vmem_shared>> -> memref<10112x8xf32, #tpu.memory_space<vmem_shared>>
    tpu.enqueue_indirect_dma source(%dma_start3A_741 : memref<128x8xf32, #tpu.memory_space<vmem>>) target(%dma_start3A_747 : memref<10112x8xf32, #tpu.memory_space<vmem_shared>>) offsets(%dma_start3A_744 : memref<128xi32, #tpu.memory_space<vmem>>) semaphore(%arg13 : memref<!tpu.dma_semaphore, #tpu.memory_space<semaphore_mem>>) {add = true}
    %dma_wait3A_748 = arith.constant 12 : i32
    %dma_wait3A_749 = arith.constant 12 : i32
    %dma_wait3A_750 = arith.constant 12 : i32
    %dma_wait3A_751 = arith.constant 0 : i32
    %dma_wait3A_752 = arith.constant 0 : i32
    %dma_wait3A_753 = tpu.memref_slice %arg9[%dma_wait3A_749, %dma_wait3A_751, %dma_wait3A_752] : memref<25x128x8xf32, #tpu.memory_space<vmem>> -> memref<1x128x8xf32, #tpu.memory_space<vmem>>
    %dma_wait3A_754 = tpu.memref_squeeze %dma_wait3A_753 : memref<1x128x8xf32, #tpu.memory_space<vmem>> -> memref<128x8xf32, #tpu.memory_space<vmem>>
    %dma_wait3A_755 = arith.constant 0 : i32
    %dma_wait3A_756 = tpu.memref_slice %arg7[%dma_wait3A_748, %dma_wait3A_755] : memref<25x128xi32, #tpu.memory_space<vmem>> -> memref<1x128xi32, #tpu.memory_space<vmem>>
    %dma_wait3A_757 = tpu.memref_squeeze %dma_wait3A_756 : memref<1x128xi32, #tpu.memory_space<vmem>> -> memref<128xi32, #tpu.memory_space<vmem>>
    %dma_wait3A_758 = arith.constant 0 : i32
    %dma_wait3A_759 = arith.constant 0 : i32
    %dma_wait3A_760 = tpu.memref_slice %arg10[%dma_wait3A_758, %dma_wait3A_759] : memref<10112x8xf32, #tpu.memory_space<vmem_shared>> -> memref<10112x8xf32, #tpu.memory_space<vmem_shared>>
    %dma_wait3A_761 = tpu.memref_slice %arg12[%dma_wait3A_750] : memref<25x!tpu.dma_semaphore, #tpu.memory_space<semaphore_mem>> -> memref<1x!tpu.dma_semaphore, #tpu.memory_space<semaphore_mem>>
    %dma_wait3A_762 = tpu.memref_squeeze %dma_wait3A_761 : memref<1x!tpu.dma_semaphore, #tpu.memory_space<semaphore_mem>> -> memref<!tpu.dma_semaphore, #tpu.memory_space<semaphore_mem>>
    tpu.wait_indirect_dma semaphore(%dma_wait3A_762 : memref<!tpu.dma_semaphore, #tpu.memory_space<semaphore_mem>>) src(%dma_wait3A_760 : memref<10112x8xf32, #tpu.memory_space<vmem_shared>>) dst(%dma_wait3A_754 : memref<128x8xf32, #tpu.memory_space<vmem>>)
    %dma_start3A_763 = arith.constant 12 : i32
    %dma_start3A_764 = arith.constant 12 : i32
    %dma_start3A_765 = arith.constant 0 : i32
    %dma_start3A_766 = arith.constant 0 : i32
    %dma_start3A_767 = tpu.memref_slice %arg9[%dma_start3A_763, %dma_start3A_765, %dma_start3A_766] : memref<25x128x8xf32, #tpu.memory_space<vmem>> -> memref<1x128x8xf32, #tpu.memory_space<vmem>>
    %dma_start3A_768 = tpu.memref_squeeze %dma_start3A_767 : memref<1x128x8xf32, #tpu.memory_space<vmem>> -> memref<128x8xf32, #tpu.memory_space<vmem>>
    %dma_start3A_769 = arith.constant 0 : i32
    %dma_start3A_770 = tpu.memref_slice %arg8[%dma_start3A_764, %dma_start3A_769] : memref<25x128xi32, #tpu.memory_space<vmem>> -> memref<1x128xi32, #tpu.memory_space<vmem>>
    %dma_start3A_771 = tpu.memref_squeeze %dma_start3A_770 : memref<1x128xi32, #tpu.memory_space<vmem>> -> memref<128xi32, #tpu.memory_space<vmem>>
    %dma_start3A_772 = arith.constant 0 : i32
    %dma_start3A_773 = arith.constant 0 : i32
    %dma_start3A_774 = tpu.memref_slice %arg11[%dma_start3A_772, %dma_start3A_773] : memref<10112x8xf32, #tpu.memory_space<vmem_shared>> -> memref<10112x8xf32, #tpu.memory_space<vmem_shared>>
    tpu.enqueue_indirect_dma source(%dma_start3A_768 : memref<128x8xf32, #tpu.memory_space<vmem>>) target(%dma_start3A_774 : memref<10112x8xf32, #tpu.memory_space<vmem_shared>>) offsets(%dma_start3A_771 : memref<128xi32, #tpu.memory_space<vmem>>) semaphore(%arg13 : memref<!tpu.dma_semaphore, #tpu.memory_space<semaphore_mem>>) {add = true}
    %dma_wait3A_775 = arith.constant 13 : i32
    %dma_wait3A_776 = arith.constant 13 : i32
    %dma_wait3A_777 = arith.constant 13 : i32
    %dma_wait3A_778 = arith.constant 0 : i32
    %dma_wait3A_779 = arith.constant 0 : i32
    %dma_wait3A_780 = tpu.memref_slice %arg9[%dma_wait3A_776, %dma_wait3A_778, %dma_wait3A_779] : memref<25x128x8xf32, #tpu.memory_space<vmem>> -> memref<1x128x8xf32, #tpu.memory_space<vmem>>
    %dma_wait3A_781 = tpu.memref_squeeze %dma_wait3A_780 : memref<1x128x8xf32, #tpu.memory_space<vmem>> -> memref<128x8xf32, #tpu.memory_space<vmem>>
    %dma_wait3A_782 = arith.constant 0 : i32
    %dma_wait3A_783 = tpu.memref_slice %arg7[%dma_wait3A_775, %dma_wait3A_782] : memref<25x128xi32, #tpu.memory_space<vmem>> -> memref<1x128xi32, #tpu.memory_space<vmem>>
    %dma_wait3A_784 = tpu.memref_squeeze %dma_wait3A_783 : memref<1x128xi32, #tpu.memory_space<vmem>> -> memref<128xi32, #tpu.memory_space<vmem>>
    %dma_wait3A_785 = arith.constant 0 : i32
    %dma_wait3A_786 = arith.constant 0 : i32
    %dma_wait3A_787 = tpu.memref_slice %arg10[%dma_wait3A_785, %dma_wait3A_786] : memref<10112x8xf32, #tpu.memory_space<vmem_shared>> -> memref<10112x8xf32, #tpu.memory_space<vmem_shared>>
    %dma_wait3A_788 = tpu.memref_slice %arg12[%dma_wait3A_777] : memref<25x!tpu.dma_semaphore, #tpu.memory_space<semaphore_mem>> -> memref<1x!tpu.dma_semaphore, #tpu.memory_space<semaphore_mem>>
    %dma_wait3A_789 = tpu.memref_squeeze %dma_wait3A_788 : memref<1x!tpu.dma_semaphore, #tpu.memory_space<semaphore_mem>> -> memref<!tpu.dma_semaphore, #tpu.memory_space<semaphore_mem>>
    tpu.wait_indirect_dma semaphore(%dma_wait3A_789 : memref<!tpu.dma_semaphore, #tpu.memory_space<semaphore_mem>>) src(%dma_wait3A_787 : memref<10112x8xf32, #tpu.memory_space<vmem_shared>>) dst(%dma_wait3A_781 : memref<128x8xf32, #tpu.memory_space<vmem>>)
    %dma_start3A_790 = arith.constant 13 : i32
    %dma_start3A_791 = arith.constant 13 : i32
    %dma_start3A_792 = arith.constant 0 : i32
    %dma_start3A_793 = arith.constant 0 : i32
    %dma_start3A_794 = tpu.memref_slice %arg9[%dma_start3A_790, %dma_start3A_792, %dma_start3A_793] : memref<25x128x8xf32, #tpu.memory_space<vmem>> -> memref<1x128x8xf32, #tpu.memory_space<vmem>>
    %dma_start3A_795 = tpu.memref_squeeze %dma_start3A_794 : memref<1x128x8xf32, #tpu.memory_space<vmem>> -> memref<128x8xf32, #tpu.memory_space<vmem>>
    %dma_start3A_796 = arith.constant 0 : i32
    %dma_start3A_797 = tpu.memref_slice %arg8[%dma_start3A_791, %dma_start3A_796] : memref<25x128xi32, #tpu.memory_space<vmem>> -> memref<1x128xi32, #tpu.memory_space<vmem>>
    %dma_start3A_798 = tpu.memref_squeeze %dma_start3A_797 : memref<1x128xi32, #tpu.memory_space<vmem>> -> memref<128xi32, #tpu.memory_space<vmem>>
    %dma_start3A_799 = arith.constant 0 : i32
    %dma_start3A_800 = arith.constant 0 : i32
    %dma_start3A_801 = tpu.memref_slice %arg11[%dma_start3A_799, %dma_start3A_800] : memref<10112x8xf32, #tpu.memory_space<vmem_shared>> -> memref<10112x8xf32, #tpu.memory_space<vmem_shared>>
    tpu.enqueue_indirect_dma source(%dma_start3A_795 : memref<128x8xf32, #tpu.memory_space<vmem>>) target(%dma_start3A_801 : memref<10112x8xf32, #tpu.memory_space<vmem_shared>>) offsets(%dma_start3A_798 : memref<128xi32, #tpu.memory_space<vmem>>) semaphore(%arg13 : memref<!tpu.dma_semaphore, #tpu.memory_space<semaphore_mem>>) {add = true}
    %dma_wait3A_802 = arith.constant 14 : i32
    %dma_wait3A_803 = arith.constant 14 : i32
    %dma_wait3A_804 = arith.constant 14 : i32
    %dma_wait3A_805 = arith.constant 0 : i32
    %dma_wait3A_806 = arith.constant 0 : i32
    %dma_wait3A_807 = tpu.memref_slice %arg9[%dma_wait3A_803, %dma_wait3A_805, %dma_wait3A_806] : memref<25x128x8xf32, #tpu.memory_space<vmem>> -> memref<1x128x8xf32, #tpu.memory_space<vmem>>
    %dma_wait3A_808 = tpu.memref_squeeze %dma_wait3A_807 : memref<1x128x8xf32, #tpu.memory_space<vmem>> -> memref<128x8xf32, #tpu.memory_space<vmem>>
    %dma_wait3A_809 = arith.constant 0 : i32
    %dma_wait3A_810 = tpu.memref_slice %arg7[%dma_wait3A_802, %dma_wait3A_809] : memref<25x128xi32, #tpu.memory_space<vmem>> -> memref<1x128xi32, #tpu.memory_space<vmem>>
    %dma_wait3A_811 = tpu.memref_squeeze %dma_wait3A_810 : memref<1x128xi32, #tpu.memory_space<vmem>> -> memref<128xi32, #tpu.memory_space<vmem>>
    %dma_wait3A_812 = arith.constant 0 : i32
    %dma_wait3A_813 = arith.constant 0 : i32
    %dma_wait3A_814 = tpu.memref_slice %arg10[%dma_wait3A_812, %dma_wait3A_813] : memref<10112x8xf32, #tpu.memory_space<vmem_shared>> -> memref<10112x8xf32, #tpu.memory_space<vmem_shared>>
    %dma_wait3A_815 = tpu.memref_slice %arg12[%dma_wait3A_804] : memref<25x!tpu.dma_semaphore, #tpu.memory_space<semaphore_mem>> -> memref<1x!tpu.dma_semaphore, #tpu.memory_space<semaphore_mem>>
    %dma_wait3A_816 = tpu.memref_squeeze %dma_wait3A_815 : memref<1x!tpu.dma_semaphore, #tpu.memory_space<semaphore_mem>> -> memref<!tpu.dma_semaphore, #tpu.memory_space<semaphore_mem>>
    tpu.wait_indirect_dma semaphore(%dma_wait3A_816 : memref<!tpu.dma_semaphore, #tpu.memory_space<semaphore_mem>>) src(%dma_wait3A_814 : memref<10112x8xf32, #tpu.memory_space<vmem_shared>>) dst(%dma_wait3A_808 : memref<128x8xf32, #tpu.memory_space<vmem>>)
    %dma_start3A_817 = arith.constant 14 : i32
    %dma_start3A_818 = arith.constant 14 : i32
    %dma_start3A_819 = arith.constant 0 : i32
    %dma_start3A_820 = arith.constant 0 : i32
    %dma_start3A_821 = tpu.memref_slice %arg9[%dma_start3A_817, %dma_start3A_819, %dma_start3A_820] : memref<25x128x8xf32, #tpu.memory_space<vmem>> -> memref<1x128x8xf32, #tpu.memory_space<vmem>>
    %dma_start3A_822 = tpu.memref_squeeze %dma_start3A_821 : memref<1x128x8xf32, #tpu.memory_space<vmem>> -> memref<128x8xf32, #tpu.memory_space<vmem>>
    %dma_start3A_823 = arith.constant 0 : i32
    %dma_start3A_824 = tpu.memref_slice %arg8[%dma_start3A_818, %dma_start3A_823] : memref<25x128xi32, #tpu.memory_space<vmem>> -> memref<1x128xi32, #tpu.memory_space<vmem>>
    %dma_start3A_825 = tpu.memref_squeeze %dma_start3A_824 : memref<1x128xi32, #tpu.memory_space<vmem>> -> memref<128xi32, #tpu.memory_space<vmem>>
    %dma_start3A_826 = arith.constant 0 : i32
    %dma_start3A_827 = arith.constant 0 : i32
    %dma_start3A_828 = tpu.memref_slice %arg11[%dma_start3A_826, %dma_start3A_827] : memref<10112x8xf32, #tpu.memory_space<vmem_shared>> -> memref<10112x8xf32, #tpu.memory_space<vmem_shared>>
    tpu.enqueue_indirect_dma source(%dma_start3A_822 : memref<128x8xf32, #tpu.memory_space<vmem>>) target(%dma_start3A_828 : memref<10112x8xf32, #tpu.memory_space<vmem_shared>>) offsets(%dma_start3A_825 : memref<128xi32, #tpu.memory_space<vmem>>) semaphore(%arg13 : memref<!tpu.dma_semaphore, #tpu.memory_space<semaphore_mem>>) {add = true}
    %dma_wait3A_829 = arith.constant 15 : i32
    %dma_wait3A_830 = arith.constant 15 : i32
    %dma_wait3A_831 = arith.constant 15 : i32
    %dma_wait3A_832 = arith.constant 0 : i32
    %dma_wait3A_833 = arith.constant 0 : i32
    %dma_wait3A_834 = tpu.memref_slice %arg9[%dma_wait3A_830, %dma_wait3A_832, %dma_wait3A_833] : memref<25x128x8xf32, #tpu.memory_space<vmem>> -> memref<1x128x8xf32, #tpu.memory_space<vmem>>
    %dma_wait3A_835 = tpu.memref_squeeze %dma_wait3A_834 : memref<1x128x8xf32, #tpu.memory_space<vmem>> -> memref<128x8xf32, #tpu.memory_space<vmem>>
    %dma_wait3A_836 = arith.constant 0 : i32
    %dma_wait3A_837 = tpu.memref_slice %arg7[%dma_wait3A_829, %dma_wait3A_836] : memref<25x128xi32, #tpu.memory_space<vmem>> -> memref<1x128xi32, #tpu.memory_space<vmem>>
    %dma_wait3A_838 = tpu.memref_squeeze %dma_wait3A_837 : memref<1x128xi32, #tpu.memory_space<vmem>> -> memref<128xi32, #tpu.memory_space<vmem>>
    %dma_wait3A_839 = arith.constant 0 : i32
    %dma_wait3A_840 = arith.constant 0 : i32
    %dma_wait3A_841 = tpu.memref_slice %arg10[%dma_wait3A_839, %dma_wait3A_840] : memref<10112x8xf32, #tpu.memory_space<vmem_shared>> -> memref<10112x8xf32, #tpu.memory_space<vmem_shared>>
    %dma_wait3A_842 = tpu.memref_slice %arg12[%dma_wait3A_831] : memref<25x!tpu.dma_semaphore, #tpu.memory_space<semaphore_mem>> -> memref<1x!tpu.dma_semaphore, #tpu.memory_space<semaphore_mem>>
    %dma_wait3A_843 = tpu.memref_squeeze %dma_wait3A_842 : memref<1x!tpu.dma_semaphore, #tpu.memory_space<semaphore_mem>> -> memref<!tpu.dma_semaphore, #tpu.memory_space<semaphore_mem>>
    tpu.wait_indirect_dma semaphore(%dma_wait3A_843 : memref<!tpu.dma_semaphore, #tpu.memory_space<semaphore_mem>>) src(%dma_wait3A_841 : memref<10112x8xf32, #tpu.memory_space<vmem_shared>>) dst(%dma_wait3A_835 : memref<128x8xf32, #tpu.memory_space<vmem>>)
    %dma_start3A_844 = arith.constant 15 : i32
    %dma_start3A_845 = arith.constant 15 : i32
    %dma_start3A_846 = arith.constant 0 : i32
    %dma_start3A_847 = arith.constant 0 : i32
    %dma_start3A_848 = tpu.memref_slice %arg9[%dma_start3A_844, %dma_start3A_846, %dma_start3A_847] : memref<25x128x8xf32, #tpu.memory_space<vmem>> -> memref<1x128x8xf32, #tpu.memory_space<vmem>>
    %dma_start3A_849 = tpu.memref_squeeze %dma_start3A_848 : memref<1x128x8xf32, #tpu.memory_space<vmem>> -> memref<128x8xf32, #tpu.memory_space<vmem>>
    %dma_start3A_850 = arith.constant 0 : i32
    %dma_start3A_851 = tpu.memref_slice %arg8[%dma_start3A_845, %dma_start3A_850] : memref<25x128xi32, #tpu.memory_space<vmem>> -> memref<1x128xi32, #tpu.memory_space<vmem>>
    %dma_start3A_852 = tpu.memref_squeeze %dma_start3A_851 : memref<1x128xi32, #tpu.memory_space<vmem>> -> memref<128xi32, #tpu.memory_space<vmem>>
    %dma_start3A_853 = arith.constant 0 : i32
    %dma_start3A_854 = arith.constant 0 : i32
    %dma_start3A_855 = tpu.memref_slice %arg11[%dma_start3A_853, %dma_start3A_854] : memref<10112x8xf32, #tpu.memory_space<vmem_shared>> -> memref<10112x8xf32, #tpu.memory_space<vmem_shared>>
    tpu.enqueue_indirect_dma source(%dma_start3A_849 : memref<128x8xf32, #tpu.memory_space<vmem>>) target(%dma_start3A_855 : memref<10112x8xf32, #tpu.memory_space<vmem_shared>>) offsets(%dma_start3A_852 : memref<128xi32, #tpu.memory_space<vmem>>) semaphore(%arg13 : memref<!tpu.dma_semaphore, #tpu.memory_space<semaphore_mem>>) {add = true}
    %dma_wait3A_856 = arith.constant 16 : i32
    %dma_wait3A_857 = arith.constant 16 : i32
    %dma_wait3A_858 = arith.constant 16 : i32
    %dma_wait3A_859 = arith.constant 0 : i32
    %dma_wait3A_860 = arith.constant 0 : i32
    %dma_wait3A_861 = tpu.memref_slice %arg9[%dma_wait3A_857, %dma_wait3A_859, %dma_wait3A_860] : memref<25x128x8xf32, #tpu.memory_space<vmem>> -> memref<1x128x8xf32, #tpu.memory_space<vmem>>
    %dma_wait3A_862 = tpu.memref_squeeze %dma_wait3A_861 : memref<1x128x8xf32, #tpu.memory_space<vmem>> -> memref<128x8xf32, #tpu.memory_space<vmem>>
    %dma_wait3A_863 = arith.constant 0 : i32
    %dma_wait3A_864 = tpu.memref_slice %arg7[%dma_wait3A_856, %dma_wait3A_863] : memref<25x128xi32, #tpu.memory_space<vmem>> -> memref<1x128xi32, #tpu.memory_space<vmem>>
    %dma_wait3A_865 = tpu.memref_squeeze %dma_wait3A_864 : memref<1x128xi32, #tpu.memory_space<vmem>> -> memref<128xi32, #tpu.memory_space<vmem>>
    %dma_wait3A_866 = arith.constant 0 : i32
    %dma_wait3A_867 = arith.constant 0 : i32
    %dma_wait3A_868 = tpu.memref_slice %arg10[%dma_wait3A_866, %dma_wait3A_867] : memref<10112x8xf32, #tpu.memory_space<vmem_shared>> -> memref<10112x8xf32, #tpu.memory_space<vmem_shared>>
    %dma_wait3A_869 = tpu.memref_slice %arg12[%dma_wait3A_858] : memref<25x!tpu.dma_semaphore, #tpu.memory_space<semaphore_mem>> -> memref<1x!tpu.dma_semaphore, #tpu.memory_space<semaphore_mem>>
    %dma_wait3A_870 = tpu.memref_squeeze %dma_wait3A_869 : memref<1x!tpu.dma_semaphore, #tpu.memory_space<semaphore_mem>> -> memref<!tpu.dma_semaphore, #tpu.memory_space<semaphore_mem>>
    tpu.wait_indirect_dma semaphore(%dma_wait3A_870 : memref<!tpu.dma_semaphore, #tpu.memory_space<semaphore_mem>>) src(%dma_wait3A_868 : memref<10112x8xf32, #tpu.memory_space<vmem_shared>>) dst(%dma_wait3A_862 : memref<128x8xf32, #tpu.memory_space<vmem>>)
    %dma_start3A_871 = arith.constant 16 : i32
    %dma_start3A_872 = arith.constant 16 : i32
    %dma_start3A_873 = arith.constant 0 : i32
    %dma_start3A_874 = arith.constant 0 : i32
    %dma_start3A_875 = tpu.memref_slice %arg9[%dma_start3A_871, %dma_start3A_873, %dma_start3A_874] : memref<25x128x8xf32, #tpu.memory_space<vmem>> -> memref<1x128x8xf32, #tpu.memory_space<vmem>>
    %dma_start3A_876 = tpu.memref_squeeze %dma_start3A_875 : memref<1x128x8xf32, #tpu.memory_space<vmem>> -> memref<128x8xf32, #tpu.memory_space<vmem>>
    %dma_start3A_877 = arith.constant 0 : i32
    %dma_start3A_878 = tpu.memref_slice %arg8[%dma_start3A_872, %dma_start3A_877] : memref<25x128xi32, #tpu.memory_space<vmem>> -> memref<1x128xi32, #tpu.memory_space<vmem>>
    %dma_start3A_879 = tpu.memref_squeeze %dma_start3A_878 : memref<1x128xi32, #tpu.memory_space<vmem>> -> memref<128xi32, #tpu.memory_space<vmem>>
    %dma_start3A_880 = arith.constant 0 : i32
    %dma_start3A_881 = arith.constant 0 : i32
    %dma_start3A_882 = tpu.memref_slice %arg11[%dma_start3A_880, %dma_start3A_881] : memref<10112x8xf32, #tpu.memory_space<vmem_shared>> -> memref<10112x8xf32, #tpu.memory_space<vmem_shared>>
    tpu.enqueue_indirect_dma source(%dma_start3A_876 : memref<128x8xf32, #tpu.memory_space<vmem>>) target(%dma_start3A_882 : memref<10112x8xf32, #tpu.memory_space<vmem_shared>>) offsets(%dma_start3A_879 : memref<128xi32, #tpu.memory_space<vmem>>) semaphore(%arg13 : memref<!tpu.dma_semaphore, #tpu.memory_space<semaphore_mem>>) {add = true}
    %dma_wait3A_883 = arith.constant 17 : i32
    %dma_wait3A_884 = arith.constant 17 : i32
    %dma_wait3A_885 = arith.constant 17 : i32
    %dma_wait3A_886 = arith.constant 0 : i32
    %dma_wait3A_887 = arith.constant 0 : i32
    %dma_wait3A_888 = tpu.memref_slice %arg9[%dma_wait3A_884, %dma_wait3A_886, %dma_wait3A_887] : memref<25x128x8xf32, #tpu.memory_space<vmem>> -> memref<1x128x8xf32, #tpu.memory_space<vmem>>
    %dma_wait3A_889 = tpu.memref_squeeze %dma_wait3A_888 : memref<1x128x8xf32, #tpu.memory_space<vmem>> -> memref<128x8xf32, #tpu.memory_space<vmem>>
    %dma_wait3A_890 = arith.constant 0 : i32
    %dma_wait3A_891 = tpu.memref_slice %arg7[%dma_wait3A_883, %dma_wait3A_890] : memref<25x128xi32, #tpu.memory_space<vmem>> -> memref<1x128xi32, #tpu.memory_space<vmem>>
    %dma_wait3A_892 = tpu.memref_squeeze %dma_wait3A_891 : memref<1x128xi32, #tpu.memory_space<vmem>> -> memref<128xi32, #tpu.memory_space<vmem>>
    %dma_wait3A_893 = arith.constant 0 : i32
    %dma_wait3A_894 = arith.constant 0 : i32
    %dma_wait3A_895 = tpu.memref_slice %arg10[%dma_wait3A_893, %dma_wait3A_894] : memref<10112x8xf32, #tpu.memory_space<vmem_shared>> -> memref<10112x8xf32, #tpu.memory_space<vmem_shared>>
    %dma_wait3A_896 = tpu.memref_slice %arg12[%dma_wait3A_885] : memref<25x!tpu.dma_semaphore, #tpu.memory_space<semaphore_mem>> -> memref<1x!tpu.dma_semaphore, #tpu.memory_space<semaphore_mem>>
    %dma_wait3A_897 = tpu.memref_squeeze %dma_wait3A_896 : memref<1x!tpu.dma_semaphore, #tpu.memory_space<semaphore_mem>> -> memref<!tpu.dma_semaphore, #tpu.memory_space<semaphore_mem>>
    tpu.wait_indirect_dma semaphore(%dma_wait3A_897 : memref<!tpu.dma_semaphore, #tpu.memory_space<semaphore_mem>>) src(%dma_wait3A_895 : memref<10112x8xf32, #tpu.memory_space<vmem_shared>>) dst(%dma_wait3A_889 : memref<128x8xf32, #tpu.memory_space<vmem>>)
    %dma_start3A_898 = arith.constant 17 : i32
    %dma_start3A_899 = arith.constant 17 : i32
    %dma_start3A_900 = arith.constant 0 : i32
    %dma_start3A_901 = arith.constant 0 : i32
    %dma_start3A_902 = tpu.memref_slice %arg9[%dma_start3A_898, %dma_start3A_900, %dma_start3A_901] : memref<25x128x8xf32, #tpu.memory_space<vmem>> -> memref<1x128x8xf32, #tpu.memory_space<vmem>>
    %dma_start3A_903 = tpu.memref_squeeze %dma_start3A_902 : memref<1x128x8xf32, #tpu.memory_space<vmem>> -> memref<128x8xf32, #tpu.memory_space<vmem>>
    %dma_start3A_904 = arith.constant 0 : i32
    %dma_start3A_905 = tpu.memref_slice %arg8[%dma_start3A_899, %dma_start3A_904] : memref<25x128xi32, #tpu.memory_space<vmem>> -> memref<1x128xi32, #tpu.memory_space<vmem>>
    %dma_start3A_906 = tpu.memref_squeeze %dma_start3A_905 : memref<1x128xi32, #tpu.memory_space<vmem>> -> memref<128xi32, #tpu.memory_space<vmem>>
    %dma_start3A_907 = arith.constant 0 : i32
    %dma_start3A_908 = arith.constant 0 : i32
    %dma_start3A_909 = tpu.memref_slice %arg11[%dma_start3A_907, %dma_start3A_908] : memref<10112x8xf32, #tpu.memory_space<vmem_shared>> -> memref<10112x8xf32, #tpu.memory_space<vmem_shared>>
    tpu.enqueue_indirect_dma source(%dma_start3A_903 : memref<128x8xf32, #tpu.memory_space<vmem>>) target(%dma_start3A_909 : memref<10112x8xf32, #tpu.memory_space<vmem_shared>>) offsets(%dma_start3A_906 : memref<128xi32, #tpu.memory_space<vmem>>) semaphore(%arg13 : memref<!tpu.dma_semaphore, #tpu.memory_space<semaphore_mem>>) {add = true}
    %dma_wait3A_910 = arith.constant 18 : i32
    %dma_wait3A_911 = arith.constant 18 : i32
    %dma_wait3A_912 = arith.constant 18 : i32
    %dma_wait3A_913 = arith.constant 0 : i32
    %dma_wait3A_914 = arith.constant 0 : i32
    %dma_wait3A_915 = tpu.memref_slice %arg9[%dma_wait3A_911, %dma_wait3A_913, %dma_wait3A_914] : memref<25x128x8xf32, #tpu.memory_space<vmem>> -> memref<1x128x8xf32, #tpu.memory_space<vmem>>
    %dma_wait3A_916 = tpu.memref_squeeze %dma_wait3A_915 : memref<1x128x8xf32, #tpu.memory_space<vmem>> -> memref<128x8xf32, #tpu.memory_space<vmem>>
    %dma_wait3A_917 = arith.constant 0 : i32
    %dma_wait3A_918 = tpu.memref_slice %arg7[%dma_wait3A_910, %dma_wait3A_917] : memref<25x128xi32, #tpu.memory_space<vmem>> -> memref<1x128xi32, #tpu.memory_space<vmem>>
    %dma_wait3A_919 = tpu.memref_squeeze %dma_wait3A_918 : memref<1x128xi32, #tpu.memory_space<vmem>> -> memref<128xi32, #tpu.memory_space<vmem>>
    %dma_wait3A_920 = arith.constant 0 : i32
    %dma_wait3A_921 = arith.constant 0 : i32
    %dma_wait3A_922 = tpu.memref_slice %arg10[%dma_wait3A_920, %dma_wait3A_921] : memref<10112x8xf32, #tpu.memory_space<vmem_shared>> -> memref<10112x8xf32, #tpu.memory_space<vmem_shared>>
    %dma_wait3A_923 = tpu.memref_slice %arg12[%dma_wait3A_912] : memref<25x!tpu.dma_semaphore, #tpu.memory_space<semaphore_mem>> -> memref<1x!tpu.dma_semaphore, #tpu.memory_space<semaphore_mem>>
    %dma_wait3A_924 = tpu.memref_squeeze %dma_wait3A_923 : memref<1x!tpu.dma_semaphore, #tpu.memory_space<semaphore_mem>> -> memref<!tpu.dma_semaphore, #tpu.memory_space<semaphore_mem>>
    tpu.wait_indirect_dma semaphore(%dma_wait3A_924 : memref<!tpu.dma_semaphore, #tpu.memory_space<semaphore_mem>>) src(%dma_wait3A_922 : memref<10112x8xf32, #tpu.memory_space<vmem_shared>>) dst(%dma_wait3A_916 : memref<128x8xf32, #tpu.memory_space<vmem>>)
    %dma_start3A_925 = arith.constant 18 : i32
    %dma_start3A_926 = arith.constant 18 : i32
    %dma_start3A_927 = arith.constant 0 : i32
    %dma_start3A_928 = arith.constant 0 : i32
    %dma_start3A_929 = tpu.memref_slice %arg9[%dma_start3A_925, %dma_start3A_927, %dma_start3A_928] : memref<25x128x8xf32, #tpu.memory_space<vmem>> -> memref<1x128x8xf32, #tpu.memory_space<vmem>>
    %dma_start3A_930 = tpu.memref_squeeze %dma_start3A_929 : memref<1x128x8xf32, #tpu.memory_space<vmem>> -> memref<128x8xf32, #tpu.memory_space<vmem>>
    %dma_start3A_931 = arith.constant 0 : i32
    %dma_start3A_932 = tpu.memref_slice %arg8[%dma_start3A_926, %dma_start3A_931] : memref<25x128xi32, #tpu.memory_space<vmem>> -> memref<1x128xi32, #tpu.memory_space<vmem>>
    %dma_start3A_933 = tpu.memref_squeeze %dma_start3A_932 : memref<1x128xi32, #tpu.memory_space<vmem>> -> memref<128xi32, #tpu.memory_space<vmem>>
    %dma_start3A_934 = arith.constant 0 : i32
    %dma_start3A_935 = arith.constant 0 : i32
    %dma_start3A_936 = tpu.memref_slice %arg11[%dma_start3A_934, %dma_start3A_935] : memref<10112x8xf32, #tpu.memory_space<vmem_shared>> -> memref<10112x8xf32, #tpu.memory_space<vmem_shared>>
    tpu.enqueue_indirect_dma source(%dma_start3A_930 : memref<128x8xf32, #tpu.memory_space<vmem>>) target(%dma_start3A_936 : memref<10112x8xf32, #tpu.memory_space<vmem_shared>>) offsets(%dma_start3A_933 : memref<128xi32, #tpu.memory_space<vmem>>) semaphore(%arg13 : memref<!tpu.dma_semaphore, #tpu.memory_space<semaphore_mem>>) {add = true}
    %dma_wait3A_937 = arith.constant 19 : i32
    %dma_wait3A_938 = arith.constant 19 : i32
    %dma_wait3A_939 = arith.constant 19 : i32
    %dma_wait3A_940 = arith.constant 0 : i32
    %dma_wait3A_941 = arith.constant 0 : i32
    %dma_wait3A_942 = tpu.memref_slice %arg9[%dma_wait3A_938, %dma_wait3A_940, %dma_wait3A_941] : memref<25x128x8xf32, #tpu.memory_space<vmem>> -> memref<1x128x8xf32, #tpu.memory_space<vmem>>
    %dma_wait3A_943 = tpu.memref_squeeze %dma_wait3A_942 : memref<1x128x8xf32, #tpu.memory_space<vmem>> -> memref<128x8xf32, #tpu.memory_space<vmem>>
    %dma_wait3A_944 = arith.constant 0 : i32
    %dma_wait3A_945 = tpu.memref_slice %arg7[%dma_wait3A_937, %dma_wait3A_944] : memref<25x128xi32, #tpu.memory_space<vmem>> -> memref<1x128xi32, #tpu.memory_space<vmem>>
    %dma_wait3A_946 = tpu.memref_squeeze %dma_wait3A_945 : memref<1x128xi32, #tpu.memory_space<vmem>> -> memref<128xi32, #tpu.memory_space<vmem>>
    %dma_wait3A_947 = arith.constant 0 : i32
    %dma_wait3A_948 = arith.constant 0 : i32
    %dma_wait3A_949 = tpu.memref_slice %arg10[%dma_wait3A_947, %dma_wait3A_948] : memref<10112x8xf32, #tpu.memory_space<vmem_shared>> -> memref<10112x8xf32, #tpu.memory_space<vmem_shared>>
    %dma_wait3A_950 = tpu.memref_slice %arg12[%dma_wait3A_939] : memref<25x!tpu.dma_semaphore, #tpu.memory_space<semaphore_mem>> -> memref<1x!tpu.dma_semaphore, #tpu.memory_space<semaphore_mem>>
    %dma_wait3A_951 = tpu.memref_squeeze %dma_wait3A_950 : memref<1x!tpu.dma_semaphore, #tpu.memory_space<semaphore_mem>> -> memref<!tpu.dma_semaphore, #tpu.memory_space<semaphore_mem>>
    tpu.wait_indirect_dma semaphore(%dma_wait3A_951 : memref<!tpu.dma_semaphore, #tpu.memory_space<semaphore_mem>>) src(%dma_wait3A_949 : memref<10112x8xf32, #tpu.memory_space<vmem_shared>>) dst(%dma_wait3A_943 : memref<128x8xf32, #tpu.memory_space<vmem>>)
    %dma_start3A_952 = arith.constant 19 : i32
    %dma_start3A_953 = arith.constant 19 : i32
    %dma_start3A_954 = arith.constant 0 : i32
    %dma_start3A_955 = arith.constant 0 : i32
    %dma_start3A_956 = tpu.memref_slice %arg9[%dma_start3A_952, %dma_start3A_954, %dma_start3A_955] : memref<25x128x8xf32, #tpu.memory_space<vmem>> -> memref<1x128x8xf32, #tpu.memory_space<vmem>>
    %dma_start3A_957 = tpu.memref_squeeze %dma_start3A_956 : memref<1x128x8xf32, #tpu.memory_space<vmem>> -> memref<128x8xf32, #tpu.memory_space<vmem>>
    %dma_start3A_958 = arith.constant 0 : i32
    %dma_start3A_959 = tpu.memref_slice %arg8[%dma_start3A_953, %dma_start3A_958] : memref<25x128xi32, #tpu.memory_space<vmem>> -> memref<1x128xi32, #tpu.memory_space<vmem>>
    %dma_start3A_960 = tpu.memref_squeeze %dma_start3A_959 : memref<1x128xi32, #tpu.memory_space<vmem>> -> memref<128xi32, #tpu.memory_space<vmem>>
    %dma_start3A_961 = arith.constant 0 : i32
    %dma_start3A_962 = arith.constant 0 : i32
    %dma_start3A_963 = tpu.memref_slice %arg11[%dma_start3A_961, %dma_start3A_962] : memref<10112x8xf32, #tpu.memory_space<vmem_shared>> -> memref<10112x8xf32, #tpu.memory_space<vmem_shared>>
    tpu.enqueue_indirect_dma source(%dma_start3A_957 : memref<128x8xf32, #tpu.memory_space<vmem>>) target(%dma_start3A_963 : memref<10112x8xf32, #tpu.memory_space<vmem_shared>>) offsets(%dma_start3A_960 : memref<128xi32, #tpu.memory_space<vmem>>) semaphore(%arg13 : memref<!tpu.dma_semaphore, #tpu.memory_space<semaphore_mem>>) {add = true}
    %dma_wait3A_964 = arith.constant 20 : i32
    %dma_wait3A_965 = arith.constant 20 : i32
    %dma_wait3A_966 = arith.constant 20 : i32
    %dma_wait3A_967 = arith.constant 0 : i32
    %dma_wait3A_968 = arith.constant 0 : i32
    %dma_wait3A_969 = tpu.memref_slice %arg9[%dma_wait3A_965, %dma_wait3A_967, %dma_wait3A_968] : memref<25x128x8xf32, #tpu.memory_space<vmem>> -> memref<1x128x8xf32, #tpu.memory_space<vmem>>
    %dma_wait3A_970 = tpu.memref_squeeze %dma_wait3A_969 : memref<1x128x8xf32, #tpu.memory_space<vmem>> -> memref<128x8xf32, #tpu.memory_space<vmem>>
    %dma_wait3A_971 = arith.constant 0 : i32
    %dma_wait3A_972 = tpu.memref_slice %arg7[%dma_wait3A_964, %dma_wait3A_971] : memref<25x128xi32, #tpu.memory_space<vmem>> -> memref<1x128xi32, #tpu.memory_space<vmem>>
    %dma_wait3A_973 = tpu.memref_squeeze %dma_wait3A_972 : memref<1x128xi32, #tpu.memory_space<vmem>> -> memref<128xi32, #tpu.memory_space<vmem>>
    %dma_wait3A_974 = arith.constant 0 : i32
    %dma_wait3A_975 = arith.constant 0 : i32
    %dma_wait3A_976 = tpu.memref_slice %arg10[%dma_wait3A_974, %dma_wait3A_975] : memref<10112x8xf32, #tpu.memory_space<vmem_shared>> -> memref<10112x8xf32, #tpu.memory_space<vmem_shared>>
    %dma_wait3A_977 = tpu.memref_slice %arg12[%dma_wait3A_966] : memref<25x!tpu.dma_semaphore, #tpu.memory_space<semaphore_mem>> -> memref<1x!tpu.dma_semaphore, #tpu.memory_space<semaphore_mem>>
    %dma_wait3A_978 = tpu.memref_squeeze %dma_wait3A_977 : memref<1x!tpu.dma_semaphore, #tpu.memory_space<semaphore_mem>> -> memref<!tpu.dma_semaphore, #tpu.memory_space<semaphore_mem>>
    tpu.wait_indirect_dma semaphore(%dma_wait3A_978 : memref<!tpu.dma_semaphore, #tpu.memory_space<semaphore_mem>>) src(%dma_wait3A_976 : memref<10112x8xf32, #tpu.memory_space<vmem_shared>>) dst(%dma_wait3A_970 : memref<128x8xf32, #tpu.memory_space<vmem>>)
    %dma_start3A_979 = arith.constant 20 : i32
    %dma_start3A_980 = arith.constant 20 : i32
    %dma_start3A_981 = arith.constant 0 : i32
    %dma_start3A_982 = arith.constant 0 : i32
    %dma_start3A_983 = tpu.memref_slice %arg9[%dma_start3A_979, %dma_start3A_981, %dma_start3A_982] : memref<25x128x8xf32, #tpu.memory_space<vmem>> -> memref<1x128x8xf32, #tpu.memory_space<vmem>>
    %dma_start3A_984 = tpu.memref_squeeze %dma_start3A_983 : memref<1x128x8xf32, #tpu.memory_space<vmem>> -> memref<128x8xf32, #tpu.memory_space<vmem>>
    %dma_start3A_985 = arith.constant 0 : i32
    %dma_start3A_986 = tpu.memref_slice %arg8[%dma_start3A_980, %dma_start3A_985] : memref<25x128xi32, #tpu.memory_space<vmem>> -> memref<1x128xi32, #tpu.memory_space<vmem>>
    %dma_start3A_987 = tpu.memref_squeeze %dma_start3A_986 : memref<1x128xi32, #tpu.memory_space<vmem>> -> memref<128xi32, #tpu.memory_space<vmem>>
    %dma_start3A_988 = arith.constant 0 : i32
    %dma_start3A_989 = arith.constant 0 : i32
    %dma_start3A_990 = tpu.memref_slice %arg11[%dma_start3A_988, %dma_start3A_989] : memref<10112x8xf32, #tpu.memory_space<vmem_shared>> -> memref<10112x8xf32, #tpu.memory_space<vmem_shared>>
    tpu.enqueue_indirect_dma source(%dma_start3A_984 : memref<128x8xf32, #tpu.memory_space<vmem>>) target(%dma_start3A_990 : memref<10112x8xf32, #tpu.memory_space<vmem_shared>>) offsets(%dma_start3A_987 : memref<128xi32, #tpu.memory_space<vmem>>) semaphore(%arg13 : memref<!tpu.dma_semaphore, #tpu.memory_space<semaphore_mem>>) {add = true}
    %dma_wait3A_991 = arith.constant 21 : i32
    %dma_wait3A_992 = arith.constant 21 : i32
    %dma_wait3A_993 = arith.constant 21 : i32
    %dma_wait3A_994 = arith.constant 0 : i32
    %dma_wait3A_995 = arith.constant 0 : i32
    %dma_wait3A_996 = tpu.memref_slice %arg9[%dma_wait3A_992, %dma_wait3A_994, %dma_wait3A_995] : memref<25x128x8xf32, #tpu.memory_space<vmem>> -> memref<1x128x8xf32, #tpu.memory_space<vmem>>
    %dma_wait3A_997 = tpu.memref_squeeze %dma_wait3A_996 : memref<1x128x8xf32, #tpu.memory_space<vmem>> -> memref<128x8xf32, #tpu.memory_space<vmem>>
    %dma_wait3A_998 = arith.constant 0 : i32
    %dma_wait3A_999 = tpu.memref_slice %arg7[%dma_wait3A_991, %dma_wait3A_998] : memref<25x128xi32, #tpu.memory_space<vmem>> -> memref<1x128xi32, #tpu.memory_space<vmem>>
    %dma_wait3A_1000 = tpu.memref_squeeze %dma_wait3A_999 : memref<1x128xi32, #tpu.memory_space<vmem>> -> memref<128xi32, #tpu.memory_space<vmem>>
    %dma_wait3A_1001 = arith.constant 0 : i32
    %dma_wait3A_1002 = arith.constant 0 : i32
    %dma_wait3A_1003 = tpu.memref_slice %arg10[%dma_wait3A_1001, %dma_wait3A_1002] : memref<10112x8xf32, #tpu.memory_space<vmem_shared>> -> memref<10112x8xf32, #tpu.memory_space<vmem_shared>>
    %dma_wait3A_1004 = tpu.memref_slice %arg12[%dma_wait3A_993] : memref<25x!tpu.dma_semaphore, #tpu.memory_space<semaphore_mem>> -> memref<1x!tpu.dma_semaphore, #tpu.memory_space<semaphore_mem>>
    %dma_wait3A_1005 = tpu.memref_squeeze %dma_wait3A_1004 : memref<1x!tpu.dma_semaphore, #tpu.memory_space<semaphore_mem>> -> memref<!tpu.dma_semaphore, #tpu.memory_space<semaphore_mem>>
    tpu.wait_indirect_dma semaphore(%dma_wait3A_1005 : memref<!tpu.dma_semaphore, #tpu.memory_space<semaphore_mem>>) src(%dma_wait3A_1003 : memref<10112x8xf32, #tpu.memory_space<vmem_shared>>) dst(%dma_wait3A_997 : memref<128x8xf32, #tpu.memory_space<vmem>>)
    %dma_start3A_1006 = arith.constant 21 : i32
    %dma_start3A_1007 = arith.constant 21 : i32
    %dma_start3A_1008 = arith.constant 0 : i32
    %dma_start3A_1009 = arith.constant 0 : i32
    %dma_start3A_1010 = tpu.memref_slice %arg9[%dma_start3A_1006, %dma_start3A_1008, %dma_start3A_1009] : memref<25x128x8xf32, #tpu.memory_space<vmem>> -> memref<1x128x8xf32, #tpu.memory_space<vmem>>
    %dma_start3A_1011 = tpu.memref_squeeze %dma_start3A_1010 : memref<1x128x8xf32, #tpu.memory_space<vmem>> -> memref<128x8xf32, #tpu.memory_space<vmem>>
    %dma_start3A_1012 = arith.constant 0 : i32
    %dma_start3A_1013 = tpu.memref_slice %arg8[%dma_start3A_1007, %dma_start3A_1012] : memref<25x128xi32, #tpu.memory_space<vmem>> -> memref<1x128xi32, #tpu.memory_space<vmem>>
    %dma_start3A_1014 = tpu.memref_squeeze %dma_start3A_1013 : memref<1x128xi32, #tpu.memory_space<vmem>> -> memref<128xi32, #tpu.memory_space<vmem>>
    %dma_start3A_1015 = arith.constant 0 : i32
    %dma_start3A_1016 = arith.constant 0 : i32
    %dma_start3A_1017 = tpu.memref_slice %arg11[%dma_start3A_1015, %dma_start3A_1016] : memref<10112x8xf32, #tpu.memory_space<vmem_shared>> -> memref<10112x8xf32, #tpu.memory_space<vmem_shared>>
    tpu.enqueue_indirect_dma source(%dma_start3A_1011 : memref<128x8xf32, #tpu.memory_space<vmem>>) target(%dma_start3A_1017 : memref<10112x8xf32, #tpu.memory_space<vmem_shared>>) offsets(%dma_start3A_1014 : memref<128xi32, #tpu.memory_space<vmem>>) semaphore(%arg13 : memref<!tpu.dma_semaphore, #tpu.memory_space<semaphore_mem>>) {add = true}
    %dma_wait3A_1018 = arith.constant 22 : i32
    %dma_wait3A_1019 = arith.constant 22 : i32
    %dma_wait3A_1020 = arith.constant 22 : i32
    %dma_wait3A_1021 = arith.constant 0 : i32
    %dma_wait3A_1022 = arith.constant 0 : i32
    %dma_wait3A_1023 = tpu.memref_slice %arg9[%dma_wait3A_1019, %dma_wait3A_1021, %dma_wait3A_1022] : memref<25x128x8xf32, #tpu.memory_space<vmem>> -> memref<1x128x8xf32, #tpu.memory_space<vmem>>
    %dma_wait3A_1024 = tpu.memref_squeeze %dma_wait3A_1023 : memref<1x128x8xf32, #tpu.memory_space<vmem>> -> memref<128x8xf32, #tpu.memory_space<vmem>>
    %dma_wait3A_1025 = arith.constant 0 : i32
    %dma_wait3A_1026 = tpu.memref_slice %arg7[%dma_wait3A_1018, %dma_wait3A_1025] : memref<25x128xi32, #tpu.memory_space<vmem>> -> memref<1x128xi32, #tpu.memory_space<vmem>>
    %dma_wait3A_1027 = tpu.memref_squeeze %dma_wait3A_1026 : memref<1x128xi32, #tpu.memory_space<vmem>> -> memref<128xi32, #tpu.memory_space<vmem>>
    %dma_wait3A_1028 = arith.constant 0 : i32
    %dma_wait3A_1029 = arith.constant 0 : i32
    %dma_wait3A_1030 = tpu.memref_slice %arg10[%dma_wait3A_1028, %dma_wait3A_1029] : memref<10112x8xf32, #tpu.memory_space<vmem_shared>> -> memref<10112x8xf32, #tpu.memory_space<vmem_shared>>
    %dma_wait3A_1031 = tpu.memref_slice %arg12[%dma_wait3A_1020] : memref<25x!tpu.dma_semaphore, #tpu.memory_space<semaphore_mem>> -> memref<1x!tpu.dma_semaphore, #tpu.memory_space<semaphore_mem>>
    %dma_wait3A_1032 = tpu.memref_squeeze %dma_wait3A_1031 : memref<1x!tpu.dma_semaphore, #tpu.memory_space<semaphore_mem>> -> memref<!tpu.dma_semaphore, #tpu.memory_space<semaphore_mem>>
    tpu.wait_indirect_dma semaphore(%dma_wait3A_1032 : memref<!tpu.dma_semaphore, #tpu.memory_space<semaphore_mem>>) src(%dma_wait3A_1030 : memref<10112x8xf32, #tpu.memory_space<vmem_shared>>) dst(%dma_wait3A_1024 : memref<128x8xf32, #tpu.memory_space<vmem>>)
    %dma_start3A_1033 = arith.constant 22 : i32
    %dma_start3A_1034 = arith.constant 22 : i32
    %dma_start3A_1035 = arith.constant 0 : i32
    %dma_start3A_1036 = arith.constant 0 : i32
    %dma_start3A_1037 = tpu.memref_slice %arg9[%dma_start3A_1033, %dma_start3A_1035, %dma_start3A_1036] : memref<25x128x8xf32, #tpu.memory_space<vmem>> -> memref<1x128x8xf32, #tpu.memory_space<vmem>>
    %dma_start3A_1038 = tpu.memref_squeeze %dma_start3A_1037 : memref<1x128x8xf32, #tpu.memory_space<vmem>> -> memref<128x8xf32, #tpu.memory_space<vmem>>
    %dma_start3A_1039 = arith.constant 0 : i32
    %dma_start3A_1040 = tpu.memref_slice %arg8[%dma_start3A_1034, %dma_start3A_1039] : memref<25x128xi32, #tpu.memory_space<vmem>> -> memref<1x128xi32, #tpu.memory_space<vmem>>
    %dma_start3A_1041 = tpu.memref_squeeze %dma_start3A_1040 : memref<1x128xi32, #tpu.memory_space<vmem>> -> memref<128xi32, #tpu.memory_space<vmem>>
    %dma_start3A_1042 = arith.constant 0 : i32
    %dma_start3A_1043 = arith.constant 0 : i32
    %dma_start3A_1044 = tpu.memref_slice %arg11[%dma_start3A_1042, %dma_start3A_1043] : memref<10112x8xf32, #tpu.memory_space<vmem_shared>> -> memref<10112x8xf32, #tpu.memory_space<vmem_shared>>
    tpu.enqueue_indirect_dma source(%dma_start3A_1038 : memref<128x8xf32, #tpu.memory_space<vmem>>) target(%dma_start3A_1044 : memref<10112x8xf32, #tpu.memory_space<vmem_shared>>) offsets(%dma_start3A_1041 : memref<128xi32, #tpu.memory_space<vmem>>) semaphore(%arg13 : memref<!tpu.dma_semaphore, #tpu.memory_space<semaphore_mem>>) {add = true}
    %dma_wait3A_1045 = arith.constant 23 : i32
    %dma_wait3A_1046 = arith.constant 23 : i32
    %dma_wait3A_1047 = arith.constant 23 : i32
    %dma_wait3A_1048 = arith.constant 0 : i32
    %dma_wait3A_1049 = arith.constant 0 : i32
    %dma_wait3A_1050 = tpu.memref_slice %arg9[%dma_wait3A_1046, %dma_wait3A_1048, %dma_wait3A_1049] : memref<25x128x8xf32, #tpu.memory_space<vmem>> -> memref<1x128x8xf32, #tpu.memory_space<vmem>>
    %dma_wait3A_1051 = tpu.memref_squeeze %dma_wait3A_1050 : memref<1x128x8xf32, #tpu.memory_space<vmem>> -> memref<128x8xf32, #tpu.memory_space<vmem>>
    %dma_wait3A_1052 = arith.constant 0 : i32
    %dma_wait3A_1053 = tpu.memref_slice %arg7[%dma_wait3A_1045, %dma_wait3A_1052] : memref<25x128xi32, #tpu.memory_space<vmem>> -> memref<1x128xi32, #tpu.memory_space<vmem>>
    %dma_wait3A_1054 = tpu.memref_squeeze %dma_wait3A_1053 : memref<1x128xi32, #tpu.memory_space<vmem>> -> memref<128xi32, #tpu.memory_space<vmem>>
    %dma_wait3A_1055 = arith.constant 0 : i32
    %dma_wait3A_1056 = arith.constant 0 : i32
    %dma_wait3A_1057 = tpu.memref_slice %arg10[%dma_wait3A_1055, %dma_wait3A_1056] : memref<10112x8xf32, #tpu.memory_space<vmem_shared>> -> memref<10112x8xf32, #tpu.memory_space<vmem_shared>>
    %dma_wait3A_1058 = tpu.memref_slice %arg12[%dma_wait3A_1047] : memref<25x!tpu.dma_semaphore, #tpu.memory_space<semaphore_mem>> -> memref<1x!tpu.dma_semaphore, #tpu.memory_space<semaphore_mem>>
    %dma_wait3A_1059 = tpu.memref_squeeze %dma_wait3A_1058 : memref<1x!tpu.dma_semaphore, #tpu.memory_space<semaphore_mem>> -> memref<!tpu.dma_semaphore, #tpu.memory_space<semaphore_mem>>
    tpu.wait_indirect_dma semaphore(%dma_wait3A_1059 : memref<!tpu.dma_semaphore, #tpu.memory_space<semaphore_mem>>) src(%dma_wait3A_1057 : memref<10112x8xf32, #tpu.memory_space<vmem_shared>>) dst(%dma_wait3A_1051 : memref<128x8xf32, #tpu.memory_space<vmem>>)
    %dma_start3A_1060 = arith.constant 23 : i32
    %dma_start3A_1061 = arith.constant 23 : i32
    %dma_start3A_1062 = arith.constant 0 : i32
    %dma_start3A_1063 = arith.constant 0 : i32
    %dma_start3A_1064 = tpu.memref_slice %arg9[%dma_start3A_1060, %dma_start3A_1062, %dma_start3A_1063] : memref<25x128x8xf32, #tpu.memory_space<vmem>> -> memref<1x128x8xf32, #tpu.memory_space<vmem>>
    %dma_start3A_1065 = tpu.memref_squeeze %dma_start3A_1064 : memref<1x128x8xf32, #tpu.memory_space<vmem>> -> memref<128x8xf32, #tpu.memory_space<vmem>>
    %dma_start3A_1066 = arith.constant 0 : i32
    %dma_start3A_1067 = tpu.memref_slice %arg8[%dma_start3A_1061, %dma_start3A_1066] : memref<25x128xi32, #tpu.memory_space<vmem>> -> memref<1x128xi32, #tpu.memory_space<vmem>>
    %dma_start3A_1068 = tpu.memref_squeeze %dma_start3A_1067 : memref<1x128xi32, #tpu.memory_space<vmem>> -> memref<128xi32, #tpu.memory_space<vmem>>
    %dma_start3A_1069 = arith.constant 0 : i32
    %dma_start3A_1070 = arith.constant 0 : i32
    %dma_start3A_1071 = tpu.memref_slice %arg11[%dma_start3A_1069, %dma_start3A_1070] : memref<10112x8xf32, #tpu.memory_space<vmem_shared>> -> memref<10112x8xf32, #tpu.memory_space<vmem_shared>>
    tpu.enqueue_indirect_dma source(%dma_start3A_1065 : memref<128x8xf32, #tpu.memory_space<vmem>>) target(%dma_start3A_1071 : memref<10112x8xf32, #tpu.memory_space<vmem_shared>>) offsets(%dma_start3A_1068 : memref<128xi32, #tpu.memory_space<vmem>>) semaphore(%arg13 : memref<!tpu.dma_semaphore, #tpu.memory_space<semaphore_mem>>) {add = true}
    %dma_wait3A_1072 = arith.constant 24 : i32
    %dma_wait3A_1073 = arith.constant 24 : i32
    %dma_wait3A_1074 = arith.constant 24 : i32
    %dma_wait3A_1075 = arith.constant 0 : i32
    %dma_wait3A_1076 = arith.constant 0 : i32
    %dma_wait3A_1077 = tpu.memref_slice %arg9[%dma_wait3A_1073, %dma_wait3A_1075, %dma_wait3A_1076] : memref<25x128x8xf32, #tpu.memory_space<vmem>> -> memref<1x128x8xf32, #tpu.memory_space<vmem>>
    %dma_wait3A_1078 = tpu.memref_squeeze %dma_wait3A_1077 : memref<1x128x8xf32, #tpu.memory_space<vmem>> -> memref<128x8xf32, #tpu.memory_space<vmem>>
    %dma_wait3A_1079 = arith.constant 0 : i32
    %dma_wait3A_1080 = tpu.memref_slice %arg7[%dma_wait3A_1072, %dma_wait3A_1079] : memref<25x128xi32, #tpu.memory_space<vmem>> -> memref<1x128xi32, #tpu.memory_space<vmem>>
    %dma_wait3A_1081 = tpu.memref_squeeze %dma_wait3A_1080 : memref<1x128xi32, #tpu.memory_space<vmem>> -> memref<128xi32, #tpu.memory_space<vmem>>
    %dma_wait3A_1082 = arith.constant 0 : i32
    %dma_wait3A_1083 = arith.constant 0 : i32
    %dma_wait3A_1084 = tpu.memref_slice %arg10[%dma_wait3A_1082, %dma_wait3A_1083] : memref<10112x8xf32, #tpu.memory_space<vmem_shared>> -> memref<10112x8xf32, #tpu.memory_space<vmem_shared>>
    %dma_wait3A_1085 = tpu.memref_slice %arg12[%dma_wait3A_1074] : memref<25x!tpu.dma_semaphore, #tpu.memory_space<semaphore_mem>> -> memref<1x!tpu.dma_semaphore, #tpu.memory_space<semaphore_mem>>
    %dma_wait3A_1086 = tpu.memref_squeeze %dma_wait3A_1085 : memref<1x!tpu.dma_semaphore, #tpu.memory_space<semaphore_mem>> -> memref<!tpu.dma_semaphore, #tpu.memory_space<semaphore_mem>>
    tpu.wait_indirect_dma semaphore(%dma_wait3A_1086 : memref<!tpu.dma_semaphore, #tpu.memory_space<semaphore_mem>>) src(%dma_wait3A_1084 : memref<10112x8xf32, #tpu.memory_space<vmem_shared>>) dst(%dma_wait3A_1078 : memref<128x8xf32, #tpu.memory_space<vmem>>)
    %dma_start3A_1087 = arith.constant 24 : i32
    %dma_start3A_1088 = arith.constant 24 : i32
    %dma_start3A_1089 = arith.constant 0 : i32
    %dma_start3A_1090 = arith.constant 0 : i32
    %dma_start3A_1091 = tpu.memref_slice %arg9[%dma_start3A_1087, %dma_start3A_1089, %dma_start3A_1090] : memref<25x128x8xf32, #tpu.memory_space<vmem>> -> memref<1x128x8xf32, #tpu.memory_space<vmem>>
    %dma_start3A_1092 = tpu.memref_squeeze %dma_start3A_1091 : memref<1x128x8xf32, #tpu.memory_space<vmem>> -> memref<128x8xf32, #tpu.memory_space<vmem>>
    %dma_start3A_1093 = arith.constant 0 : i32
    %dma_start3A_1094 = tpu.memref_slice %arg8[%dma_start3A_1088, %dma_start3A_1093] : memref<25x128xi32, #tpu.memory_space<vmem>> -> memref<1x128xi32, #tpu.memory_space<vmem>>
    %dma_start3A_1095 = tpu.memref_squeeze %dma_start3A_1094 : memref<1x128xi32, #tpu.memory_space<vmem>> -> memref<128xi32, #tpu.memory_space<vmem>>
    %dma_start3A_1096 = arith.constant 0 : i32
    %dma_start3A_1097 = arith.constant 0 : i32
    %dma_start3A_1098 = tpu.memref_slice %arg11[%dma_start3A_1096, %dma_start3A_1097] : memref<10112x8xf32, #tpu.memory_space<vmem_shared>> -> memref<10112x8xf32, #tpu.memory_space<vmem_shared>>
    tpu.enqueue_indirect_dma source(%dma_start3A_1092 : memref<128x8xf32, #tpu.memory_space<vmem>>) target(%dma_start3A_1098 : memref<10112x8xf32, #tpu.memory_space<vmem_shared>>) offsets(%dma_start3A_1095 : memref<128xi32, #tpu.memory_space<vmem>>) semaphore(%arg13 : memref<!tpu.dma_semaphore, #tpu.memory_space<semaphore_mem>>) {add = true}
    %dma_wait3A_1099 = arith.constant 0 : i32
    %dma_wait3A_1100 = arith.constant 0 : i32
    %dma_wait3A_1101 = arith.constant 0 : i32
    %dma_wait3A_1102 = arith.constant 0 : i32
    %dma_wait3A_1103 = tpu.memref_slice %arg9[%dma_wait3A_1099, %dma_wait3A_1101, %dma_wait3A_1102] : memref<25x128x8xf32, #tpu.memory_space<vmem>> -> memref<1x128x8xf32, #tpu.memory_space<vmem>>
    %dma_wait3A_1104 = tpu.memref_squeeze %dma_wait3A_1103 : memref<1x128x8xf32, #tpu.memory_space<vmem>> -> memref<128x8xf32, #tpu.memory_space<vmem>>
    %dma_wait3A_1105 = arith.constant 0 : i32
    %dma_wait3A_1106 = tpu.memref_slice %arg8[%dma_wait3A_1100, %dma_wait3A_1105] : memref<25x128xi32, #tpu.memory_space<vmem>> -> memref<1x128xi32, #tpu.memory_space<vmem>>
    %dma_wait3A_1107 = tpu.memref_squeeze %dma_wait3A_1106 : memref<1x128xi32, #tpu.memory_space<vmem>> -> memref<128xi32, #tpu.memory_space<vmem>>
    %dma_wait3A_1108 = arith.constant 0 : i32
    %dma_wait3A_1109 = arith.constant 0 : i32
    %dma_wait3A_1110 = tpu.memref_slice %arg11[%dma_wait3A_1108, %dma_wait3A_1109] : memref<10112x8xf32, #tpu.memory_space<vmem_shared>> -> memref<10112x8xf32, #tpu.memory_space<vmem_shared>>
    tpu.wait_indirect_dma semaphore(%arg13 : memref<!tpu.dma_semaphore, #tpu.memory_space<semaphore_mem>>) src(%dma_wait3A_1104 : memref<128x8xf32, #tpu.memory_space<vmem>>) dst(%dma_wait3A_1110 : memref<10112x8xf32, #tpu.memory_space<vmem_shared>>)
    %dma_wait3A_1111 = arith.constant 1 : i32
    %dma_wait3A_1112 = arith.constant 1 : i32
    %dma_wait3A_1113 = arith.constant 0 : i32
    %dma_wait3A_1114 = arith.constant 0 : i32
    %dma_wait3A_1115 = tpu.memref_slice %arg9[%dma_wait3A_1111, %dma_wait3A_1113, %dma_wait3A_1114] : memref<25x128x8xf32, #tpu.memory_space<vmem>> -> memref<1x128x8xf32, #tpu.memory_space<vmem>>
    %dma_wait3A_1116 = tpu.memref_squeeze %dma_wait3A_1115 : memref<1x128x8xf32, #tpu.memory_space<vmem>> -> memref<128x8xf32, #tpu.memory_space<vmem>>
    %dma_wait3A_1117 = arith.constant 0 : i32
    %dma_wait3A_1118 = tpu.memref_slice %arg8[%dma_wait3A_1112, %dma_wait3A_1117] : memref<25x128xi32, #tpu.memory_space<vmem>> -> memref<1x128xi32, #tpu.memory_space<vmem>>
    %dma_wait3A_1119 = tpu.memref_squeeze %dma_wait3A_1118 : memref<1x128xi32, #tpu.memory_space<vmem>> -> memref<128xi32, #tpu.memory_space<vmem>>
    %dma_wait3A_1120 = arith.constant 0 : i32
    %dma_wait3A_1121 = arith.constant 0 : i32
    %dma_wait3A_1122 = tpu.memref_slice %arg11[%dma_wait3A_1120, %dma_wait3A_1121] : memref<10112x8xf32, #tpu.memory_space<vmem_shared>> -> memref<10112x8xf32, #tpu.memory_space<vmem_shared>>
    tpu.wait_indirect_dma semaphore(%arg13 : memref<!tpu.dma_semaphore, #tpu.memory_space<semaphore_mem>>) src(%dma_wait3A_1116 : memref<128x8xf32, #tpu.memory_space<vmem>>) dst(%dma_wait3A_1122 : memref<10112x8xf32, #tpu.memory_space<vmem_shared>>)
    %dma_wait3A_1123 = arith.constant 2 : i32
    %dma_wait3A_1124 = arith.constant 2 : i32
    %dma_wait3A_1125 = arith.constant 0 : i32
    %dma_wait3A_1126 = arith.constant 0 : i32
    %dma_wait3A_1127 = tpu.memref_slice %arg9[%dma_wait3A_1123, %dma_wait3A_1125, %dma_wait3A_1126] : memref<25x128x8xf32, #tpu.memory_space<vmem>> -> memref<1x128x8xf32, #tpu.memory_space<vmem>>
    %dma_wait3A_1128 = tpu.memref_squeeze %dma_wait3A_1127 : memref<1x128x8xf32, #tpu.memory_space<vmem>> -> memref<128x8xf32, #tpu.memory_space<vmem>>
    %dma_wait3A_1129 = arith.constant 0 : i32
    %dma_wait3A_1130 = tpu.memref_slice %arg8[%dma_wait3A_1124, %dma_wait3A_1129] : memref<25x128xi32, #tpu.memory_space<vmem>> -> memref<1x128xi32, #tpu.memory_space<vmem>>
    %dma_wait3A_1131 = tpu.memref_squeeze %dma_wait3A_1130 : memref<1x128xi32, #tpu.memory_space<vmem>> -> memref<128xi32, #tpu.memory_space<vmem>>
    %dma_wait3A_1132 = arith.constant 0 : i32
    %dma_wait3A_1133 = arith.constant 0 : i32
    %dma_wait3A_1134 = tpu.memref_slice %arg11[%dma_wait3A_1132, %dma_wait3A_1133] : memref<10112x8xf32, #tpu.memory_space<vmem_shared>> -> memref<10112x8xf32, #tpu.memory_space<vmem_shared>>
    tpu.wait_indirect_dma semaphore(%arg13 : memref<!tpu.dma_semaphore, #tpu.memory_space<semaphore_mem>>) src(%dma_wait3A_1128 : memref<128x8xf32, #tpu.memory_space<vmem>>) dst(%dma_wait3A_1134 : memref<10112x8xf32, #tpu.memory_space<vmem_shared>>)
    %dma_wait3A_1135 = arith.constant 3 : i32
    %dma_wait3A_1136 = arith.constant 3 : i32
    %dma_wait3A_1137 = arith.constant 0 : i32
    %dma_wait3A_1138 = arith.constant 0 : i32
    %dma_wait3A_1139 = tpu.memref_slice %arg9[%dma_wait3A_1135, %dma_wait3A_1137, %dma_wait3A_1138] : memref<25x128x8xf32, #tpu.memory_space<vmem>> -> memref<1x128x8xf32, #tpu.memory_space<vmem>>
    %dma_wait3A_1140 = tpu.memref_squeeze %dma_wait3A_1139 : memref<1x128x8xf32, #tpu.memory_space<vmem>> -> memref<128x8xf32, #tpu.memory_space<vmem>>
    %dma_wait3A_1141 = arith.constant 0 : i32
    %dma_wait3A_1142 = tpu.memref_slice %arg8[%dma_wait3A_1136, %dma_wait3A_1141] : memref<25x128xi32, #tpu.memory_space<vmem>> -> memref<1x128xi32, #tpu.memory_space<vmem>>
    %dma_wait3A_1143 = tpu.memref_squeeze %dma_wait3A_1142 : memref<1x128xi32, #tpu.memory_space<vmem>> -> memref<128xi32, #tpu.memory_space<vmem>>
    %dma_wait3A_1144 = arith.constant 0 : i32
    %dma_wait3A_1145 = arith.constant 0 : i32
    %dma_wait3A_1146 = tpu.memref_slice %arg11[%dma_wait3A_1144, %dma_wait3A_1145] : memref<10112x8xf32, #tpu.memory_space<vmem_shared>> -> memref<10112x8xf32, #tpu.memory_space<vmem_shared>>
    tpu.wait_indirect_dma semaphore(%arg13 : memref<!tpu.dma_semaphore, #tpu.memory_space<semaphore_mem>>) src(%dma_wait3A_1140 : memref<128x8xf32, #tpu.memory_space<vmem>>) dst(%dma_wait3A_1146 : memref<10112x8xf32, #tpu.memory_space<vmem_shared>>)
    %dma_wait3A_1147 = arith.constant 4 : i32
    %dma_wait3A_1148 = arith.constant 4 : i32
    %dma_wait3A_1149 = arith.constant 0 : i32
    %dma_wait3A_1150 = arith.constant 0 : i32
    %dma_wait3A_1151 = tpu.memref_slice %arg9[%dma_wait3A_1147, %dma_wait3A_1149, %dma_wait3A_1150] : memref<25x128x8xf32, #tpu.memory_space<vmem>> -> memref<1x128x8xf32, #tpu.memory_space<vmem>>
    %dma_wait3A_1152 = tpu.memref_squeeze %dma_wait3A_1151 : memref<1x128x8xf32, #tpu.memory_space<vmem>> -> memref<128x8xf32, #tpu.memory_space<vmem>>
    %dma_wait3A_1153 = arith.constant 0 : i32
    %dma_wait3A_1154 = tpu.memref_slice %arg8[%dma_wait3A_1148, %dma_wait3A_1153] : memref<25x128xi32, #tpu.memory_space<vmem>> -> memref<1x128xi32, #tpu.memory_space<vmem>>
    %dma_wait3A_1155 = tpu.memref_squeeze %dma_wait3A_1154 : memref<1x128xi32, #tpu.memory_space<vmem>> -> memref<128xi32, #tpu.memory_space<vmem>>
    %dma_wait3A_1156 = arith.constant 0 : i32
    %dma_wait3A_1157 = arith.constant 0 : i32
    %dma_wait3A_1158 = tpu.memref_slice %arg11[%dma_wait3A_1156, %dma_wait3A_1157] : memref<10112x8xf32, #tpu.memory_space<vmem_shared>> -> memref<10112x8xf32, #tpu.memory_space<vmem_shared>>
    tpu.wait_indirect_dma semaphore(%arg13 : memref<!tpu.dma_semaphore, #tpu.memory_space<semaphore_mem>>) src(%dma_wait3A_1152 : memref<128x8xf32, #tpu.memory_space<vmem>>) dst(%dma_wait3A_1158 : memref<10112x8xf32, #tpu.memory_space<vmem_shared>>)
    %dma_wait3A_1159 = arith.constant 5 : i32
    %dma_wait3A_1160 = arith.constant 5 : i32
    %dma_wait3A_1161 = arith.constant 0 : i32
    %dma_wait3A_1162 = arith.constant 0 : i32
    %dma_wait3A_1163 = tpu.memref_slice %arg9[%dma_wait3A_1159, %dma_wait3A_1161, %dma_wait3A_1162] : memref<25x128x8xf32, #tpu.memory_space<vmem>> -> memref<1x128x8xf32, #tpu.memory_space<vmem>>
    %dma_wait3A_1164 = tpu.memref_squeeze %dma_wait3A_1163 : memref<1x128x8xf32, #tpu.memory_space<vmem>> -> memref<128x8xf32, #tpu.memory_space<vmem>>
    %dma_wait3A_1165 = arith.constant 0 : i32
    %dma_wait3A_1166 = tpu.memref_slice %arg8[%dma_wait3A_1160, %dma_wait3A_1165] : memref<25x128xi32, #tpu.memory_space<vmem>> -> memref<1x128xi32, #tpu.memory_space<vmem>>
    %dma_wait3A_1167 = tpu.memref_squeeze %dma_wait3A_1166 : memref<1x128xi32, #tpu.memory_space<vmem>> -> memref<128xi32, #tpu.memory_space<vmem>>
    %dma_wait3A_1168 = arith.constant 0 : i32
    %dma_wait3A_1169 = arith.constant 0 : i32
    %dma_wait3A_1170 = tpu.memref_slice %arg11[%dma_wait3A_1168, %dma_wait3A_1169] : memref<10112x8xf32, #tpu.memory_space<vmem_shared>> -> memref<10112x8xf32, #tpu.memory_space<vmem_shared>>
    tpu.wait_indirect_dma semaphore(%arg13 : memref<!tpu.dma_semaphore, #tpu.memory_space<semaphore_mem>>) src(%dma_wait3A_1164 : memref<128x8xf32, #tpu.memory_space<vmem>>) dst(%dma_wait3A_1170 : memref<10112x8xf32, #tpu.memory_space<vmem_shared>>)
    %dma_wait3A_1171 = arith.constant 6 : i32
    %dma_wait3A_1172 = arith.constant 6 : i32
    %dma_wait3A_1173 = arith.constant 0 : i32
    %dma_wait3A_1174 = arith.constant 0 : i32
    %dma_wait3A_1175 = tpu.memref_slice %arg9[%dma_wait3A_1171, %dma_wait3A_1173, %dma_wait3A_1174] : memref<25x128x8xf32, #tpu.memory_space<vmem>> -> memref<1x128x8xf32, #tpu.memory_space<vmem>>
    %dma_wait3A_1176 = tpu.memref_squeeze %dma_wait3A_1175 : memref<1x128x8xf32, #tpu.memory_space<vmem>> -> memref<128x8xf32, #tpu.memory_space<vmem>>
    %dma_wait3A_1177 = arith.constant 0 : i32
    %dma_wait3A_1178 = tpu.memref_slice %arg8[%dma_wait3A_1172, %dma_wait3A_1177] : memref<25x128xi32, #tpu.memory_space<vmem>> -> memref<1x128xi32, #tpu.memory_space<vmem>>
    %dma_wait3A_1179 = tpu.memref_squeeze %dma_wait3A_1178 : memref<1x128xi32, #tpu.memory_space<vmem>> -> memref<128xi32, #tpu.memory_space<vmem>>
    %dma_wait3A_1180 = arith.constant 0 : i32
    %dma_wait3A_1181 = arith.constant 0 : i32
    %dma_wait3A_1182 = tpu.memref_slice %arg11[%dma_wait3A_1180, %dma_wait3A_1181] : memref<10112x8xf32, #tpu.memory_space<vmem_shared>> -> memref<10112x8xf32, #tpu.memory_space<vmem_shared>>
    tpu.wait_indirect_dma semaphore(%arg13 : memref<!tpu.dma_semaphore, #tpu.memory_space<semaphore_mem>>) src(%dma_wait3A_1176 : memref<128x8xf32, #tpu.memory_space<vmem>>) dst(%dma_wait3A_1182 : memref<10112x8xf32, #tpu.memory_space<vmem_shared>>)
    %dma_wait3A_1183 = arith.constant 7 : i32
    %dma_wait3A_1184 = arith.constant 7 : i32
    %dma_wait3A_1185 = arith.constant 0 : i32
    %dma_wait3A_1186 = arith.constant 0 : i32
    %dma_wait3A_1187 = tpu.memref_slice %arg9[%dma_wait3A_1183, %dma_wait3A_1185, %dma_wait3A_1186] : memref<25x128x8xf32, #tpu.memory_space<vmem>> -> memref<1x128x8xf32, #tpu.memory_space<vmem>>
    %dma_wait3A_1188 = tpu.memref_squeeze %dma_wait3A_1187 : memref<1x128x8xf32, #tpu.memory_space<vmem>> -> memref<128x8xf32, #tpu.memory_space<vmem>>
    %dma_wait3A_1189 = arith.constant 0 : i32
    %dma_wait3A_1190 = tpu.memref_slice %arg8[%dma_wait3A_1184, %dma_wait3A_1189] : memref<25x128xi32, #tpu.memory_space<vmem>> -> memref<1x128xi32, #tpu.memory_space<vmem>>
    %dma_wait3A_1191 = tpu.memref_squeeze %dma_wait3A_1190 : memref<1x128xi32, #tpu.memory_space<vmem>> -> memref<128xi32, #tpu.memory_space<vmem>>
    %dma_wait3A_1192 = arith.constant 0 : i32
    %dma_wait3A_1193 = arith.constant 0 : i32
    %dma_wait3A_1194 = tpu.memref_slice %arg11[%dma_wait3A_1192, %dma_wait3A_1193] : memref<10112x8xf32, #tpu.memory_space<vmem_shared>> -> memref<10112x8xf32, #tpu.memory_space<vmem_shared>>
    tpu.wait_indirect_dma semaphore(%arg13 : memref<!tpu.dma_semaphore, #tpu.memory_space<semaphore_mem>>) src(%dma_wait3A_1188 : memref<128x8xf32, #tpu.memory_space<vmem>>) dst(%dma_wait3A_1194 : memref<10112x8xf32, #tpu.memory_space<vmem_shared>>)
    %dma_wait3A_1195 = arith.constant 8 : i32
    %dma_wait3A_1196 = arith.constant 8 : i32
    %dma_wait3A_1197 = arith.constant 0 : i32
    %dma_wait3A_1198 = arith.constant 0 : i32
    %dma_wait3A_1199 = tpu.memref_slice %arg9[%dma_wait3A_1195, %dma_wait3A_1197, %dma_wait3A_1198] : memref<25x128x8xf32, #tpu.memory_space<vmem>> -> memref<1x128x8xf32, #tpu.memory_space<vmem>>
    %dma_wait3A_1200 = tpu.memref_squeeze %dma_wait3A_1199 : memref<1x128x8xf32, #tpu.memory_space<vmem>> -> memref<128x8xf32, #tpu.memory_space<vmem>>
    %dma_wait3A_1201 = arith.constant 0 : i32
    %dma_wait3A_1202 = tpu.memref_slice %arg8[%dma_wait3A_1196, %dma_wait3A_1201] : memref<25x128xi32, #tpu.memory_space<vmem>> -> memref<1x128xi32, #tpu.memory_space<vmem>>
    %dma_wait3A_1203 = tpu.memref_squeeze %dma_wait3A_1202 : memref<1x128xi32, #tpu.memory_space<vmem>> -> memref<128xi32, #tpu.memory_space<vmem>>
    %dma_wait3A_1204 = arith.constant 0 : i32
    %dma_wait3A_1205 = arith.constant 0 : i32
    %dma_wait3A_1206 = tpu.memref_slice %arg11[%dma_wait3A_1204, %dma_wait3A_1205] : memref<10112x8xf32, #tpu.memory_space<vmem_shared>> -> memref<10112x8xf32, #tpu.memory_space<vmem_shared>>
    tpu.wait_indirect_dma semaphore(%arg13 : memref<!tpu.dma_semaphore, #tpu.memory_space<semaphore_mem>>) src(%dma_wait3A_1200 : memref<128x8xf32, #tpu.memory_space<vmem>>) dst(%dma_wait3A_1206 : memref<10112x8xf32, #tpu.memory_space<vmem_shared>>)
    %dma_wait3A_1207 = arith.constant 9 : i32
    %dma_wait3A_1208 = arith.constant 9 : i32
    %dma_wait3A_1209 = arith.constant 0 : i32
    %dma_wait3A_1210 = arith.constant 0 : i32
    %dma_wait3A_1211 = tpu.memref_slice %arg9[%dma_wait3A_1207, %dma_wait3A_1209, %dma_wait3A_1210] : memref<25x128x8xf32, #tpu.memory_space<vmem>> -> memref<1x128x8xf32, #tpu.memory_space<vmem>>
    %dma_wait3A_1212 = tpu.memref_squeeze %dma_wait3A_1211 : memref<1x128x8xf32, #tpu.memory_space<vmem>> -> memref<128x8xf32, #tpu.memory_space<vmem>>
    %dma_wait3A_1213 = arith.constant 0 : i32
    %dma_wait3A_1214 = tpu.memref_slice %arg8[%dma_wait3A_1208, %dma_wait3A_1213] : memref<25x128xi32, #tpu.memory_space<vmem>> -> memref<1x128xi32, #tpu.memory_space<vmem>>
    %dma_wait3A_1215 = tpu.memref_squeeze %dma_wait3A_1214 : memref<1x128xi32, #tpu.memory_space<vmem>> -> memref<128xi32, #tpu.memory_space<vmem>>
    %dma_wait3A_1216 = arith.constant 0 : i32
    %dma_wait3A_1217 = arith.constant 0 : i32
    %dma_wait3A_1218 = tpu.memref_slice %arg11[%dma_wait3A_1216, %dma_wait3A_1217] : memref<10112x8xf32, #tpu.memory_space<vmem_shared>> -> memref<10112x8xf32, #tpu.memory_space<vmem_shared>>
    tpu.wait_indirect_dma semaphore(%arg13 : memref<!tpu.dma_semaphore, #tpu.memory_space<semaphore_mem>>) src(%dma_wait3A_1212 : memref<128x8xf32, #tpu.memory_space<vmem>>) dst(%dma_wait3A_1218 : memref<10112x8xf32, #tpu.memory_space<vmem_shared>>)
    %dma_wait3A_1219 = arith.constant 10 : i32
    %dma_wait3A_1220 = arith.constant 10 : i32
    %dma_wait3A_1221 = arith.constant 0 : i32
    %dma_wait3A_1222 = arith.constant 0 : i32
    %dma_wait3A_1223 = tpu.memref_slice %arg9[%dma_wait3A_1219, %dma_wait3A_1221, %dma_wait3A_1222] : memref<25x128x8xf32, #tpu.memory_space<vmem>> -> memref<1x128x8xf32, #tpu.memory_space<vmem>>
    %dma_wait3A_1224 = tpu.memref_squeeze %dma_wait3A_1223 : memref<1x128x8xf32, #tpu.memory_space<vmem>> -> memref<128x8xf32, #tpu.memory_space<vmem>>
    %dma_wait3A_1225 = arith.constant 0 : i32
    %dma_wait3A_1226 = tpu.memref_slice %arg8[%dma_wait3A_1220, %dma_wait3A_1225] : memref<25x128xi32, #tpu.memory_space<vmem>> -> memref<1x128xi32, #tpu.memory_space<vmem>>
    %dma_wait3A_1227 = tpu.memref_squeeze %dma_wait3A_1226 : memref<1x128xi32, #tpu.memory_space<vmem>> -> memref<128xi32, #tpu.memory_space<vmem>>
    %dma_wait3A_1228 = arith.constant 0 : i32
    %dma_wait3A_1229 = arith.constant 0 : i32
    %dma_wait3A_1230 = tpu.memref_slice %arg11[%dma_wait3A_1228, %dma_wait3A_1229] : memref<10112x8xf32, #tpu.memory_space<vmem_shared>> -> memref<10112x8xf32, #tpu.memory_space<vmem_shared>>
    tpu.wait_indirect_dma semaphore(%arg13 : memref<!tpu.dma_semaphore, #tpu.memory_space<semaphore_mem>>) src(%dma_wait3A_1224 : memref<128x8xf32, #tpu.memory_space<vmem>>) dst(%dma_wait3A_1230 : memref<10112x8xf32, #tpu.memory_space<vmem_shared>>)
    %dma_wait3A_1231 = arith.constant 11 : i32
    %dma_wait3A_1232 = arith.constant 11 : i32
    %dma_wait3A_1233 = arith.constant 0 : i32
    %dma_wait3A_1234 = arith.constant 0 : i32
    %dma_wait3A_1235 = tpu.memref_slice %arg9[%dma_wait3A_1231, %dma_wait3A_1233, %dma_wait3A_1234] : memref<25x128x8xf32, #tpu.memory_space<vmem>> -> memref<1x128x8xf32, #tpu.memory_space<vmem>>
    %dma_wait3A_1236 = tpu.memref_squeeze %dma_wait3A_1235 : memref<1x128x8xf32, #tpu.memory_space<vmem>> -> memref<128x8xf32, #tpu.memory_space<vmem>>
    %dma_wait3A_1237 = arith.constant 0 : i32
    %dma_wait3A_1238 = tpu.memref_slice %arg8[%dma_wait3A_1232, %dma_wait3A_1237] : memref<25x128xi32, #tpu.memory_space<vmem>> -> memref<1x128xi32, #tpu.memory_space<vmem>>
    %dma_wait3A_1239 = tpu.memref_squeeze %dma_wait3A_1238 : memref<1x128xi32, #tpu.memory_space<vmem>> -> memref<128xi32, #tpu.memory_space<vmem>>
    %dma_wait3A_1240 = arith.constant 0 : i32
    %dma_wait3A_1241 = arith.constant 0 : i32
    %dma_wait3A_1242 = tpu.memref_slice %arg11[%dma_wait3A_1240, %dma_wait3A_1241] : memref<10112x8xf32, #tpu.memory_space<vmem_shared>> -> memref<10112x8xf32, #tpu.memory_space<vmem_shared>>
    tpu.wait_indirect_dma semaphore(%arg13 : memref<!tpu.dma_semaphore, #tpu.memory_space<semaphore_mem>>) src(%dma_wait3A_1236 : memref<128x8xf32, #tpu.memory_space<vmem>>) dst(%dma_wait3A_1242 : memref<10112x8xf32, #tpu.memory_space<vmem_shared>>)
    %dma_wait3A_1243 = arith.constant 12 : i32
    %dma_wait3A_1244 = arith.constant 12 : i32
    %dma_wait3A_1245 = arith.constant 0 : i32
    %dma_wait3A_1246 = arith.constant 0 : i32
    %dma_wait3A_1247 = tpu.memref_slice %arg9[%dma_wait3A_1243, %dma_wait3A_1245, %dma_wait3A_1246] : memref<25x128x8xf32, #tpu.memory_space<vmem>> -> memref<1x128x8xf32, #tpu.memory_space<vmem>>
    %dma_wait3A_1248 = tpu.memref_squeeze %dma_wait3A_1247 : memref<1x128x8xf32, #tpu.memory_space<vmem>> -> memref<128x8xf32, #tpu.memory_space<vmem>>
    %dma_wait3A_1249 = arith.constant 0 : i32
    %dma_wait3A_1250 = tpu.memref_slice %arg8[%dma_wait3A_1244, %dma_wait3A_1249] : memref<25x128xi32, #tpu.memory_space<vmem>> -> memref<1x128xi32, #tpu.memory_space<vmem>>
    %dma_wait3A_1251 = tpu.memref_squeeze %dma_wait3A_1250 : memref<1x128xi32, #tpu.memory_space<vmem>> -> memref<128xi32, #tpu.memory_space<vmem>>
    %dma_wait3A_1252 = arith.constant 0 : i32
    %dma_wait3A_1253 = arith.constant 0 : i32
    %dma_wait3A_1254 = tpu.memref_slice %arg11[%dma_wait3A_1252, %dma_wait3A_1253] : memref<10112x8xf32, #tpu.memory_space<vmem_shared>> -> memref<10112x8xf32, #tpu.memory_space<vmem_shared>>
    tpu.wait_indirect_dma semaphore(%arg13 : memref<!tpu.dma_semaphore, #tpu.memory_space<semaphore_mem>>) src(%dma_wait3A_1248 : memref<128x8xf32, #tpu.memory_space<vmem>>) dst(%dma_wait3A_1254 : memref<10112x8xf32, #tpu.memory_space<vmem_shared>>)
    %dma_wait3A_1255 = arith.constant 13 : i32
    %dma_wait3A_1256 = arith.constant 13 : i32
    %dma_wait3A_1257 = arith.constant 0 : i32
    %dma_wait3A_1258 = arith.constant 0 : i32
    %dma_wait3A_1259 = tpu.memref_slice %arg9[%dma_wait3A_1255, %dma_wait3A_1257, %dma_wait3A_1258] : memref<25x128x8xf32, #tpu.memory_space<vmem>> -> memref<1x128x8xf32, #tpu.memory_space<vmem>>
    %dma_wait3A_1260 = tpu.memref_squeeze %dma_wait3A_1259 : memref<1x128x8xf32, #tpu.memory_space<vmem>> -> memref<128x8xf32, #tpu.memory_space<vmem>>
    %dma_wait3A_1261 = arith.constant 0 : i32
    %dma_wait3A_1262 = tpu.memref_slice %arg8[%dma_wait3A_1256, %dma_wait3A_1261] : memref<25x128xi32, #tpu.memory_space<vmem>> -> memref<1x128xi32, #tpu.memory_space<vmem>>
    %dma_wait3A_1263 = tpu.memref_squeeze %dma_wait3A_1262 : memref<1x128xi32, #tpu.memory_space<vmem>> -> memref<128xi32, #tpu.memory_space<vmem>>
    %dma_wait3A_1264 = arith.constant 0 : i32
    %dma_wait3A_1265 = arith.constant 0 : i32
    %dma_wait3A_1266 = tpu.memref_slice %arg11[%dma_wait3A_1264, %dma_wait3A_1265] : memref<10112x8xf32, #tpu.memory_space<vmem_shared>> -> memref<10112x8xf32, #tpu.memory_space<vmem_shared>>
    tpu.wait_indirect_dma semaphore(%arg13 : memref<!tpu.dma_semaphore, #tpu.memory_space<semaphore_mem>>) src(%dma_wait3A_1260 : memref<128x8xf32, #tpu.memory_space<vmem>>) dst(%dma_wait3A_1266 : memref<10112x8xf32, #tpu.memory_space<vmem_shared>>)
    %dma_wait3A_1267 = arith.constant 14 : i32
    %dma_wait3A_1268 = arith.constant 14 : i32
    %dma_wait3A_1269 = arith.constant 0 : i32
    %dma_wait3A_1270 = arith.constant 0 : i32
    %dma_wait3A_1271 = tpu.memref_slice %arg9[%dma_wait3A_1267, %dma_wait3A_1269, %dma_wait3A_1270] : memref<25x128x8xf32, #tpu.memory_space<vmem>> -> memref<1x128x8xf32, #tpu.memory_space<vmem>>
    %dma_wait3A_1272 = tpu.memref_squeeze %dma_wait3A_1271 : memref<1x128x8xf32, #tpu.memory_space<vmem>> -> memref<128x8xf32, #tpu.memory_space<vmem>>
    %dma_wait3A_1273 = arith.constant 0 : i32
    %dma_wait3A_1274 = tpu.memref_slice %arg8[%dma_wait3A_1268, %dma_wait3A_1273] : memref<25x128xi32, #tpu.memory_space<vmem>> -> memref<1x128xi32, #tpu.memory_space<vmem>>
    %dma_wait3A_1275 = tpu.memref_squeeze %dma_wait3A_1274 : memref<1x128xi32, #tpu.memory_space<vmem>> -> memref<128xi32, #tpu.memory_space<vmem>>
    %dma_wait3A_1276 = arith.constant 0 : i32
    %dma_wait3A_1277 = arith.constant 0 : i32
    %dma_wait3A_1278 = tpu.memref_slice %arg11[%dma_wait3A_1276, %dma_wait3A_1277] : memref<10112x8xf32, #tpu.memory_space<vmem_shared>> -> memref<10112x8xf32, #tpu.memory_space<vmem_shared>>
    tpu.wait_indirect_dma semaphore(%arg13 : memref<!tpu.dma_semaphore, #tpu.memory_space<semaphore_mem>>) src(%dma_wait3A_1272 : memref<128x8xf32, #tpu.memory_space<vmem>>) dst(%dma_wait3A_1278 : memref<10112x8xf32, #tpu.memory_space<vmem_shared>>)
    %dma_wait3A_1279 = arith.constant 15 : i32
    %dma_wait3A_1280 = arith.constant 15 : i32
    %dma_wait3A_1281 = arith.constant 0 : i32
    %dma_wait3A_1282 = arith.constant 0 : i32
    %dma_wait3A_1283 = tpu.memref_slice %arg9[%dma_wait3A_1279, %dma_wait3A_1281, %dma_wait3A_1282] : memref<25x128x8xf32, #tpu.memory_space<vmem>> -> memref<1x128x8xf32, #tpu.memory_space<vmem>>
    %dma_wait3A_1284 = tpu.memref_squeeze %dma_wait3A_1283 : memref<1x128x8xf32, #tpu.memory_space<vmem>> -> memref<128x8xf32, #tpu.memory_space<vmem>>
    %dma_wait3A_1285 = arith.constant 0 : i32
    %dma_wait3A_1286 = tpu.memref_slice %arg8[%dma_wait3A_1280, %dma_wait3A_1285] : memref<25x128xi32, #tpu.memory_space<vmem>> -> memref<1x128xi32, #tpu.memory_space<vmem>>
    %dma_wait3A_1287 = tpu.memref_squeeze %dma_wait3A_1286 : memref<1x128xi32, #tpu.memory_space<vmem>> -> memref<128xi32, #tpu.memory_space<vmem>>
    %dma_wait3A_1288 = arith.constant 0 : i32
    %dma_wait3A_1289 = arith.constant 0 : i32
    %dma_wait3A_1290 = tpu.memref_slice %arg11[%dma_wait3A_1288, %dma_wait3A_1289] : memref<10112x8xf32, #tpu.memory_space<vmem_shared>> -> memref<10112x8xf32, #tpu.memory_space<vmem_shared>>
    tpu.wait_indirect_dma semaphore(%arg13 : memref<!tpu.dma_semaphore, #tpu.memory_space<semaphore_mem>>) src(%dma_wait3A_1284 : memref<128x8xf32, #tpu.memory_space<vmem>>) dst(%dma_wait3A_1290 : memref<10112x8xf32, #tpu.memory_space<vmem_shared>>)
    %dma_wait3A_1291 = arith.constant 16 : i32
    %dma_wait3A_1292 = arith.constant 16 : i32
    %dma_wait3A_1293 = arith.constant 0 : i32
    %dma_wait3A_1294 = arith.constant 0 : i32
    %dma_wait3A_1295 = tpu.memref_slice %arg9[%dma_wait3A_1291, %dma_wait3A_1293, %dma_wait3A_1294] : memref<25x128x8xf32, #tpu.memory_space<vmem>> -> memref<1x128x8xf32, #tpu.memory_space<vmem>>
    %dma_wait3A_1296 = tpu.memref_squeeze %dma_wait3A_1295 : memref<1x128x8xf32, #tpu.memory_space<vmem>> -> memref<128x8xf32, #tpu.memory_space<vmem>>
    %dma_wait3A_1297 = arith.constant 0 : i32
    %dma_wait3A_1298 = tpu.memref_slice %arg8[%dma_wait3A_1292, %dma_wait3A_1297] : memref<25x128xi32, #tpu.memory_space<vmem>> -> memref<1x128xi32, #tpu.memory_space<vmem>>
    %dma_wait3A_1299 = tpu.memref_squeeze %dma_wait3A_1298 : memref<1x128xi32, #tpu.memory_space<vmem>> -> memref<128xi32, #tpu.memory_space<vmem>>
    %dma_wait3A_1300 = arith.constant 0 : i32
    %dma_wait3A_1301 = arith.constant 0 : i32
    %dma_wait3A_1302 = tpu.memref_slice %arg11[%dma_wait3A_1300, %dma_wait3A_1301] : memref<10112x8xf32, #tpu.memory_space<vmem_shared>> -> memref<10112x8xf32, #tpu.memory_space<vmem_shared>>
    tpu.wait_indirect_dma semaphore(%arg13 : memref<!tpu.dma_semaphore, #tpu.memory_space<semaphore_mem>>) src(%dma_wait3A_1296 : memref<128x8xf32, #tpu.memory_space<vmem>>) dst(%dma_wait3A_1302 : memref<10112x8xf32, #tpu.memory_space<vmem_shared>>)
    %dma_wait3A_1303 = arith.constant 17 : i32
    %dma_wait3A_1304 = arith.constant 17 : i32
    %dma_wait3A_1305 = arith.constant 0 : i32
    %dma_wait3A_1306 = arith.constant 0 : i32
    %dma_wait3A_1307 = tpu.memref_slice %arg9[%dma_wait3A_1303, %dma_wait3A_1305, %dma_wait3A_1306] : memref<25x128x8xf32, #tpu.memory_space<vmem>> -> memref<1x128x8xf32, #tpu.memory_space<vmem>>
    %dma_wait3A_1308 = tpu.memref_squeeze %dma_wait3A_1307 : memref<1x128x8xf32, #tpu.memory_space<vmem>> -> memref<128x8xf32, #tpu.memory_space<vmem>>
    %dma_wait3A_1309 = arith.constant 0 : i32
    %dma_wait3A_1310 = tpu.memref_slice %arg8[%dma_wait3A_1304, %dma_wait3A_1309] : memref<25x128xi32, #tpu.memory_space<vmem>> -> memref<1x128xi32, #tpu.memory_space<vmem>>
    %dma_wait3A_1311 = tpu.memref_squeeze %dma_wait3A_1310 : memref<1x128xi32, #tpu.memory_space<vmem>> -> memref<128xi32, #tpu.memory_space<vmem>>
    %dma_wait3A_1312 = arith.constant 0 : i32
    %dma_wait3A_1313 = arith.constant 0 : i32
    %dma_wait3A_1314 = tpu.memref_slice %arg11[%dma_wait3A_1312, %dma_wait3A_1313] : memref<10112x8xf32, #tpu.memory_space<vmem_shared>> -> memref<10112x8xf32, #tpu.memory_space<vmem_shared>>
    tpu.wait_indirect_dma semaphore(%arg13 : memref<!tpu.dma_semaphore, #tpu.memory_space<semaphore_mem>>) src(%dma_wait3A_1308 : memref<128x8xf32, #tpu.memory_space<vmem>>) dst(%dma_wait3A_1314 : memref<10112x8xf32, #tpu.memory_space<vmem_shared>>)
    %dma_wait3A_1315 = arith.constant 18 : i32
    %dma_wait3A_1316 = arith.constant 18 : i32
    %dma_wait3A_1317 = arith.constant 0 : i32
    %dma_wait3A_1318 = arith.constant 0 : i32
    %dma_wait3A_1319 = tpu.memref_slice %arg9[%dma_wait3A_1315, %dma_wait3A_1317, %dma_wait3A_1318] : memref<25x128x8xf32, #tpu.memory_space<vmem>> -> memref<1x128x8xf32, #tpu.memory_space<vmem>>
    %dma_wait3A_1320 = tpu.memref_squeeze %dma_wait3A_1319 : memref<1x128x8xf32, #tpu.memory_space<vmem>> -> memref<128x8xf32, #tpu.memory_space<vmem>>
    %dma_wait3A_1321 = arith.constant 0 : i32
    %dma_wait3A_1322 = tpu.memref_slice %arg8[%dma_wait3A_1316, %dma_wait3A_1321] : memref<25x128xi32, #tpu.memory_space<vmem>> -> memref<1x128xi32, #tpu.memory_space<vmem>>
    %dma_wait3A_1323 = tpu.memref_squeeze %dma_wait3A_1322 : memref<1x128xi32, #tpu.memory_space<vmem>> -> memref<128xi32, #tpu.memory_space<vmem>>
    %dma_wait3A_1324 = arith.constant 0 : i32
    %dma_wait3A_1325 = arith.constant 0 : i32
    %dma_wait3A_1326 = tpu.memref_slice %arg11[%dma_wait3A_1324, %dma_wait3A_1325] : memref<10112x8xf32, #tpu.memory_space<vmem_shared>> -> memref<10112x8xf32, #tpu.memory_space<vmem_shared>>
    tpu.wait_indirect_dma semaphore(%arg13 : memref<!tpu.dma_semaphore, #tpu.memory_space<semaphore_mem>>) src(%dma_wait3A_1320 : memref<128x8xf32, #tpu.memory_space<vmem>>) dst(%dma_wait3A_1326 : memref<10112x8xf32, #tpu.memory_space<vmem_shared>>)
    %dma_wait3A_1327 = arith.constant 19 : i32
    %dma_wait3A_1328 = arith.constant 19 : i32
    %dma_wait3A_1329 = arith.constant 0 : i32
    %dma_wait3A_1330 = arith.constant 0 : i32
    %dma_wait3A_1331 = tpu.memref_slice %arg9[%dma_wait3A_1327, %dma_wait3A_1329, %dma_wait3A_1330] : memref<25x128x8xf32, #tpu.memory_space<vmem>> -> memref<1x128x8xf32, #tpu.memory_space<vmem>>
    %dma_wait3A_1332 = tpu.memref_squeeze %dma_wait3A_1331 : memref<1x128x8xf32, #tpu.memory_space<vmem>> -> memref<128x8xf32, #tpu.memory_space<vmem>>
    %dma_wait3A_1333 = arith.constant 0 : i32
    %dma_wait3A_1334 = tpu.memref_slice %arg8[%dma_wait3A_1328, %dma_wait3A_1333] : memref<25x128xi32, #tpu.memory_space<vmem>> -> memref<1x128xi32, #tpu.memory_space<vmem>>
    %dma_wait3A_1335 = tpu.memref_squeeze %dma_wait3A_1334 : memref<1x128xi32, #tpu.memory_space<vmem>> -> memref<128xi32, #tpu.memory_space<vmem>>
    %dma_wait3A_1336 = arith.constant 0 : i32
    %dma_wait3A_1337 = arith.constant 0 : i32
    %dma_wait3A_1338 = tpu.memref_slice %arg11[%dma_wait3A_1336, %dma_wait3A_1337] : memref<10112x8xf32, #tpu.memory_space<vmem_shared>> -> memref<10112x8xf32, #tpu.memory_space<vmem_shared>>
    tpu.wait_indirect_dma semaphore(%arg13 : memref<!tpu.dma_semaphore, #tpu.memory_space<semaphore_mem>>) src(%dma_wait3A_1332 : memref<128x8xf32, #tpu.memory_space<vmem>>) dst(%dma_wait3A_1338 : memref<10112x8xf32, #tpu.memory_space<vmem_shared>>)
    %dma_wait3A_1339 = arith.constant 20 : i32
    %dma_wait3A_1340 = arith.constant 20 : i32
    %dma_wait3A_1341 = arith.constant 0 : i32
    %dma_wait3A_1342 = arith.constant 0 : i32
    %dma_wait3A_1343 = tpu.memref_slice %arg9[%dma_wait3A_1339, %dma_wait3A_1341, %dma_wait3A_1342] : memref<25x128x8xf32, #tpu.memory_space<vmem>> -> memref<1x128x8xf32, #tpu.memory_space<vmem>>
    %dma_wait3A_1344 = tpu.memref_squeeze %dma_wait3A_1343 : memref<1x128x8xf32, #tpu.memory_space<vmem>> -> memref<128x8xf32, #tpu.memory_space<vmem>>
    %dma_wait3A_1345 = arith.constant 0 : i32
    %dma_wait3A_1346 = tpu.memref_slice %arg8[%dma_wait3A_1340, %dma_wait3A_1345] : memref<25x128xi32, #tpu.memory_space<vmem>> -> memref<1x128xi32, #tpu.memory_space<vmem>>
    %dma_wait3A_1347 = tpu.memref_squeeze %dma_wait3A_1346 : memref<1x128xi32, #tpu.memory_space<vmem>> -> memref<128xi32, #tpu.memory_space<vmem>>
    %dma_wait3A_1348 = arith.constant 0 : i32
    %dma_wait3A_1349 = arith.constant 0 : i32
    %dma_wait3A_1350 = tpu.memref_slice %arg11[%dma_wait3A_1348, %dma_wait3A_1349] : memref<10112x8xf32, #tpu.memory_space<vmem_shared>> -> memref<10112x8xf32, #tpu.memory_space<vmem_shared>>
    tpu.wait_indirect_dma semaphore(%arg13 : memref<!tpu.dma_semaphore, #tpu.memory_space<semaphore_mem>>) src(%dma_wait3A_1344 : memref<128x8xf32, #tpu.memory_space<vmem>>) dst(%dma_wait3A_1350 : memref<10112x8xf32, #tpu.memory_space<vmem_shared>>)
    %dma_wait3A_1351 = arith.constant 21 : i32
    %dma_wait3A_1352 = arith.constant 21 : i32
    %dma_wait3A_1353 = arith.constant 0 : i32
    %dma_wait3A_1354 = arith.constant 0 : i32
    %dma_wait3A_1355 = tpu.memref_slice %arg9[%dma_wait3A_1351, %dma_wait3A_1353, %dma_wait3A_1354] : memref<25x128x8xf32, #tpu.memory_space<vmem>> -> memref<1x128x8xf32, #tpu.memory_space<vmem>>
    %dma_wait3A_1356 = tpu.memref_squeeze %dma_wait3A_1355 : memref<1x128x8xf32, #tpu.memory_space<vmem>> -> memref<128x8xf32, #tpu.memory_space<vmem>>
    %dma_wait3A_1357 = arith.constant 0 : i32
    %dma_wait3A_1358 = tpu.memref_slice %arg8[%dma_wait3A_1352, %dma_wait3A_1357] : memref<25x128xi32, #tpu.memory_space<vmem>> -> memref<1x128xi32, #tpu.memory_space<vmem>>
    %dma_wait3A_1359 = tpu.memref_squeeze %dma_wait3A_1358 : memref<1x128xi32, #tpu.memory_space<vmem>> -> memref<128xi32, #tpu.memory_space<vmem>>
    %dma_wait3A_1360 = arith.constant 0 : i32
    %dma_wait3A_1361 = arith.constant 0 : i32
    %dma_wait3A_1362 = tpu.memref_slice %arg11[%dma_wait3A_1360, %dma_wait3A_1361] : memref<10112x8xf32, #tpu.memory_space<vmem_shared>> -> memref<10112x8xf32, #tpu.memory_space<vmem_shared>>
    tpu.wait_indirect_dma semaphore(%arg13 : memref<!tpu.dma_semaphore, #tpu.memory_space<semaphore_mem>>) src(%dma_wait3A_1356 : memref<128x8xf32, #tpu.memory_space<vmem>>) dst(%dma_wait3A_1362 : memref<10112x8xf32, #tpu.memory_space<vmem_shared>>)
    %dma_wait3A_1363 = arith.constant 22 : i32
    %dma_wait3A_1364 = arith.constant 22 : i32
    %dma_wait3A_1365 = arith.constant 0 : i32
    %dma_wait3A_1366 = arith.constant 0 : i32
    %dma_wait3A_1367 = tpu.memref_slice %arg9[%dma_wait3A_1363, %dma_wait3A_1365, %dma_wait3A_1366] : memref<25x128x8xf32, #tpu.memory_space<vmem>> -> memref<1x128x8xf32, #tpu.memory_space<vmem>>
    %dma_wait3A_1368 = tpu.memref_squeeze %dma_wait3A_1367 : memref<1x128x8xf32, #tpu.memory_space<vmem>> -> memref<128x8xf32, #tpu.memory_space<vmem>>
    %dma_wait3A_1369 = arith.constant 0 : i32
    %dma_wait3A_1370 = tpu.memref_slice %arg8[%dma_wait3A_1364, %dma_wait3A_1369] : memref<25x128xi32, #tpu.memory_space<vmem>> -> memref<1x128xi32, #tpu.memory_space<vmem>>
    %dma_wait3A_1371 = tpu.memref_squeeze %dma_wait3A_1370 : memref<1x128xi32, #tpu.memory_space<vmem>> -> memref<128xi32, #tpu.memory_space<vmem>>
    %dma_wait3A_1372 = arith.constant 0 : i32
    %dma_wait3A_1373 = arith.constant 0 : i32
    %dma_wait3A_1374 = tpu.memref_slice %arg11[%dma_wait3A_1372, %dma_wait3A_1373] : memref<10112x8xf32, #tpu.memory_space<vmem_shared>> -> memref<10112x8xf32, #tpu.memory_space<vmem_shared>>
    tpu.wait_indirect_dma semaphore(%arg13 : memref<!tpu.dma_semaphore, #tpu.memory_space<semaphore_mem>>) src(%dma_wait3A_1368 : memref<128x8xf32, #tpu.memory_space<vmem>>) dst(%dma_wait3A_1374 : memref<10112x8xf32, #tpu.memory_space<vmem_shared>>)
    %dma_wait3A_1375 = arith.constant 23 : i32
    %dma_wait3A_1376 = arith.constant 23 : i32
    %dma_wait3A_1377 = arith.constant 0 : i32
    %dma_wait3A_1378 = arith.constant 0 : i32
    %dma_wait3A_1379 = tpu.memref_slice %arg9[%dma_wait3A_1375, %dma_wait3A_1377, %dma_wait3A_1378] : memref<25x128x8xf32, #tpu.memory_space<vmem>> -> memref<1x128x8xf32, #tpu.memory_space<vmem>>
    %dma_wait3A_1380 = tpu.memref_squeeze %dma_wait3A_1379 : memref<1x128x8xf32, #tpu.memory_space<vmem>> -> memref<128x8xf32, #tpu.memory_space<vmem>>
    %dma_wait3A_1381 = arith.constant 0 : i32
    %dma_wait3A_1382 = tpu.memref_slice %arg8[%dma_wait3A_1376, %dma_wait3A_1381] : memref<25x128xi32, #tpu.memory_space<vmem>> -> memref<1x128xi32, #tpu.memory_space<vmem>>
    %dma_wait3A_1383 = tpu.memref_squeeze %dma_wait3A_1382 : memref<1x128xi32, #tpu.memory_space<vmem>> -> memref<128xi32, #tpu.memory_space<vmem>>
    %dma_wait3A_1384 = arith.constant 0 : i32
    %dma_wait3A_1385 = arith.constant 0 : i32
    %dma_wait3A_1386 = tpu.memref_slice %arg11[%dma_wait3A_1384, %dma_wait3A_1385] : memref<10112x8xf32, #tpu.memory_space<vmem_shared>> -> memref<10112x8xf32, #tpu.memory_space<vmem_shared>>
    tpu.wait_indirect_dma semaphore(%arg13 : memref<!tpu.dma_semaphore, #tpu.memory_space<semaphore_mem>>) src(%dma_wait3A_1380 : memref<128x8xf32, #tpu.memory_space<vmem>>) dst(%dma_wait3A_1386 : memref<10112x8xf32, #tpu.memory_space<vmem_shared>>)
    %dma_wait3A_1387 = arith.constant 24 : i32
    %dma_wait3A_1388 = arith.constant 24 : i32
    %dma_wait3A_1389 = arith.constant 0 : i32
    %dma_wait3A_1390 = arith.constant 0 : i32
    %dma_wait3A_1391 = tpu.memref_slice %arg9[%dma_wait3A_1387, %dma_wait3A_1389, %dma_wait3A_1390] : memref<25x128x8xf32, #tpu.memory_space<vmem>> -> memref<1x128x8xf32, #tpu.memory_space<vmem>>
    %dma_wait3A_1392 = tpu.memref_squeeze %dma_wait3A_1391 : memref<1x128x8xf32, #tpu.memory_space<vmem>> -> memref<128x8xf32, #tpu.memory_space<vmem>>
    %dma_wait3A_1393 = arith.constant 0 : i32
    %dma_wait3A_1394 = tpu.memref_slice %arg8[%dma_wait3A_1388, %dma_wait3A_1393] : memref<25x128xi32, #tpu.memory_space<vmem>> -> memref<1x128xi32, #tpu.memory_space<vmem>>
    %dma_wait3A_1395 = tpu.memref_squeeze %dma_wait3A_1394 : memref<1x128xi32, #tpu.memory_space<vmem>> -> memref<128xi32, #tpu.memory_space<vmem>>
    %dma_wait3A_1396 = arith.constant 0 : i32
    %dma_wait3A_1397 = arith.constant 0 : i32
    %dma_wait3A_1398 = tpu.memref_slice %arg11[%dma_wait3A_1396, %dma_wait3A_1397] : memref<10112x8xf32, #tpu.memory_space<vmem_shared>> -> memref<10112x8xf32, #tpu.memory_space<vmem_shared>>
    tpu.wait_indirect_dma semaphore(%arg13 : memref<!tpu.dma_semaphore, #tpu.memory_space<semaphore_mem>>) src(%dma_wait3A_1392 : memref<128x8xf32, #tpu.memory_space<vmem>>) dst(%dma_wait3A_1398 : memref<10112x8xf32, #tpu.memory_space<vmem_shared>>)
    %barrier3A_1399 = arith.constant 0 : index
    tpu.barrier barrier_id(%barrier3A_1399)
    "tpu.region"() ({
      %run_scoped3A = tpu.sem_alloc : memref<!tpu.dma_semaphore, #tpu.memory_space<semaphore_mem>>
      %dma_start3A_1400 = arith.constant 0 : i32
      %dma_start3A_1401 = arith.constant 0 : i32
      %dma_start3A_1402 = tpu.memref_slice %arg6[%arg0, %dma_start3A_1400, %dma_start3A_1401] : memref<2x10112x8xf32, #tpu.memory_space<hbm>> -> memref<1x10112x8xf32, #tpu.memory_space<hbm>>
      %dma_start3A_1403 = tpu.memref_squeeze %dma_start3A_1402 : memref<1x10112x8xf32, #tpu.memory_space<hbm>> -> memref<10112x8xf32, #tpu.memory_space<hbm>>
      %dma_start3A_1404 = arith.constant 0 : i32
      %dma_start3A_1405 = tpu.memref_slice %dma_start3A_1403[%mul3A_0, %dma_start3A_1404] : memref<10112x8xf32, #tpu.memory_space<hbm>> -> memref<632x8xf32, #tpu.memory_space<hbm>>
      %dma_start3A_1406 = arith.constant 0 : i32
      %dma_start3A_1407 = tpu.memref_slice %arg11[%mul3A_0, %dma_start3A_1406] : memref<10112x8xf32, #tpu.memory_space<vmem_shared>> -> memref<632x8xf32, #tpu.memory_space<vmem_shared>>
      tpu.enqueue_dma source(%dma_start3A_1407 : memref<632x8xf32, #tpu.memory_space<vmem_shared>>) target(%dma_start3A_1405 : memref<632x8xf32, #tpu.memory_space<hbm>>) target_semaphore(%run_scoped3A : memref<!tpu.dma_semaphore, #tpu.memory_space<semaphore_mem>>)
      %dma_wait3A_1408 = arith.constant 0 : i32
      %dma_wait3A_1409 = arith.constant 0 : i32
      %dma_wait3A_1410 = tpu.memref_slice %arg6[%arg0, %dma_wait3A_1408, %dma_wait3A_1409] : memref<2x10112x8xf32, #tpu.memory_space<hbm>> -> memref<1x10112x8xf32, #tpu.memory_space<hbm>>
      %dma_wait3A_1411 = tpu.memref_squeeze %dma_wait3A_1410 : memref<1x10112x8xf32, #tpu.memory_space<hbm>> -> memref<10112x8xf32, #tpu.memory_space<hbm>>
      %dma_wait3A_1412 = arith.constant 0 : i32
      %dma_wait3A_1413 = tpu.memref_slice %dma_wait3A_1411[%mul3A_0, %dma_wait3A_1412] : memref<10112x8xf32, #tpu.memory_space<hbm>> -> memref<632x8xf32, #tpu.memory_space<hbm>>
      %dma_wait3A_1414 = arith.constant 0 : i32
      %dma_wait3A_1415 = tpu.memref_slice %arg11[%mul3A_0, %dma_wait3A_1414] : memref<10112x8xf32, #tpu.memory_space<vmem_shared>> -> memref<632x8xf32, #tpu.memory_space<vmem_shared>>
      tpu.wait_dma2 semaphore(%run_scoped3A : memref<!tpu.dma_semaphore, #tpu.memory_space<semaphore_mem>>) src(%dma_wait3A_1415 : memref<632x8xf32, #tpu.memory_space<vmem_shared>>) dst(%dma_wait3A_1413 : memref<632x8xf32, #tpu.memory_space<hbm>>)
      tpu.yield
    }) : () -> ()
    return
  }
}

#map = affine_map<(d0, d1) -> (0, 0, 0)>
#map1 = affine_map<(d0, d1) -> (0, 0)>
module attributes {stable_mosaic.version = 14 : i64} {
  func.func @_deg_body(%arg0: i32, %arg1: i32, %arg2: memref<32x25x128xi32, #tpu.memory_space<hbm>>, %arg3: memref<10112x8xf32, #tpu.memory_space<hbm>>, %arg4: memref<128x8xf32, #tpu.memory_space<hbm>>, %arg5: memref<2x10112x8xf32, #tpu.memory_space<hbm>>, %arg6: memref<25x128xi32, #tpu.memory_space<vmem>>, %arg7: memref<128x8xf32, #tpu.memory_space<vmem>>, %arg8: memref<10112x8xf32, #tpu.memory_space<vmem_shared>>, %arg9: memref<!tpu.dma_semaphore, #tpu.memory_space<semaphore_mem>>) attributes {dimension_semantics = [#tpu.dimension_semantics<core_parallel>, #tpu.dimension_semantics<subcore_parallel>], iteration_bounds = array<i64: 2, 16>, scalar_prefetch = 0 : i64, scratch_operands = 4 : i64, tpu.core_type = #tpu.core_type<sc_vector_subcore>, window_params = [{transform_indices = #map}, {transform_indices = #map1}, {transform_indices = #map1}, {transform_indices = #map}]} {
    %mul3A = arith.constant 632 : i32
    %mul3A_0 = arith.muli %arg1, %mul3A : i32
    %mul3A_1 = arith.constant 16 : i32
    %mul3A_2 = arith.muli %arg0, %mul3A_1 : i32
    %add3A = arith.addi %mul3A_2, %arg1 : i32
    %dma_start3A = arith.constant 0 : i32
    %dma_start3A_3 = tpu.memref_slice %arg8[%mul3A_0, %dma_start3A] : memref<10112x8xf32, #tpu.memory_space<vmem_shared>> -> memref<632x8xf32, #tpu.memory_space<vmem_shared>>
    %dma_start3A_4 = arith.constant 0 : i32
    %dma_start3A_5 = tpu.memref_slice %arg3[%mul3A_0, %dma_start3A_4] : memref<10112x8xf32, #tpu.memory_space<hbm>> -> memref<632x8xf32, #tpu.memory_space<hbm>>
    tpu.enqueue_dma source(%dma_start3A_5 : memref<632x8xf32, #tpu.memory_space<hbm>>) target(%dma_start3A_3 : memref<632x8xf32, #tpu.memory_space<vmem_shared>>) target_semaphore(%arg9 : memref<!tpu.dma_semaphore, #tpu.memory_space<semaphore_mem>>)
    tpu.enqueue_dma source(%arg4 : memref<128x8xf32, #tpu.memory_space<hbm>>) target(%arg7 : memref<128x8xf32, #tpu.memory_space<vmem>>) target_semaphore(%arg9 : memref<!tpu.dma_semaphore, #tpu.memory_space<semaphore_mem>>)
    %dma_start3A_6 = arith.constant 0 : i32
    %dma_start3A_7 = arith.constant 0 : i32
    %dma_start3A_8 = tpu.memref_slice %arg2[%add3A, %dma_start3A_6, %dma_start3A_7] : memref<32x25x128xi32, #tpu.memory_space<hbm>> -> memref<1x25x128xi32, #tpu.memory_space<hbm>>
    %dma_start3A_9 = tpu.memref_squeeze %dma_start3A_8 : memref<1x25x128xi32, #tpu.memory_space<hbm>> -> memref<25x128xi32, #tpu.memory_space<hbm>>
    %dma_start3A_10 = arith.constant 0 : i32
    %dma_start3A_11 = arith.constant 0 : i32
    %dma_start3A_12 = tpu.memref_slice %arg2[%add3A, %dma_start3A_10, %dma_start3A_11] : memref<32x25x128xi32, #tpu.memory_space<hbm>> -> memref<1x25x128xi32, #tpu.memory_space<hbm>>
    %dma_start3A_13 = tpu.memref_squeeze %dma_start3A_12 : memref<1x25x128xi32, #tpu.memory_space<hbm>> -> memref<25x128xi32, #tpu.memory_space<hbm>>
    tpu.enqueue_dma source(%dma_start3A_13 : memref<25x128xi32, #tpu.memory_space<hbm>>) target(%arg6 : memref<25x128xi32, #tpu.memory_space<vmem>>) target_semaphore(%arg9 : memref<!tpu.dma_semaphore, #tpu.memory_space<semaphore_mem>>)
    %dma_wait3A = arith.constant 0 : i32
    %dma_wait3A_14 = tpu.memref_slice %arg8[%mul3A_0, %dma_wait3A] : memref<10112x8xf32, #tpu.memory_space<vmem_shared>> -> memref<632x8xf32, #tpu.memory_space<vmem_shared>>
    %dma_wait3A_15 = arith.constant 0 : i32
    %dma_wait3A_16 = tpu.memref_slice %arg3[%mul3A_0, %dma_wait3A_15] : memref<10112x8xf32, #tpu.memory_space<hbm>> -> memref<632x8xf32, #tpu.memory_space<hbm>>
    tpu.wait_dma2 semaphore(%arg9 : memref<!tpu.dma_semaphore, #tpu.memory_space<semaphore_mem>>) src(%dma_wait3A_16 : memref<632x8xf32, #tpu.memory_space<hbm>>) dst(%dma_wait3A_14 : memref<632x8xf32, #tpu.memory_space<vmem_shared>>)
    tpu.wait_dma2 semaphore(%arg9 : memref<!tpu.dma_semaphore, #tpu.memory_space<semaphore_mem>>) src(%arg4 : memref<128x8xf32, #tpu.memory_space<hbm>>) dst(%arg7 : memref<128x8xf32, #tpu.memory_space<vmem>>)
    %dma_wait3A_17 = arith.constant 0 : i32
    %dma_wait3A_18 = arith.constant 0 : i32
    %dma_wait3A_19 = tpu.memref_slice %arg2[%add3A, %dma_wait3A_17, %dma_wait3A_18] : memref<32x25x128xi32, #tpu.memory_space<hbm>> -> memref<1x25x128xi32, #tpu.memory_space<hbm>>
    %dma_wait3A_20 = tpu.memref_squeeze %dma_wait3A_19 : memref<1x25x128xi32, #tpu.memory_space<hbm>> -> memref<25x128xi32, #tpu.memory_space<hbm>>
    %dma_wait3A_21 = arith.constant 0 : i32
    %dma_wait3A_22 = arith.constant 0 : i32
    %dma_wait3A_23 = tpu.memref_slice %arg2[%add3A, %dma_wait3A_21, %dma_wait3A_22] : memref<32x25x128xi32, #tpu.memory_space<hbm>> -> memref<1x25x128xi32, #tpu.memory_space<hbm>>
    %dma_wait3A_24 = tpu.memref_squeeze %dma_wait3A_23 : memref<1x25x128xi32, #tpu.memory_space<hbm>> -> memref<25x128xi32, #tpu.memory_space<hbm>>
    tpu.wait_dma2 semaphore(%arg9 : memref<!tpu.dma_semaphore, #tpu.memory_space<semaphore_mem>>) src(%dma_wait3A_24 : memref<25x128xi32, #tpu.memory_space<hbm>>) dst(%arg6 : memref<25x128xi32, #tpu.memory_space<vmem>>)
    %barrier3A = arith.constant 0 : index
    tpu.barrier barrier_id(%barrier3A)
    %dma_start3A_25 = arith.constant 0 : i32
    %dma_start3A_26 = arith.constant 0 : i32
    %dma_start3A_27 = tpu.memref_slice %arg6[%dma_start3A_25, %dma_start3A_26] : memref<25x128xi32, #tpu.memory_space<vmem>> -> memref<1x128xi32, #tpu.memory_space<vmem>>
    %dma_start3A_28 = tpu.memref_squeeze %dma_start3A_27 : memref<1x128xi32, #tpu.memory_space<vmem>> -> memref<128xi32, #tpu.memory_space<vmem>>
    %dma_start3A_29 = arith.constant 0 : i32
    %dma_start3A_30 = arith.constant 0 : i32
    %dma_start3A_31 = tpu.memref_slice %arg8[%dma_start3A_29, %dma_start3A_30] : memref<10112x8xf32, #tpu.memory_space<vmem_shared>> -> memref<10112x8xf32, #tpu.memory_space<vmem_shared>>
    tpu.enqueue_indirect_dma source(%arg7 : memref<128x8xf32, #tpu.memory_space<vmem>>) target(%dma_start3A_31 : memref<10112x8xf32, #tpu.memory_space<vmem_shared>>) offsets(%dma_start3A_28 : memref<128xi32, #tpu.memory_space<vmem>>) semaphore(%arg9 : memref<!tpu.dma_semaphore, #tpu.memory_space<semaphore_mem>>) {add = true}
    %dma_start3A_32 = arith.constant 1 : i32
    %dma_start3A_33 = arith.constant 0 : i32
    %dma_start3A_34 = tpu.memref_slice %arg6[%dma_start3A_32, %dma_start3A_33] : memref<25x128xi32, #tpu.memory_space<vmem>> -> memref<1x128xi32, #tpu.memory_space<vmem>>
    %dma_start3A_35 = tpu.memref_squeeze %dma_start3A_34 : memref<1x128xi32, #tpu.memory_space<vmem>> -> memref<128xi32, #tpu.memory_space<vmem>>
    %dma_start3A_36 = arith.constant 0 : i32
    %dma_start3A_37 = arith.constant 0 : i32
    %dma_start3A_38 = tpu.memref_slice %arg8[%dma_start3A_36, %dma_start3A_37] : memref<10112x8xf32, #tpu.memory_space<vmem_shared>> -> memref<10112x8xf32, #tpu.memory_space<vmem_shared>>
    tpu.enqueue_indirect_dma source(%arg7 : memref<128x8xf32, #tpu.memory_space<vmem>>) target(%dma_start3A_38 : memref<10112x8xf32, #tpu.memory_space<vmem_shared>>) offsets(%dma_start3A_35 : memref<128xi32, #tpu.memory_space<vmem>>) semaphore(%arg9 : memref<!tpu.dma_semaphore, #tpu.memory_space<semaphore_mem>>) {add = true}
    %dma_start3A_39 = arith.constant 2 : i32
    %dma_start3A_40 = arith.constant 0 : i32
    %dma_start3A_41 = tpu.memref_slice %arg6[%dma_start3A_39, %dma_start3A_40] : memref<25x128xi32, #tpu.memory_space<vmem>> -> memref<1x128xi32, #tpu.memory_space<vmem>>
    %dma_start3A_42 = tpu.memref_squeeze %dma_start3A_41 : memref<1x128xi32, #tpu.memory_space<vmem>> -> memref<128xi32, #tpu.memory_space<vmem>>
    %dma_start3A_43 = arith.constant 0 : i32
    %dma_start3A_44 = arith.constant 0 : i32
    %dma_start3A_45 = tpu.memref_slice %arg8[%dma_start3A_43, %dma_start3A_44] : memref<10112x8xf32, #tpu.memory_space<vmem_shared>> -> memref<10112x8xf32, #tpu.memory_space<vmem_shared>>
    tpu.enqueue_indirect_dma source(%arg7 : memref<128x8xf32, #tpu.memory_space<vmem>>) target(%dma_start3A_45 : memref<10112x8xf32, #tpu.memory_space<vmem_shared>>) offsets(%dma_start3A_42 : memref<128xi32, #tpu.memory_space<vmem>>) semaphore(%arg9 : memref<!tpu.dma_semaphore, #tpu.memory_space<semaphore_mem>>) {add = true}
    %dma_start3A_46 = arith.constant 3 : i32
    %dma_start3A_47 = arith.constant 0 : i32
    %dma_start3A_48 = tpu.memref_slice %arg6[%dma_start3A_46, %dma_start3A_47] : memref<25x128xi32, #tpu.memory_space<vmem>> -> memref<1x128xi32, #tpu.memory_space<vmem>>
    %dma_start3A_49 = tpu.memref_squeeze %dma_start3A_48 : memref<1x128xi32, #tpu.memory_space<vmem>> -> memref<128xi32, #tpu.memory_space<vmem>>
    %dma_start3A_50 = arith.constant 0 : i32
    %dma_start3A_51 = arith.constant 0 : i32
    %dma_start3A_52 = tpu.memref_slice %arg8[%dma_start3A_50, %dma_start3A_51] : memref<10112x8xf32, #tpu.memory_space<vmem_shared>> -> memref<10112x8xf32, #tpu.memory_space<vmem_shared>>
    tpu.enqueue_indirect_dma source(%arg7 : memref<128x8xf32, #tpu.memory_space<vmem>>) target(%dma_start3A_52 : memref<10112x8xf32, #tpu.memory_space<vmem_shared>>) offsets(%dma_start3A_49 : memref<128xi32, #tpu.memory_space<vmem>>) semaphore(%arg9 : memref<!tpu.dma_semaphore, #tpu.memory_space<semaphore_mem>>) {add = true}
    %dma_start3A_53 = arith.constant 4 : i32
    %dma_start3A_54 = arith.constant 0 : i32
    %dma_start3A_55 = tpu.memref_slice %arg6[%dma_start3A_53, %dma_start3A_54] : memref<25x128xi32, #tpu.memory_space<vmem>> -> memref<1x128xi32, #tpu.memory_space<vmem>>
    %dma_start3A_56 = tpu.memref_squeeze %dma_start3A_55 : memref<1x128xi32, #tpu.memory_space<vmem>> -> memref<128xi32, #tpu.memory_space<vmem>>
    %dma_start3A_57 = arith.constant 0 : i32
    %dma_start3A_58 = arith.constant 0 : i32
    %dma_start3A_59 = tpu.memref_slice %arg8[%dma_start3A_57, %dma_start3A_58] : memref<10112x8xf32, #tpu.memory_space<vmem_shared>> -> memref<10112x8xf32, #tpu.memory_space<vmem_shared>>
    tpu.enqueue_indirect_dma source(%arg7 : memref<128x8xf32, #tpu.memory_space<vmem>>) target(%dma_start3A_59 : memref<10112x8xf32, #tpu.memory_space<vmem_shared>>) offsets(%dma_start3A_56 : memref<128xi32, #tpu.memory_space<vmem>>) semaphore(%arg9 : memref<!tpu.dma_semaphore, #tpu.memory_space<semaphore_mem>>) {add = true}
    %dma_start3A_60 = arith.constant 5 : i32
    %dma_start3A_61 = arith.constant 0 : i32
    %dma_start3A_62 = tpu.memref_slice %arg6[%dma_start3A_60, %dma_start3A_61] : memref<25x128xi32, #tpu.memory_space<vmem>> -> memref<1x128xi32, #tpu.memory_space<vmem>>
    %dma_start3A_63 = tpu.memref_squeeze %dma_start3A_62 : memref<1x128xi32, #tpu.memory_space<vmem>> -> memref<128xi32, #tpu.memory_space<vmem>>
    %dma_start3A_64 = arith.constant 0 : i32
    %dma_start3A_65 = arith.constant 0 : i32
    %dma_start3A_66 = tpu.memref_slice %arg8[%dma_start3A_64, %dma_start3A_65] : memref<10112x8xf32, #tpu.memory_space<vmem_shared>> -> memref<10112x8xf32, #tpu.memory_space<vmem_shared>>
    tpu.enqueue_indirect_dma source(%arg7 : memref<128x8xf32, #tpu.memory_space<vmem>>) target(%dma_start3A_66 : memref<10112x8xf32, #tpu.memory_space<vmem_shared>>) offsets(%dma_start3A_63 : memref<128xi32, #tpu.memory_space<vmem>>) semaphore(%arg9 : memref<!tpu.dma_semaphore, #tpu.memory_space<semaphore_mem>>) {add = true}
    %dma_start3A_67 = arith.constant 6 : i32
    %dma_start3A_68 = arith.constant 0 : i32
    %dma_start3A_69 = tpu.memref_slice %arg6[%dma_start3A_67, %dma_start3A_68] : memref<25x128xi32, #tpu.memory_space<vmem>> -> memref<1x128xi32, #tpu.memory_space<vmem>>
    %dma_start3A_70 = tpu.memref_squeeze %dma_start3A_69 : memref<1x128xi32, #tpu.memory_space<vmem>> -> memref<128xi32, #tpu.memory_space<vmem>>
    %dma_start3A_71 = arith.constant 0 : i32
    %dma_start3A_72 = arith.constant 0 : i32
    %dma_start3A_73 = tpu.memref_slice %arg8[%dma_start3A_71, %dma_start3A_72] : memref<10112x8xf32, #tpu.memory_space<vmem_shared>> -> memref<10112x8xf32, #tpu.memory_space<vmem_shared>>
    tpu.enqueue_indirect_dma source(%arg7 : memref<128x8xf32, #tpu.memory_space<vmem>>) target(%dma_start3A_73 : memref<10112x8xf32, #tpu.memory_space<vmem_shared>>) offsets(%dma_start3A_70 : memref<128xi32, #tpu.memory_space<vmem>>) semaphore(%arg9 : memref<!tpu.dma_semaphore, #tpu.memory_space<semaphore_mem>>) {add = true}
    %dma_start3A_74 = arith.constant 7 : i32
    %dma_start3A_75 = arith.constant 0 : i32
    %dma_start3A_76 = tpu.memref_slice %arg6[%dma_start3A_74, %dma_start3A_75] : memref<25x128xi32, #tpu.memory_space<vmem>> -> memref<1x128xi32, #tpu.memory_space<vmem>>
    %dma_start3A_77 = tpu.memref_squeeze %dma_start3A_76 : memref<1x128xi32, #tpu.memory_space<vmem>> -> memref<128xi32, #tpu.memory_space<vmem>>
    %dma_start3A_78 = arith.constant 0 : i32
    %dma_start3A_79 = arith.constant 0 : i32
    %dma_start3A_80 = tpu.memref_slice %arg8[%dma_start3A_78, %dma_start3A_79] : memref<10112x8xf32, #tpu.memory_space<vmem_shared>> -> memref<10112x8xf32, #tpu.memory_space<vmem_shared>>
    tpu.enqueue_indirect_dma source(%arg7 : memref<128x8xf32, #tpu.memory_space<vmem>>) target(%dma_start3A_80 : memref<10112x8xf32, #tpu.memory_space<vmem_shared>>) offsets(%dma_start3A_77 : memref<128xi32, #tpu.memory_space<vmem>>) semaphore(%arg9 : memref<!tpu.dma_semaphore, #tpu.memory_space<semaphore_mem>>) {add = true}
    %dma_start3A_81 = arith.constant 8 : i32
    %dma_start3A_82 = arith.constant 0 : i32
    %dma_start3A_83 = tpu.memref_slice %arg6[%dma_start3A_81, %dma_start3A_82] : memref<25x128xi32, #tpu.memory_space<vmem>> -> memref<1x128xi32, #tpu.memory_space<vmem>>
    %dma_start3A_84 = tpu.memref_squeeze %dma_start3A_83 : memref<1x128xi32, #tpu.memory_space<vmem>> -> memref<128xi32, #tpu.memory_space<vmem>>
    %dma_start3A_85 = arith.constant 0 : i32
    %dma_start3A_86 = arith.constant 0 : i32
    %dma_start3A_87 = tpu.memref_slice %arg8[%dma_start3A_85, %dma_start3A_86] : memref<10112x8xf32, #tpu.memory_space<vmem_shared>> -> memref<10112x8xf32, #tpu.memory_space<vmem_shared>>
    tpu.enqueue_indirect_dma source(%arg7 : memref<128x8xf32, #tpu.memory_space<vmem>>) target(%dma_start3A_87 : memref<10112x8xf32, #tpu.memory_space<vmem_shared>>) offsets(%dma_start3A_84 : memref<128xi32, #tpu.memory_space<vmem>>) semaphore(%arg9 : memref<!tpu.dma_semaphore, #tpu.memory_space<semaphore_mem>>) {add = true}
    %dma_start3A_88 = arith.constant 9 : i32
    %dma_start3A_89 = arith.constant 0 : i32
    %dma_start3A_90 = tpu.memref_slice %arg6[%dma_start3A_88, %dma_start3A_89] : memref<25x128xi32, #tpu.memory_space<vmem>> -> memref<1x128xi32, #tpu.memory_space<vmem>>
    %dma_start3A_91 = tpu.memref_squeeze %dma_start3A_90 : memref<1x128xi32, #tpu.memory_space<vmem>> -> memref<128xi32, #tpu.memory_space<vmem>>
    %dma_start3A_92 = arith.constant 0 : i32
    %dma_start3A_93 = arith.constant 0 : i32
    %dma_start3A_94 = tpu.memref_slice %arg8[%dma_start3A_92, %dma_start3A_93] : memref<10112x8xf32, #tpu.memory_space<vmem_shared>> -> memref<10112x8xf32, #tpu.memory_space<vmem_shared>>
    tpu.enqueue_indirect_dma source(%arg7 : memref<128x8xf32, #tpu.memory_space<vmem>>) target(%dma_start3A_94 : memref<10112x8xf32, #tpu.memory_space<vmem_shared>>) offsets(%dma_start3A_91 : memref<128xi32, #tpu.memory_space<vmem>>) semaphore(%arg9 : memref<!tpu.dma_semaphore, #tpu.memory_space<semaphore_mem>>) {add = true}
    %dma_start3A_95 = arith.constant 10 : i32
    %dma_start3A_96 = arith.constant 0 : i32
    %dma_start3A_97 = tpu.memref_slice %arg6[%dma_start3A_95, %dma_start3A_96] : memref<25x128xi32, #tpu.memory_space<vmem>> -> memref<1x128xi32, #tpu.memory_space<vmem>>
    %dma_start3A_98 = tpu.memref_squeeze %dma_start3A_97 : memref<1x128xi32, #tpu.memory_space<vmem>> -> memref<128xi32, #tpu.memory_space<vmem>>
    %dma_start3A_99 = arith.constant 0 : i32
    %dma_start3A_100 = arith.constant 0 : i32
    %dma_start3A_101 = tpu.memref_slice %arg8[%dma_start3A_99, %dma_start3A_100] : memref<10112x8xf32, #tpu.memory_space<vmem_shared>> -> memref<10112x8xf32, #tpu.memory_space<vmem_shared>>
    tpu.enqueue_indirect_dma source(%arg7 : memref<128x8xf32, #tpu.memory_space<vmem>>) target(%dma_start3A_101 : memref<10112x8xf32, #tpu.memory_space<vmem_shared>>) offsets(%dma_start3A_98 : memref<128xi32, #tpu.memory_space<vmem>>) semaphore(%arg9 : memref<!tpu.dma_semaphore, #tpu.memory_space<semaphore_mem>>) {add = true}
    %dma_start3A_102 = arith.constant 11 : i32
    %dma_start3A_103 = arith.constant 0 : i32
    %dma_start3A_104 = tpu.memref_slice %arg6[%dma_start3A_102, %dma_start3A_103] : memref<25x128xi32, #tpu.memory_space<vmem>> -> memref<1x128xi32, #tpu.memory_space<vmem>>
    %dma_start3A_105 = tpu.memref_squeeze %dma_start3A_104 : memref<1x128xi32, #tpu.memory_space<vmem>> -> memref<128xi32, #tpu.memory_space<vmem>>
    %dma_start3A_106 = arith.constant 0 : i32
    %dma_start3A_107 = arith.constant 0 : i32
    %dma_start3A_108 = tpu.memref_slice %arg8[%dma_start3A_106, %dma_start3A_107] : memref<10112x8xf32, #tpu.memory_space<vmem_shared>> -> memref<10112x8xf32, #tpu.memory_space<vmem_shared>>
    tpu.enqueue_indirect_dma source(%arg7 : memref<128x8xf32, #tpu.memory_space<vmem>>) target(%dma_start3A_108 : memref<10112x8xf32, #tpu.memory_space<vmem_shared>>) offsets(%dma_start3A_105 : memref<128xi32, #tpu.memory_space<vmem>>) semaphore(%arg9 : memref<!tpu.dma_semaphore, #tpu.memory_space<semaphore_mem>>) {add = true}
    %dma_start3A_109 = arith.constant 12 : i32
    %dma_start3A_110 = arith.constant 0 : i32
    %dma_start3A_111 = tpu.memref_slice %arg6[%dma_start3A_109, %dma_start3A_110] : memref<25x128xi32, #tpu.memory_space<vmem>> -> memref<1x128xi32, #tpu.memory_space<vmem>>
    %dma_start3A_112 = tpu.memref_squeeze %dma_start3A_111 : memref<1x128xi32, #tpu.memory_space<vmem>> -> memref<128xi32, #tpu.memory_space<vmem>>
    %dma_start3A_113 = arith.constant 0 : i32
    %dma_start3A_114 = arith.constant 0 : i32
    %dma_start3A_115 = tpu.memref_slice %arg8[%dma_start3A_113, %dma_start3A_114] : memref<10112x8xf32, #tpu.memory_space<vmem_shared>> -> memref<10112x8xf32, #tpu.memory_space<vmem_shared>>
    tpu.enqueue_indirect_dma source(%arg7 : memref<128x8xf32, #tpu.memory_space<vmem>>) target(%dma_start3A_115 : memref<10112x8xf32, #tpu.memory_space<vmem_shared>>) offsets(%dma_start3A_112 : memref<128xi32, #tpu.memory_space<vmem>>) semaphore(%arg9 : memref<!tpu.dma_semaphore, #tpu.memory_space<semaphore_mem>>) {add = true}
    %dma_start3A_116 = arith.constant 13 : i32
    %dma_start3A_117 = arith.constant 0 : i32
    %dma_start3A_118 = tpu.memref_slice %arg6[%dma_start3A_116, %dma_start3A_117] : memref<25x128xi32, #tpu.memory_space<vmem>> -> memref<1x128xi32, #tpu.memory_space<vmem>>
    %dma_start3A_119 = tpu.memref_squeeze %dma_start3A_118 : memref<1x128xi32, #tpu.memory_space<vmem>> -> memref<128xi32, #tpu.memory_space<vmem>>
    %dma_start3A_120 = arith.constant 0 : i32
    %dma_start3A_121 = arith.constant 0 : i32
    %dma_start3A_122 = tpu.memref_slice %arg8[%dma_start3A_120, %dma_start3A_121] : memref<10112x8xf32, #tpu.memory_space<vmem_shared>> -> memref<10112x8xf32, #tpu.memory_space<vmem_shared>>
    tpu.enqueue_indirect_dma source(%arg7 : memref<128x8xf32, #tpu.memory_space<vmem>>) target(%dma_start3A_122 : memref<10112x8xf32, #tpu.memory_space<vmem_shared>>) offsets(%dma_start3A_119 : memref<128xi32, #tpu.memory_space<vmem>>) semaphore(%arg9 : memref<!tpu.dma_semaphore, #tpu.memory_space<semaphore_mem>>) {add = true}
    %dma_start3A_123 = arith.constant 14 : i32
    %dma_start3A_124 = arith.constant 0 : i32
    %dma_start3A_125 = tpu.memref_slice %arg6[%dma_start3A_123, %dma_start3A_124] : memref<25x128xi32, #tpu.memory_space<vmem>> -> memref<1x128xi32, #tpu.memory_space<vmem>>
    %dma_start3A_126 = tpu.memref_squeeze %dma_start3A_125 : memref<1x128xi32, #tpu.memory_space<vmem>> -> memref<128xi32, #tpu.memory_space<vmem>>
    %dma_start3A_127 = arith.constant 0 : i32
    %dma_start3A_128 = arith.constant 0 : i32
    %dma_start3A_129 = tpu.memref_slice %arg8[%dma_start3A_127, %dma_start3A_128] : memref<10112x8xf32, #tpu.memory_space<vmem_shared>> -> memref<10112x8xf32, #tpu.memory_space<vmem_shared>>
    tpu.enqueue_indirect_dma source(%arg7 : memref<128x8xf32, #tpu.memory_space<vmem>>) target(%dma_start3A_129 : memref<10112x8xf32, #tpu.memory_space<vmem_shared>>) offsets(%dma_start3A_126 : memref<128xi32, #tpu.memory_space<vmem>>) semaphore(%arg9 : memref<!tpu.dma_semaphore, #tpu.memory_space<semaphore_mem>>) {add = true}
    %dma_start3A_130 = arith.constant 15 : i32
    %dma_start3A_131 = arith.constant 0 : i32
    %dma_start3A_132 = tpu.memref_slice %arg6[%dma_start3A_130, %dma_start3A_131] : memref<25x128xi32, #tpu.memory_space<vmem>> -> memref<1x128xi32, #tpu.memory_space<vmem>>
    %dma_start3A_133 = tpu.memref_squeeze %dma_start3A_132 : memref<1x128xi32, #tpu.memory_space<vmem>> -> memref<128xi32, #tpu.memory_space<vmem>>
    %dma_start3A_134 = arith.constant 0 : i32
    %dma_start3A_135 = arith.constant 0 : i32
    %dma_start3A_136 = tpu.memref_slice %arg8[%dma_start3A_134, %dma_start3A_135] : memref<10112x8xf32, #tpu.memory_space<vmem_shared>> -> memref<10112x8xf32, #tpu.memory_space<vmem_shared>>
    tpu.enqueue_indirect_dma source(%arg7 : memref<128x8xf32, #tpu.memory_space<vmem>>) target(%dma_start3A_136 : memref<10112x8xf32, #tpu.memory_space<vmem_shared>>) offsets(%dma_start3A_133 : memref<128xi32, #tpu.memory_space<vmem>>) semaphore(%arg9 : memref<!tpu.dma_semaphore, #tpu.memory_space<semaphore_mem>>) {add = true}
    %dma_start3A_137 = arith.constant 16 : i32
    %dma_start3A_138 = arith.constant 0 : i32
    %dma_start3A_139 = tpu.memref_slice %arg6[%dma_start3A_137, %dma_start3A_138] : memref<25x128xi32, #tpu.memory_space<vmem>> -> memref<1x128xi32, #tpu.memory_space<vmem>>
    %dma_start3A_140 = tpu.memref_squeeze %dma_start3A_139 : memref<1x128xi32, #tpu.memory_space<vmem>> -> memref<128xi32, #tpu.memory_space<vmem>>
    %dma_start3A_141 = arith.constant 0 : i32
    %dma_start3A_142 = arith.constant 0 : i32
    %dma_start3A_143 = tpu.memref_slice %arg8[%dma_start3A_141, %dma_start3A_142] : memref<10112x8xf32, #tpu.memory_space<vmem_shared>> -> memref<10112x8xf32, #tpu.memory_space<vmem_shared>>
    tpu.enqueue_indirect_dma source(%arg7 : memref<128x8xf32, #tpu.memory_space<vmem>>) target(%dma_start3A_143 : memref<10112x8xf32, #tpu.memory_space<vmem_shared>>) offsets(%dma_start3A_140 : memref<128xi32, #tpu.memory_space<vmem>>) semaphore(%arg9 : memref<!tpu.dma_semaphore, #tpu.memory_space<semaphore_mem>>) {add = true}
    %dma_start3A_144 = arith.constant 17 : i32
    %dma_start3A_145 = arith.constant 0 : i32
    %dma_start3A_146 = tpu.memref_slice %arg6[%dma_start3A_144, %dma_start3A_145] : memref<25x128xi32, #tpu.memory_space<vmem>> -> memref<1x128xi32, #tpu.memory_space<vmem>>
    %dma_start3A_147 = tpu.memref_squeeze %dma_start3A_146 : memref<1x128xi32, #tpu.memory_space<vmem>> -> memref<128xi32, #tpu.memory_space<vmem>>
    %dma_start3A_148 = arith.constant 0 : i32
    %dma_start3A_149 = arith.constant 0 : i32
    %dma_start3A_150 = tpu.memref_slice %arg8[%dma_start3A_148, %dma_start3A_149] : memref<10112x8xf32, #tpu.memory_space<vmem_shared>> -> memref<10112x8xf32, #tpu.memory_space<vmem_shared>>
    tpu.enqueue_indirect_dma source(%arg7 : memref<128x8xf32, #tpu.memory_space<vmem>>) target(%dma_start3A_150 : memref<10112x8xf32, #tpu.memory_space<vmem_shared>>) offsets(%dma_start3A_147 : memref<128xi32, #tpu.memory_space<vmem>>) semaphore(%arg9 : memref<!tpu.dma_semaphore, #tpu.memory_space<semaphore_mem>>) {add = true}
    %dma_start3A_151 = arith.constant 18 : i32
    %dma_start3A_152 = arith.constant 0 : i32
    %dma_start3A_153 = tpu.memref_slice %arg6[%dma_start3A_151, %dma_start3A_152] : memref<25x128xi32, #tpu.memory_space<vmem>> -> memref<1x128xi32, #tpu.memory_space<vmem>>
    %dma_start3A_154 = tpu.memref_squeeze %dma_start3A_153 : memref<1x128xi32, #tpu.memory_space<vmem>> -> memref<128xi32, #tpu.memory_space<vmem>>
    %dma_start3A_155 = arith.constant 0 : i32
    %dma_start3A_156 = arith.constant 0 : i32
    %dma_start3A_157 = tpu.memref_slice %arg8[%dma_start3A_155, %dma_start3A_156] : memref<10112x8xf32, #tpu.memory_space<vmem_shared>> -> memref<10112x8xf32, #tpu.memory_space<vmem_shared>>
    tpu.enqueue_indirect_dma source(%arg7 : memref<128x8xf32, #tpu.memory_space<vmem>>) target(%dma_start3A_157 : memref<10112x8xf32, #tpu.memory_space<vmem_shared>>) offsets(%dma_start3A_154 : memref<128xi32, #tpu.memory_space<vmem>>) semaphore(%arg9 : memref<!tpu.dma_semaphore, #tpu.memory_space<semaphore_mem>>) {add = true}
    %dma_start3A_158 = arith.constant 19 : i32
    %dma_start3A_159 = arith.constant 0 : i32
    %dma_start3A_160 = tpu.memref_slice %arg6[%dma_start3A_158, %dma_start3A_159] : memref<25x128xi32, #tpu.memory_space<vmem>> -> memref<1x128xi32, #tpu.memory_space<vmem>>
    %dma_start3A_161 = tpu.memref_squeeze %dma_start3A_160 : memref<1x128xi32, #tpu.memory_space<vmem>> -> memref<128xi32, #tpu.memory_space<vmem>>
    %dma_start3A_162 = arith.constant 0 : i32
    %dma_start3A_163 = arith.constant 0 : i32
    %dma_start3A_164 = tpu.memref_slice %arg8[%dma_start3A_162, %dma_start3A_163] : memref<10112x8xf32, #tpu.memory_space<vmem_shared>> -> memref<10112x8xf32, #tpu.memory_space<vmem_shared>>
    tpu.enqueue_indirect_dma source(%arg7 : memref<128x8xf32, #tpu.memory_space<vmem>>) target(%dma_start3A_164 : memref<10112x8xf32, #tpu.memory_space<vmem_shared>>) offsets(%dma_start3A_161 : memref<128xi32, #tpu.memory_space<vmem>>) semaphore(%arg9 : memref<!tpu.dma_semaphore, #tpu.memory_space<semaphore_mem>>) {add = true}
    %dma_start3A_165 = arith.constant 20 : i32
    %dma_start3A_166 = arith.constant 0 : i32
    %dma_start3A_167 = tpu.memref_slice %arg6[%dma_start3A_165, %dma_start3A_166] : memref<25x128xi32, #tpu.memory_space<vmem>> -> memref<1x128xi32, #tpu.memory_space<vmem>>
    %dma_start3A_168 = tpu.memref_squeeze %dma_start3A_167 : memref<1x128xi32, #tpu.memory_space<vmem>> -> memref<128xi32, #tpu.memory_space<vmem>>
    %dma_start3A_169 = arith.constant 0 : i32
    %dma_start3A_170 = arith.constant 0 : i32
    %dma_start3A_171 = tpu.memref_slice %arg8[%dma_start3A_169, %dma_start3A_170] : memref<10112x8xf32, #tpu.memory_space<vmem_shared>> -> memref<10112x8xf32, #tpu.memory_space<vmem_shared>>
    tpu.enqueue_indirect_dma source(%arg7 : memref<128x8xf32, #tpu.memory_space<vmem>>) target(%dma_start3A_171 : memref<10112x8xf32, #tpu.memory_space<vmem_shared>>) offsets(%dma_start3A_168 : memref<128xi32, #tpu.memory_space<vmem>>) semaphore(%arg9 : memref<!tpu.dma_semaphore, #tpu.memory_space<semaphore_mem>>) {add = true}
    %dma_start3A_172 = arith.constant 21 : i32
    %dma_start3A_173 = arith.constant 0 : i32
    %dma_start3A_174 = tpu.memref_slice %arg6[%dma_start3A_172, %dma_start3A_173] : memref<25x128xi32, #tpu.memory_space<vmem>> -> memref<1x128xi32, #tpu.memory_space<vmem>>
    %dma_start3A_175 = tpu.memref_squeeze %dma_start3A_174 : memref<1x128xi32, #tpu.memory_space<vmem>> -> memref<128xi32, #tpu.memory_space<vmem>>
    %dma_start3A_176 = arith.constant 0 : i32
    %dma_start3A_177 = arith.constant 0 : i32
    %dma_start3A_178 = tpu.memref_slice %arg8[%dma_start3A_176, %dma_start3A_177] : memref<10112x8xf32, #tpu.memory_space<vmem_shared>> -> memref<10112x8xf32, #tpu.memory_space<vmem_shared>>
    tpu.enqueue_indirect_dma source(%arg7 : memref<128x8xf32, #tpu.memory_space<vmem>>) target(%dma_start3A_178 : memref<10112x8xf32, #tpu.memory_space<vmem_shared>>) offsets(%dma_start3A_175 : memref<128xi32, #tpu.memory_space<vmem>>) semaphore(%arg9 : memref<!tpu.dma_semaphore, #tpu.memory_space<semaphore_mem>>) {add = true}
    %dma_start3A_179 = arith.constant 22 : i32
    %dma_start3A_180 = arith.constant 0 : i32
    %dma_start3A_181 = tpu.memref_slice %arg6[%dma_start3A_179, %dma_start3A_180] : memref<25x128xi32, #tpu.memory_space<vmem>> -> memref<1x128xi32, #tpu.memory_space<vmem>>
    %dma_start3A_182 = tpu.memref_squeeze %dma_start3A_181 : memref<1x128xi32, #tpu.memory_space<vmem>> -> memref<128xi32, #tpu.memory_space<vmem>>
    %dma_start3A_183 = arith.constant 0 : i32
    %dma_start3A_184 = arith.constant 0 : i32
    %dma_start3A_185 = tpu.memref_slice %arg8[%dma_start3A_183, %dma_start3A_184] : memref<10112x8xf32, #tpu.memory_space<vmem_shared>> -> memref<10112x8xf32, #tpu.memory_space<vmem_shared>>
    tpu.enqueue_indirect_dma source(%arg7 : memref<128x8xf32, #tpu.memory_space<vmem>>) target(%dma_start3A_185 : memref<10112x8xf32, #tpu.memory_space<vmem_shared>>) offsets(%dma_start3A_182 : memref<128xi32, #tpu.memory_space<vmem>>) semaphore(%arg9 : memref<!tpu.dma_semaphore, #tpu.memory_space<semaphore_mem>>) {add = true}
    %dma_start3A_186 = arith.constant 23 : i32
    %dma_start3A_187 = arith.constant 0 : i32
    %dma_start3A_188 = tpu.memref_slice %arg6[%dma_start3A_186, %dma_start3A_187] : memref<25x128xi32, #tpu.memory_space<vmem>> -> memref<1x128xi32, #tpu.memory_space<vmem>>
    %dma_start3A_189 = tpu.memref_squeeze %dma_start3A_188 : memref<1x128xi32, #tpu.memory_space<vmem>> -> memref<128xi32, #tpu.memory_space<vmem>>
    %dma_start3A_190 = arith.constant 0 : i32
    %dma_start3A_191 = arith.constant 0 : i32
    %dma_start3A_192 = tpu.memref_slice %arg8[%dma_start3A_190, %dma_start3A_191] : memref<10112x8xf32, #tpu.memory_space<vmem_shared>> -> memref<10112x8xf32, #tpu.memory_space<vmem_shared>>
    tpu.enqueue_indirect_dma source(%arg7 : memref<128x8xf32, #tpu.memory_space<vmem>>) target(%dma_start3A_192 : memref<10112x8xf32, #tpu.memory_space<vmem_shared>>) offsets(%dma_start3A_189 : memref<128xi32, #tpu.memory_space<vmem>>) semaphore(%arg9 : memref<!tpu.dma_semaphore, #tpu.memory_space<semaphore_mem>>) {add = true}
    %dma_start3A_193 = arith.constant 24 : i32
    %dma_start3A_194 = arith.constant 0 : i32
    %dma_start3A_195 = tpu.memref_slice %arg6[%dma_start3A_193, %dma_start3A_194] : memref<25x128xi32, #tpu.memory_space<vmem>> -> memref<1x128xi32, #tpu.memory_space<vmem>>
    %dma_start3A_196 = tpu.memref_squeeze %dma_start3A_195 : memref<1x128xi32, #tpu.memory_space<vmem>> -> memref<128xi32, #tpu.memory_space<vmem>>
    %dma_start3A_197 = arith.constant 0 : i32
    %dma_start3A_198 = arith.constant 0 : i32
    %dma_start3A_199 = tpu.memref_slice %arg8[%dma_start3A_197, %dma_start3A_198] : memref<10112x8xf32, #tpu.memory_space<vmem_shared>> -> memref<10112x8xf32, #tpu.memory_space<vmem_shared>>
    tpu.enqueue_indirect_dma source(%arg7 : memref<128x8xf32, #tpu.memory_space<vmem>>) target(%dma_start3A_199 : memref<10112x8xf32, #tpu.memory_space<vmem_shared>>) offsets(%dma_start3A_196 : memref<128xi32, #tpu.memory_space<vmem>>) semaphore(%arg9 : memref<!tpu.dma_semaphore, #tpu.memory_space<semaphore_mem>>) {add = true}
    %dma_wait3A_200 = arith.constant 0 : i32
    %dma_wait3A_201 = arith.constant 0 : i32
    %dma_wait3A_202 = tpu.memref_slice %arg6[%dma_wait3A_200, %dma_wait3A_201] : memref<25x128xi32, #tpu.memory_space<vmem>> -> memref<1x128xi32, #tpu.memory_space<vmem>>
    %dma_wait3A_203 = tpu.memref_squeeze %dma_wait3A_202 : memref<1x128xi32, #tpu.memory_space<vmem>> -> memref<128xi32, #tpu.memory_space<vmem>>
    %dma_wait3A_204 = arith.constant 0 : i32
    %dma_wait3A_205 = arith.constant 0 : i32
    %dma_wait3A_206 = tpu.memref_slice %arg8[%dma_wait3A_204, %dma_wait3A_205] : memref<10112x8xf32, #tpu.memory_space<vmem_shared>> -> memref<10112x8xf32, #tpu.memory_space<vmem_shared>>
    tpu.wait_indirect_dma semaphore(%arg9 : memref<!tpu.dma_semaphore, #tpu.memory_space<semaphore_mem>>) src(%arg7 : memref<128x8xf32, #tpu.memory_space<vmem>>) dst(%dma_wait3A_206 : memref<10112x8xf32, #tpu.memory_space<vmem_shared>>)
    %dma_wait3A_207 = arith.constant 1 : i32
    %dma_wait3A_208 = arith.constant 0 : i32
    %dma_wait3A_209 = tpu.memref_slice %arg6[%dma_wait3A_207, %dma_wait3A_208] : memref<25x128xi32, #tpu.memory_space<vmem>> -> memref<1x128xi32, #tpu.memory_space<vmem>>
    %dma_wait3A_210 = tpu.memref_squeeze %dma_wait3A_209 : memref<1x128xi32, #tpu.memory_space<vmem>> -> memref<128xi32, #tpu.memory_space<vmem>>
    %dma_wait3A_211 = arith.constant 0 : i32
    %dma_wait3A_212 = arith.constant 0 : i32
    %dma_wait3A_213 = tpu.memref_slice %arg8[%dma_wait3A_211, %dma_wait3A_212] : memref<10112x8xf32, #tpu.memory_space<vmem_shared>> -> memref<10112x8xf32, #tpu.memory_space<vmem_shared>>
    tpu.wait_indirect_dma semaphore(%arg9 : memref<!tpu.dma_semaphore, #tpu.memory_space<semaphore_mem>>) src(%arg7 : memref<128x8xf32, #tpu.memory_space<vmem>>) dst(%dma_wait3A_213 : memref<10112x8xf32, #tpu.memory_space<vmem_shared>>)
    %dma_wait3A_214 = arith.constant 2 : i32
    %dma_wait3A_215 = arith.constant 0 : i32
    %dma_wait3A_216 = tpu.memref_slice %arg6[%dma_wait3A_214, %dma_wait3A_215] : memref<25x128xi32, #tpu.memory_space<vmem>> -> memref<1x128xi32, #tpu.memory_space<vmem>>
    %dma_wait3A_217 = tpu.memref_squeeze %dma_wait3A_216 : memref<1x128xi32, #tpu.memory_space<vmem>> -> memref<128xi32, #tpu.memory_space<vmem>>
    %dma_wait3A_218 = arith.constant 0 : i32
    %dma_wait3A_219 = arith.constant 0 : i32
    %dma_wait3A_220 = tpu.memref_slice %arg8[%dma_wait3A_218, %dma_wait3A_219] : memref<10112x8xf32, #tpu.memory_space<vmem_shared>> -> memref<10112x8xf32, #tpu.memory_space<vmem_shared>>
    tpu.wait_indirect_dma semaphore(%arg9 : memref<!tpu.dma_semaphore, #tpu.memory_space<semaphore_mem>>) src(%arg7 : memref<128x8xf32, #tpu.memory_space<vmem>>) dst(%dma_wait3A_220 : memref<10112x8xf32, #tpu.memory_space<vmem_shared>>)
    %dma_wait3A_221 = arith.constant 3 : i32
    %dma_wait3A_222 = arith.constant 0 : i32
    %dma_wait3A_223 = tpu.memref_slice %arg6[%dma_wait3A_221, %dma_wait3A_222] : memref<25x128xi32, #tpu.memory_space<vmem>> -> memref<1x128xi32, #tpu.memory_space<vmem>>
    %dma_wait3A_224 = tpu.memref_squeeze %dma_wait3A_223 : memref<1x128xi32, #tpu.memory_space<vmem>> -> memref<128xi32, #tpu.memory_space<vmem>>
    %dma_wait3A_225 = arith.constant 0 : i32
    %dma_wait3A_226 = arith.constant 0 : i32
    %dma_wait3A_227 = tpu.memref_slice %arg8[%dma_wait3A_225, %dma_wait3A_226] : memref<10112x8xf32, #tpu.memory_space<vmem_shared>> -> memref<10112x8xf32, #tpu.memory_space<vmem_shared>>
    tpu.wait_indirect_dma semaphore(%arg9 : memref<!tpu.dma_semaphore, #tpu.memory_space<semaphore_mem>>) src(%arg7 : memref<128x8xf32, #tpu.memory_space<vmem>>) dst(%dma_wait3A_227 : memref<10112x8xf32, #tpu.memory_space<vmem_shared>>)
    %dma_wait3A_228 = arith.constant 4 : i32
    %dma_wait3A_229 = arith.constant 0 : i32
    %dma_wait3A_230 = tpu.memref_slice %arg6[%dma_wait3A_228, %dma_wait3A_229] : memref<25x128xi32, #tpu.memory_space<vmem>> -> memref<1x128xi32, #tpu.memory_space<vmem>>
    %dma_wait3A_231 = tpu.memref_squeeze %dma_wait3A_230 : memref<1x128xi32, #tpu.memory_space<vmem>> -> memref<128xi32, #tpu.memory_space<vmem>>
    %dma_wait3A_232 = arith.constant 0 : i32
    %dma_wait3A_233 = arith.constant 0 : i32
    %dma_wait3A_234 = tpu.memref_slice %arg8[%dma_wait3A_232, %dma_wait3A_233] : memref<10112x8xf32, #tpu.memory_space<vmem_shared>> -> memref<10112x8xf32, #tpu.memory_space<vmem_shared>>
    tpu.wait_indirect_dma semaphore(%arg9 : memref<!tpu.dma_semaphore, #tpu.memory_space<semaphore_mem>>) src(%arg7 : memref<128x8xf32, #tpu.memory_space<vmem>>) dst(%dma_wait3A_234 : memref<10112x8xf32, #tpu.memory_space<vmem_shared>>)
    %dma_wait3A_235 = arith.constant 5 : i32
    %dma_wait3A_236 = arith.constant 0 : i32
    %dma_wait3A_237 = tpu.memref_slice %arg6[%dma_wait3A_235, %dma_wait3A_236] : memref<25x128xi32, #tpu.memory_space<vmem>> -> memref<1x128xi32, #tpu.memory_space<vmem>>
    %dma_wait3A_238 = tpu.memref_squeeze %dma_wait3A_237 : memref<1x128xi32, #tpu.memory_space<vmem>> -> memref<128xi32, #tpu.memory_space<vmem>>
    %dma_wait3A_239 = arith.constant 0 : i32
    %dma_wait3A_240 = arith.constant 0 : i32
    %dma_wait3A_241 = tpu.memref_slice %arg8[%dma_wait3A_239, %dma_wait3A_240] : memref<10112x8xf32, #tpu.memory_space<vmem_shared>> -> memref<10112x8xf32, #tpu.memory_space<vmem_shared>>
    tpu.wait_indirect_dma semaphore(%arg9 : memref<!tpu.dma_semaphore, #tpu.memory_space<semaphore_mem>>) src(%arg7 : memref<128x8xf32, #tpu.memory_space<vmem>>) dst(%dma_wait3A_241 : memref<10112x8xf32, #tpu.memory_space<vmem_shared>>)
    %dma_wait3A_242 = arith.constant 6 : i32
    %dma_wait3A_243 = arith.constant 0 : i32
    %dma_wait3A_244 = tpu.memref_slice %arg6[%dma_wait3A_242, %dma_wait3A_243] : memref<25x128xi32, #tpu.memory_space<vmem>> -> memref<1x128xi32, #tpu.memory_space<vmem>>
    %dma_wait3A_245 = tpu.memref_squeeze %dma_wait3A_244 : memref<1x128xi32, #tpu.memory_space<vmem>> -> memref<128xi32, #tpu.memory_space<vmem>>
    %dma_wait3A_246 = arith.constant 0 : i32
    %dma_wait3A_247 = arith.constant 0 : i32
    %dma_wait3A_248 = tpu.memref_slice %arg8[%dma_wait3A_246, %dma_wait3A_247] : memref<10112x8xf32, #tpu.memory_space<vmem_shared>> -> memref<10112x8xf32, #tpu.memory_space<vmem_shared>>
    tpu.wait_indirect_dma semaphore(%arg9 : memref<!tpu.dma_semaphore, #tpu.memory_space<semaphore_mem>>) src(%arg7 : memref<128x8xf32, #tpu.memory_space<vmem>>) dst(%dma_wait3A_248 : memref<10112x8xf32, #tpu.memory_space<vmem_shared>>)
    %dma_wait3A_249 = arith.constant 7 : i32
    %dma_wait3A_250 = arith.constant 0 : i32
    %dma_wait3A_251 = tpu.memref_slice %arg6[%dma_wait3A_249, %dma_wait3A_250] : memref<25x128xi32, #tpu.memory_space<vmem>> -> memref<1x128xi32, #tpu.memory_space<vmem>>
    %dma_wait3A_252 = tpu.memref_squeeze %dma_wait3A_251 : memref<1x128xi32, #tpu.memory_space<vmem>> -> memref<128xi32, #tpu.memory_space<vmem>>
    %dma_wait3A_253 = arith.constant 0 : i32
    %dma_wait3A_254 = arith.constant 0 : i32
    %dma_wait3A_255 = tpu.memref_slice %arg8[%dma_wait3A_253, %dma_wait3A_254] : memref<10112x8xf32, #tpu.memory_space<vmem_shared>> -> memref<10112x8xf32, #tpu.memory_space<vmem_shared>>
    tpu.wait_indirect_dma semaphore(%arg9 : memref<!tpu.dma_semaphore, #tpu.memory_space<semaphore_mem>>) src(%arg7 : memref<128x8xf32, #tpu.memory_space<vmem>>) dst(%dma_wait3A_255 : memref<10112x8xf32, #tpu.memory_space<vmem_shared>>)
    %dma_wait3A_256 = arith.constant 8 : i32
    %dma_wait3A_257 = arith.constant 0 : i32
    %dma_wait3A_258 = tpu.memref_slice %arg6[%dma_wait3A_256, %dma_wait3A_257] : memref<25x128xi32, #tpu.memory_space<vmem>> -> memref<1x128xi32, #tpu.memory_space<vmem>>
    %dma_wait3A_259 = tpu.memref_squeeze %dma_wait3A_258 : memref<1x128xi32, #tpu.memory_space<vmem>> -> memref<128xi32, #tpu.memory_space<vmem>>
    %dma_wait3A_260 = arith.constant 0 : i32
    %dma_wait3A_261 = arith.constant 0 : i32
    %dma_wait3A_262 = tpu.memref_slice %arg8[%dma_wait3A_260, %dma_wait3A_261] : memref<10112x8xf32, #tpu.memory_space<vmem_shared>> -> memref<10112x8xf32, #tpu.memory_space<vmem_shared>>
    tpu.wait_indirect_dma semaphore(%arg9 : memref<!tpu.dma_semaphore, #tpu.memory_space<semaphore_mem>>) src(%arg7 : memref<128x8xf32, #tpu.memory_space<vmem>>) dst(%dma_wait3A_262 : memref<10112x8xf32, #tpu.memory_space<vmem_shared>>)
    %dma_wait3A_263 = arith.constant 9 : i32
    %dma_wait3A_264 = arith.constant 0 : i32
    %dma_wait3A_265 = tpu.memref_slice %arg6[%dma_wait3A_263, %dma_wait3A_264] : memref<25x128xi32, #tpu.memory_space<vmem>> -> memref<1x128xi32, #tpu.memory_space<vmem>>
    %dma_wait3A_266 = tpu.memref_squeeze %dma_wait3A_265 : memref<1x128xi32, #tpu.memory_space<vmem>> -> memref<128xi32, #tpu.memory_space<vmem>>
    %dma_wait3A_267 = arith.constant 0 : i32
    %dma_wait3A_268 = arith.constant 0 : i32
    %dma_wait3A_269 = tpu.memref_slice %arg8[%dma_wait3A_267, %dma_wait3A_268] : memref<10112x8xf32, #tpu.memory_space<vmem_shared>> -> memref<10112x8xf32, #tpu.memory_space<vmem_shared>>
    tpu.wait_indirect_dma semaphore(%arg9 : memref<!tpu.dma_semaphore, #tpu.memory_space<semaphore_mem>>) src(%arg7 : memref<128x8xf32, #tpu.memory_space<vmem>>) dst(%dma_wait3A_269 : memref<10112x8xf32, #tpu.memory_space<vmem_shared>>)
    %dma_wait3A_270 = arith.constant 10 : i32
    %dma_wait3A_271 = arith.constant 0 : i32
    %dma_wait3A_272 = tpu.memref_slice %arg6[%dma_wait3A_270, %dma_wait3A_271] : memref<25x128xi32, #tpu.memory_space<vmem>> -> memref<1x128xi32, #tpu.memory_space<vmem>>
    %dma_wait3A_273 = tpu.memref_squeeze %dma_wait3A_272 : memref<1x128xi32, #tpu.memory_space<vmem>> -> memref<128xi32, #tpu.memory_space<vmem>>
    %dma_wait3A_274 = arith.constant 0 : i32
    %dma_wait3A_275 = arith.constant 0 : i32
    %dma_wait3A_276 = tpu.memref_slice %arg8[%dma_wait3A_274, %dma_wait3A_275] : memref<10112x8xf32, #tpu.memory_space<vmem_shared>> -> memref<10112x8xf32, #tpu.memory_space<vmem_shared>>
    tpu.wait_indirect_dma semaphore(%arg9 : memref<!tpu.dma_semaphore, #tpu.memory_space<semaphore_mem>>) src(%arg7 : memref<128x8xf32, #tpu.memory_space<vmem>>) dst(%dma_wait3A_276 : memref<10112x8xf32, #tpu.memory_space<vmem_shared>>)
    %dma_wait3A_277 = arith.constant 11 : i32
    %dma_wait3A_278 = arith.constant 0 : i32
    %dma_wait3A_279 = tpu.memref_slice %arg6[%dma_wait3A_277, %dma_wait3A_278] : memref<25x128xi32, #tpu.memory_space<vmem>> -> memref<1x128xi32, #tpu.memory_space<vmem>>
    %dma_wait3A_280 = tpu.memref_squeeze %dma_wait3A_279 : memref<1x128xi32, #tpu.memory_space<vmem>> -> memref<128xi32, #tpu.memory_space<vmem>>
    %dma_wait3A_281 = arith.constant 0 : i32
    %dma_wait3A_282 = arith.constant 0 : i32
    %dma_wait3A_283 = tpu.memref_slice %arg8[%dma_wait3A_281, %dma_wait3A_282] : memref<10112x8xf32, #tpu.memory_space<vmem_shared>> -> memref<10112x8xf32, #tpu.memory_space<vmem_shared>>
    tpu.wait_indirect_dma semaphore(%arg9 : memref<!tpu.dma_semaphore, #tpu.memory_space<semaphore_mem>>) src(%arg7 : memref<128x8xf32, #tpu.memory_space<vmem>>) dst(%dma_wait3A_283 : memref<10112x8xf32, #tpu.memory_space<vmem_shared>>)
    %dma_wait3A_284 = arith.constant 12 : i32
    %dma_wait3A_285 = arith.constant 0 : i32
    %dma_wait3A_286 = tpu.memref_slice %arg6[%dma_wait3A_284, %dma_wait3A_285] : memref<25x128xi32, #tpu.memory_space<vmem>> -> memref<1x128xi32, #tpu.memory_space<vmem>>
    %dma_wait3A_287 = tpu.memref_squeeze %dma_wait3A_286 : memref<1x128xi32, #tpu.memory_space<vmem>> -> memref<128xi32, #tpu.memory_space<vmem>>
    %dma_wait3A_288 = arith.constant 0 : i32
    %dma_wait3A_289 = arith.constant 0 : i32
    %dma_wait3A_290 = tpu.memref_slice %arg8[%dma_wait3A_288, %dma_wait3A_289] : memref<10112x8xf32, #tpu.memory_space<vmem_shared>> -> memref<10112x8xf32, #tpu.memory_space<vmem_shared>>
    tpu.wait_indirect_dma semaphore(%arg9 : memref<!tpu.dma_semaphore, #tpu.memory_space<semaphore_mem>>) src(%arg7 : memref<128x8xf32, #tpu.memory_space<vmem>>) dst(%dma_wait3A_290 : memref<10112x8xf32, #tpu.memory_space<vmem_shared>>)
    %dma_wait3A_291 = arith.constant 13 : i32
    %dma_wait3A_292 = arith.constant 0 : i32
    %dma_wait3A_293 = tpu.memref_slice %arg6[%dma_wait3A_291, %dma_wait3A_292] : memref<25x128xi32, #tpu.memory_space<vmem>> -> memref<1x128xi32, #tpu.memory_space<vmem>>
    %dma_wait3A_294 = tpu.memref_squeeze %dma_wait3A_293 : memref<1x128xi32, #tpu.memory_space<vmem>> -> memref<128xi32, #tpu.memory_space<vmem>>
    %dma_wait3A_295 = arith.constant 0 : i32
    %dma_wait3A_296 = arith.constant 0 : i32
    %dma_wait3A_297 = tpu.memref_slice %arg8[%dma_wait3A_295, %dma_wait3A_296] : memref<10112x8xf32, #tpu.memory_space<vmem_shared>> -> memref<10112x8xf32, #tpu.memory_space<vmem_shared>>
    tpu.wait_indirect_dma semaphore(%arg9 : memref<!tpu.dma_semaphore, #tpu.memory_space<semaphore_mem>>) src(%arg7 : memref<128x8xf32, #tpu.memory_space<vmem>>) dst(%dma_wait3A_297 : memref<10112x8xf32, #tpu.memory_space<vmem_shared>>)
    %dma_wait3A_298 = arith.constant 14 : i32
    %dma_wait3A_299 = arith.constant 0 : i32
    %dma_wait3A_300 = tpu.memref_slice %arg6[%dma_wait3A_298, %dma_wait3A_299] : memref<25x128xi32, #tpu.memory_space<vmem>> -> memref<1x128xi32, #tpu.memory_space<vmem>>
    %dma_wait3A_301 = tpu.memref_squeeze %dma_wait3A_300 : memref<1x128xi32, #tpu.memory_space<vmem>> -> memref<128xi32, #tpu.memory_space<vmem>>
    %dma_wait3A_302 = arith.constant 0 : i32
    %dma_wait3A_303 = arith.constant 0 : i32
    %dma_wait3A_304 = tpu.memref_slice %arg8[%dma_wait3A_302, %dma_wait3A_303] : memref<10112x8xf32, #tpu.memory_space<vmem_shared>> -> memref<10112x8xf32, #tpu.memory_space<vmem_shared>>
    tpu.wait_indirect_dma semaphore(%arg9 : memref<!tpu.dma_semaphore, #tpu.memory_space<semaphore_mem>>) src(%arg7 : memref<128x8xf32, #tpu.memory_space<vmem>>) dst(%dma_wait3A_304 : memref<10112x8xf32, #tpu.memory_space<vmem_shared>>)
    %dma_wait3A_305 = arith.constant 15 : i32
    %dma_wait3A_306 = arith.constant 0 : i32
    %dma_wait3A_307 = tpu.memref_slice %arg6[%dma_wait3A_305, %dma_wait3A_306] : memref<25x128xi32, #tpu.memory_space<vmem>> -> memref<1x128xi32, #tpu.memory_space<vmem>>
    %dma_wait3A_308 = tpu.memref_squeeze %dma_wait3A_307 : memref<1x128xi32, #tpu.memory_space<vmem>> -> memref<128xi32, #tpu.memory_space<vmem>>
    %dma_wait3A_309 = arith.constant 0 : i32
    %dma_wait3A_310 = arith.constant 0 : i32
    %dma_wait3A_311 = tpu.memref_slice %arg8[%dma_wait3A_309, %dma_wait3A_310] : memref<10112x8xf32, #tpu.memory_space<vmem_shared>> -> memref<10112x8xf32, #tpu.memory_space<vmem_shared>>
    tpu.wait_indirect_dma semaphore(%arg9 : memref<!tpu.dma_semaphore, #tpu.memory_space<semaphore_mem>>) src(%arg7 : memref<128x8xf32, #tpu.memory_space<vmem>>) dst(%dma_wait3A_311 : memref<10112x8xf32, #tpu.memory_space<vmem_shared>>)
    %dma_wait3A_312 = arith.constant 16 : i32
    %dma_wait3A_313 = arith.constant 0 : i32
    %dma_wait3A_314 = tpu.memref_slice %arg6[%dma_wait3A_312, %dma_wait3A_313] : memref<25x128xi32, #tpu.memory_space<vmem>> -> memref<1x128xi32, #tpu.memory_space<vmem>>
    %dma_wait3A_315 = tpu.memref_squeeze %dma_wait3A_314 : memref<1x128xi32, #tpu.memory_space<vmem>> -> memref<128xi32, #tpu.memory_space<vmem>>
    %dma_wait3A_316 = arith.constant 0 : i32
    %dma_wait3A_317 = arith.constant 0 : i32
    %dma_wait3A_318 = tpu.memref_slice %arg8[%dma_wait3A_316, %dma_wait3A_317] : memref<10112x8xf32, #tpu.memory_space<vmem_shared>> -> memref<10112x8xf32, #tpu.memory_space<vmem_shared>>
    tpu.wait_indirect_dma semaphore(%arg9 : memref<!tpu.dma_semaphore, #tpu.memory_space<semaphore_mem>>) src(%arg7 : memref<128x8xf32, #tpu.memory_space<vmem>>) dst(%dma_wait3A_318 : memref<10112x8xf32, #tpu.memory_space<vmem_shared>>)
    %dma_wait3A_319 = arith.constant 17 : i32
    %dma_wait3A_320 = arith.constant 0 : i32
    %dma_wait3A_321 = tpu.memref_slice %arg6[%dma_wait3A_319, %dma_wait3A_320] : memref<25x128xi32, #tpu.memory_space<vmem>> -> memref<1x128xi32, #tpu.memory_space<vmem>>
    %dma_wait3A_322 = tpu.memref_squeeze %dma_wait3A_321 : memref<1x128xi32, #tpu.memory_space<vmem>> -> memref<128xi32, #tpu.memory_space<vmem>>
    %dma_wait3A_323 = arith.constant 0 : i32
    %dma_wait3A_324 = arith.constant 0 : i32
    %dma_wait3A_325 = tpu.memref_slice %arg8[%dma_wait3A_323, %dma_wait3A_324] : memref<10112x8xf32, #tpu.memory_space<vmem_shared>> -> memref<10112x8xf32, #tpu.memory_space<vmem_shared>>
    tpu.wait_indirect_dma semaphore(%arg9 : memref<!tpu.dma_semaphore, #tpu.memory_space<semaphore_mem>>) src(%arg7 : memref<128x8xf32, #tpu.memory_space<vmem>>) dst(%dma_wait3A_325 : memref<10112x8xf32, #tpu.memory_space<vmem_shared>>)
    %dma_wait3A_326 = arith.constant 18 : i32
    %dma_wait3A_327 = arith.constant 0 : i32
    %dma_wait3A_328 = tpu.memref_slice %arg6[%dma_wait3A_326, %dma_wait3A_327] : memref<25x128xi32, #tpu.memory_space<vmem>> -> memref<1x128xi32, #tpu.memory_space<vmem>>
    %dma_wait3A_329 = tpu.memref_squeeze %dma_wait3A_328 : memref<1x128xi32, #tpu.memory_space<vmem>> -> memref<128xi32, #tpu.memory_space<vmem>>
    %dma_wait3A_330 = arith.constant 0 : i32
    %dma_wait3A_331 = arith.constant 0 : i32
    %dma_wait3A_332 = tpu.memref_slice %arg8[%dma_wait3A_330, %dma_wait3A_331] : memref<10112x8xf32, #tpu.memory_space<vmem_shared>> -> memref<10112x8xf32, #tpu.memory_space<vmem_shared>>
    tpu.wait_indirect_dma semaphore(%arg9 : memref<!tpu.dma_semaphore, #tpu.memory_space<semaphore_mem>>) src(%arg7 : memref<128x8xf32, #tpu.memory_space<vmem>>) dst(%dma_wait3A_332 : memref<10112x8xf32, #tpu.memory_space<vmem_shared>>)
    %dma_wait3A_333 = arith.constant 19 : i32
    %dma_wait3A_334 = arith.constant 0 : i32
    %dma_wait3A_335 = tpu.memref_slice %arg6[%dma_wait3A_333, %dma_wait3A_334] : memref<25x128xi32, #tpu.memory_space<vmem>> -> memref<1x128xi32, #tpu.memory_space<vmem>>
    %dma_wait3A_336 = tpu.memref_squeeze %dma_wait3A_335 : memref<1x128xi32, #tpu.memory_space<vmem>> -> memref<128xi32, #tpu.memory_space<vmem>>
    %dma_wait3A_337 = arith.constant 0 : i32
    %dma_wait3A_338 = arith.constant 0 : i32
    %dma_wait3A_339 = tpu.memref_slice %arg8[%dma_wait3A_337, %dma_wait3A_338] : memref<10112x8xf32, #tpu.memory_space<vmem_shared>> -> memref<10112x8xf32, #tpu.memory_space<vmem_shared>>
    tpu.wait_indirect_dma semaphore(%arg9 : memref<!tpu.dma_semaphore, #tpu.memory_space<semaphore_mem>>) src(%arg7 : memref<128x8xf32, #tpu.memory_space<vmem>>) dst(%dma_wait3A_339 : memref<10112x8xf32, #tpu.memory_space<vmem_shared>>)
    %dma_wait3A_340 = arith.constant 20 : i32
    %dma_wait3A_341 = arith.constant 0 : i32
    %dma_wait3A_342 = tpu.memref_slice %arg6[%dma_wait3A_340, %dma_wait3A_341] : memref<25x128xi32, #tpu.memory_space<vmem>> -> memref<1x128xi32, #tpu.memory_space<vmem>>
    %dma_wait3A_343 = tpu.memref_squeeze %dma_wait3A_342 : memref<1x128xi32, #tpu.memory_space<vmem>> -> memref<128xi32, #tpu.memory_space<vmem>>
    %dma_wait3A_344 = arith.constant 0 : i32
    %dma_wait3A_345 = arith.constant 0 : i32
    %dma_wait3A_346 = tpu.memref_slice %arg8[%dma_wait3A_344, %dma_wait3A_345] : memref<10112x8xf32, #tpu.memory_space<vmem_shared>> -> memref<10112x8xf32, #tpu.memory_space<vmem_shared>>
    tpu.wait_indirect_dma semaphore(%arg9 : memref<!tpu.dma_semaphore, #tpu.memory_space<semaphore_mem>>) src(%arg7 : memref<128x8xf32, #tpu.memory_space<vmem>>) dst(%dma_wait3A_346 : memref<10112x8xf32, #tpu.memory_space<vmem_shared>>)
    %dma_wait3A_347 = arith.constant 21 : i32
    %dma_wait3A_348 = arith.constant 0 : i32
    %dma_wait3A_349 = tpu.memref_slice %arg6[%dma_wait3A_347, %dma_wait3A_348] : memref<25x128xi32, #tpu.memory_space<vmem>> -> memref<1x128xi32, #tpu.memory_space<vmem>>
    %dma_wait3A_350 = tpu.memref_squeeze %dma_wait3A_349 : memref<1x128xi32, #tpu.memory_space<vmem>> -> memref<128xi32, #tpu.memory_space<vmem>>
    %dma_wait3A_351 = arith.constant 0 : i32
    %dma_wait3A_352 = arith.constant 0 : i32
    %dma_wait3A_353 = tpu.memref_slice %arg8[%dma_wait3A_351, %dma_wait3A_352] : memref<10112x8xf32, #tpu.memory_space<vmem_shared>> -> memref<10112x8xf32, #tpu.memory_space<vmem_shared>>
    tpu.wait_indirect_dma semaphore(%arg9 : memref<!tpu.dma_semaphore, #tpu.memory_space<semaphore_mem>>) src(%arg7 : memref<128x8xf32, #tpu.memory_space<vmem>>) dst(%dma_wait3A_353 : memref<10112x8xf32, #tpu.memory_space<vmem_shared>>)
    %dma_wait3A_354 = arith.constant 22 : i32
    %dma_wait3A_355 = arith.constant 0 : i32
    %dma_wait3A_356 = tpu.memref_slice %arg6[%dma_wait3A_354, %dma_wait3A_355] : memref<25x128xi32, #tpu.memory_space<vmem>> -> memref<1x128xi32, #tpu.memory_space<vmem>>
    %dma_wait3A_357 = tpu.memref_squeeze %dma_wait3A_356 : memref<1x128xi32, #tpu.memory_space<vmem>> -> memref<128xi32, #tpu.memory_space<vmem>>
    %dma_wait3A_358 = arith.constant 0 : i32
    %dma_wait3A_359 = arith.constant 0 : i32
    %dma_wait3A_360 = tpu.memref_slice %arg8[%dma_wait3A_358, %dma_wait3A_359] : memref<10112x8xf32, #tpu.memory_space<vmem_shared>> -> memref<10112x8xf32, #tpu.memory_space<vmem_shared>>
    tpu.wait_indirect_dma semaphore(%arg9 : memref<!tpu.dma_semaphore, #tpu.memory_space<semaphore_mem>>) src(%arg7 : memref<128x8xf32, #tpu.memory_space<vmem>>) dst(%dma_wait3A_360 : memref<10112x8xf32, #tpu.memory_space<vmem_shared>>)
    %dma_wait3A_361 = arith.constant 23 : i32
    %dma_wait3A_362 = arith.constant 0 : i32
    %dma_wait3A_363 = tpu.memref_slice %arg6[%dma_wait3A_361, %dma_wait3A_362] : memref<25x128xi32, #tpu.memory_space<vmem>> -> memref<1x128xi32, #tpu.memory_space<vmem>>
    %dma_wait3A_364 = tpu.memref_squeeze %dma_wait3A_363 : memref<1x128xi32, #tpu.memory_space<vmem>> -> memref<128xi32, #tpu.memory_space<vmem>>
    %dma_wait3A_365 = arith.constant 0 : i32
    %dma_wait3A_366 = arith.constant 0 : i32
    %dma_wait3A_367 = tpu.memref_slice %arg8[%dma_wait3A_365, %dma_wait3A_366] : memref<10112x8xf32, #tpu.memory_space<vmem_shared>> -> memref<10112x8xf32, #tpu.memory_space<vmem_shared>>
    tpu.wait_indirect_dma semaphore(%arg9 : memref<!tpu.dma_semaphore, #tpu.memory_space<semaphore_mem>>) src(%arg7 : memref<128x8xf32, #tpu.memory_space<vmem>>) dst(%dma_wait3A_367 : memref<10112x8xf32, #tpu.memory_space<vmem_shared>>)
    %dma_wait3A_368 = arith.constant 24 : i32
    %dma_wait3A_369 = arith.constant 0 : i32
    %dma_wait3A_370 = tpu.memref_slice %arg6[%dma_wait3A_368, %dma_wait3A_369] : memref<25x128xi32, #tpu.memory_space<vmem>> -> memref<1x128xi32, #tpu.memory_space<vmem>>
    %dma_wait3A_371 = tpu.memref_squeeze %dma_wait3A_370 : memref<1x128xi32, #tpu.memory_space<vmem>> -> memref<128xi32, #tpu.memory_space<vmem>>
    %dma_wait3A_372 = arith.constant 0 : i32
    %dma_wait3A_373 = arith.constant 0 : i32
    %dma_wait3A_374 = tpu.memref_slice %arg8[%dma_wait3A_372, %dma_wait3A_373] : memref<10112x8xf32, #tpu.memory_space<vmem_shared>> -> memref<10112x8xf32, #tpu.memory_space<vmem_shared>>
    tpu.wait_indirect_dma semaphore(%arg9 : memref<!tpu.dma_semaphore, #tpu.memory_space<semaphore_mem>>) src(%arg7 : memref<128x8xf32, #tpu.memory_space<vmem>>) dst(%dma_wait3A_374 : memref<10112x8xf32, #tpu.memory_space<vmem_shared>>)
    %barrier3A_375 = arith.constant 0 : index
    tpu.barrier barrier_id(%barrier3A_375)
    "tpu.region"() ({
      %run_scoped3A = tpu.sem_alloc : memref<!tpu.dma_semaphore, #tpu.memory_space<semaphore_mem>>
      %dma_start3A_376 = arith.constant 0 : i32
      %dma_start3A_377 = arith.constant 0 : i32
      %dma_start3A_378 = tpu.memref_slice %arg5[%arg0, %dma_start3A_376, %dma_start3A_377] : memref<2x10112x8xf32, #tpu.memory_space<hbm>> -> memref<1x10112x8xf32, #tpu.memory_space<hbm>>
      %dma_start3A_379 = tpu.memref_squeeze %dma_start3A_378 : memref<1x10112x8xf32, #tpu.memory_space<hbm>> -> memref<10112x8xf32, #tpu.memory_space<hbm>>
      %dma_start3A_380 = arith.constant 0 : i32
      %dma_start3A_381 = tpu.memref_slice %dma_start3A_379[%mul3A_0, %dma_start3A_380] : memref<10112x8xf32, #tpu.memory_space<hbm>> -> memref<632x8xf32, #tpu.memory_space<hbm>>
      %dma_start3A_382 = arith.constant 0 : i32
      %dma_start3A_383 = tpu.memref_slice %arg8[%mul3A_0, %dma_start3A_382] : memref<10112x8xf32, #tpu.memory_space<vmem_shared>> -> memref<632x8xf32, #tpu.memory_space<vmem_shared>>
      tpu.enqueue_dma source(%dma_start3A_383 : memref<632x8xf32, #tpu.memory_space<vmem_shared>>) target(%dma_start3A_381 : memref<632x8xf32, #tpu.memory_space<hbm>>) target_semaphore(%run_scoped3A : memref<!tpu.dma_semaphore, #tpu.memory_space<semaphore_mem>>)
      %dma_wait3A_384 = arith.constant 0 : i32
      %dma_wait3A_385 = arith.constant 0 : i32
      %dma_wait3A_386 = tpu.memref_slice %arg5[%arg0, %dma_wait3A_384, %dma_wait3A_385] : memref<2x10112x8xf32, #tpu.memory_space<hbm>> -> memref<1x10112x8xf32, #tpu.memory_space<hbm>>
      %dma_wait3A_387 = tpu.memref_squeeze %dma_wait3A_386 : memref<1x10112x8xf32, #tpu.memory_space<hbm>> -> memref<10112x8xf32, #tpu.memory_space<hbm>>
      %dma_wait3A_388 = arith.constant 0 : i32
      %dma_wait3A_389 = tpu.memref_slice %dma_wait3A_387[%mul3A_0, %dma_wait3A_388] : memref<10112x8xf32, #tpu.memory_space<hbm>> -> memref<632x8xf32, #tpu.memory_space<hbm>>
      %dma_wait3A_390 = arith.constant 0 : i32
      %dma_wait3A_391 = tpu.memref_slice %arg8[%mul3A_0, %dma_wait3A_390] : memref<10112x8xf32, #tpu.memory_space<vmem_shared>> -> memref<632x8xf32, #tpu.memory_space<vmem_shared>>
      tpu.wait_dma2 semaphore(%run_scoped3A : memref<!tpu.dma_semaphore, #tpu.memory_space<semaphore_mem>>) src(%dma_wait3A_391 : memref<632x8xf32, #tpu.memory_space<vmem_shared>>) dst(%dma_wait3A_389 : memref<632x8xf32, #tpu.memory_space<hbm>>)
      tpu.yield
    }) : () -> ()
    return
  }
}

module attributes {stable_mosaic.version = 14 : i64} {
  func.func @_mm_kernel(%arg0: i32, %arg1: memref<2000x768xf32, #tpu.memory_space<vmem>>, %arg2: memref<768x8xf32, #tpu.memory_space<vmem>>, %arg3: memref<2000x8xf32, #tpu.memory_space<vmem>>) attributes {dimension_semantics = [#tpu.dimension_semantics<arbitrary>], iteration_bounds = array<i64: 5>, scalar_prefetch = 0 : i64, scratch_operands = 0 : i64, tpu.core_type = #tpu.core_type<tc>, window_params = [{transform_indices = @transform_0, window_bounds = array<i64: 2000, 768>}, {pipeline_mode = #tpu.pipeline_mode<synchronous>, transform_indices = @transform_1, window_bounds = array<i64: 768, 8>}, {transform_indices = @transform_2, window_bounds = array<i64: 2000, 8>}]} {
    %get3A = arith.constant 0 : index
    %get3A_0 = arith.constant 0 : index
    %get3A_1 = vector.load %arg1[%get3A, %get3A_0] : memref<2000x768xf32, #tpu.memory_space<vmem>>, vector<2000x768xf32>
    %get3A_2 = arith.constant 0 : index
    %get3A_3 = arith.constant 0 : index
    %get3A_4 = vector.load %arg2[%get3A_2, %get3A_3] : memref<768x8xf32, #tpu.memory_space<vmem>>, vector<768x8xf32>
    %dot_general3A = arith.constant dense<0.000000e+00> : vector<2000x8xf32>
    %dot_general3A_5 = tpu.matmul %get3A_1, %get3A_4, %dot_general3A {dimension_numbers = #tpu.dot_dimension_numbers<[1], [0], [0], [1], [0, 0, 1, 1], [], []>, transpose_lhs_hint = false} : vector<2000x768xf32>, vector<768x8xf32>, vector<2000x8xf32> -> vector<2000x8xf32>
    %swap3A = arith.constant 0 : index
    %swap3A_6 = arith.constant 0 : index
    %swap3A_7 = vector.load %arg3[%swap3A, %swap3A_6] : memref<2000x8xf32, #tpu.memory_space<vmem>>, vector<2000x8xf32>
    tpu.vector_store %arg3[%swap3A, %swap3A_6], %dot_general3A_5 {strides = array<i32>} : memref<2000x8xf32, #tpu.memory_space<vmem>>, vector<2000x8xf32>,
    return
  }
  func.func @transform_0(%arg0: i32) -> (i32, i32) {
    %c0_i32 = arith.constant 0 : i32
    %c0_i32_0 = arith.constant 0 : i32
    return %arg0, %c0_i32 : i32, i32
  }
  func.func @transform_1(%arg0: i32) -> (i32, i32) {
    %c0_i32 = arith.constant 0 : i32
    %c0_i32_0 = arith.constant 0 : i32
    %c0_i32_1 = arith.constant 0 : i32
    return %c0_i32, %c0_i32_0 : i32, i32
  }
  func.func @transform_2(%arg0: i32) -> (i32, i32) {
    %c0_i32 = arith.constant 0 : i32
    %c0_i32_0 = arith.constant 0 : i32
    return %arg0, %c0_i32 : i32, i32
  }
}

module attributes {stable_mosaic.version = 14 : i64} {
  func.func @_y_kernel(%arg0: memref<632x128xf32, #tpu.memory_space<vmem>>, %arg1: memref<2x632x128xf32, #tpu.memory_space<vmem>>, %arg2: memref<632x128xf32, #tpu.memory_space<vmem>>) attributes {dimension_semantics = [], scalar_prefetch = 0 : i64, scratch_operands = 0 : i64, tpu.core_type = #tpu.core_type<tc>} {
    %get3A = arith.constant 0 : index
    %get3A_0 = arith.constant 0 : index
    %get3A_1 = arith.constant 0 : index
    %get3A_2 = vector.load %arg1[%get3A, %get3A_0, %get3A_1] : memref<2x632x128xf32, #tpu.memory_space<vmem>>, vector<1x632x128xf32>
    %get3A_3 = vector.shape_cast %get3A_2 : vector<1x632x128xf32> to vector<632x128xf32>
    %add3A = arith.constant 1.000000e+00 : f32
    %add3A_4 = vector.broadcast %add3A : f32 to vector<632x128xf32>
    %add3A_5 = arith.addf %add3A_4, %get3A_3 : vector<632x128xf32>
    %get3A_6 = arith.constant 1 : index
    %get3A_7 = arith.constant 0 : index
    %get3A_8 = arith.constant 0 : index
    %get3A_9 = vector.load %arg1[%get3A_6, %get3A_7, %get3A_8] : memref<2x632x128xf32, #tpu.memory_space<vmem>>, vector<1x632x128xf32>
    %get3A_10 = vector.shape_cast %get3A_9 : vector<1x632x128xf32> to vector<632x128xf32>
    %add3A_11 = arith.addf %add3A_5, %get3A_10 : vector<632x128xf32>
    %get3A_12 = arith.constant 0 : index
    %get3A_13 = arith.constant 0 : index
    %get3A_14 = vector.load %arg0[%get3A_12, %get3A_13] : memref<632x128xf32, #tpu.memory_space<vmem>>, vector<632x128xf32>
    %rsqrt3A = math.rsqrt %add3A_11 : vector<632x128xf32>
    %mul3A = arith.mulf %get3A_14, %rsqrt3A : vector<632x128xf32>
    %swap3A = arith.constant 0 : index
    %swap3A_15 = arith.constant 0 : index
    %swap3A_16 = vector.load %arg2[%swap3A, %swap3A_15] : memref<632x128xf32, #tpu.memory_space<vmem>>, vector<632x128xf32>
    tpu.vector_store %arg2[%swap3A, %swap3A_15], %mul3A {strides = array<i32>} : memref<632x128xf32, #tpu.memory_space<vmem>>, vector<632x128xf32>,
    return
  }
}

module attributes {stable_mosaic.version = 14 : i64} {
  func.func @_out_kernel(%arg0: memref<2x632x128xf32, #tpu.memory_space<vmem>>, %arg1: memref<2x632x128xf32, #tpu.memory_space<vmem>>, %arg2: memref<632x128xf32, #tpu.memory_space<vmem>>, %arg3: memref<1x128xf32, #tpu.memory_space<vmem>>, %arg4: memref<632x128xf32, #tpu.memory_space<vmem>>) attributes {dimension_semantics = [], scalar_prefetch = 0 : i64, scratch_operands = 0 : i64, tpu.core_type = #tpu.core_type<tc>} {
    %get3A = arith.constant 0 : index
    %get3A_0 = arith.constant 0 : index
    %get3A_1 = arith.constant 0 : index
    %get3A_2 = vector.load %arg1[%get3A, %get3A_0, %get3A_1] : memref<2x632x128xf32, #tpu.memory_space<vmem>>, vector<1x632x128xf32>
    %get3A_3 = vector.shape_cast %get3A_2 : vector<1x632x128xf32> to vector<632x128xf32>
    %add3A = arith.constant 1.000000e+00 : f32
    %add3A_4 = vector.broadcast %add3A : f32 to vector<632x128xf32>
    %add3A_5 = arith.addf %add3A_4, %get3A_3 : vector<632x128xf32>
    %get3A_6 = arith.constant 1 : index
    %get3A_7 = arith.constant 0 : index
    %get3A_8 = arith.constant 0 : index
    %get3A_9 = vector.load %arg1[%get3A_6, %get3A_7, %get3A_8] : memref<2x632x128xf32, #tpu.memory_space<vmem>>, vector<1x632x128xf32>
    %get3A_10 = vector.shape_cast %get3A_9 : vector<1x632x128xf32> to vector<632x128xf32>
    %add3A_11 = arith.addf %add3A_5, %get3A_10 : vector<632x128xf32>
    %rsqrt3A = math.rsqrt %add3A_11 : vector<632x128xf32>
    %get3A_12 = arith.constant 0 : index
    %get3A_13 = arith.constant 0 : index
    %get3A_14 = arith.constant 0 : index
    %get3A_15 = vector.load %arg0[%get3A_12, %get3A_13, %get3A_14] : memref<2x632x128xf32, #tpu.memory_space<vmem>>, vector<1x632x128xf32>
    %get3A_16 = vector.shape_cast %get3A_15 : vector<1x632x128xf32> to vector<632x128xf32>
    %get3A_17 = arith.constant 1 : index
    %get3A_18 = arith.constant 0 : index
    %get3A_19 = arith.constant 0 : index
    %get3A_20 = vector.load %arg0[%get3A_17, %get3A_18, %get3A_19] : memref<2x632x128xf32, #tpu.memory_space<vmem>>, vector<1x632x128xf32>
    %get3A_21 = vector.shape_cast %get3A_20 : vector<1x632x128xf32> to vector<632x128xf32>
    %add3A_22 = arith.addf %get3A_16, %get3A_21 : vector<632x128xf32>
    %get3A_23 = arith.constant 0 : index
    %get3A_24 = arith.constant 0 : index
    %get3A_25 = vector.load %arg2[%get3A_23, %get3A_24] : memref<632x128xf32, #tpu.memory_space<vmem>>, vector<632x128xf32>
    %add3A_26 = arith.addf %add3A_22, %get3A_25 : vector<632x128xf32>
    %mul3A = arith.mulf %rsqrt3A, %add3A_26 : vector<632x128xf32>
    %get3A_27 = arith.constant 0 : index
    %get3A_28 = arith.constant 0 : index
    %get3A_29 = vector.load %arg3[%get3A_27, %get3A_28] : memref<1x128xf32, #tpu.memory_space<vmem>>, vector<1x128xf32>
    %add3A_30 = vector.broadcast %get3A_29 : vector<1x128xf32> to vector<632x128xf32>
    %add3A_31 = arith.addf %mul3A, %add3A_30 : vector<632x128xf32>
    %max3A = arith.constant 0.000000e+00 : f32
    %max3A_32 = vector.broadcast %max3A : f32 to vector<632x128xf32>
    %max3A_33 = arith.maximumf %add3A_31, %max3A_32 : vector<632x128xf32>
    %swap3A = arith.constant 0 : index
    %swap3A_34 = arith.constant 0 : index
    %swap3A_35 = vector.load %arg4[%swap3A, %swap3A_34] : memref<632x128xf32, #tpu.memory_space<vmem>>, vector<632x128xf32>
    tpu.vector_store %arg4[%swap3A, %swap3A_34], %max3A_33 {strides = array<i32>} : memref<632x128xf32, #tpu.memory_space<vmem>>, vector<632x128xf32>,
    return
  }
}

</mosaic_0001>

<sc_bundles>
// kernel: kernel.10.cloned.1.call-start
scs
__scs_entry_jumppad:
0x0: {  	(pc) =	sbr.rel $0x88, $3  }
0x1: {  	(tag) =	ssettag $0x0;
	lr =	simm.s32 $0x1  }
0x2: {  	[smem:$0x3F9D] =	sst lr;
	_ =	strace $0xD0000000  }
0x3: {  	_ = 	snop  }
0x4: {  	_ = 	snop  }
0x5: {  	_ = 	snop  }
0x6: {  	_ = 	snop  }
0x7: {  	_ = 	snop  }
__scs_overlays_trampoline_lowered:
0x8: {  	[smem:$0x3FAC] =	sst s0  }
0x9: {  	[smem:$0x3FAD] =	sst s1  }
0xa: {  	[smem:$0x3FAE] =	sst s2  }
0xb: {  	[smem:$0x3FAF] =	sst s3  }
0xc: {  	[smem:$0x3FB0] =	sst s4  }
0xd: {  	[smem:$0x3FB1] =	sst s5  }
0xe: {  	[smem:$0x3FB2] =	sst s6  }
0xf: {  	[smem:$0x3FB3] =	sst s7  }
0x10: {  	[smem:$0x3FB4] =	sst s8  }
0x11: {  	[smem:$0x3FB5] =	sst s9;
	s0 =	simm.s32 @!p0 $0x0  }
0x12: {  	s1 =	sld [smem:$0x3F9B];
	s0 =	simm.s32 @p0 $0x1  }
0x13: {  	[smem:$0x3FB6] =	sst s0;
	s0 =	simm.s32 @!p1 $0x0  }
0x14: {  	s2 =	sld [smem:$0x3F9A];
	s0 =	simm.s32 @p1 $0x1  }
0x15: {  	[smem:$0x3FB7] =	sst s0;
	s0 =	simm.s32 @!p2 $0x0  }
0x16: {  	s3 =	sld [smem:$0x3FDB];
	s0 =	simm.s32 @p2 $0x1  }
0x17: {  	s4 =	simm.s32 $0x1BF5;
	[smem:$0x3FB9] =	sst s0  }
0x18: {  	s0 =	sld [smem:$0x3F9C];
	_ =	swait.ge [sflag:s4], $0x0  }
0x19: {  	s7 =	sld [smem:$0x3F9D]  }
0x1a: {  	s8 =	sadd.s32 $0xFFFFE003, lr  }
0x1b: {  	s9 =	sadd.s32 $0xFFFFFEF7, lr;
	s5 =	simm.s32 $0xFFFFFFFF;
	p2 =	slt.u32 s8, $0xFFFFF086  }
0x1c: {  	p1 =	slt.u32 s9, $0xF7A;
	s5 =	simm.s32 @!p2 $0x0  }
0x1d: {  	s5 =	simm.s32 @p1 $0x1;
	p0 =	seq.s32 s7, s2  }
0x1e: {  	s7 =	smul.u32 @!p0 $0xF7A, s2;
	p2 =	seq.s32 @!p0 s5, $0x0  }
0x1f: {  	s9 =	smul.u32 $0xF7A, s1;
	s8 =	simm.s32 @!p0 $0x1BF5;
	p2 =	por !p2, p0  }
0x20: {  	[sflag:s8] =	ssyncset.s32 @!p0 $0xFFFFF086;
	s6 =	sadd.s32 @!p0 s3, s7;
	s7 =	simm.s32 @!p0 $0x108  }
0x21: {  	s3 =	sadd.s32 s3, s9;
	s6 =	sadd.s32 @!p0 $0x88, s6;
	s7 =	simm.s32 @p2 $0x1082  }
0x22: {  	[simem:s7], [sflag:s8] =	dma.local @!p0 [hbm:s6], $0xF7A  }
0x23: {  	s9 =	sor.u32 $0xD0000000, s2;
	s6 =	simm.s32 $0x108;
	_ =	swait.ge @!p0 [sflag:s8], $0x0  }
0x24: {  	s3 =	sadd.s32 $0x88, s3;
	s6 =	simm.s32 @!p1 $0x1082;
	[sflag:s4] =	ssyncset.s32 $0xFFFFF086  }
0x25: {  	[simem:s6], [sflag:s4] =	dma.local [hbm:s3], $0xF7A  }
0x26: {  	[smem:$0x3F9D] =	sst s1;
	(tag) =	ssettag s2;
	_ =	strace s9  }
0x27: {  	s1 =	sld [smem:$0x3FAD]  }
0x28: {  	s2 =	sld [smem:$0x3FAE]  }
0x29: {  	s4 =	sld [smem:$0x3FB0]  }
0x2a: {  	p0 =	seq.s32 s5, $0x0;
	s5 =	sld [smem:$0x3FB1]  }
0x2b: {  	s6 =	sld [smem:$0x3FB2]  }
0x2c: {  	s7 =	sld [smem:$0x3FB3]  }
0x2d: {  	s3 =	simm.s32 $0x108;
	s8 =	sld [smem:$0x3FB4]  }
0x2e: {  	s3 =	simm.s32 @!p0 $0x1082;
	s9 =	sld [smem:$0x3FB5]  }
0x2f: {  	lr =	sadd.s32 s0, s3;
	s0 =	sld [smem:$0x3FAC]  }
0x30: {  	s3 =	sld [smem:$0x3FAF]  }
0x31: {  	[smem:$0x3FB8] =	sst s10  }
0x32: {  	s10 =	sld [smem:$0x3FB6];
	_ =	sdelay $0x3  }
0x33: {  	p0 =	seq.s32 s10, $0x1;
	s10 =	sld [smem:$0x3FB8];
	_ =	sdelay $0x3  }
0x34: {  	[smem:$0x3FB8] =	sst s10  }
0x35: {  	s10 =	sld [smem:$0x3FB7];
	_ =	sdelay $0x3  }
0x36: {  	p1 =	seq.s32 s10, $0x1;
	s10 =	sld [smem:$0x3FB8];
	_ =	sdelay $0x3  }
0x37: {  	[smem:$0x3FB8] =	sst s10  }
0x38: {  	s10 =	sld [smem:$0x3FB9]  }
0x39: {  	_ = 	snop;
	(pc) =	sbr.ind lr, $3  }
0x3a: {  	_ = 	snop  }
0x3b: {  	_ = 	snop  }
0x3c: {  	p2 =	seq.s32 s10, $0x1;
	s10 =	sld [smem:$0x3FB8]  }
0x3d: {  	_ =	shalt  }
0x3e: {  	_ =	shalt  }
0x3f: {  	_ =	shalt  }
0x40: {  	_ =	shalt  }
0x41: {  	_ =	shalt  }
0x42: {  	_ =	shalt  }
0x43: {  	_ =	shalt  }
0x44: {  	_ =	shalt  }
0x45: {  	_ =	shalt  }
0x46: {  	_ =	shalt  }
0x47: {  	_ =	shalt  }
0x48: {  	_ =	shalt  }
0x49: {  	_ =	shalt  }
0x4a: {  	_ =	shalt  }
0x4b: {  	_ =	shalt  }
0x4c: {  	_ =	shalt  }
0x4d: {  	_ =	shalt  }
0x4e: {  	_ =	shalt  }
0x4f: {  	_ =	shalt  }
0x50: {  	_ =	shalt  }
0x51: {  	_ =	shalt  }
0x52: {  	_ =	shalt  }
0x53: {  	_ =	shalt  }
0x54: {  	_ =	shalt  }
0x55: {  	_ =	shalt  }
0x56: {  	_ =	shalt  }
0x57: {  	_ =	shalt  }
0x58: {  	_ =	shalt  }
0x59: {  	_ =	shalt  }
0x5a: {  	_ =	shalt  }
0x5b: {  	_ =	shalt  }
0x5c: {  	_ =	shalt  }
0x5d: {  	_ =	shalt  }
0x5e: {  	_ =	shalt  }
0x5f: {  	_ =	shalt  }
0x60: {  	_ =	shalt  }
0x61: {  	_ =	shalt  }
0x62: {  	_ =	shalt  }
0x63: {  	_ =	shalt  }
0x64: {  	_ =	shalt  }
0x65: {  	_ =	shalt  }
0x66: {  	_ =	shalt  }
0x67: {  	_ =	shalt  }
0x68: {  	_ =	shalt  }
0x69: {  	_ =	shalt  }
0x6a: {  	_ =	shalt  }
0x6b: {  	_ =	shalt  }
0x6c: {  	_ =	shalt  }
0x6d: {  	_ =	shalt  }
0x6e: {  	_ =	shalt  }
0x6f: {  	_ =	shalt  }
0x70: {  	_ =	shalt  }
0x71: {  	_ =	shalt  }
0x72: {  	_ =	shalt  }
0x73: {  	_ =	shalt  }
0x74: {  	_ =	shalt  }
0x75: {  	_ =	shalt  }
0x76: {  	_ =	shalt  }
0x77: {  	_ =	shalt  }
0x78: {  	_ =	shalt  }
0x79: {  	_ =	shalt  }
0x7a: {  	_ =	shalt  }
0x7b: {  	_ =	shalt  }
0x7c: {  	_ =	shalt  }
0x7d: {  	_ =	shalt  }
0x7e: {  	_ =	shalt  }
0x7f: {  	_ =	shalt  }
0x80: {  	_ =	shalt  }
0x81: {  	_ =	shalt  }
0x82: {  	_ =	shalt  }
0x83: {  	_ =	shalt  }
0x84: {  	_ =	shalt  }
0x85: {  	_ =	shalt  }
0x86: {  	_ =	shalt  }
0x87: {  	_ =	shalt  }
.Lfunc_end0:
.L_simem_size_0:
called_computation.1_lowered:
.L_overlay_start_0:
0x88: {  	s2 =	sld [smem:$0x3FD9]  }
0x89: {  	s3 =	sld [smem:$0x3FFE];
	_ =	sdelay $0x1  }
0x8a: {  	s1 =	srdreg.scid  }
0x8b: {  	s0 =	sand.u32 $0x1, s1  }
0x8c: {  	s17 =	sshll.u32 s0, $0xA;
	s2 =	sadd.s32 s3, s2  }
0x8d: {  	s2 =	sadd.s32 s2, s17  }
0x8e: {  	[smem:$0x3FC4] =	sst s2  }
0x8f: {  	_ = 	snop  }
0x90: {  	s2 =	sld [smem:$0x3FD0];
	(tm) =	ssettm $0x1  }
0x91: {  	s18 =	sld [smem:$0x3FFB];
	_ =	sdelay $0x3  }
0x92: {  	_ =	strace s18  }
0x93: {  	s3 =	sld [smem:$0x3FFC];
	_ =	sdelay $0x3  }
0x94: {  	_ =	strace s3  }
0x95: {  	s3 =	sld [smem:$0x3FFD];
	_ =	sdelay $0x3  }
0x96: {  	_ =	strace s3  }
0x97: {  	_ =	strace $0x8FFFFFFF  }
0x98: {  	s19 =	sld [smem:$0x3FDB];
	_ =	sdelay $0x1  }
0x99: {  	s4 =	simm.s32 $_scs_section_size  }
0x9a: {  	s5 =	simm.s32 $_size__tile_overlayer_lowered;
	s6 =	simm.s32 $_tile_overlayer_lowered  }
0x9b: {  	s22 =	simm.s32 $0x1BFF;
	s21 =	sshll.u32 s6, $0x1;
	s3 =	sadd.s32 s4, s19  }
0x9c: {  	s7 =	simm.s32 $0x0;
	s20 =	sshll.u32 s5, $0x1;
	s5 =	sadd.s32 s21, s3  }
0x9d: {  	[timem:s7], [sflag:s22] =	dma.local [hbm:s5], s20  }
0x9e: {  	_ =	swait.ge [sflag:s22], s20  }
0x9f: {  	s4 =	ssub.s32 $0x0, s20;
	[sflag:s22] =	ssyncset.done $0x0  }
0xa0: {  	[sflag:s22] =	ssyncadd.s32 s4;
	_ =	sdelay $0x1  }
0xa1: {  	s23 =	simm.s32 $0x1B8B  }
0xa2: {  	_ =	swait.ge [sflag:s23], $0x1  }
0xa3: {  	[sflag:s23] =	ssyncset.done $0x0  }
0xa4: {  	s25 =	simm.s32 $0x1B8E;
	s24 =	sld [smem:$0x3FFE];
	[sflag:s23] =	ssyncadd.s32 $0xFFFFFFFF  }
0xa5: {  	s26 =	simm.s32 $execute0_lowered;
	[smem:$0x3FD2] =	sst s25  }
0xa6: {  	s5 =	sshll.u32 s26, $0x1;
	_ =	strace $0x80000049;
	[dreg:$0x1] =	wrdreg $0xFFFFFFFF  }
0xa7: {  	s28 =	simm.s32 $_size_execute0_lowered;
	s3 =	sadd.s32 s3, s5;
	[dreg:$0x0] =	wrdreg $0x0  }
0xa8: {  	s5 =	sshll.u32 s28, $0x1;
	[dreg:$0x2] =	wrdreg s3  }
0xa9: {  	[dreg:$0x3] =	wrdreg s5  }
0xaa: {  	[dreg:$0x4] =	wrdreg $0xC0  }
0xab: {  	_ =	task [dreg:s7], $0x5FFFF  }
0xac: {  	[dreg:$0x1] =	wrdreg $0xFFFFFFFF  }
0xad: {  	[dreg:$0x0] =	wrdreg $0x60  }
0xae: {  	[dreg:$0x2] =	wrdreg s24  }
0xaf: {  	[dreg:$0x3] =	wrdreg s2  }
0xb0: {  	[dreg:$0x4] =	wrdreg $0x90C00  }
0xb1: {  	[dreg:$0x5] =	wrdreg $0x7D000  }
0xb2: {  	[dreg:$0x6] =	wrdreg $0x9  }
0xb3: {  	_ =	task.clear_ibuf [dreg:s7], $0x7FFFF;
	_ =	strace $0x90000049  }
0xb4: {  	s29 =	simm.s32 $0x9;
	_ =	strace $0x8000004B  }
0xb5: {  	_ =	swait.ge [sflag:s29], $0x1  }
0xb6: {  	[sflag:s29] =	ssyncadd.s32 $0xFFFFFFFF  }
0xb7: {  	_ =	strace $0x9000004B  }
0xb8: {  	_ =	sfence  }
0xb9: {  	s30 =	sld [smem:$0x0];
	_ =	sdelay $0x2  }
0xba: {  	s31 =	sshll.u32 s1, $0xD;
	s1 =	sshrl.u32 s1, $0x2  }
0xbb: {  	s3 =	sand.u32 $0x4000, s31;
	s1 =	sadd.s32 s1, s30  }
0xbc: {  	s0 =	sor.u32 s3, s0;
	s1 =	sshll.u32 s1, $0x11  }
0xbd: {  	s0 =	sor.u32 s1, s0  }
0xbe: {  	s0 =	sadd.s32 $0x8F2B, s0  }
0xbf: {  	[sflag:s0] =	ssyncadd.remote.s32 $0x1  }
0xc0: {  	_ =	sfence.sel $0xFFFF  }
0xc1: {  	[dreg:$0x0] =	wrdreg $0xFFFFFFFF;
	(pc) =	sbr.abs _section_cstart, $3  }
0xc2: {  	[dreg:$0x1] =	wrdreg $0xFFFFFFFF  }
0xc3: {  	_ =	task.clear_ibuf [dreg:s7], $0x2FFFF;
	_ =	strace $0x9FFFFFFF  }
0xc4: {  	(tm) =	ssettm $0x7FFFFFFF  }
0xc5: {  	_ =	shalt  }
tec
execute0_lowered:
.L_overlay_start_1:
0x0: {  	(tag) =	ssettag $0x1  }
0x1: {  	s0 =	rddreg [dreg:$0x0]  }
0x2: {  	s5 =	rddreg [dreg:$0x1]  }
0x3: {  	s2 =	rddreg [dreg:$0x2]  }
0x4: {  	s1 =	srdreg.scid;
	s3 =	rddreg [dreg:$0x3];
	s10 =	simm.s32 $0x0  }
0x5: {  	s9 =	sand.u32 $0x1, s1;
	[smem:$0x7FF] =	sst s10  }
0x6: {  	s30 =	simm.s32 $0x100;
	[smem:$0x7F9] =	sst s9  }
0x7: {  	s31 =	simm.s32 $0x180;
	_ =	strace $0x8000004A;
	[dreg:$0xa] =	wrdreg s30  }
0x8: {  	s11 =	simm.s32 $0x300;
	[dreg:$0xb] =	wrdreg s31  }
0x9: {  	s12 =	simm.s32 $0x380;
	[dreg:$0xe] =	wrdreg s11  }
0xa: {  	s13 =	simm.s32 $0x400;
	[dreg:$0xf] =	wrdreg s12  }
0xb: {  	s14 =	simm.s32 $0x480;
	[dreg:$0x10] =	wrdreg s13  }
0xc: {  	s15 =	simm.s32 $0x500;
	[dreg:$0x11] =	wrdreg s14  }
0xd: {  	s16 =	simm.s32 $0x580;
	[dreg:$0x12] =	wrdreg s15  }
0xe: {  	s17 =	simm.s32 $0x600;
	[dreg:$0x13] =	wrdreg s16  }
0xf: {  	s18 =	simm.s32 $0x680;
	[dreg:$0x14] =	wrdreg s17  }
0x10: {  	s19 =	simm.s32 $0x700;
	[dreg:$0x15] =	wrdreg s18  }
0x11: {  	s20 =	simm.s32 $0x780;
	[dreg:$0x16] =	wrdreg s19  }
0x12: {  	s21 =	simm.s32 $0x800;
	[dreg:$0x17] =	wrdreg s20  }
0x13: {  	s22 =	simm.s32 $0x880;
	[dreg:$0x18] =	wrdreg s21  }
0x14: {  	s23 =	simm.s32 $0x900;
	[dreg:$0x19] =	wrdreg s22  }
0x15: {  	[dreg:$0x1a] =	wrdreg s23;
	s30 =	simm.s32 $0xC00  }
0x16: {  	s31 =	simm.s32 $0xD00;
	[smem:$0x7E0] =	sst s30  }
0x17: {  	s11 =	simm.s32 $0xE80;
	[smem:$0x7E1] =	sst s31  }
0x18: {  	s12 =	simm.s32 $0xF00;
	[smem:$0x7E4] =	sst s11  }
0x19: {  	s13 =	simm.s32 $0xF80;
	[smem:$0x7E5] =	sst s12  }
0x1a: {  	s14 =	simm.s32 $0x1000;
	[smem:$0x7E6] =	sst s13  }
0x1b: {  	s15 =	simm.s32 $0x1080;
	[smem:$0x7E7] =	sst s14  }
0x1c: {  	s16 =	simm.s32 $0x1100;
	[smem:$0x7E8] =	sst s15  }
0x1d: {  	s17 =	simm.s32 $0x1180;
	[smem:$0x7E9] =	sst s16  }
0x1e: {  	s18 =	simm.s32 $0x1200;
	[smem:$0x7EA] =	sst s17  }
0x1f: {  	s19 =	simm.s32 $0x1280;
	[smem:$0x7EB] =	sst s18  }
0x20: {  	s8 =	stileid.u32;
	s20 =	simm.s32 $0x1300;
	[smem:$0x7EC] =	sst s19  }
0x21: {  	s4 =	smul.u32 $0x13C0, s8;
	s21 =	simm.s32 $0x1380;
	[smem:$0x7ED] =	sst s20  }
0x22: {  	s22 =	simm.s32 $0x1400;
	[smem:$0x7EE] =	sst s21  }
0x23: {  	s26 =	sadd.s32 s4, s3;
	s23 =	simm.s32 $0x1480;
	[smem:$0x7EF] =	sst s22  }
0x24: {  	s1 =	sshll.u32 s9, $0x4;
	s29 =	sshrl.u32 s26, $0x3;
	[smem:$0x7F0] =	sst s23  }
0x25: {  	s1 =	sor.u32 s8, s1;
	s26 =	simm.s32 $0xA80;
	[dreg:$0x9] =	wrdreg s29  }
0x26: {  	s6 =	smul.u32 $0x190, s1;
	s31 =	simm.s32 $0x1780;
	[dreg:$0x1d] =	wrdreg s26  }
0x27: {  	s1 =	sshrl.u32 s4, $0x3;
	s12 =	sshll.u32 s8, $0x6;
	[smem:$0x7F6] =	sst s31  }
0x28: {  	s30 =	smul.u32 $0x2780, s9;
	s9 =	simm.s32 $0x1880;
	[smem:$0x7FB] =	sst s12  }
0x29: {  	s5 =	sadd.s32 s5, s1;
	[smem:$0x7F8] =	sst s9  }
0x2a: {  	s29 =	simm.s32 $0xB80;
	[dreg:$0x5] =	wrdreg s5  }
0x2b: {  	s7 =	sadd.s32 s1, s0;
	s26 =	simm.s32 $0x1600;
	[dreg:$0x1f] =	wrdreg s29  }
0x2c: {  	s24 =	sadd.s32 $0x3E00, s7;
	[smem:$0x7F3] =	sst s26  }
0x2d: {  	s7 =	simm.s32 $0x280;
	[dreg:$0x6] =	wrdreg s24  }
0x2e: {  	s29 =	simm.s32 $0x1700;
	[dreg:$0xd] =	wrdreg s7  }
0x2f: {  	s6 =	sadd.s32 s6, s0;
	[smem:$0x7F5] =	sst s29  }
0x30: {  	s25 =	sadd.s32 $0x9000, s6;
	s11 =	rddreg [dreg:$0x5]  }
0x31: {  	s28 =	sadd.s32 $0xC00, s6;
	[dreg:$0x7] =	wrdreg s25  }
0x32: {  	s6 =	simm.s32 $0x200;
	[dreg:$0x8] =	wrdreg s28  }
0x33: {  	s24 =	simm.s32 $0x980;
	[dreg:$0xc] =	wrdreg s6  }
0x34: {  	s7 =	simm.s32 $0xE00;
	[dreg:$0x1b] =	wrdreg s24  }
0x35: {  	s25 =	simm.s32 $0xA00;
	[smem:$0x7E3] =	sst s7  }
0x36: {  	s28 =	simm.s32 $0xB00;
	[dreg:$0x1c] =	wrdreg s25  }
0x37: {  	s6 =	simm.s32 $0xD80;
	[dreg:$0x1e] =	wrdreg s28  }
0x38: {  	s0 =	sadd.s32 s30, s0;
	s24 =	simm.s32 $0x1500;
	[smem:$0x7E2] =	sst s6  }
0x39: {  	s0 =	sadd.s32 $0xC200, s0;
	s7 =	simm.s32 $0x1800;
	[smem:$0x7F1] =	sst s24  }
0x3a: {  	s0 =	sadd.s32 s1, s0;
	[smem:$0x7F7] =	sst s7  }
0x3b: {  	s25 =	simm.s32 $0x1580;
	[smem:$0x7FA] =	sst s0  }
0x3c: {  	s4 =	sadd.s32 s4, s2;
	s28 =	simm.s32 $0x1680;
	[smem:$0x7F2] =	sst s25  }
0x3d: {  	s13 =	sor.u32 $0x1C1A, s12;
	s29 =	sshrl.u32 s4, $0x3;
	[smem:$0x7F4] =	sst s28  }
0x3e: {  	[spmem:s29], [sflag:s13] =	dma.local [hbm:s11], $0x278  }
0x3f: {  	[smem:$0x7DF] =	sst s13  }
0x40: {  	s14 =	rddreg [dreg:$0x6]  }
0x41: {  	s15 =	rddreg [dreg:$0x9]  }
0x42: {  	[spmem:s15], [sflag:s13] =	dma.local [hbm:s14], $0x278  }
0x43: {  	s0 =	rddreg [dreg:$0x7]  }
0x44: {  	[tilespmem:s10], [sflag:$0x1A] =	stream.linear.gather [hbm4b:s0+s10], $0xC80, $0x38;
	[tilespmem:$0xA480] =	vst v63  }
0x45: {  	s8 =	simm.s32 $0x1A;
	s5 =	simm.s32 $0xC80;
	s1 =	rddreg [dreg:$0x8]  }
0x46: {  	[tilespmem:s5], [sflag:$0x1A] =	stream.linear.gather [hbm4b:s1+s10], $0xC80, $0x38;
	[tilespmem:$0xA480] =	vst v63  }
0x47: {  	_ =	swait.ge [sflag:s8], $0x278  }
0x48: {  	[sflag:s8] =	ssyncset.done $0x0  }
0x49: {  	[sflag:s8] =	ssyncadd.s32 $0xFFFFFD88  }
0x4a: {  	_ =	swait.ge [sflag:s8], $0x278  }
0x4b: {  	[sflag:s8] =	ssyncset.done $0x0  }
0x4c: {  	[sflag:s8] =	ssyncadd.s32 $0xFFFFFD88  }
0x4d: {  	_ =	swait.ge [sflag:s8], $0xC80  }
0x4e: {  	[sflag:s8] =	ssyncset.done $0x0  }
0x4f: {  	[sflag:s8] =	ssyncadd.s32 $0xFFFFF380  }
0x50: {  	_ =	swait.ge [sflag:s8], $0xC80  }
0x51: {  	[sflag:s8] =	ssyncset.done $0x0  }
0x52: {  	[sflag:s8] =	ssyncadd.s32 $0xFFFFF380  }
0x53: {  	s9 =	simm.s32 $0x80;
	s7 =	simm.s32 $0x1900;
	[bflag:$0x0] =	sbarrier.arrive $0xFFFF  }
0x54: {  	[tilespmem:s7], [sflag:$0x1] =	stream.indirect.gather [spmem:s3], $0x8, s10, s9, $0xb8;
	[tilespmem:$0xA480] =	vst v63  }
0x55: {  	s10 =	simm.s32 $0x1D00;
	s16 =	rddreg [dreg:$0xa]  }
0x56: {  	[tilespmem:s10], [sflag:$0x2] =	stream.indirect.gather [spmem:s3], $0x8, s9, s9, $0xb8;
	[tilespmem:$0xA480] =	vst v63  }
0x57: {  	s11 =	simm.s32 $0x2100;
	s17 =	rddreg [dreg:$0xb]  }
0x58: {  	[tilespmem:s11], [sflag:$0x3] =	stream.indirect.gather [spmem:s3], $0x8, s16, s9, $0xb8;
	[tilespmem:$0xA480] =	vst v63  }
0x59: {  	s13 =	simm.s32 $0x2500;
	s18 =	rddreg [dreg:$0xc]  }
0x5a: {  	[tilespmem:s13], [sflag:$0x4] =	stream.indirect.gather [spmem:s3], $0x8, s17, s9, $0xb8;
	[tilespmem:$0xA480] =	vst v63  }
0x5b: {  	s14 =	simm.s32 $0x2900;
	s19 =	rddreg [dreg:$0xd]  }
0x5c: {  	[tilespmem:s14], [sflag:$0x5] =	stream.indirect.gather [spmem:s3], $0x8, s18, s9, $0xb8;
	[tilespmem:$0xA480] =	vst v63  }
0x5d: {  	s15 =	simm.s32 $0x2D00;
	s20 =	rddreg [dreg:$0xe]  }
0x5e: {  	[tilespmem:s15], [sflag:$0x6] =	stream.indirect.gather [spmem:s3], $0x8, s19, s9, $0xb8;
	[tilespmem:$0xA480] =	vst v63  }
0x5f: {  	s21 =	rddreg [dreg:$0xf];
	s16 =	simm.s32 $0x3100  }
0x60: {  	[tilespmem:s16], [sflag:$0x7] =	stream.indirect.gather [spmem:s3], $0x8, s20, s9, $0xb8;
	[tilespmem:$0xA480] =	vst v63  }
0x61: {  	s22 =	rddreg [dreg:$0x10];
	s17 =	simm.s32 $0x3500  }
0x62: {  	[tilespmem:s17], [sflag:$0x8] =	stream.indirect.gather [spmem:s3], $0x8, s21, s9, $0xb8;
	[tilespmem:$0xA480] =	vst v63  }
0x63: {  	s23 =	rddreg [dreg:$0x11];
	s18 =	simm.s32 $0x3900  }
0x64: {  	[tilespmem:s18], [sflag:$0x9] =	stream.indirect.gather [spmem:s3], $0x8, s22, s9, $0xb8;
	[tilespmem:$0xA480] =	vst v63  }
0x65: {  	s24 =	rddreg [dreg:$0x12];
	s19 =	simm.s32 $0x3D00  }
0x66: {  	[tilespmem:s19], [sflag:$0xA] =	stream.indirect.gather [spmem:s3], $0x8, s23, s9, $0xb8;
	[tilespmem:$0xA480] =	vst v63  }
0x67: {  	s25 =	rddreg [dreg:$0x13];
	s20 =	simm.s32 $0x4100  }
0x68: {  	[tilespmem:s20], [sflag:$0xB] =	stream.indirect.gather [spmem:s3], $0x8, s24, s9, $0xb8;
	[tilespmem:$0xA480] =	vst v63  }
0x69: {  	s26 =	rddreg [dreg:$0x14];
	s21 =	simm.s32 $0x4500  }
0x6a: {  	[tilespmem:s21], [sflag:$0xC] =	stream.indirect.gather [spmem:s3], $0x8, s25, s9, $0xb8;
	[tilespmem:$0xA480] =	vst v63  }
0x6b: {  	s28 =	rddreg [dreg:$0x15];
	s22 =	simm.s32 $0x4900  }
0x6c: {  	[tilespmem:s22], [sflag:$0xD] =	stream.indirect.gather [spmem:s3], $0x8, s26, s9, $0xb8;
	[tilespmem:$0xA480] =	vst v63  }
0x6d: {  	s30 =	rddreg [dreg:$0x16];
	s23 =	simm.s32 $0x4D00  }
0x6e: {  	[tilespmem:s23], [sflag:$0xE] =	stream.indirect.gather [spmem:s3], $0x8, s28, s9, $0xb8;
	[tilespmem:$0xA480] =	vst v63  }
0x6f: {  	s31 =	rddreg [dreg:$0x17];
	s24 =	simm.s32 $0x5100  }
0x70: {  	[tilespmem:s24], [sflag:$0xF] =	stream.indirect.gather [spmem:s3], $0x8, s30, s9, $0xb8;
	[tilespmem:$0xA480] =	vst v63  }
0x71: {  	s4 =	rddreg [dreg:$0x18];
	s25 =	simm.s32 $0x5500  }
0x72: {  	[tilespmem:s25], [sflag:$0x10] =	stream.indirect.gather [spmem:s3], $0x8, s31, s9, $0xb8;
	[tilespmem:$0xA480] =	vst v63  }
0x73: {  	s6 =	rddreg [dreg:$0x19];
	s26 =	simm.s32 $0x5900  }
0x74: {  	[tilespmem:s26], [sflag:$0x11] =	stream.indirect.gather [spmem:s3], $0x8, s4, s9, $0xb8;
	[tilespmem:$0xA480] =	vst v63  }
0x75: {  	s12 =	rddreg [dreg:$0x1a];
	s28 =	simm.s32 $0x5D00  }
0x76: {  	[tilespmem:s28], [sflag:$0x12] =	stream.indirect.gather [spmem:s3], $0x8, s6, s9, $0xb8;
	[tilespmem:$0xA480] =	vst v63  }
0x77: {  	s0 =	rddreg [dreg:$0x1e];
	s6 =	simm.s32 $0x6100  }
0x78: {  	[tilespmem:s6], [sflag:$0x13] =	stream.indirect.gather [spmem:s3], $0x8, s12, s9, $0xb8;
	[tilespmem:$0xA480] =	vst v63  }
0x79: {  	s30 =	rddreg [dreg:$0x1b];
	s12 =	simm.s32 $0x6500  }
0x7a: {  	[tilespmem:s12], [sflag:$0x14] =	stream.indirect.gather [spmem:s3], $0x8, s30, s9, $0xb8;
	[tilespmem:$0xA480] =	vst v63  }
0x7b: {  	s31 =	rddreg [dreg:$0x1c];
	s30 =	simm.s32 $0x6900  }
0x7c: {  	[tilespmem:s30], [sflag:$0x15] =	stream.indirect.gather [spmem:s3], $0x8, s31, s9, $0xb8;
	[tilespmem:$0xA480] =	vst v63  }
0x7d: {  	s4 =	rddreg [dreg:$0x1d];
	s31 =	simm.s32 $0x6D00  }
0x7e: {  	[tilespmem:s31], [sflag:$0x16] =	stream.indirect.gather [spmem:s3], $0x8, s4, s9, $0xb8;
	[tilespmem:$0xA480] =	vst v63  }
0x7f: {  	s1 =	rddreg [dreg:$0x1f];
	s4 =	simm.s32 $0x7100  }
0x80: {  	[tilespmem:s4], [sflag:$0x17] =	stream.indirect.gather [spmem:s3], $0x8, s0, s9, $0xb8;
	[tilespmem:$0xA480] =	vst v63  }
0x81: {  	s4 =	simm.s32 $0x7500;
	s0 =	sld [smem:$0x7E0]  }
0x82: {  	[tilespmem:s4], [sflag:$0x18] =	stream.indirect.gather [spmem:s3], $0x8, s1, s9, $0xb8;
	[tilespmem:$0xA480] =	vst v63  }
0x83: {  	s1 =	simm.s32 $0x7900;
	s4 =	simm.s32 $0x1  }
0x84: {  	[tilespmem:s1], [sflag:$0x19] =	stream.indirect.gather [spmem:s3], $0x8, s0, s9, $0xb8;
	[tilespmem:$0xA480] =	vst v63  }
0x85: {  	_ =	swait.ge [sflag:s4], $0x400  }
0x86: {  	[sflag:s4] =	ssyncset.done $0x0  }
0x87: {  	[sflag:s4] =	ssyncadd.s32 $0xFFFFFC00  }
0x88: {  	[spmem:s2] =	stream.indirect.scatter.add.f32 [tilespmem:s7], [sflag:$0x1A], $0x8, s5, s9, $0xb8;
	[tilespmem:$0xA480] =	vst v63  }
0x89: {  	s5 =	simm.s32 $0x2  }
0x8a: {  	_ =	swait.ge [sflag:s5], $0x400  }
0x8b: {  	s7 =	sld [smem:$0x7E1]  }
0x8c: {  	[sflag:s5] =	ssyncset.done $0x0  }
0x8d: {  	[sflag:s5] =	ssyncadd.s32 $0xFFFFFC00;
	s5 =	simm.s32 $0x3  }
0x8e: {  	[spmem:s2] =	stream.indirect.scatter.add.f32 [tilespmem:s10], [sflag:$0x1A], $0x8, s7, s9, $0xb8;
	[tilespmem:$0xA480] =	vst v63  }
0x8f: {  	_ =	swait.ge [sflag:s5], $0x400  }
0x90: {  	s7 =	sld [smem:$0x7E2]  }
0x91: {  	[sflag:s5] =	ssyncset.done $0x0  }
0x92: {  	s10 =	simm.s32 $0x4;
	[sflag:s5] =	ssyncadd.s32 $0xFFFFFC00  }
0x93: {  	[spmem:s2] =	stream.indirect.scatter.add.f32 [tilespmem:s11], [sflag:$0x1A], $0x8, s7, s9, $0xb8;
	[tilespmem:$0xA480] =	vst v63  }
0x94: {  	_ =	swait.ge [sflag:s10], $0x400  }
0x95: {  	s11 =	sld [smem:$0x7E3]  }
0x96: {  	[sflag:s10] =	ssyncset.done $0x0  }
0x97: {  	s0 =	simm.s32 $0x5;
	[sflag:s10] =	ssyncadd.s32 $0xFFFFFC00  }
0x98: {  	[spmem:s2] =	stream.indirect.scatter.add.f32 [tilespmem:s13], [sflag:$0x1A], $0x8, s11, s9, $0xb8;
	[tilespmem:$0xA480] =	vst v63  }
0x99: {  	_ =	swait.ge [sflag:s0], $0x400  }
0x9a: {  	s5 =	sld [smem:$0x7E4]  }
0x9b: {  	[sflag:s0] =	ssyncset.done $0x0  }
0x9c: {  	s7 =	simm.s32 $0x6;
	[sflag:s0] =	ssyncadd.s32 $0xFFFFFC00  }
0x9d: {  	[spmem:s2] =	stream.indirect.scatter.add.f32 [tilespmem:s14], [sflag:$0x1A], $0x8, s5, s9, $0xb8;
	[tilespmem:$0xA480] =	vst v63  }
0x9e: {  	_ =	swait.ge [sflag:s7], $0x400  }
0x9f: {  	s10 =	sld [smem:$0x7E5]  }
0xa0: {  	[sflag:s7] =	ssyncset.done $0x0  }
0xa1: {  	s11 =	simm.s32 $0x7;
	[sflag:s7] =	ssyncadd.s32 $0xFFFFFC00  }
0xa2: {  	[spmem:s2] =	stream.indirect.scatter.add.f32 [tilespmem:s15], [sflag:$0x1A], $0x8, s10, s9, $0xb8;
	[tilespmem:$0xA480] =	vst v63  }
0xa3: {  	_ =	swait.ge [sflag:s11], $0x400  }
0xa4: {  	s13 =	sld [smem:$0x7E6]  }
0xa5: {  	[sflag:s11] =	ssyncset.done $0x0  }
0xa6: {  	s14 =	simm.s32 $0x8;
	[sflag:s11] =	ssyncadd.s32 $0xFFFFFC00  }
0xa7: {  	[spmem:s2] =	stream.indirect.scatter.add.f32 [tilespmem:s16], [sflag:$0x1A], $0x8, s13, s9, $0xb8;
	[tilespmem:$0xA480] =	vst v63  }
0xa8: {  	_ =	swait.ge [sflag:s14], $0x400  }
0xa9: {  	s15 =	sld [smem:$0x7E7]  }
0xaa: {  	[sflag:s14] =	ssyncset.done $0x0  }
0xab: {  	s16 =	simm.s32 $0x9;
	[sflag:s14] =	ssyncadd.s32 $0xFFFFFC00  }
0xac: {  	[spmem:s2] =	stream.indirect.scatter.add.f32 [tilespmem:s17], [sflag:$0x1A], $0x8, s15, s9, $0xb8;
	[tilespmem:$0xA480] =	vst v63  }
0xad: {  	_ =	swait.ge [sflag:s16], $0x400  }
0xae: {  	s17 =	sld [smem:$0x7E8]  }
0xaf: {  	[sflag:s16] =	ssyncset.done $0x0  }
0xb0: {  	s5 =	simm.s32 $0xA;
	[sflag:s16] =	ssyncadd.s32 $0xFFFFFC00  }
0xb1: {  	[spmem:s2] =	stream.indirect.scatter.add.f32 [tilespmem:s18], [sflag:$0x1A], $0x8, s17, s9, $0xb8;
	[tilespmem:$0xA480] =	vst v63  }
0xb2: {  	_ =	swait.ge [sflag:s5], $0x400  }
0xb3: {  	s7 =	sld [smem:$0x7E9]  }
0xb4: {  	[sflag:s5] =	ssyncset.done $0x0  }
0xb5: {  	s10 =	simm.s32 $0xB;
	[sflag:s5] =	ssyncadd.s32 $0xFFFFFC00  }
0xb6: {  	[spmem:s2] =	stream.indirect.scatter.add.f32 [tilespmem:s19], [sflag:$0x1A], $0x8, s7, s9, $0xb8;
	[tilespmem:$0xA480] =	vst v63  }
0xb7: {  	_ =	swait.ge [sflag:s10], $0x400  }
0xb8: {  	s11 =	sld [smem:$0x7EA]  }
0xb9: {  	[sflag:s10] =	ssyncset.done $0x0  }
0xba: {  	s13 =	simm.s32 $0xC;
	[sflag:s10] =	ssyncadd.s32 $0xFFFFFC00  }
0xbb: {  	[spmem:s2] =	stream.indirect.scatter.add.f32 [tilespmem:s20], [sflag:$0x1A], $0x8, s11, s9, $0xb8;
	[tilespmem:$0xA480] =	vst v63  }
0xbc: {  	_ =	swait.ge [sflag:s13], $0x400  }
0xbd: {  	s14 =	sld [smem:$0x7EB]  }
0xbe: {  	[sflag:s13] =	ssyncset.done $0x0  }
0xbf: {  	s15 =	simm.s32 $0xD;
	[sflag:s13] =	ssyncadd.s32 $0xFFFFFC00  }
0xc0: {  	[spmem:s2] =	stream.indirect.scatter.add.f32 [tilespmem:s21], [sflag:$0x1A], $0x8, s14, s9, $0xb8;
	[tilespmem:$0xA480] =	vst v63  }
0xc1: {  	_ =	swait.ge [sflag:s15], $0x400  }
0xc2: {  	s16 =	sld [smem:$0x7EC]  }
0xc3: {  	[sflag:s15] =	ssyncset.done $0x0  }
0xc4: {  	s17 =	simm.s32 $0xE;
	[sflag:s15] =	ssyncadd.s32 $0xFFFFFC00  }
0xc5: {  	[spmem:s2] =	stream.indirect.scatter.add.f32 [tilespmem:s22], [sflag:$0x1A], $0x8, s16, s9, $0xb8;
	[tilespmem:$0xA480] =	vst v63  }
0xc6: {  	_ =	swait.ge [sflag:s17], $0x400  }
0xc7: {  	s18 =	sld [smem:$0x7ED]  }
0xc8: {  	[sflag:s17] =	ssyncset.done $0x0  }
0xc9: {  	s19 =	simm.s32 $0xF;
	[sflag:s17] =	ssyncadd.s32 $0xFFFFFC00  }
0xca: {  	[spmem:s2] =	stream.indirect.scatter.add.f32 [tilespmem:s23], [sflag:$0x1A], $0x8, s18, s9, $0xb8;
	[tilespmem:$0xA480] =	vst v63  }
0xcb: {  	_ =	swait.ge [sflag:s19], $0x400  }
0xcc: {  	s20 =	sld [smem:$0x7EE]  }
0xcd: {  	[sflag:s19] =	ssyncset.done $0x0  }
0xce: {  	s21 =	simm.s32 $0x10;
	[sflag:s19] =	ssyncadd.s32 $0xFFFFFC00  }
0xcf: {  	[spmem:s2] =	stream.indirect.scatter.add.f32 [tilespmem:s24], [sflag:$0x1A], $0x8, s20, s9, $0xb8;
	[tilespmem:$0xA480] =	vst v63  }
0xd0: {  	_ =	swait.ge [sflag:s21], $0x400  }
0xd1: {  	s22 =	sld [smem:$0x7EF]  }
0xd2: {  	[sflag:s21] =	ssyncset.done $0x0  }
0xd3: {  	s23 =	simm.s32 $0x11;
	[sflag:s21] =	ssyncadd.s32 $0xFFFFFC00  }
0xd4: {  	[spmem:s2] =	stream.indirect.scatter.add.f32 [tilespmem:s25], [sflag:$0x1A], $0x8, s22, s9, $0xb8;
	[tilespmem:$0xA480] =	vst v63  }
0xd5: {  	_ =	swait.ge [sflag:s23], $0x400  }
0xd6: {  	s24 =	sld [smem:$0x7F0]  }
0xd7: {  	[sflag:s23] =	ssyncset.done $0x0  }
0xd8: {  	s25 =	simm.s32 $0x12;
	[sflag:s23] =	ssyncadd.s32 $0xFFFFFC00  }
0xd9: {  	[spmem:s2] =	stream.indirect.scatter.add.f32 [tilespmem:s26], [sflag:$0x1A], $0x8, s24, s9, $0xb8;
	[tilespmem:$0xA480] =	vst v63  }
0xda: {  	_ =	swait.ge [sflag:s25], $0x400  }
0xdb: {  	s26 =	sld [smem:$0x7F1]  }
0xdc: {  	[sflag:s25] =	ssyncset.done $0x0  }
0xdd: {  	s5 =	simm.s32 $0x13;
	[sflag:s25] =	ssyncadd.s32 $0xFFFFFC00  }
0xde: {  	[spmem:s2] =	stream.indirect.scatter.add.f32 [tilespmem:s28], [sflag:$0x1A], $0x8, s26, s9, $0xb8;
	[tilespmem:$0xA480] =	vst v63  }
0xdf: {  	_ =	swait.ge [sflag:s5], $0x400  }
0xe0: {  	s7 =	sld [smem:$0x7F2]  }
0xe1: {  	[sflag:s5] =	ssyncset.done $0x0  }
0xe2: {  	s10 =	simm.s32 $0x14;
	[sflag:s5] =	ssyncadd.s32 $0xFFFFFC00  }
0xe3: {  	[spmem:s2] =	stream.indirect.scatter.add.f32 [tilespmem:s6], [sflag:$0x1A], $0x8, s7, s9, $0xb8;
	[tilespmem:$0xA480] =	vst v63  }
0xe4: {  	_ =	swait.ge [sflag:s10], $0x400  }
0xe5: {  	s11 =	sld [smem:$0x7F3]  }
0xe6: {  	[sflag:s10] =	ssyncset.done $0x0  }
0xe7: {  	s13 =	simm.s32 $0x15;
	[sflag:s10] =	ssyncadd.s32 $0xFFFFFC00  }
0xe8: {  	[spmem:s2] =	stream.indirect.scatter.add.f32 [tilespmem:s12], [sflag:$0x1A], $0x8, s11, s9, $0xb8;
	[tilespmem:$0xA480] =	vst v63  }
0xe9: {  	_ =	swait.ge [sflag:s13], $0x400  }
0xea: {  	s14 =	sld [smem:$0x7F4]  }
0xeb: {  	[sflag:s13] =	ssyncset.done $0x0  }
0xec: {  	s15 =	simm.s32 $0x16;
	[sflag:s13] =	ssyncadd.s32 $0xFFFFFC00  }
0xed: {  	[spmem:s2] =	stream.indirect.scatter.add.f32 [tilespmem:s30], [sflag:$0x1A], $0x8, s14, s9, $0xb8;
	[tilespmem:$0xA480] =	vst v63  }
0xee: {  	_ =	swait.ge [sflag:s15], $0x400  }
0xef: {  	s16 =	sld [smem:$0x7F5]  }
0xf0: {  	[sflag:s15] =	ssyncset.done $0x0  }
0xf1: {  	s17 =	simm.s32 $0x17;
	[sflag:s15] =	ssyncadd.s32 $0xFFFFFC00  }
0xf2: {  	[spmem:s2] =	stream.indirect.scatter.add.f32 [tilespmem:s31], [sflag:$0x1A], $0x8, s16, s9, $0xb8;
	[tilespmem:$0xA480] =	vst v63  }
0xf3: {  	_ =	swait.ge [sflag:s17], $0x400  }
0xf4: {  	s18 =	sld [smem:$0x7F6]  }
0xf5: {  	[sflag:s17] =	ssyncset.done $0x0  }
0xf6: {  	s19 =	simm.s32 $0x7100;
	s20 =	simm.s32 $0x18;
	[sflag:s17] =	ssyncadd.s32 $0xFFFFFC00  }
0xf7: {  	[spmem:s2] =	stream.indirect.scatter.add.f32 [tilespmem:s19], [sflag:$0x1A], $0x8, s18, s9, $0xb8;
	[tilespmem:$0xA480] =	vst v63  }
0xf8: {  	_ =	swait.ge [sflag:s20], $0x400  }
0xf9: {  	s21 =	sld [smem:$0x7F7]  }
0xfa: {  	[sflag:s20] =	ssyncset.done $0x0  }
0xfb: {  	s22 =	simm.s32 $0x7500;
	s23 =	simm.s32 $0x19;
	[sflag:s20] =	ssyncadd.s32 $0xFFFFFC00  }
0xfc: {  	[spmem:s2] =	stream.indirect.scatter.add.f32 [tilespmem:s22], [sflag:$0x1A], $0x8, s21, s9, $0xb8;
	[tilespmem:$0xA480] =	vst v63  }
0xfd: {  	_ =	swait.ge [sflag:s23], $0x400  }
0xfe: {  	s24 =	sld [smem:$0x7F8]  }
0xff: {  	[sflag:s23] =	ssyncset.done $0x0  }
0x100: {  	[sflag:s23] =	ssyncadd.s32 $0xFFFFFC00  }
0x101: {  	[spmem:s2] =	stream.indirect.scatter.add.f32 [tilespmem:s1], [sflag:$0x1A], $0x8, s24, s9, $0xb8;
	[tilespmem:$0xA480] =	vst v63  }
0x102: {  	_ =	swait.ge [sflag:s8], $0x400  }
0x103: {  	[sflag:s8] =	ssyncset.done $0x0  }
0x104: {  	[sflag:s8] =	ssyncadd.s32 $0xFFFFFC00  }
0x105: {  	_ =	swait.ge [sflag:s8], $0x400  }
0x106: {  	[sflag:s8] =	ssyncset.done $0x0  }
0x107: {  	[sflag:s8] =	ssyncadd.s32 $0xFFFFFC00  }
0x108: {  	_ =	swait.ge [sflag:s8], $0x400  }
0x109: {  	[sflag:s8] =	ssyncset.done $0x0  }
0x10a: {  	[sflag:s8] =	ssyncadd.s32 $0xFFFFFC00  }
0x10b: {  	_ =	swait.ge [sflag:s8], $0x400  }
0x10c: {  	[sflag:s8] =	ssyncset.done $0x0  }
0x10d: {  	[sflag:s8] =	ssyncadd.s32 $0xFFFFFC00  }
0x10e: {  	_ =	swait.ge [sflag:s8], $0x400  }
0x10f: {  	[sflag:s8] =	ssyncset.done $0x0  }
0x110: {  	[sflag:s8] =	ssyncadd.s32 $0xFFFFFC00  }
0x111: {  	_ =	swait.ge [sflag:s8], $0x400  }
0x112: {  	[sflag:s8] =	ssyncset.done $0x0  }
0x113: {  	[sflag:s8] =	ssyncadd.s32 $0xFFFFFC00  }
0x114: {  	_ =	swait.ge [sflag:s8], $0x400  }
0x115: {  	[sflag:s8] =	ssyncset.done $0x0  }
0x116: {  	[sflag:s8] =	ssyncadd.s32 $0xFFFFFC00  }
0x117: {  	_ =	swait.ge [sflag:s8], $0x400  }
0x118: {  	[sflag:s8] =	ssyncset.done $0x0  }
0x119: {  	[sflag:s8] =	ssyncadd.s32 $0xFFFFFC00  }
0x11a: {  	_ =	swait.ge [sflag:s8], $0x400  }
0x11b: {  	[sflag:s8] =	ssyncset.done $0x0  }
0x11c: {  	[sflag:s8] =	ssyncadd.s32 $0xFFFFFC00  }
0x11d: {  	_ =	swait.ge [sflag:s8], $0x400  }
0x11e: {  	[sflag:s8] =	ssyncset.done $0x0  }
0x11f: {  	[sflag:s8] =	ssyncadd.s32 $0xFFFFFC00  }
0x120: {  	_ =	swait.ge [sflag:s8], $0x400  }
0x121: {  	[sflag:s8] =	ssyncset.done $0x0  }
0x122: {  	[sflag:s8] =	ssyncadd.s32 $0xFFFFFC00  }
0x123: {  	_ =	swait.ge [sflag:s8], $0x400  }
0x124: {  	[sflag:s8] =	ssyncset.done $0x0  }
0x125: {  	[sflag:s8] =	ssyncadd.s32 $0xFFFFFC00  }
0x126: {  	_ =	swait.ge [sflag:s8], $0x400  }
0x127: {  	[sflag:s8] =	ssyncset.done $0x0  }
0x128: {  	[sflag:s8] =	ssyncadd.s32 $0xFFFFFC00  }
0x129: {  	_ =	swait.ge [sflag:s8], $0x400  }
0x12a: {  	[sflag:s8] =	ssyncset.done $0x0  }
0x12b: {  	[sflag:s8] =	ssyncadd.s32 $0xFFFFFC00  }
0x12c: {  	_ =	swait.ge [sflag:s8], $0x400  }
0x12d: {  	[sflag:s8] =	ssyncset.done $0x0  }
0x12e: {  	[sflag:s8] =	ssyncadd.s32 $0xFFFFFC00  }
0x12f: {  	_ =	swait.ge [sflag:s8], $0x400  }
0x130: {  	[sflag:s8] =	ssyncset.done $0x0  }
0x131: {  	[sflag:s8] =	ssyncadd.s32 $0xFFFFFC00  }
0x132: {  	_ =	swait.ge [sflag:s8], $0x400  }
0x133: {  	[sflag:s8] =	ssyncset.done $0x0  }
0x134: {  	[sflag:s8] =	ssyncadd.s32 $0xFFFFFC00  }
0x135: {  	_ =	swait.ge [sflag:s8], $0x400  }
0x136: {  	[sflag:s8] =	ssyncset.done $0x0  }
0x137: {  	[sflag:s8] =	ssyncadd.s32 $0xFFFFFC00  }
0x138: {  	_ =	swait.ge [sflag:s8], $0x400  }
0x139: {  	[sflag:s8] =	ssyncset.done $0x0  }
0x13a: {  	[sflag:s8] =	ssyncadd.s32 $0xFFFFFC00  }
0x13b: {  	_ =	swait.ge [sflag:s8], $0x400  }
0x13c: {  	[sflag:s8] =	ssyncset.done $0x0  }
0x13d: {  	[sflag:s8] =	ssyncadd.s32 $0xFFFFFC00  }
0x13e: {  	_ =	swait.ge [sflag:s8], $0x400  }
0x13f: {  	[sflag:s8] =	ssyncset.done $0x0  }
0x140: {  	[sflag:s8] =	ssyncadd.s32 $0xFFFFFC00  }
0x141: {  	_ =	swait.ge [sflag:s8], $0x400  }
0x142: {  	[sflag:s8] =	ssyncset.done $0x0  }
0x143: {  	[sflag:s8] =	ssyncadd.s32 $0xFFFFFC00  }
0x144: {  	_ =	swait.ge [sflag:s8], $0x400  }
0x145: {  	[sflag:s8] =	ssyncset.done $0x0  }
0x146: {  	[sflag:s8] =	ssyncadd.s32 $0xFFFFFC00  }
0x147: {  	_ =	swait.ge [sflag:s8], $0x400  }
0x148: {  	[sflag:s8] =	ssyncset.done $0x0  }
0x149: {  	[sflag:s8] =	ssyncadd.s32 $0xFFFFFC00  }
0x14a: {  	_ =	swait.ge [sflag:s8], $0x400  }
0x14b: {  	[sflag:s8] =	ssyncset.done $0x0  }
0x14c: {  	[sflag:s8] =	ssyncadd.s32 $0xFFFFFC00  }
0x14d: {  	[bflag:$0x0] =	sbarrier.arrive $0xFFFF  }
0x14e: {  	s25 =	sld [smem:$0x7F9];
	_ =	sdelay $0x2  }
0x14f: {  	s26 =	ssub.s32 $0x2, s25  }
0x150: {  	s30 =	sshrl.u32 s26, $0x1  }
0x151: {  	s11 =	ssub.s32 s26, s30  }
0x152: {  	s31 =	sld [smem:$0x7FB];
	s11 =	smax.u32 s11, $0x1  }
0x153: {  	p0 =	sne.s32 s11, $0x1  }
.Ltmp0:
0x154: {  	s28 =	sld [smem:$0x7FA];
	(pc) =	sbr.rel @!p0 .LBB2_3-.Ltmp0, $4  }
0x155: {  	[smem:$0x7FC] =	sst s29;
	s0 =	sor.u32 $0x1C1B, s31  }
0x156: {  	[smem:$0x7FD] =	sst s0  }
0x157: {  	[hbm:s28], [sflag:s0] =	dma.local [spmem:s29], $0x278  }
0x158: {  	s12 =	sadd.s32 $0xFFFFFFFF, s11  }
0x159: {  	s17 =	simm.s32 $0x1900  }
0x15a: {  	s18 =	simm.s32 $0x2100;
	s19 =	simm.s32 $0x2500;
	s20 =	simm.s32 $0x2900  }
0x15b: {  	s21 =	simm.s32 $0x2D00;
	s22 =	simm.s32 $0x3100;
	s23 =	simm.s32 $0x3500  }
0x15c: {  	s24 =	simm.s32 $0x3900;
	s25 =	simm.s32 $0x3D00;
	s26 =	simm.s32 $0x4100  }
0x15d: {  	s28 =	simm.s32 $0x4500;
	s29 =	simm.s32 $0x4900;
	s30 =	simm.s32 $0x4D00  }
0x15e: {  	s31 =	simm.s32 $0x5100;
	s7 =	simm.s32 $0x5D00;
	s5 =	simm.s32 $0x6100  }
0x15f: {  	s6 =	simm.s32 $0x6500;
	s4 =	simm.s32 $0x6900;
	s11 =	simm.s32 $0x6D00  }
.LBB2_2:
0x160: {  	s0 =	simm.s32 $0x1B  }
0x161: {  	_ =	swait.ge [sflag:s0], $0x278  }
0x162: {  	s10 =	sld [smem:$0x7DF]  }
0x163: {  	s1 =	sld [smem:$0x7FC]  }
0x164: {  	[sflag:s0] =	ssyncset.done $0x0  }
0x165: {  	s13 =	rddreg [dreg:$0x5];
	[sflag:s0] =	ssyncadd.s32 $0xFFFFFD88  }
0x166: {  	[spmem:s1], [sflag:s10] =	dma.local [hbm:s13], $0x278  }
0x167: {  	s13 =	rddreg [dreg:$0x6]  }
0x168: {  	s14 =	rddreg [dreg:$0x9]  }
0x169: {  	[spmem:s14], [sflag:s10] =	dma.local [hbm:s13], $0x278  }
0x16a: {  	s15 =	simm.s32 $0x0;
	s13 =	rddreg [dreg:$0x7]  }
0x16b: {  	[tilespmem:s15], [sflag:$0x1A] =	stream.linear.gather [hbm4b:s13+s15], $0xC80, $0x38;
	[tilespmem:$0xA480] =	vst v63  }
0x16c: {  	s16 =	simm.s32 $0xC80;
	s14 =	rddreg [dreg:$0x8]  }
0x16d: {  	[tilespmem:s16], [sflag:$0x1A] =	stream.linear.gather [hbm4b:s14+s15], $0xC80, $0x38;
	[tilespmem:$0xA480] =	vst v63  }
0x16e: {  	_ =	swait.ge [sflag:s8], $0x278  }
0x16f: {  	[sflag:s8] =	ssyncset.done $0x0  }
0x170: {  	[sflag:s8] =	ssyncadd.s32 $0xFFFFFD88  }
0x171: {  	_ =	swait.ge [sflag:s8], $0x278  }
0x172: {  	[sflag:s8] =	ssyncset.done $0x0  }
0x173: {  	[sflag:s8] =	ssyncadd.s32 $0xFFFFFD88  }
0x174: {  	_ =	swait.ge [sflag:s8], $0xC80  }
0x175: {  	[sflag:s8] =	ssyncset.done $0x0  }
0x176: {  	[sflag:s8] =	ssyncadd.s32 $0xFFFFF380  }
0x177: {  	_ =	swait.ge [sflag:s8], $0xC80  }
0x178: {  	[sflag:s8] =	ssyncset.done $0x0  }
0x179: {  	[sflag:s8] =	ssyncadd.s32 $0xFFFFF380  }
0x17a: {  	[bflag:$0x0] =	sbarrier.arrive $0xFFFF  }
0x17b: {  	[tilespmem:s17], [sflag:$0x1] =	stream.indirect.gather [spmem:s3], $0x8, s15, s9, $0xb8;
	[tilespmem:$0xA480] =	vst v63  }
0x17c: {  	s14 =	rddreg [dreg:$0xa];
	s15 =	simm.s32 $0x1D00  }
0x17d: {  	[tilespmem:s15], [sflag:$0x2] =	stream.indirect.gather [spmem:s3], $0x8, s9, s9, $0xb8;
	[tilespmem:$0xA480] =	vst v63  }
0x17e: {  	s0 =	rddreg [dreg:$0xb]  }
0x17f: {  	[tilespmem:s18], [sflag:$0x3] =	stream.indirect.gather [spmem:s3], $0x8, s14, s9, $0xb8;
	[tilespmem:$0xA480] =	vst v63  }
0x180: {  	s1 =	rddreg [dreg:$0xc]  }
0x181: {  	[tilespmem:s19], [sflag:$0x4] =	stream.indirect.gather [spmem:s3], $0x8, s0, s9, $0xb8;
	[tilespmem:$0xA480] =	vst v63  }
0x182: {  	s10 =	rddreg [dreg:$0xd]  }
0x183: {  	[tilespmem:s20], [sflag:$0x5] =	stream.indirect.gather [spmem:s3], $0x8, s1, s9, $0xb8;
	[tilespmem:$0xA480] =	vst v63  }
0x184: {  	s13 =	rddreg [dreg:$0x18]  }
0x185: {  	[tilespmem:s21], [sflag:$0x6] =	stream.indirect.gather [spmem:s3], $0x8, s10, s9, $0xb8;
	[tilespmem:$0xA480] =	vst v63  }
0x186: {  	s0 =	rddreg [dreg:$0xe]  }
0x187: {  	[tilespmem:s22], [sflag:$0x7] =	stream.indirect.gather [spmem:s3], $0x8, s0, s9, $0xb8;
	[tilespmem:$0xA480] =	vst v63  }
0x188: {  	s1 =	rddreg [dreg:$0xf]  }
0x189: {  	[tilespmem:s23], [sflag:$0x8] =	stream.indirect.gather [spmem:s3], $0x8, s1, s9, $0xb8;
	[tilespmem:$0xA480] =	vst v63  }
0x18a: {  	s10 =	rddreg [dreg:$0x10]  }
0x18b: {  	[tilespmem:s24], [sflag:$0x9] =	stream.indirect.gather [spmem:s3], $0x8, s10, s9, $0xb8;
	[tilespmem:$0xA480] =	vst v63  }
0x18c: {  	s0 =	rddreg [dreg:$0x11]  }
0x18d: {  	[tilespmem:s25], [sflag:$0xA] =	stream.indirect.gather [spmem:s3], $0x8, s0, s9, $0xb8;
	[tilespmem:$0xA480] =	vst v63  }
0x18e: {  	s1 =	rddreg [dreg:$0x12]  }
0x18f: {  	[tilespmem:s26], [sflag:$0xB] =	stream.indirect.gather [spmem:s3], $0x8, s1, s9, $0xb8;
	[tilespmem:$0xA480] =	vst v63  }
0x190: {  	s10 =	rddreg [dreg:$0x13]  }
0x191: {  	[tilespmem:s28], [sflag:$0xC] =	stream.indirect.gather [spmem:s3], $0x8, s10, s9, $0xb8;
	[tilespmem:$0xA480] =	vst v63  }
0x192: {  	s0 =	rddreg [dreg:$0x14]  }
0x193: {  	[tilespmem:s29], [sflag:$0xD] =	stream.indirect.gather [spmem:s3], $0x8, s0, s9, $0xb8;
	[tilespmem:$0xA480] =	vst v63  }
0x194: {  	s1 =	rddreg [dreg:$0x15]  }
0x195: {  	[tilespmem:s30], [sflag:$0xE] =	stream.indirect.gather [spmem:s3], $0x8, s1, s9, $0xb8;
	[tilespmem:$0xA480] =	vst v63  }
0x196: {  	s10 =	rddreg [dreg:$0x16]  }
0x197: {  	[tilespmem:s31], [sflag:$0xF] =	stream.indirect.gather [spmem:s3], $0x8, s10, s9, $0xb8;
	[tilespmem:$0xA480] =	vst v63  }
0x198: {  	s0 =	rddreg [dreg:$0x17];
	s1 =	simm.s32 $0x5500  }
0x199: {  	[tilespmem:s1], [sflag:$0x10] =	stream.indirect.gather [spmem:s3], $0x8, s0, s9, $0xb8;
	[tilespmem:$0xA480] =	vst v63  }
0x19a: {  	s14 =	rddreg [dreg:$0x1f];
	s0 =	simm.s32 $0x5900  }
0x19b: {  	[tilespmem:s0], [sflag:$0x11] =	stream.indirect.gather [spmem:s3], $0x8, s13, s9, $0xb8;
	[tilespmem:$0xA480] =	vst v63  }
0x19c: {  	s10 =	rddreg [dreg:$0x19]  }
0x19d: {  	[tilespmem:s7], [sflag:$0x12] =	stream.indirect.gather [spmem:s3], $0x8, s10, s9, $0xb8;
	[tilespmem:$0xA480] =	vst v63  }
0x19e: {  	s13 =	rddreg [dreg:$0x1a]  }
0x19f: {  	[tilespmem:s5], [sflag:$0x13] =	stream.indirect.gather [spmem:s3], $0x8, s13, s9, $0xb8;
	[tilespmem:$0xA480] =	vst v63  }
0x1a0: {  	s10 =	rddreg [dreg:$0x1b]  }
0x1a1: {  	[tilespmem:s6], [sflag:$0x14] =	stream.indirect.gather [spmem:s3], $0x8, s10, s9, $0xb8;
	[tilespmem:$0xA480] =	vst v63  }
0x1a2: {  	s13 =	rddreg [dreg:$0x1c]  }
0x1a3: {  	[tilespmem:s4], [sflag:$0x15] =	stream.indirect.gather [spmem:s3], $0x8, s13, s9, $0xb8;
	[tilespmem:$0xA480] =	vst v63  }
0x1a4: {  	s10 =	rddreg [dreg:$0x1d]  }
0x1a5: {  	[tilespmem:s11], [sflag:$0x16] =	stream.indirect.gather [spmem:s3], $0x8, s10, s9, $0xb8;
	[tilespmem:$0xA480] =	vst v63  }
0x1a6: {  	s13 =	rddreg [dreg:$0x1e];
	s10 =	simm.s32 $0x7100  }
0x1a7: {  	[tilespmem:s10], [sflag:$0x17] =	stream.indirect.gather [spmem:s3], $0x8, s13, s9, $0xb8;
	[tilespmem:$0xA480] =	vst v63  }
0x1a8: {  	s13 =	sld [smem:$0x7E0];
	s10 =	simm.s32 $0x7500  }
0x1a9: {  	[tilespmem:s10], [sflag:$0x18] =	stream.indirect.gather [spmem:s3], $0x8, s14, s9, $0xb8;
	[tilespmem:$0xA480] =	vst v63  }
0x1aa: {  	s14 =	simm.s32 $0x7900  }
0x1ab: {  	[tilespmem:s14], [sflag:$0x19] =	stream.indirect.gather [spmem:s3], $0x8, s13, s9, $0xb8;
	[tilespmem:$0xA480] =	vst v63  }
0x1ac: {  	s13 =	simm.s32 $0x1  }
0x1ad: {  	_ =	swait.ge [sflag:s13], $0x400  }
0x1ae: {  	[sflag:s13] =	ssyncset.done $0x0  }
0x1af: {  	[sflag:s13] =	ssyncadd.s32 $0xFFFFFC00  }
0x1b0: {  	[spmem:s2] =	stream.indirect.scatter.add.f32 [tilespmem:s17], [sflag:$0x1A], $0x8, s16, s9, $0xb8;
	[tilespmem:$0xA480] =	vst v63  }
0x1b1: {  	s16 =	simm.s32 $0x2  }
0x1b2: {  	_ =	swait.ge [sflag:s16], $0x400  }
0x1b3: {  	s13 =	sld [smem:$0x7E1]  }
0x1b4: {  	[sflag:s16] =	ssyncset.done $0x0  }
0x1b5: {  	[sflag:s16] =	ssyncadd.s32 $0xFFFFFC00  }
0x1b6: {  	[spmem:s2] =	stream.indirect.scatter.add.f32 [tilespmem:s15], [sflag:$0x1A], $0x8, s13, s9, $0xb8;
	[tilespmem:$0xA480] =	vst v63  }
0x1b7: {  	s13 =	simm.s32 $0x3  }
0x1b8: {  	_ =	swait.ge [sflag:s13], $0x400  }
0x1b9: {  	s16 =	sld [smem:$0x7E2]  }
0x1ba: {  	[sflag:s13] =	ssyncset.done $0x0  }
0x1bb: {  	[sflag:s13] =	ssyncadd.s32 $0xFFFFFC00;
	s13 =	simm.s32 $0x4  }
0x1bc: {  	[spmem:s2] =	stream.indirect.scatter.add.f32 [tilespmem:s18], [sflag:$0x1A], $0x8, s16, s9, $0xb8;
	[tilespmem:$0xA480] =	vst v63  }
0x1bd: {  	_ =	swait.ge [sflag:s13], $0x400  }
0x1be: {  	s16 =	sld [smem:$0x7E3]  }
0x1bf: {  	[sflag:s13] =	ssyncset.done $0x0  }
0x1c0: {  	[sflag:s13] =	ssyncadd.s32 $0xFFFFFC00;
	s13 =	simm.s32 $0x5  }
0x1c1: {  	[spmem:s2] =	stream.indirect.scatter.add.f32 [tilespmem:s19], [sflag:$0x1A], $0x8, s16, s9, $0xb8;
	[tilespmem:$0xA480] =	vst v63  }
0x1c2: {  	_ =	swait.ge [sflag:s13], $0x400  }
0x1c3: {  	s16 =	sld [smem:$0x7E4]  }
0x1c4: {  	[sflag:s13] =	ssyncset.done $0x0  }
0x1c5: {  	[sflag:s13] =	ssyncadd.s32 $0xFFFFFC00;
	s13 =	simm.s32 $0x6  }
0x1c6: {  	[spmem:s2] =	stream.indirect.scatter.add.f32 [tilespmem:s20], [sflag:$0x1A], $0x8, s16, s9, $0xb8;
	[tilespmem:$0xA480] =	vst v63  }
0x1c7: {  	_ =	swait.ge [sflag:s13], $0x400  }
0x1c8: {  	s16 =	sld [smem:$0x7E5]  }
0x1c9: {  	[sflag:s13] =	ssyncset.done $0x0  }
0x1ca: {  	[sflag:s13] =	ssyncadd.s32 $0xFFFFFC00;
	s13 =	simm.s32 $0x7  }
0x1cb: {  	[spmem:s2] =	stream.indirect.scatter.add.f32 [tilespmem:s21], [sflag:$0x1A], $0x8, s16, s9, $0xb8;
	[tilespmem:$0xA480] =	vst v63  }
0x1cc: {  	_ =	swait.ge [sflag:s13], $0x400  }
0x1cd: {  	s16 =	sld [smem:$0x7E6]  }
0x1ce: {  	[sflag:s13] =	ssyncset.done $0x0  }
0x1cf: {  	[sflag:s13] =	ssyncadd.s32 $0xFFFFFC00;
	s13 =	simm.s32 $0x8  }
0x1d0: {  	[spmem:s2] =	stream.indirect.scatter.add.f32 [tilespmem:s22], [sflag:$0x1A], $0x8, s16, s9, $0xb8;
	[tilespmem:$0xA480] =	vst v63  }
0x1d1: {  	_ =	swait.ge [sflag:s13], $0x400  }
0x1d2: {  	s16 =	sld [smem:$0x7E7]  }
0x1d3: {  	[sflag:s13] =	ssyncset.done $0x0  }
0x1d4: {  	[sflag:s13] =	ssyncadd.s32 $0xFFFFFC00;
	s13 =	simm.s32 $0x9  }
0x1d5: {  	[spmem:s2] =	stream.indirect.scatter.add.f32 [tilespmem:s23], [sflag:$0x1A], $0x8, s16, s9, $0xb8;
	[tilespmem:$0xA480] =	vst v63  }
0x1d6: {  	_ =	swait.ge [sflag:s13], $0x400  }
0x1d7: {  	s16 =	sld [smem:$0x7E8]  }
0x1d8: {  	[sflag:s13] =	ssyncset.done $0x0  }
0x1d9: {  	[sflag:s13] =	ssyncadd.s32 $0xFFFFFC00;
	s13 =	simm.s32 $0xA  }
0x1da: {  	[spmem:s2] =	stream.indirect.scatter.add.f32 [tilespmem:s24], [sflag:$0x1A], $0x8, s16, s9, $0xb8;
	[tilespmem:$0xA480] =	vst v63  }
0x1db: {  	_ =	swait.ge [sflag:s13], $0x400  }
0x1dc: {  	s16 =	sld [smem:$0x7E9]  }
0x1dd: {  	[sflag:s13] =	ssyncset.done $0x0  }
0x1de: {  	[sflag:s13] =	ssyncadd.s32 $0xFFFFFC00;
	s13 =	simm.s32 $0xB  }
0x1df: {  	[spmem:s2] =	stream.indirect.scatter.add.f32 [tilespmem:s25], [sflag:$0x1A], $0x8, s16, s9, $0xb8;
	[tilespmem:$0xA480] =	vst v63  }
0x1e0: {  	_ =	swait.ge [sflag:s13], $0x400  }
0x1e1: {  	s16 =	sld [smem:$0x7EA]  }
0x1e2: {  	[sflag:s13] =	ssyncset.done $0x0  }
0x1e3: {  	[sflag:s13] =	ssyncadd.s32 $0xFFFFFC00;
	s13 =	simm.s32 $0xC  }
0x1e4: {  	[spmem:s2] =	stream.indirect.scatter.add.f32 [tilespmem:s26], [sflag:$0x1A], $0x8, s16, s9, $0xb8;
	[tilespmem:$0xA480] =	vst v63  }
0x1e5: {  	_ =	swait.ge [sflag:s13], $0x400  }
0x1e6: {  	s16 =	sld [smem:$0x7EB]  }
0x1e7: {  	[sflag:s13] =	ssyncset.done $0x0  }
0x1e8: {  	[sflag:s13] =	ssyncadd.s32 $0xFFFFFC00;
	s13 =	simm.s32 $0xD  }
0x1e9: {  	[spmem:s2] =	stream.indirect.scatter.add.f32 [tilespmem:s28], [sflag:$0x1A], $0x8, s16, s9, $0xb8;
	[tilespmem:$0xA480] =	vst v63  }
0x1ea: {  	_ =	swait.ge [sflag:s13], $0x400  }
0x1eb: {  	s16 =	sld [smem:$0x7EC]  }
0x1ec: {  	[sflag:s13] =	ssyncset.done $0x0  }
0x1ed: {  	[sflag:s13] =	ssyncadd.s32 $0xFFFFFC00;
	s13 =	simm.s32 $0xE  }
0x1ee: {  	[spmem:s2] =	stream.indirect.scatter.add.f32 [tilespmem:s29], [sflag:$0x1A], $0x8, s16, s9, $0xb8;
	[tilespmem:$0xA480] =	vst v63  }
0x1ef: {  	_ =	swait.ge [sflag:s13], $0x400  }
0x1f0: {  	s16 =	sld [smem:$0x7ED]  }
0x1f1: {  	[sflag:s13] =	ssyncset.done $0x0  }
0x1f2: {  	[sflag:s13] =	ssyncadd.s32 $0xFFFFFC00;
	s13 =	simm.s32 $0xF  }
0x1f3: {  	[spmem:s2] =	stream.indirect.scatter.add.f32 [tilespmem:s30], [sflag:$0x1A], $0x8, s16, s9, $0xb8;
	[tilespmem:$0xA480] =	vst v63  }
0x1f4: {  	_ =	swait.ge [sflag:s13], $0x400  }
0x1f5: {  	s16 =	sld [smem:$0x7EE]  }
0x1f6: {  	[sflag:s13] =	ssyncset.done $0x0  }
0x1f7: {  	[sflag:s13] =	ssyncadd.s32 $0xFFFFFC00;
	s13 =	simm.s32 $0x10  }
0x1f8: {  	[spmem:s2] =	stream.indirect.scatter.add.f32 [tilespmem:s31], [sflag:$0x1A], $0x8, s16, s9, $0xb8;
	[tilespmem:$0xA480] =	vst v63  }
0x1f9: {  	_ =	swait.ge [sflag:s13], $0x400  }
0x1fa: {  	s16 =	sld [smem:$0x7EF]  }
0x1fb: {  	[sflag:s13] =	ssyncset.done $0x0  }
0x1fc: {  	[sflag:s13] =	ssyncadd.s32 $0xFFFFFC00;
	s13 =	simm.s32 $0x11  }
0x1fd: {  	[spmem:s2] =	stream.indirect.scatter.add.f32 [tilespmem:s1], [sflag:$0x1A], $0x8, s16, s9, $0xb8;
	[tilespmem:$0xA480] =	vst v63  }
0x1fe: {  	_ =	swait.ge [sflag:s13], $0x400  }
0x1ff: {  	s15 =	sld [smem:$0x7F0]  }
0x200: {  	[sflag:s13] =	ssyncset.done $0x0  }
0x201: {  	s16 =	simm.s32 $0x12;
	[sflag:s13] =	ssyncadd.s32 $0xFFFFFC00  }
0x202: {  	[spmem:s2] =	stream.indirect.scatter.add.f32 [tilespmem:s0], [sflag:$0x1A], $0x8, s15, s9, $0xb8;
	[tilespmem:$0xA480] =	vst v63  }
0x203: {  	_ =	swait.ge [sflag:s16], $0x400  }
0x204: {  	s1 =	sld [smem:$0x7F1]  }
0x205: {  	[sflag:s16] =	ssyncset.done $0x0  }
0x206: {  	s13 =	simm.s32 $0x13;
	[sflag:s16] =	ssyncadd.s32 $0xFFFFFC00  }
0x207: {  	[spmem:s2] =	stream.indirect.scatter.add.f32 [tilespmem:s7], [sflag:$0x1A], $0x8, s1, s9, $0xb8;
	[tilespmem:$0xA480] =	vst v63  }
0x208: {  	_ =	swait.ge [sflag:s13], $0x400  }
0x209: {  	s15 =	sld [smem:$0x7F2]  }
0x20a: {  	[sflag:s13] =	ssyncset.done $0x0  }
0x20b: {  	s16 =	simm.s32 $0x14;
	[sflag:s13] =	ssyncadd.s32 $0xFFFFFC00  }
0x20c: {  	[spmem:s2] =	stream.indirect.scatter.add.f32 [tilespmem:s5], [sflag:$0x1A], $0x8, s15, s9, $0xb8;
	[tilespmem:$0xA480] =	vst v63  }
0x20d: {  	_ =	swait.ge [sflag:s16], $0x400  }
0x20e: {  	s1 =	sld [smem:$0x7F3]  }
0x20f: {  	[sflag:s16] =	ssyncset.done $0x0  }
0x210: {  	s13 =	simm.s32 $0x15;
	[sflag:s16] =	ssyncadd.s32 $0xFFFFFC00  }
0x211: {  	[spmem:s2] =	stream.indirect.scatter.add.f32 [tilespmem:s6], [sflag:$0x1A], $0x8, s1, s9, $0xb8;
	[tilespmem:$0xA480] =	vst v63  }
0x212: {  	_ =	swait.ge [sflag:s13], $0x400  }
0x213: {  	s15 =	sld [smem:$0x7F4]  }
0x214: {  	[sflag:s13] =	ssyncset.done $0x0  }
0x215: {  	s16 =	simm.s32 $0x16;
	[sflag:s13] =	ssyncadd.s32 $0xFFFFFC00  }
0x216: {  	[spmem:s2] =	stream.indirect.scatter.add.f32 [tilespmem:s4], [sflag:$0x1A], $0x8, s15, s9, $0xb8;
	[tilespmem:$0xA480] =	vst v63  }
0x217: {  	_ =	swait.ge [sflag:s16], $0x400  }
0x218: {  	s1 =	sld [smem:$0x7F5]  }
0x219: {  	[sflag:s16] =	ssyncset.done $0x0  }
0x21a: {  	s15 =	simm.s32 $0x17;
	[sflag:s16] =	ssyncadd.s32 $0xFFFFFC00  }
0x21b: {  	[spmem:s2] =	stream.indirect.scatter.add.f32 [tilespmem:s11], [sflag:$0x1A], $0x8, s1, s9, $0xb8;
	[tilespmem:$0xA480] =	vst v63  }
0x21c: {  	_ =	swait.ge [sflag:s15], $0x400  }
0x21d: {  	s16 =	sld [smem:$0x7F6]  }
0x21e: {  	[sflag:s15] =	ssyncset.done $0x0  }
0x21f: {  	s1 =	simm.s32 $0x7100;
	[sflag:s15] =	ssyncadd.s32 $0xFFFFFC00;
	s15 =	simm.s32 $0x18  }
0x220: {  	[spmem:s2] =	stream.indirect.scatter.add.f32 [tilespmem:s1], [sflag:$0x1A], $0x8, s16, s9, $0xb8;
	[tilespmem:$0xA480] =	vst v63  }
0x221: {  	_ =	swait.ge [sflag:s15], $0x400  }
0x222: {  	s16 =	sld [smem:$0x7F7]  }
0x223: {  	[sflag:s15] =	ssyncset.done $0x0  }
0x224: {  	s10 =	simm.s32 $0x7500;
	s1 =	simm.s32 $0x19;
	[sflag:s15] =	ssyncadd.s32 $0xFFFFFC00  }
0x225: {  	[spmem:s2] =	stream.indirect.scatter.add.f32 [tilespmem:s10], [sflag:$0x1A], $0x8, s16, s9, $0xb8;
	[tilespmem:$0xA480] =	vst v63  }
0x226: {  	_ =	swait.ge [sflag:s1], $0x400  }
0x227: {  	s10 =	sld [smem:$0x7F8]  }
0x228: {  	[sflag:s1] =	ssyncset.done $0x0  }
0x229: {  	[sflag:s1] =	ssyncadd.s32 $0xFFFFFC00  }
0x22a: {  	[spmem:s2] =	stream.indirect.scatter.add.f32 [tilespmem:s14], [sflag:$0x1A], $0x8, s10, s9, $0xb8;
	[tilespmem:$0xA480] =	vst v63  }
0x22b: {  	_ =	swait.ge [sflag:s8], $0x400  }
0x22c: {  	[sflag:s8] =	ssyncset.done $0x0  }
0x22d: {  	[sflag:s8] =	ssyncadd.s32 $0xFFFFFC00  }
0x22e: {  	_ =	swait.ge [sflag:s8], $0x400  }
0x22f: {  	[sflag:s8] =	ssyncset.done $0x0  }
0x230: {  	[sflag:s8] =	ssyncadd.s32 $0xFFFFFC00  }
0x231: {  	_ =	swait.ge [sflag:s8], $0x400  }
0x232: {  	[sflag:s8] =	ssyncset.done $0x0  }
0x233: {  	[sflag:s8] =	ssyncadd.s32 $0xFFFFFC00  }
0x234: {  	_ =	swait.ge [sflag:s8], $0x400  }
0x235: {  	[sflag:s8] =	ssyncset.done $0x0  }
0x236: {  	[sflag:s8] =	ssyncadd.s32 $0xFFFFFC00  }
0x237: {  	_ =	swait.ge [sflag:s8], $0x400  }
0x238: {  	[sflag:s8] =	ssyncset.done $0x0  }
0x239: {  	[sflag:s8] =	ssyncadd.s32 $0xFFFFFC00  }
0x23a: {  	_ =	swait.ge [sflag:s8], $0x400  }
0x23b: {  	[sflag:s8] =	ssyncset.done $0x0  }
0x23c: {  	[sflag:s8] =	ssyncadd.s32 $0xFFFFFC00  }
0x23d: {  	_ =	swait.ge [sflag:s8], $0x400  }
0x23e: {  	[sflag:s8] =	ssyncset.done $0x0  }
0x23f: {  	[sflag:s8] =	ssyncadd.s32 $0xFFFFFC00  }
0x240: {  	_ =	swait.ge [sflag:s8], $0x400  }
0x241: {  	[sflag:s8] =	ssyncset.done $0x0  }
0x242: {  	[sflag:s8] =	ssyncadd.s32 $0xFFFFFC00  }
0x243: {  	_ =	swait.ge [sflag:s8], $0x400  }
0x244: {  	[sflag:s8] =	ssyncset.done $0x0  }
0x245: {  	[sflag:s8] =	ssyncadd.s32 $0xFFFFFC00  }
0x246: {  	_ =	swait.ge [sflag:s8], $0x400  }
0x247: {  	[sflag:s8] =	ssyncset.done $0x0  }
0x248: {  	[sflag:s8] =	ssyncadd.s32 $0xFFFFFC00  }
0x249: {  	_ =	swait.ge [sflag:s8], $0x400  }
0x24a: {  	[sflag:s8] =	ssyncset.done $0x0  }
0x24b: {  	[sflag:s8] =	ssyncadd.s32 $0xFFFFFC00  }
0x24c: {  	_ =	swait.ge [sflag:s8], $0x400  }
0x24d: {  	[sflag:s8] =	ssyncset.done $0x0  }
0x24e: {  	[sflag:s8] =	ssyncadd.s32 $0xFFFFFC00  }
0x24f: {  	_ =	swait.ge [sflag:s8], $0x400  }
0x250: {  	[sflag:s8] =	ssyncset.done $0x0  }
0x251: {  	[sflag:s8] =	ssyncadd.s32 $0xFFFFFC00  }
0x252: {  	_ =	swait.ge [sflag:s8], $0x400  }
0x253: {  	[sflag:s8] =	ssyncset.done $0x0  }
0x254: {  	[sflag:s8] =	ssyncadd.s32 $0xFFFFFC00  }
0x255: {  	_ =	swait.ge [sflag:s8], $0x400  }
0x256: {  	[sflag:s8] =	ssyncset.done $0x0  }
0x257: {  	[sflag:s8] =	ssyncadd.s32 $0xFFFFFC00  }
0x258: {  	_ =	swait.ge [sflag:s8], $0x400  }
0x259: {  	[sflag:s8] =	ssyncset.done $0x0  }
0x25a: {  	[sflag:s8] =	ssyncadd.s32 $0xFFFFFC00  }
0x25b: {  	_ =	swait.ge [sflag:s8], $0x400  }
0x25c: {  	[sflag:s8] =	ssyncset.done $0x0  }
0x25d: {  	[sflag:s8] =	ssyncadd.s32 $0xFFFFFC00  }
0x25e: {  	_ =	swait.ge [sflag:s8], $0x400  }
0x25f: {  	[sflag:s8] =	ssyncset.done $0x0  }
0x260: {  	[sflag:s8] =	ssyncadd.s32 $0xFFFFFC00  }
0x261: {  	_ =	swait.ge [sflag:s8], $0x400  }
0x262: {  	[sflag:s8] =	ssyncset.done $0x0  }
0x263: {  	[sflag:s8] =	ssyncadd.s32 $0xFFFFFC00  }
0x264: {  	_ =	swait.ge [sflag:s8], $0x400  }
0x265: {  	[sflag:s8] =	ssyncset.done $0x0  }
0x266: {  	[sflag:s8] =	ssyncadd.s32 $0xFFFFFC00  }
0x267: {  	_ =	swait.ge [sflag:s8], $0x400  }
0x268: {  	[sflag:s8] =	ssyncset.done $0x0  }
0x269: {  	[sflag:s8] =	ssyncadd.s32 $0xFFFFFC00  }
0x26a: {  	_ =	swait.ge [sflag:s8], $0x400  }
0x26b: {  	[sflag:s8] =	ssyncset.done $0x0  }
0x26c: {  	[sflag:s8] =	ssyncadd.s32 $0xFFFFFC00  }
0x26d: {  	_ =	swait.ge [sflag:s8], $0x400  }
0x26e: {  	[sflag:s8] =	ssyncset.done $0x0  }
0x26f: {  	[sflag:s8] =	ssyncadd.s32 $0xFFFFFC00  }
0x270: {  	_ =	swait.ge [sflag:s8], $0x400  }
0x271: {  	[sflag:s8] =	ssyncset.done $0x0  }
0x272: {  	[sflag:s8] =	ssyncadd.s32 $0xFFFFFC00  }
0x273: {  	_ =	swait.ge [sflag:s8], $0x400  }
0x274: {  	[sflag:s8] =	ssyncset.done $0x0  }
0x275: {  	[sflag:s8] =	ssyncadd.s32 $0xFFFFFC00  }
0x276: {  	[bflag:$0x0] =	sbarrier.arrive $0xFFFF  }
0x277: {  	p0 =	sne.s32 s12, $0x1;
	s14 =	sld [smem:$0x7FA]  }
.Ltmp1:
0x278: {  	s15 =	sld [smem:$0x7FD];
	(pc) =	sbr.rel @p0 .LBB2_2-.Ltmp1, $3  }
0x279: {  	s16 =	sld [smem:$0x7FC];
	_ =	sdelay $0x1  }
0x27a: {  	s12 =	sadd.s32 $0xFFFFFFFF, s12  }
0x27b: {  	[hbm:s14], [sflag:s15] =	dma.local [spmem:s16], $0x278  }
.LBB2_3:
0x27c: {  	s0 =	simm.s32 $0x1B  }
0x27d: {  	_ =	swait.ge [sflag:s0], $0x278  }
0x27e: {  	[sflag:s0] =	ssyncset.done $0x0  }
0x27f: {  	[sflag:s0] =	ssyncadd.s32 $0xFFFFFD88  }
0x280: {  	_ =	sfence.sel $0x180000  }
0x281: {  	[bflag:$0x0] =	sbarrier.arrive $0xFFFF  }
0x282: {  	_ =	strace $0x9000004A  }
0x283: {  	s31 =	stileid.u32;
	[bflag:$0x2] =	sbarrier.arrive $0xFFFF  }
0x284: {  	p0 =	sne.s32 s31, $0x0;
	s0 =	rddreg [dreg:$0x4]  }
0x285: {  	s0 =	sadd.s32 @!p0 $0x100000, s0  }
0x286: {  	[sflag:s0] =	ssyncadd.tile.s32 @!p0 $0x1;
	_ =	shalt  }
.Lfunc_end2:
_tile_overlayer_lowered:
.L_overlay_start_2:
0x287: {  	(tag) =	ssettag $0x2  }
0x288: {  	s0 =	rddreg [dreg:$0x0];
	s2 =	stileid.u32  }
0x289: {  	s1 =	rddreg [dreg:$0x1];
	p0 =	sne.s32 s2, $0x0  }
0x28a: {  	s3 =	rddreg [dreg:$0x2];
	[bflag:$0x3] =	sbarrier.arrive $0xFFFF;
	s2 =	simm.s32 @!p0 $0x1C1B  }
0x28b: {  	[timem:s3], [sflag:s2] =	dma.local @!p0 [hbm:s0], s1  }
0x28c: {  	s0 =	simm.s32 @!p0 $0x1B  }
0x28d: {  	_ =	swait.ge @!p0 [sflag:s0], s1  }
0x28e: {  	s1 =	ssub.s32 @!p0 $0x0, s1;
	[sflag:s0] =	ssyncset.done @!p0 $0x0  }
0x28f: {  	[sflag:s0] =	ssyncadd.s32 @!p0 s1  }
0x290: {  	[bflag:$0x3] =	sbarrier.arrive $0xFFFF  }
0x291: {  	_ =	shalt  }

// kernel: kernel.7.cloned.1.call-start
scs
__scs_entry_jumppad:
0x0: {  	(pc) =	sbr.rel $0x88, $3  }
0x1: {  	(tag) =	ssettag $0x0;
	lr =	simm.s32 $0x1  }
0x2: {  	[smem:$0x3F9D] =	sst lr;
	_ =	strace $0xD0000000  }
0x3: {  	_ = 	snop  }
0x4: {  	_ = 	snop  }
0x5: {  	_ = 	snop  }
0x6: {  	_ = 	snop  }
0x7: {  	_ = 	snop  }
__scs_overlays_trampoline_lowered:
0x8: {  	[smem:$0x3FAC] =	sst s0  }
0x9: {  	[smem:$0x3FAD] =	sst s1  }
0xa: {  	[smem:$0x3FAE] =	sst s2  }
0xb: {  	[smem:$0x3FAF] =	sst s3  }
0xc: {  	[smem:$0x3FB0] =	sst s4  }
0xd: {  	[smem:$0x3FB1] =	sst s5  }
0xe: {  	[smem:$0x3FB2] =	sst s6  }
0xf: {  	[smem:$0x3FB3] =	sst s7  }
0x10: {  	[smem:$0x3FB4] =	sst s8  }
0x11: {  	[smem:$0x3FB5] =	sst s9;
	s0 =	simm.s32 @!p0 $0x0  }
0x12: {  	s1 =	sld [smem:$0x3F9B];
	s0 =	simm.s32 @p0 $0x1  }
0x13: {  	[smem:$0x3FB6] =	sst s0;
	s0 =	simm.s32 @!p1 $0x0  }
0x14: {  	s2 =	sld [smem:$0x3F9A];
	s0 =	simm.s32 @p1 $0x1  }
0x15: {  	[smem:$0x3FB7] =	sst s0;
	s0 =	simm.s32 @!p2 $0x0  }
0x16: {  	s3 =	sld [smem:$0x3FDB];
	s0 =	simm.s32 @p2 $0x1  }
0x17: {  	s4 =	simm.s32 $0x1BF5;
	[smem:$0x3FB9] =	sst s0  }
0x18: {  	s0 =	sld [smem:$0x3F9C];
	_ =	swait.ge [sflag:s4], $0x0  }
0x19: {  	s7 =	sld [smem:$0x3F9D]  }
0x1a: {  	s8 =	sadd.s32 $0xFFFFE003, lr  }
0x1b: {  	s9 =	sadd.s32 $0xFFFFFEF7, lr;
	s5 =	simm.s32 $0xFFFFFFFF;
	p2 =	slt.u32 s8, $0xFFFFF086  }
0x1c: {  	p1 =	slt.u32 s9, $0xF7A;
	s5 =	simm.s32 @!p2 $0x0  }
0x1d: {  	s5 =	simm.s32 @p1 $0x1;
	p0 =	seq.s32 s7, s2  }
0x1e: {  	s7 =	smul.u32 @!p0 $0xF7A, s2;
	p2 =	seq.s32 @!p0 s5, $0x0  }
0x1f: {  	s9 =	smul.u32 $0xF7A, s1;
	s8 =	simm.s32 @!p0 $0x1BF5;
	p2 =	por !p2, p0  }
0x20: {  	[sflag:s8] =	ssyncset.s32 @!p0 $0xFFFFF086;
	s6 =	sadd.s32 @!p0 s3, s7;
	s7 =	simm.s32 @!p0 $0x108  }
0x21: {  	s3 =	sadd.s32 s3, s9;
	s6 =	sadd.s32 @!p0 $0x88, s6;
	s7 =	simm.s32 @p2 $0x1082  }
0x22: {  	[simem:s7], [sflag:s8] =	dma.local @!p0 [hbm:s6], $0xF7A  }
0x23: {  	s9 =	sor.u32 $0xD0000000, s2;
	s6 =	simm.s32 $0x108;
	_ =	swait.ge @!p0 [sflag:s8], $0x0  }
0x24: {  	s3 =	sadd.s32 $0x88, s3;
	s6 =	simm.s32 @!p1 $0x1082;
	[sflag:s4] =	ssyncset.s32 $0xFFFFF086  }
0x25: {  	[simem:s6], [sflag:s4] =	dma.local [hbm:s3], $0xF7A  }
0x26: {  	[smem:$0x3F9D] =	sst s1;
	(tag) =	ssettag s2;
	_ =	strace s9  }
0x27: {  	s1 =	sld [smem:$0x3FAD]  }
0x28: {  	s2 =	sld [smem:$0x3FAE]  }
0x29: {  	s4 =	sld [smem:$0x3FB0]  }
0x2a: {  	p0 =	seq.s32 s5, $0x0;
	s5 =	sld [smem:$0x3FB1]  }
0x2b: {  	s6 =	sld [smem:$0x3FB2]  }
0x2c: {  	s7 =	sld [smem:$0x3FB3]  }
0x2d: {  	s3 =	simm.s32 $0x108;
	s8 =	sld [smem:$0x3FB4]  }
0x2e: {  	s3 =	simm.s32 @!p0 $0x1082;
	s9 =	sld [smem:$0x3FB5]  }
0x2f: {  	lr =	sadd.s32 s0, s3;
	s0 =	sld [smem:$0x3FAC]  }
0x30: {  	s3 =	sld [smem:$0x3FAF]  }
0x31: {  	[smem:$0x3FB8] =	sst s10  }
0x32: {  	s10 =	sld [smem:$0x3FB6];
	_ =	sdelay $0x3  }
0x33: {  	p0 =	seq.s32 s10, $0x1;
	s10 =	sld [smem:$0x3FB8];
	_ =	sdelay $0x3  }
0x34: {  	[smem:$0x3FB8] =	sst s10  }
0x35: {  	s10 =	sld [smem:$0x3FB7];
	_ =	sdelay $0x3  }
0x36: {  	p1 =	seq.s32 s10, $0x1;
	s10 =	sld [smem:$0x3FB8];
	_ =	sdelay $0x3  }
0x37: {  	[smem:$0x3FB8] =	sst s10  }
0x38: {  	s10 =	sld [smem:$0x3FB9]  }
0x39: {  	_ = 	snop;
	(pc) =	sbr.ind lr, $3  }
0x3a: {  	_ = 	snop  }
0x3b: {  	_ = 	snop  }
0x3c: {  	p2 =	seq.s32 s10, $0x1;
	s10 =	sld [smem:$0x3FB8]  }
0x3d: {  	_ =	shalt  }
0x3e: {  	_ =	shalt  }
0x3f: {  	_ =	shalt  }
0x40: {  	_ =	shalt  }
0x41: {  	_ =	shalt  }
0x42: {  	_ =	shalt  }
0x43: {  	_ =	shalt  }
0x44: {  	_ =	shalt  }
0x45: {  	_ =	shalt  }
0x46: {  	_ =	shalt  }
0x47: {  	_ =	shalt  }
0x48: {  	_ =	shalt  }
0x49: {  	_ =	shalt  }
0x4a: {  	_ =	shalt  }
0x4b: {  	_ =	shalt  }
0x4c: {  	_ =	shalt  }
0x4d: {  	_ =	shalt  }
0x4e: {  	_ =	shalt  }
0x4f: {  	_ =	shalt  }
0x50: {  	_ =	shalt  }
0x51: {  	_ =	shalt  }
0x52: {  	_ =	shalt  }
0x53: {  	_ =	shalt  }
0x54: {  	_ =	shalt  }
0x55: {  	_ =	shalt  }
0x56: {  	_ =	shalt  }
0x57: {  	_ =	shalt  }
0x58: {  	_ =	shalt  }
0x59: {  	_ =	shalt  }
0x5a: {  	_ =	shalt  }
0x5b: {  	_ =	shalt  }
0x5c: {  	_ =	shalt  }
0x5d: {  	_ =	shalt  }
0x5e: {  	_ =	shalt  }
0x5f: {  	_ =	shalt  }
0x60: {  	_ =	shalt  }
0x61: {  	_ =	shalt  }
0x62: {  	_ =	shalt  }
0x63: {  	_ =	shalt  }
0x64: {  	_ =	shalt  }
0x65: {  	_ =	shalt  }
0x66: {  	_ =	shalt  }
0x67: {  	_ =	shalt  }
0x68: {  	_ =	shalt  }
0x69: {  	_ =	shalt  }
0x6a: {  	_ =	shalt  }
0x6b: {  	_ =	shalt  }
0x6c: {  	_ =	shalt  }
0x6d: {  	_ =	shalt  }
0x6e: {  	_ =	shalt  }
0x6f: {  	_ =	shalt  }
0x70: {  	_ =	shalt  }
0x71: {  	_ =	shalt  }
0x72: {  	_ =	shalt  }
0x73: {  	_ =	shalt  }
0x74: {  	_ =	shalt  }
0x75: {  	_ =	shalt  }
0x76: {  	_ =	shalt  }
0x77: {  	_ =	shalt  }
0x78: {  	_ =	shalt  }
0x79: {  	_ =	shalt  }
0x7a: {  	_ =	shalt  }
0x7b: {  	_ =	shalt  }
0x7c: {  	_ =	shalt  }
0x7d: {  	_ =	shalt  }
0x7e: {  	_ =	shalt  }
0x7f: {  	_ =	shalt  }
0x80: {  	_ =	shalt  }
0x81: {  	_ =	shalt  }
0x82: {  	_ =	shalt  }
0x83: {  	_ =	shalt  }
0x84: {  	_ =	shalt  }
0x85: {  	_ =	shalt  }
0x86: {  	_ =	shalt  }
0x87: {  	_ =	shalt  }
.Lfunc_end0:
.L_simem_size_0:
called_computation_lowered:
.L_overlay_start_0:
0x88: {  	s2 =	sld [smem:$0x3FD9]  }
0x89: {  	s3 =	sld [smem:$0x3FFE];
	_ =	sdelay $0x1  }
0x8a: {  	s1 =	srdreg.scid  }
0x8b: {  	s0 =	sand.u32 $0x1, s1  }
0x8c: {  	s17 =	sshll.u32 s0, $0xA;
	s2 =	sadd.s32 s3, s2  }
0x8d: {  	s2 =	sadd.s32 s2, s17  }
0x8e: {  	[smem:$0x3FC4] =	sst s2  }
0x8f: {  	_ = 	snop  }
0x90: {  	s2 =	sld [smem:$0x3FD0];
	(tm) =	ssettm $0x1  }
0x91: {  	s18 =	sld [smem:$0x3FFB];
	_ =	sdelay $0x3  }
0x92: {  	_ =	strace s18  }
0x93: {  	s3 =	sld [smem:$0x3FFC];
	_ =	sdelay $0x3  }
0x94: {  	_ =	strace s3  }
0x95: {  	s3 =	sld [smem:$0x3FFD];
	_ =	sdelay $0x3  }
0x96: {  	_ =	strace s3  }
0x97: {  	_ =	strace $0x8FFFFFFF  }
0x98: {  	s19 =	sld [smem:$0x3FDB];
	_ =	sdelay $0x1  }
0x99: {  	s4 =	simm.s32 $_scs_section_size  }
0x9a: {  	s5 =	simm.s32 $_size__tile_overlayer_lowered;
	s6 =	simm.s32 $_tile_overlayer_lowered  }
0x9b: {  	s22 =	simm.s32 $0x1BFF;
	s21 =	sshll.u32 s6, $0x1;
	s3 =	sadd.s32 s4, s19  }
0x9c: {  	s7 =	simm.s32 $0x0;
	s20 =	sshll.u32 s5, $0x1;
	s5 =	sadd.s32 s21, s3  }
0x9d: {  	[timem:s7], [sflag:s22] =	dma.local [hbm:s5], s20  }
0x9e: {  	_ =	swait.ge [sflag:s22], s20  }
0x9f: {  	s4 =	ssub.s32 $0x0, s20;
	[sflag:s22] =	ssyncset.done $0x0  }
0xa0: {  	[sflag:s22] =	ssyncadd.s32 s4;
	_ =	sdelay $0x1  }
0xa1: {  	s23 =	simm.s32 $0x1B8B  }
0xa2: {  	_ =	swait.ge [sflag:s23], $0x1  }
0xa3: {  	[sflag:s23] =	ssyncset.done $0x0  }
0xa4: {  	s25 =	simm.s32 $0x1B8E;
	s24 =	sld [smem:$0x3FFE];
	[sflag:s23] =	ssyncadd.s32 $0xFFFFFFFF  }
0xa5: {  	s26 =	simm.s32 $execute0_lowered;
	[smem:$0x3FD2] =	sst s25  }
0xa6: {  	s5 =	sshll.u32 s26, $0x1;
	_ =	strace $0x80000046;
	[dreg:$0x1] =	wrdreg $0xFFFFFFFF  }
0xa7: {  	s28 =	simm.s32 $_size_execute0_lowered;
	s3 =	sadd.s32 s3, s5;
	[dreg:$0x0] =	wrdreg $0x0  }
0xa8: {  	s5 =	sshll.u32 s28, $0x1;
	[dreg:$0x2] =	wrdreg s3  }
0xa9: {  	[dreg:$0x3] =	wrdreg s5  }
0xaa: {  	[dreg:$0x4] =	wrdreg $0xC0  }
0xab: {  	_ =	task [dreg:s7], $0x5FFFF  }
0xac: {  	[dreg:$0x1] =	wrdreg $0xFFFFFFFF  }
0xad: {  	[dreg:$0x0] =	wrdreg $0x60  }
0xae: {  	[dreg:$0x2] =	wrdreg s24  }
0xaf: {  	[dreg:$0x3] =	wrdreg s2  }
0xb0: {  	[dreg:$0x4] =	wrdreg $0x10800  }
0xb1: {  	[dreg:$0x5] =	wrdreg $0x9  }
0xb2: {  	_ =	task.clear_ibuf [dreg:s7], $0x6FFFF;
	_ =	strace $0x90000046  }
0xb3: {  	s29 =	simm.s32 $0x9;
	_ =	strace $0x80000048  }
0xb4: {  	_ =	swait.ge [sflag:s29], $0x1  }
0xb5: {  	[sflag:s29] =	ssyncadd.s32 $0xFFFFFFFF  }
0xb6: {  	_ =	strace $0x90000048  }
0xb7: {  	_ =	sfence  }
0xb8: {  	s30 =	sld [smem:$0x0];
	_ =	sdelay $0x2  }
0xb9: {  	s31 =	sshll.u32 s1, $0xD;
	s1 =	sshrl.u32 s1, $0x2  }
0xba: {  	s3 =	sand.u32 $0x4000, s31;
	s1 =	sadd.s32 s1, s30  }
0xbb: {  	s0 =	sor.u32 s3, s0;
	s1 =	sshll.u32 s1, $0x11  }
0xbc: {  	s0 =	sor.u32 s1, s0  }
0xbd: {  	s0 =	sadd.s32 $0x8F2B, s0  }
0xbe: {  	[sflag:s0] =	ssyncadd.remote.s32 $0x1  }
0xbf: {  	_ =	sfence.sel $0xFFFF  }
0xc0: {  	[dreg:$0x0] =	wrdreg $0xFFFFFFFF;
	(pc) =	sbr.abs _section_cstart, $3  }
0xc1: {  	[dreg:$0x1] =	wrdreg $0xFFFFFFFF  }
0xc2: {  	_ =	task.clear_ibuf [dreg:s7], $0x2FFFF;
	_ =	strace $0x9FFFFFFF  }
0xc3: {  	(tm) =	ssettm $0x7FFFFFFF  }
tec
execute0_lowered:
.L_overlay_start_1:
0x0: {  	(tag) =	ssettag $0x1  }
0x1: {  	s0 =	srdreg.scid;
	s1 =	rddreg [dreg:$0x0]  }
0x2: {  	s2 =	rddreg [dreg:$0x1];
	s31 =	stileid.u32  }
0x3: {  	s7 =	rddreg [dreg:$0x2];
	s8 =	simm.s32 $0x0;
	s23 =	simm.s32 $0x100  }
0x4: {  	s24 =	simm.s32 $0x180;
	s25 =	simm.s32 $0x200;
	s26 =	simm.s32 $0x280  }
0x5: {  	s10 =	simm.s32 $0x80;
	s11 =	simm.s32 $0x300;
	s12 =	simm.s32 $0x380  }
0x6: {  	s13 =	simm.s32 $0x400;
	s14 =	simm.s32 $0x480;
	s15 =	simm.s32 $0x500  }
0x7: {  	s16 =	simm.s32 $0x580;
	s17 =	simm.s32 $0x600;
	s18 =	simm.s32 $0x680  }
0x8: {  	s19 =	simm.s32 $0x700;
	s20 =	simm.s32 $0x780;
	p0 =	por $0x0, $0x0  }
0x9: {  	s28 =	simm.s32 $0xB00;
	[smem:$0x7FF] =	sst s8;
	s5 =	sadd.s32 $0x3E00, s1  }
0xa: {  	s29 =	simm.s32 $0xB80;
	_ =	strace $0x80000047;
	[dreg:$0x4] =	wrdreg s5  }
0xb: {  	s30 =	simm.s32 $0xC00;
	s0 =	sand.u32 $0x1, s0;
	[dreg:$0x8] =	wrdreg s23  }
0xc: {  	s4 =	smul.u32 $0x13C0, s31;
	s3 =	sshll.u32 s0, $0x4;
	[dreg:$0x9] =	wrdreg s24  }
0xd: {  	s6 =	smul.u32 $0x2780, s0;
	s0 =	ssub.s32 $0x2, s0;
	[dreg:$0xa] =	wrdreg s25  }
0xe: {  	[dreg:$0xb] =	wrdreg s26;
	s23 =	simm.s32 $0x900;
	s24 =	simm.s32 $0x980  }
0xf: {  	s25 =	simm.s32 $0xA00;
	s26 =	simm.s32 $0xA80;
	s3 =	sor.u32 s31, s3  }
0x10: {  	s5 =	sshrl.u32 s4, $0x3;
	s9 =	sshrl.u32 s0, $0x1;
	s4 =	sadd.s32 s4, s7  }
0x11: {  	s3 =	smul.u32 $0x190, s3;
	s21 =	sadd.s32 s2, s5;
	s0 =	ssub.s32 s0, s9  }
0x12: {  	s2 =	sshll.u32 s31, $0x6;
	s9 =	simm.s32 $0xC80;
	s0 =	smax.u32 s0, $0x1  }
0x13: {  	[dreg:$0x5] =	wrdreg s21;
	s22 =	sor.u32 $0x1C01, s2;
	p1 =	sne.s32 s0, $0x1  }
.Ltmp0:
0x14: {  	s21 =	simm.s32 $0x800;
	s3 =	sadd.s32 s3, s1;
	(pc) =	sbr.rel @!p1 .LBB2_5-.Ltmp0, $4  }
0x15: {  	s1 =	sadd.s32 s6, s1;
	[dreg:$0x6] =	wrdreg s22;
	s22 =	simm.s32 $0x880  }
0x16: {  	s6 =	simm.s32 $0x2;
	s3 =	sadd.s32 $0xC00, s3;
	s1 =	sadd.s32 $0x4000, s1  }
0x17: {  	[dreg:$0x7] =	wrdreg s3;
	s3 =	sshrl.u32 s4, $0x3;
	s4 =	simm.s32 $0x1  }
0x18: {  	s5 =	sadd.s32 s5, s1;
	s1 =	sadd.s32 $0xFFFFFFFF, s0;
	s0 =	rddreg [dreg:$0x5]  }
0x19: {  	s31 =	rddreg [dreg:$0x6]  }
0x1a: {  	[spmem:s3], [sflag:s31] =	dma.local [hbm:s0], $0x278  }
0x1b: {  	s0 =	rddreg [dreg:$0x4]  }
0x1c: {  	[tilespmem:s9], [sflag:$0x1] =	stream.linear.gather [hbm4b:s0+s8], $0x400, $0x38;
	[tilespmem:$0x2440] =	vst v63  }
0x1d: {  	s31 =	rddreg [dreg:$0x7]  }
0x1e: {  	[tilespmem:s8], [sflag:$0x1] =	stream.linear.gather [hbm4b:s31+s8], $0xC80, $0x38;
	[tilespmem:$0x2440] =	vst v63  }
0x1f: {  	_ =	swait.ge [sflag:s4], $0x278  }
0x20: {  	[sflag:s4] =	ssyncset.done $0x0  }
0x21: {  	[sflag:s4] =	ssyncadd.s32 $0xFFFFFD88  }
0x22: {  	_ =	swait.ge [sflag:s4], $0x400  }
0x23: {  	[sflag:s4] =	ssyncset.done $0x0  }
0x24: {  	[sflag:s4] =	ssyncadd.s32 $0xFFFFFC00  }
0x25: {  	_ =	swait.ge [sflag:s4], $0xC80  }
0x26: {  	[sflag:s4] =	ssyncset.done $0x0  }
0x27: {  	[sflag:s4] =	ssyncadd.s32 $0xFFFFF380  }
0x28: {  	[bflag:$0x0] =	sbarrier.arrive $0xFFFF  }
0x29: {  	[spmem:s7] =	stream.indirect.scatter.add.f32 [tilespmem:s9], [sflag:$0x1], $0x8, s8, s10, $0xb8;
	[tilespmem:$0x2440] =	vst v63  }
0x2a: {  	_ = 	snop  }
0x2b: {  	[spmem:s7] =	stream.indirect.scatter.add.f32 [tilespmem:s9], [sflag:$0x1], $0x8, s10, s10, $0xb8;
	[tilespmem:$0x2440] =	vst v63  }
0x2c: {  	s0 =	rddreg [dreg:$0x8]  }
0x2d: {  	[spmem:s7] =	stream.indirect.scatter.add.f32 [tilespmem:s9], [sflag:$0x1], $0x8, s0, s10, $0xb8;
	[tilespmem:$0x2440] =	vst v63  }
0x2e: {  	s31 =	rddreg [dreg:$0x9]  }
0x2f: {  	[spmem:s7] =	stream.indirect.scatter.add.f32 [tilespmem:s9], [sflag:$0x1], $0x8, s31, s10, $0xb8;
	[tilespmem:$0x2440] =	vst v63  }
0x30: {  	s0 =	rddreg [dreg:$0xa]  }
0x31: {  	[spmem:s7] =	stream.indirect.scatter.add.f32 [tilespmem:s9], [sflag:$0x1], $0x8, s0, s10, $0xb8;
	[tilespmem:$0x2440] =	vst v63  }
0x32: {  	s31 =	rddreg [dreg:$0xb]  }
0x33: {  	[spmem:s7] =	stream.indirect.scatter.add.f32 [tilespmem:s9], [sflag:$0x1], $0x8, s31, s10, $0xb8;
	[tilespmem:$0x2440] =	vst v63  }
0x34: {  	_ = 	snop  }
0x35: {  	[spmem:s7] =	stream.indirect.scatter.add.f32 [tilespmem:s9], [sflag:$0x1], $0x8, s11, s10, $0xb8;
	[tilespmem:$0x2440] =	vst v63  }
0x36: {  	_ = 	snop  }
0x37: {  	[spmem:s7] =	stream.indirect.scatter.add.f32 [tilespmem:s9], [sflag:$0x1], $0x8, s12, s10, $0xb8;
	[tilespmem:$0x2440] =	vst v63  }
0x38: {  	_ = 	snop  }
0x39: {  	[spmem:s7] =	stream.indirect.scatter.add.f32 [tilespmem:s9], [sflag:$0x1], $0x8, s13, s10, $0xb8;
	[tilespmem:$0x2440] =	vst v63  }
0x3a: {  	_ = 	snop  }
0x3b: {  	[spmem:s7] =	stream.indirect.scatter.add.f32 [tilespmem:s9], [sflag:$0x1], $0x8, s14, s10, $0xb8;
	[tilespmem:$0x2440] =	vst v63  }
0x3c: {  	_ = 	snop  }
0x3d: {  	[spmem:s7] =	stream.indirect.scatter.add.f32 [tilespmem:s9], [sflag:$0x1], $0x8, s15, s10, $0xb8;
	[tilespmem:$0x2440] =	vst v63  }
0x3e: {  	_ = 	snop  }
0x3f: {  	[spmem:s7] =	stream.indirect.scatter.add.f32 [tilespmem:s9], [sflag:$0x1], $0x8, s16, s10, $0xb8;
	[tilespmem:$0x2440] =	vst v63  }
0x40: {  	_ = 	snop  }
0x41: {  	[spmem:s7] =	stream.indirect.scatter.add.f32 [tilespmem:s9], [sflag:$0x1], $0x8, s17, s10, $0xb8;
	[tilespmem:$0x2440] =	vst v63  }
0x42: {  	_ = 	snop  }
0x43: {  	[spmem:s7] =	stream.indirect.scatter.add.f32 [tilespmem:s9], [sflag:$0x1], $0x8, s18, s10, $0xb8;
	[tilespmem:$0x2440] =	vst v63  }
0x44: {  	_ = 	snop  }
0x45: {  	[spmem:s7] =	stream.indirect.scatter.add.f32 [tilespmem:s9], [sflag:$0x1], $0x8, s19, s10, $0xb8;
	[tilespmem:$0x2440] =	vst v63  }
0x46: {  	_ = 	snop  }
0x47: {  	[spmem:s7] =	stream.indirect.scatter.add.f32 [tilespmem:s9], [sflag:$0x1], $0x8, s20, s10, $0xb8;
	[tilespmem:$0x2440] =	vst v63  }
0x48: {  	_ = 	snop  }
0x49: {  	[spmem:s7] =	stream.indirect.scatter.add.f32 [tilespmem:s9], [sflag:$0x1], $0x8, s21, s10, $0xb8;
	[tilespmem:$0x2440] =	vst v63  }
0x4a: {  	_ = 	snop  }
0x4b: {  	[spmem:s7] =	stream.indirect.scatter.add.f32 [tilespmem:s9], [sflag:$0x1], $0x8, s22, s10, $0xb8;
	[tilespmem:$0x2440] =	vst v63  }
0x4c: {  	_ = 	snop  }
0x4d: {  	[spmem:s7] =	stream.indirect.scatter.add.f32 [tilespmem:s9], [sflag:$0x1], $0x8, s23, s10, $0xb8;
	[tilespmem:$0x2440] =	vst v63  }
0x4e: {  	_ = 	snop  }
0x4f: {  	[spmem:s7] =	stream.indirect.scatter.add.f32 [tilespmem:s9], [sflag:$0x1], $0x8, s24, s10, $0xb8;
	[tilespmem:$0x2440] =	vst v63  }
0x50: {  	_ = 	snop  }
0x51: {  	[spmem:s7] =	stream.indirect.scatter.add.f32 [tilespmem:s9], [sflag:$0x1], $0x8, s25, s10, $0xb8;
	[tilespmem:$0x2440] =	vst v63  }
0x52: {  	_ = 	snop  }
0x53: {  	[spmem:s7] =	stream.indirect.scatter.add.f32 [tilespmem:s9], [sflag:$0x1], $0x8, s26, s10, $0xb8;
	[tilespmem:$0x2440] =	vst v63  }
0x54: {  	_ = 	snop  }
0x55: {  	[spmem:s7] =	stream.indirect.scatter.add.f32 [tilespmem:s9], [sflag:$0x1], $0x8, s28, s10, $0xb8;
	[tilespmem:$0x2440] =	vst v63  }
0x56: {  	_ = 	snop  }
0x57: {  	[spmem:s7] =	stream.indirect.scatter.add.f32 [tilespmem:s9], [sflag:$0x1], $0x8, s29, s10, $0xb8;
	[tilespmem:$0x2440] =	vst v63  }
0x58: {  	_ = 	snop  }
0x59: {  	[spmem:s7] =	stream.indirect.scatter.add.f32 [tilespmem:s9], [sflag:$0x1], $0x8, s30, s10, $0xb8;
	[tilespmem:$0x2440] =	vst v63  }
0x5a: {  	_ =	swait.ge [sflag:s4], $0x400  }
0x5b: {  	[sflag:s4] =	ssyncset.done $0x0  }
0x5c: {  	[sflag:s4] =	ssyncadd.s32 $0xFFFFFC00  }
0x5d: {  	_ =	swait.ge [sflag:s4], $0x400  }
0x5e: {  	[sflag:s4] =	ssyncset.done $0x0  }
0x5f: {  	[sflag:s4] =	ssyncadd.s32 $0xFFFFFC00  }
0x60: {  	_ =	swait.ge [sflag:s4], $0x400  }
0x61: {  	[sflag:s4] =	ssyncset.done $0x0  }
0x62: {  	[sflag:s4] =	ssyncadd.s32 $0xFFFFFC00  }
0x63: {  	_ =	swait.ge [sflag:s4], $0x400  }
0x64: {  	[sflag:s4] =	ssyncset.done $0x0  }
0x65: {  	[sflag:s4] =	ssyncadd.s32 $0xFFFFFC00  }
0x66: {  	_ =	swait.ge [sflag:s4], $0x400  }
0x67: {  	[sflag:s4] =	ssyncset.done $0x0  }
0x68: {  	[sflag:s4] =	ssyncadd.s32 $0xFFFFFC00  }
0x69: {  	_ =	swait.ge [sflag:s4], $0x400  }
0x6a: {  	[sflag:s4] =	ssyncset.done $0x0  }
0x6b: {  	[sflag:s4] =	ssyncadd.s32 $0xFFFFFC00  }
0x6c: {  	_ =	swait.ge [sflag:s4], $0x400  }
0x6d: {  	[sflag:s4] =	ssyncset.done $0x0  }
0x6e: {  	[sflag:s4] =	ssyncadd.s32 $0xFFFFFC00  }
0x6f: {  	_ =	swait.ge [sflag:s4], $0x400  }
0x70: {  	[sflag:s4] =	ssyncset.done $0x0  }
0x71: {  	[sflag:s4] =	ssyncadd.s32 $0xFFFFFC00  }
0x72: {  	_ =	swait.ge [sflag:s4], $0x400  }
0x73: {  	[sflag:s4] =	ssyncset.done $0x0  }
0x74: {  	[sflag:s4] =	ssyncadd.s32 $0xFFFFFC00  }
0x75: {  	_ =	swait.ge [sflag:s4], $0x400  }
0x76: {  	[sflag:s4] =	ssyncset.done $0x0  }
0x77: {  	[sflag:s4] =	ssyncadd.s32 $0xFFFFFC00  }
0x78: {  	_ =	swait.ge [sflag:s4], $0x400  }
0x79: {  	[sflag:s4] =	ssyncset.done $0x0  }
0x7a: {  	[sflag:s4] =	ssyncadd.s32 $0xFFFFFC00  }
0x7b: {  	_ =	swait.ge [sflag:s4], $0x400  }
0x7c: {  	[sflag:s4] =	ssyncset.done $0x0  }
0x7d: {  	[sflag:s4] =	ssyncadd.s32 $0xFFFFFC00  }
0x7e: {  	_ =	swait.ge [sflag:s4], $0x400  }
0x7f: {  	[sflag:s4] =	ssyncset.done $0x0  }
0x80: {  	[sflag:s4] =	ssyncadd.s32 $0xFFFFFC00  }
0x81: {  	_ =	swait.ge [sflag:s4], $0x400  }
0x82: {  	[sflag:s4] =	ssyncset.done $0x0  }
0x83: {  	[sflag:s4] =	ssyncadd.s32 $0xFFFFFC00  }
0x84: {  	_ =	swait.ge [sflag:s4], $0x400  }
0x85: {  	[sflag:s4] =	ssyncset.done $0x0  }
0x86: {  	[sflag:s4] =	ssyncadd.s32 $0xFFFFFC00  }
0x87: {  	_ =	swait.ge [sflag:s4], $0x400  }
0x88: {  	[sflag:s4] =	ssyncset.done $0x0  }
0x89: {  	[sflag:s4] =	ssyncadd.s32 $0xFFFFFC00  }
0x8a: {  	_ =	swait.ge [sflag:s4], $0x400  }
0x8b: {  	[sflag:s4] =	ssyncset.done $0x0  }
0x8c: {  	[sflag:s4] =	ssyncadd.s32 $0xFFFFFC00  }
0x8d: {  	_ =	swait.ge [sflag:s4], $0x400  }
0x8e: {  	[sflag:s4] =	ssyncset.done $0x0  }
0x8f: {  	[sflag:s4] =	ssyncadd.s32 $0xFFFFFC00  }
0x90: {  	_ =	swait.ge [sflag:s4], $0x400  }
0x91: {  	[sflag:s4] =	ssyncset.done $0x0  }
0x92: {  	[sflag:s4] =	ssyncadd.s32 $0xFFFFFC00  }
0x93: {  	_ =	swait.ge [sflag:s4], $0x400  }
0x94: {  	[sflag:s4] =	ssyncset.done $0x0  }
0x95: {  	[sflag:s4] =	ssyncadd.s32 $0xFFFFFC00  }
0x96: {  	_ =	swait.ge [sflag:s4], $0x400  }
0x97: {  	[sflag:s4] =	ssyncset.done $0x0  }
0x98: {  	[sflag:s4] =	ssyncadd.s32 $0xFFFFFC00  }
0x99: {  	_ =	swait.ge [sflag:s4], $0x400  }
0x9a: {  	[sflag:s4] =	ssyncset.done $0x0  }
0x9b: {  	[sflag:s4] =	ssyncadd.s32 $0xFFFFFC00  }
0x9c: {  	_ =	swait.ge [sflag:s4], $0x400  }
0x9d: {  	[sflag:s4] =	ssyncset.done $0x0  }
0x9e: {  	[sflag:s4] =	ssyncadd.s32 $0xFFFFFC00  }
0x9f: {  	_ =	swait.ge [sflag:s4], $0x400  }
0xa0: {  	[sflag:s4] =	ssyncset.done $0x0  }
0xa1: {  	[sflag:s4] =	ssyncadd.s32 $0xFFFFFC00  }
0xa2: {  	_ =	swait.ge [sflag:s4], $0x400  }
0xa3: {  	[sflag:s4] =	ssyncset.done $0x0  }
0xa4: {  	p1 =	sne.s32 s1, $0x1;
	[sflag:s4] =	ssyncadd.s32 $0xFFFFFC00  }
.Ltmp1:
0xa5: {  	[bflag:$0x0] =	sbarrier.arrive $0xFFFF;
	(pc) =	sbr.rel @!p1 .LBB2_2-.Ltmp1, $4  }
0xa6: {  	s31 =	sor.u32 $0x1C02, s2;
	[dreg:$0xc] =	wrdreg s2  }
0xa7: {  	[hbm:s5], [sflag:s31] =	dma.local [spmem:s3], $0x278  }
0xa8: {  	s1 =	sadd.s32 $0xFFFFFFFF, s1;
	_ =	swait.ge [sflag:s6], $0x278  }
0xa9: {  	p0 =	por $0x1, $0x1;
	s0 =	rddreg [dreg:$0x5];
	[sflag:s6] =	ssyncset.done $0x0  }
.LBB2_3:
0xaa: {  	s2 =	rddreg [dreg:$0x6];
	[sflag:s6] =	ssyncadd.s32 $0xFFFFFD88  }
0xab: {  	[spmem:s3], [sflag:s2] =	dma.local [hbm:s0], $0x278  }
0xac: {  	s0 =	rddreg [dreg:$0x4]  }
0xad: {  	[tilespmem:s9], [sflag:$0x1] =	stream.linear.gather [hbm4b:s0+s8], $0x400, $0x38;
	[tilespmem:$0x2440] =	vst v63  }
0xae: {  	s2 =	rddreg [dreg:$0x7]  }
0xaf: {  	[tilespmem:s8], [sflag:$0x1] =	stream.linear.gather [hbm4b:s2+s8], $0xC80, $0x38;
	[tilespmem:$0x2440] =	vst v63  }
0xb0: {  	_ =	swait.ge [sflag:s4], $0x278  }
0xb1: {  	[sflag:s4] =	ssyncset.done $0x0  }
0xb2: {  	[sflag:s4] =	ssyncadd.s32 $0xFFFFFD88  }
0xb3: {  	_ =	swait.ge [sflag:s4], $0x400  }
0xb4: {  	[sflag:s4] =	ssyncset.done $0x0  }
0xb5: {  	[sflag:s4] =	ssyncadd.s32 $0xFFFFFC00  }
0xb6: {  	_ =	swait.ge [sflag:s4], $0xC80  }
0xb7: {  	[sflag:s4] =	ssyncset.done $0x0  }
0xb8: {  	[sflag:s4] =	ssyncadd.s32 $0xFFFFF380  }
0xb9: {  	[bflag:$0x0] =	sbarrier.arrive $0xFFFF  }
0xba: {  	[spmem:s7] =	stream.indirect.scatter.add.f32 [tilespmem:s9], [sflag:$0x1], $0x8, s8, s10, $0xb8;
	[tilespmem:$0x2440] =	vst v63  }
0xbb: {  	_ = 	snop  }
0xbc: {  	[spmem:s7] =	stream.indirect.scatter.add.f32 [tilespmem:s9], [sflag:$0x1], $0x8, s10, s10, $0xb8;
	[tilespmem:$0x2440] =	vst v63  }
0xbd: {  	s0 =	rddreg [dreg:$0x8]  }
0xbe: {  	[spmem:s7] =	stream.indirect.scatter.add.f32 [tilespmem:s9], [sflag:$0x1], $0x8, s0, s10, $0xb8;
	[tilespmem:$0x2440] =	vst v63  }
0xbf: {  	s2 =	rddreg [dreg:$0x9]  }
0xc0: {  	[spmem:s7] =	stream.indirect.scatter.add.f32 [tilespmem:s9], [sflag:$0x1], $0x8, s2, s10, $0xb8;
	[tilespmem:$0x2440] =	vst v63  }
0xc1: {  	s0 =	rddreg [dreg:$0xa]  }
0xc2: {  	[spmem:s7] =	stream.indirect.scatter.add.f32 [tilespmem:s9], [sflag:$0x1], $0x8, s0, s10, $0xb8;
	[tilespmem:$0x2440] =	vst v63  }
0xc3: {  	s2 =	rddreg [dreg:$0xb]  }
0xc4: {  	[spmem:s7] =	stream.indirect.scatter.add.f32 [tilespmem:s9], [sflag:$0x1], $0x8, s2, s10, $0xb8;
	[tilespmem:$0x2440] =	vst v63  }
0xc5: {  	_ = 	snop  }
0xc6: {  	[spmem:s7] =	stream.indirect.scatter.add.f32 [tilespmem:s9], [sflag:$0x1], $0x8, s11, s10, $0xb8;
	[tilespmem:$0x2440] =	vst v63  }
0xc7: {  	_ = 	snop  }
0xc8: {  	[spmem:s7] =	stream.indirect.scatter.add.f32 [tilespmem:s9], [sflag:$0x1], $0x8, s12, s10, $0xb8;
	[tilespmem:$0x2440] =	vst v63  }
0xc9: {  	_ = 	snop  }
0xca: {  	[spmem:s7] =	stream.indirect.scatter.add.f32 [tilespmem:s9], [sflag:$0x1], $0x8, s13, s10, $0xb8;
	[tilespmem:$0x2440] =	vst v63  }
0xcb: {  	_ = 	snop  }
0xcc: {  	[spmem:s7] =	stream.indirect.scatter.add.f32 [tilespmem:s9], [sflag:$0x1], $0x8, s14, s10, $0xb8;
	[tilespmem:$0x2440] =	vst v63  }
0xcd: {  	_ = 	snop  }
0xce: {  	[spmem:s7] =	stream.indirect.scatter.add.f32 [tilespmem:s9], [sflag:$0x1], $0x8, s15, s10, $0xb8;
	[tilespmem:$0x2440] =	vst v63  }
0xcf: {  	_ = 	snop  }
0xd0: {  	[spmem:s7] =	stream.indirect.scatter.add.f32 [tilespmem:s9], [sflag:$0x1], $0x8, s16, s10, $0xb8;
	[tilespmem:$0x2440] =	vst v63  }
0xd1: {  	_ = 	snop  }
0xd2: {  	[spmem:s7] =	stream.indirect.scatter.add.f32 [tilespmem:s9], [sflag:$0x1], $0x8, s17, s10, $0xb8;
	[tilespmem:$0x2440] =	vst v63  }
0xd3: {  	_ = 	snop  }
0xd4: {  	[spmem:s7] =	stream.indirect.scatter.add.f32 [tilespmem:s9], [sflag:$0x1], $0x8, s18, s10, $0xb8;
	[tilespmem:$0x2440] =	vst v63  }
0xd5: {  	_ = 	snop  }
0xd6: {  	[spmem:s7] =	stream.indirect.scatter.add.f32 [tilespmem:s9], [sflag:$0x1], $0x8, s19, s10, $0xb8;
	[tilespmem:$0x2440] =	vst v63  }
0xd7: {  	_ = 	snop  }
0xd8: {  	[spmem:s7] =	stream.indirect.scatter.add.f32 [tilespmem:s9], [sflag:$0x1], $0x8, s20, s10, $0xb8;
	[tilespmem:$0x2440] =	vst v63  }
0xd9: {  	_ = 	snop  }
0xda: {  	[spmem:s7] =	stream.indirect.scatter.add.f32 [tilespmem:s9], [sflag:$0x1], $0x8, s21, s10, $0xb8;
	[tilespmem:$0x2440] =	vst v63  }
0xdb: {  	_ = 	snop  }
0xdc: {  	[spmem:s7] =	stream.indirect.scatter.add.f32 [tilespmem:s9], [sflag:$0x1], $0x8, s22, s10, $0xb8;
	[tilespmem:$0x2440] =	vst v63  }
0xdd: {  	_ = 	snop  }
0xde: {  	[spmem:s7] =	stream.indirect.scatter.add.f32 [tilespmem:s9], [sflag:$0x1], $0x8, s23, s10, $0xb8;
	[tilespmem:$0x2440] =	vst v63  }
0xdf: {  	_ = 	snop  }
0xe0: {  	[spmem:s7] =	stream.indirect.scatter.add.f32 [tilespmem:s9], [sflag:$0x1], $0x8, s24, s10, $0xb8;
	[tilespmem:$0x2440] =	vst v63  }
0xe1: {  	_ = 	snop  }
0xe2: {  	[spmem:s7] =	stream.indirect.scatter.add.f32 [tilespmem:s9], [sflag:$0x1], $0x8, s25, s10, $0xb8;
	[tilespmem:$0x2440] =	vst v63  }
0xe3: {  	_ = 	snop  }
0xe4: {  	[spmem:s7] =	stream.indirect.scatter.add.f32 [tilespmem:s9], [sflag:$0x1], $0x8, s26, s10, $0xb8;
	[tilespmem:$0x2440] =	vst v63  }
0xe5: {  	_ = 	snop  }
0xe6: {  	[spmem:s7] =	stream.indirect.scatter.add.f32 [tilespmem:s9], [sflag:$0x1], $0x8, s28, s10, $0xb8;
	[tilespmem:$0x2440] =	vst v63  }
0xe7: {  	_ = 	snop  }
0xe8: {  	[spmem:s7] =	stream.indirect.scatter.add.f32 [tilespmem:s9], [sflag:$0x1], $0x8, s29, s10, $0xb8;
	[tilespmem:$0x2440] =	vst v63  }
0xe9: {  	_ = 	snop  }
0xea: {  	[spmem:s7] =	stream.indirect.scatter.add.f32 [tilespmem:s9], [sflag:$0x1], $0x8, s30, s10, $0xb8;
	[tilespmem:$0x2440] =	vst v63  }
0xeb: {  	_ =	swait.ge [sflag:s4], $0x400  }
0xec: {  	[sflag:s4] =	ssyncset.done $0x0  }
0xed: {  	[sflag:s4] =	ssyncadd.s32 $0xFFFFFC00  }
0xee: {  	_ =	swait.ge [sflag:s4], $0x400  }
0xef: {  	[sflag:s4] =	ssyncset.done $0x0  }
0xf0: {  	[sflag:s4] =	ssyncadd.s32 $0xFFFFFC00  }
0xf1: {  	_ =	swait.ge [sflag:s4], $0x400  }
0xf2: {  	[sflag:s4] =	ssyncset.done $0x0  }
0xf3: {  	[sflag:s4] =	ssyncadd.s32 $0xFFFFFC00  }
0xf4: {  	_ =	swait.ge [sflag:s4], $0x400  }
0xf5: {  	[sflag:s4] =	ssyncset.done $0x0  }
0xf6: {  	[sflag:s4] =	ssyncadd.s32 $0xFFFFFC00  }
0xf7: {  	_ =	swait.ge [sflag:s4], $0x400  }
0xf8: {  	[sflag:s4] =	ssyncset.done $0x0  }
0xf9: {  	[sflag:s4] =	ssyncadd.s32 $0xFFFFFC00  }
0xfa: {  	_ =	swait.ge [sflag:s4], $0x400  }
0xfb: {  	[sflag:s4] =	ssyncset.done $0x0  }
0xfc: {  	[sflag:s4] =	ssyncadd.s32 $0xFFFFFC00  }
0xfd: {  	_ =	swait.ge [sflag:s4], $0x400  }
0xfe: {  	[sflag:s4] =	ssyncset.done $0x0  }
0xff: {  	[sflag:s4] =	ssyncadd.s32 $0xFFFFFC00  }
0x100: {  	_ =	swait.ge [sflag:s4], $0x400  }
0x101: {  	[sflag:s4] =	ssyncset.done $0x0  }
0x102: {  	[sflag:s4] =	ssyncadd.s32 $0xFFFFFC00  }
0x103: {  	_ =	swait.ge [sflag:s4], $0x400  }
0x104: {  	[sflag:s4] =	ssyncset.done $0x0  }
0x105: {  	[sflag:s4] =	ssyncadd.s32 $0xFFFFFC00  }
0x106: {  	_ =	swait.ge [sflag:s4], $0x400  }
0x107: {  	[sflag:s4] =	ssyncset.done $0x0  }
0x108: {  	[sflag:s4] =	ssyncadd.s32 $0xFFFFFC00  }
0x109: {  	_ =	swait.ge [sflag:s4], $0x400  }
0x10a: {  	[sflag:s4] =	ssyncset.done $0x0  }
0x10b: {  	[sflag:s4] =	ssyncadd.s32 $0xFFFFFC00  }
0x10c: {  	_ =	swait.ge [sflag:s4], $0x400  }
0x10d: {  	[sflag:s4] =	ssyncset.done $0x0  }
0x10e: {  	[sflag:s4] =	ssyncadd.s32 $0xFFFFFC00  }
0x10f: {  	_ =	swait.ge [sflag:s4], $0x400  }
0x110: {  	[sflag:s4] =	ssyncset.done $0x0  }
0x111: {  	[sflag:s4] =	ssyncadd.s32 $0xFFFFFC00  }
0x112: {  	_ =	swait.ge [sflag:s4], $0x400  }
0x113: {  	[sflag:s4] =	ssyncset.done $0x0  }
0x114: {  	[sflag:s4] =	ssyncadd.s32 $0xFFFFFC00  }
0x115: {  	_ =	swait.ge [sflag:s4], $0x400  }
0x116: {  	[sflag:s4] =	ssyncset.done $0x0  }
0x117: {  	[sflag:s4] =	ssyncadd.s32 $0xFFFFFC00  }
0x118: {  	_ =	swait.ge [sflag:s4], $0x400  }
0x119: {  	[sflag:s4] =	ssyncset.done $0x0  }
0x11a: {  	[sflag:s4] =	ssyncadd.s32 $0xFFFFFC00  }
0x11b: {  	_ =	swait.ge [sflag:s4], $0x400  }
0x11c: {  	[sflag:s4] =	ssyncset.done $0x0  }
0x11d: {  	[sflag:s4] =	ssyncadd.s32 $0xFFFFFC00  }
0x11e: {  	_ =	swait.ge [sflag:s4], $0x400  }
0x11f: {  	[sflag:s4] =	ssyncset.done $0x0  }
0x120: {  	[sflag:s4] =	ssyncadd.s32 $0xFFFFFC00  }
0x121: {  	_ =	swait.ge [sflag:s4], $0x400  }
0x122: {  	[sflag:s4] =	ssyncset.done $0x0  }
0x123: {  	[sflag:s4] =	ssyncadd.s32 $0xFFFFFC00  }
0x124: {  	_ =	swait.ge [sflag:s4], $0x400  }
0x125: {  	[sflag:s4] =	ssyncset.done $0x0  }
0x126: {  	[sflag:s4] =	ssyncadd.s32 $0xFFFFFC00  }
0x127: {  	_ =	swait.ge [sflag:s4], $0x400  }
0x128: {  	[sflag:s4] =	ssyncset.done $0x0  }
0x129: {  	[sflag:s4] =	ssyncadd.s32 $0xFFFFFC00  }
0x12a: {  	_ =	swait.ge [sflag:s4], $0x400  }
0x12b: {  	[sflag:s4] =	ssyncset.done $0x0  }
0x12c: {  	[sflag:s4] =	ssyncadd.s32 $0xFFFFFC00  }
0x12d: {  	_ =	swait.ge [sflag:s4], $0x400  }
0x12e: {  	[sflag:s4] =	ssyncset.done $0x0  }
0x12f: {  	[sflag:s4] =	ssyncadd.s32 $0xFFFFFC00  }
0x130: {  	_ =	swait.ge [sflag:s4], $0x400  }
0x131: {  	[sflag:s4] =	ssyncset.done $0x0  }
0x132: {  	[sflag:s4] =	ssyncadd.s32 $0xFFFFFC00  }
0x133: {  	_ =	swait.ge [sflag:s4], $0x400  }
0x134: {  	p1 =	sne.s32 s1, $0x1;
	[sflag:s4] =	ssyncset.done $0x0  }
.Ltmp2:
0x135: {  	[sflag:s4] =	ssyncadd.s32 $0xFFFFFC00;
	(pc) =	sbr.rel @p1 .LBB2_3-.Ltmp2, $4  }
0x136: {  	[bflag:$0x0] =	sbarrier.arrive $0xFFFF  }
0x137: {  	[hbm:s5], [sflag:s31] =	dma.local [spmem:s3], $0x278  }
0x138: {  	_ =	swait.ge [sflag:s6], $0x278  }
0x139: {  	s1 =	sadd.s32 $0xFFFFFFFF, s1;
	s0 =	rddreg [dreg:$0x5];
	[sflag:s6] =	ssyncset.done $0x0  }
0x13a: {  	s31 =	stileid.u32;
	s2 =	rddreg [dreg:$0xc]  }
.LBB2_5:
0x13b: {  	s1 =	rddreg [dreg:$0x6];
	[sflag:s6] =	ssyncadd.s32 @p0 $0xFFFFFD88  }
0x13c: {  	[spmem:s3], [sflag:s1] =	dma.local [hbm:s0], $0x278  }
0x13d: {  	s0 =	rddreg [dreg:$0x4]  }
0x13e: {  	[tilespmem:s9], [sflag:$0x1] =	stream.linear.gather [hbm4b:s0+s8], $0x400, $0x38;
	[tilespmem:$0x2440] =	vst v63  }
0x13f: {  	s1 =	rddreg [dreg:$0x7]  }
0x140: {  	[tilespmem:s8], [sflag:$0x1] =	stream.linear.gather [hbm4b:s1+s8], $0xC80, $0x38;
	[tilespmem:$0x2440] =	vst v63  }
0x141: {  	_ =	swait.ge [sflag:s4], $0x278  }
0x142: {  	[sflag:s4] =	ssyncset.done $0x0  }
0x143: {  	[sflag:s4] =	ssyncadd.s32 $0xFFFFFD88  }
0x144: {  	_ =	swait.ge [sflag:s4], $0x400  }
0x145: {  	[sflag:s4] =	ssyncset.done $0x0  }
0x146: {  	[sflag:s4] =	ssyncadd.s32 $0xFFFFFC00  }
0x147: {  	_ =	swait.ge [sflag:s4], $0xC80  }
0x148: {  	[sflag:s4] =	ssyncset.done $0x0  }
0x149: {  	[sflag:s4] =	ssyncadd.s32 $0xFFFFF380  }
0x14a: {  	[bflag:$0x0] =	sbarrier.arrive $0xFFFF  }
0x14b: {  	[spmem:s7] =	stream.indirect.scatter.add.f32 [tilespmem:s9], [sflag:$0x1], $0x8, s8, s10, $0xb8;
	[tilespmem:$0x2440] =	vst v63  }
0x14c: {  	_ = 	snop  }
0x14d: {  	[spmem:s7] =	stream.indirect.scatter.add.f32 [tilespmem:s9], [sflag:$0x1], $0x8, s10, s10, $0xb8;
	[tilespmem:$0x2440] =	vst v63  }
0x14e: {  	s1 =	rddreg [dreg:$0x8]  }
0x14f: {  	[spmem:s7] =	stream.indirect.scatter.add.f32 [tilespmem:s9], [sflag:$0x1], $0x8, s1, s10, $0xb8;
	[tilespmem:$0x2440] =	vst v63  }
0x150: {  	s8 =	rddreg [dreg:$0x9]  }
0x151: {  	[spmem:s7] =	stream.indirect.scatter.add.f32 [tilespmem:s9], [sflag:$0x1], $0x8, s8, s10, $0xb8;
	[tilespmem:$0x2440] =	vst v63  }
0x152: {  	s0 =	rddreg [dreg:$0xa]  }
0x153: {  	[spmem:s7] =	stream.indirect.scatter.add.f32 [tilespmem:s9], [sflag:$0x1], $0x8, s0, s10, $0xb8;
	[tilespmem:$0x2440] =	vst v63  }
0x154: {  	s8 =	rddreg [dreg:$0xb]  }
0x155: {  	[spmem:s7] =	stream.indirect.scatter.add.f32 [tilespmem:s9], [sflag:$0x1], $0x8, s8, s10, $0xb8;
	[tilespmem:$0x2440] =	vst v63  }
0x156: {  	_ = 	snop  }
0x157: {  	[spmem:s7] =	stream.indirect.scatter.add.f32 [tilespmem:s9], [sflag:$0x1], $0x8, s11, s10, $0xb8;
	[tilespmem:$0x2440] =	vst v63  }
0x158: {  	_ = 	snop  }
0x159: {  	[spmem:s7] =	stream.indirect.scatter.add.f32 [tilespmem:s9], [sflag:$0x1], $0x8, s12, s10, $0xb8;
	[tilespmem:$0x2440] =	vst v63  }
0x15a: {  	_ = 	snop  }
0x15b: {  	[spmem:s7] =	stream.indirect.scatter.add.f32 [tilespmem:s9], [sflag:$0x1], $0x8, s13, s10, $0xb8;
	[tilespmem:$0x2440] =	vst v63  }
0x15c: {  	_ = 	snop  }
0x15d: {  	[spmem:s7] =	stream.indirect.scatter.add.f32 [tilespmem:s9], [sflag:$0x1], $0x8, s14, s10, $0xb8;
	[tilespmem:$0x2440] =	vst v63  }
0x15e: {  	_ = 	snop  }
0x15f: {  	[spmem:s7] =	stream.indirect.scatter.add.f32 [tilespmem:s9], [sflag:$0x1], $0x8, s15, s10, $0xb8;
	[tilespmem:$0x2440] =	vst v63  }
0x160: {  	_ = 	snop  }
0x161: {  	[spmem:s7] =	stream.indirect.scatter.add.f32 [tilespmem:s9], [sflag:$0x1], $0x8, s16, s10, $0xb8;
	[tilespmem:$0x2440] =	vst v63  }
0x162: {  	_ = 	snop  }
0x163: {  	[spmem:s7] =	stream.indirect.scatter.add.f32 [tilespmem:s9], [sflag:$0x1], $0x8, s17, s10, $0xb8;
	[tilespmem:$0x2440] =	vst v63  }
0x164: {  	_ = 	snop  }
0x165: {  	[spmem:s7] =	stream.indirect.scatter.add.f32 [tilespmem:s9], [sflag:$0x1], $0x8, s18, s10, $0xb8;
	[tilespmem:$0x2440] =	vst v63  }
0x166: {  	_ = 	snop  }
0x167: {  	[spmem:s7] =	stream.indirect.scatter.add.f32 [tilespmem:s9], [sflag:$0x1], $0x8, s19, s10, $0xb8;
	[tilespmem:$0x2440] =	vst v63  }
0x168: {  	_ = 	snop  }
0x169: {  	[spmem:s7] =	stream.indirect.scatter.add.f32 [tilespmem:s9], [sflag:$0x1], $0x8, s20, s10, $0xb8;
	[tilespmem:$0x2440] =	vst v63  }
0x16a: {  	_ = 	snop  }
0x16b: {  	[spmem:s7] =	stream.indirect.scatter.add.f32 [tilespmem:s9], [sflag:$0x1], $0x8, s21, s10, $0xb8;
	[tilespmem:$0x2440] =	vst v63  }
0x16c: {  	_ = 	snop  }
0x16d: {  	[spmem:s7] =	stream.indirect.scatter.add.f32 [tilespmem:s9], [sflag:$0x1], $0x8, s22, s10, $0xb8;
	[tilespmem:$0x2440] =	vst v63  }
0x16e: {  	_ = 	snop  }
0x16f: {  	[spmem:s7] =	stream.indirect.scatter.add.f32 [tilespmem:s9], [sflag:$0x1], $0x8, s23, s10, $0xb8;
	[tilespmem:$0x2440] =	vst v63  }
0x170: {  	_ = 	snop  }
0x171: {  	[spmem:s7] =	stream.indirect.scatter.add.f32 [tilespmem:s9], [sflag:$0x1], $0x8, s24, s10, $0xb8;
	[tilespmem:$0x2440] =	vst v63  }
0x172: {  	_ = 	snop  }
0x173: {  	[spmem:s7] =	stream.indirect.scatter.add.f32 [tilespmem:s9], [sflag:$0x1], $0x8, s25, s10, $0xb8;
	[tilespmem:$0x2440] =	vst v63  }
0x174: {  	_ = 	snop  }
0x175: {  	[spmem:s7] =	stream.indirect.scatter.add.f32 [tilespmem:s9], [sflag:$0x1], $0x8, s26, s10, $0xb8;
	[tilespmem:$0x2440] =	vst v63  }
0x176: {  	_ = 	snop  }
0x177: {  	[spmem:s7] =	stream.indirect.scatter.add.f32 [tilespmem:s9], [sflag:$0x1], $0x8, s28, s10, $0xb8;
	[tilespmem:$0x2440] =	vst v63  }
0x178: {  	_ = 	snop  }
0x179: {  	[spmem:s7] =	stream.indirect.scatter.add.f32 [tilespmem:s9], [sflag:$0x1], $0x8, s29, s10, $0xb8;
	[tilespmem:$0x2440] =	vst v63  }
0x17a: {  	_ = 	snop  }
0x17b: {  	[spmem:s7] =	stream.indirect.scatter.add.f32 [tilespmem:s9], [sflag:$0x1], $0x8, s30, s10, $0xb8;
	[tilespmem:$0x2440] =	vst v63  }
0x17c: {  	_ =	swait.ge [sflag:s4], $0x400  }
0x17d: {  	[sflag:s4] =	ssyncset.done $0x0  }
0x17e: {  	[sflag:s4] =	ssyncadd.s32 $0xFFFFFC00  }
0x17f: {  	_ =	swait.ge [sflag:s4], $0x400  }
0x180: {  	[sflag:s4] =	ssyncset.done $0x0  }
0x181: {  	[sflag:s4] =	ssyncadd.s32 $0xFFFFFC00  }
0x182: {  	_ =	swait.ge [sflag:s4], $0x400  }
0x183: {  	[sflag:s4] =	ssyncset.done $0x0  }
0x184: {  	[sflag:s4] =	ssyncadd.s32 $0xFFFFFC00  }
0x185: {  	_ =	swait.ge [sflag:s4], $0x400  }
0x186: {  	[sflag:s4] =	ssyncset.done $0x0  }
0x187: {  	[sflag:s4] =	ssyncadd.s32 $0xFFFFFC00  }
0x188: {  	_ =	swait.ge [sflag:s4], $0x400  }
0x189: {  	[sflag:s4] =	ssyncset.done $0x0  }
0x18a: {  	[sflag:s4] =	ssyncadd.s32 $0xFFFFFC00  }
0x18b: {  	_ =	swait.ge [sflag:s4], $0x400  }
0x18c: {  	[sflag:s4] =	ssyncset.done $0x0  }
0x18d: {  	[sflag:s4] =	ssyncadd.s32 $0xFFFFFC00  }
0x18e: {  	_ =	swait.ge [sflag:s4], $0x400  }
0x18f: {  	[sflag:s4] =	ssyncset.done $0x0  }
0x190: {  	[sflag:s4] =	ssyncadd.s32 $0xFFFFFC00  }
0x191: {  	_ =	swait.ge [sflag:s4], $0x400  }
0x192: {  	[sflag:s4] =	ssyncset.done $0x0  }
0x193: {  	[sflag:s4] =	ssyncadd.s32 $0xFFFFFC00  }
0x194: {  	_ =	swait.ge [sflag:s4], $0x400  }
0x195: {  	[sflag:s4] =	ssyncset.done $0x0  }
0x196: {  	[sflag:s4] =	ssyncadd.s32 $0xFFFFFC00  }
0x197: {  	_ =	swait.ge [sflag:s4], $0x400  }
0x198: {  	[sflag:s4] =	ssyncset.done $0x0  }
0x199: {  	[sflag:s4] =	ssyncadd.s32 $0xFFFFFC00  }
0x19a: {  	_ =	swait.ge [sflag:s4], $0x400  }
0x19b: {  	[sflag:s4] =	ssyncset.done $0x0  }
0x19c: {  	[sflag:s4] =	ssyncadd.s32 $0xFFFFFC00  }
0x19d: {  	_ =	swait.ge [sflag:s4], $0x400  }
0x19e: {  	[sflag:s4] =	ssyncset.done $0x0  }
0x19f: {  	[sflag:s4] =	ssyncadd.s32 $0xFFFFFC00  }
0x1a0: {  	_ =	swait.ge [sflag:s4], $0x400  }
0x1a1: {  	[sflag:s4] =	ssyncset.done $0x0  }
0x1a2: {  	[sflag:s4] =	ssyncadd.s32 $0xFFFFFC00  }
0x1a3: {  	_ =	swait.ge [sflag:s4], $0x400  }
0x1a4: {  	[sflag:s4] =	ssyncset.done $0x0  }
0x1a5: {  	[sflag:s4] =	ssyncadd.s32 $0xFFFFFC00  }
0x1a6: {  	_ =	swait.ge [sflag:s4], $0x400  }
0x1a7: {  	[sflag:s4] =	ssyncset.done $0x0  }
0x1a8: {  	[sflag:s4] =	ssyncadd.s32 $0xFFFFFC00  }
0x1a9: {  	_ =	swait.ge [sflag:s4], $0x400  }
0x1aa: {  	[sflag:s4] =	ssyncset.done $0x0  }
0x1ab: {  	[sflag:s4] =	ssyncadd.s32 $0xFFFFFC00  }
0x1ac: {  	_ =	swait.ge [sflag:s4], $0x400  }
0x1ad: {  	[sflag:s4] =	ssyncset.done $0x0  }
0x1ae: {  	[sflag:s4] =	ssyncadd.s32 $0xFFFFFC00  }
0x1af: {  	_ =	swait.ge [sflag:s4], $0x400  }
0x1b0: {  	[sflag:s4] =	ssyncset.done $0x0  }
0x1b1: {  	[sflag:s4] =	ssyncadd.s32 $0xFFFFFC00  }
0x1b2: {  	_ =	swait.ge [sflag:s4], $0x400  }
0x1b3: {  	[sflag:s4] =	ssyncset.done $0x0  }
0x1b4: {  	[sflag:s4] =	ssyncadd.s32 $0xFFFFFC00  }
0x1b5: {  	_ =	swait.ge [sflag:s4], $0x400  }
0x1b6: {  	[sflag:s4] =	ssyncset.done $0x0  }
0x1b7: {  	[sflag:s4] =	ssyncadd.s32 $0xFFFFFC00  }
0x1b8: {  	_ =	swait.ge [sflag:s4], $0x400  }
0x1b9: {  	[sflag:s4] =	ssyncset.done $0x0  }
0x1ba: {  	[sflag:s4] =	ssyncadd.s32 $0xFFFFFC00  }
0x1bb: {  	_ =	swait.ge [sflag:s4], $0x400  }
0x1bc: {  	[sflag:s4] =	ssyncset.done $0x0  }
0x1bd: {  	[sflag:s4] =	ssyncadd.s32 $0xFFFFFC00  }
0x1be: {  	_ =	swait.ge [sflag:s4], $0x400  }
0x1bf: {  	[sflag:s4] =	ssyncset.done $0x0  }
0x1c0: {  	[sflag:s4] =	ssyncadd.s32 $0xFFFFFC00  }
0x1c1: {  	_ =	swait.ge [sflag:s4], $0x400  }
0x1c2: {  	[sflag:s4] =	ssyncset.done $0x0  }
0x1c3: {  	[sflag:s4] =	ssyncadd.s32 $0xFFFFFC00  }
0x1c4: {  	_ =	swait.ge [sflag:s4], $0x400  }
0x1c5: {  	[sflag:s4] =	ssyncset.done $0x0  }
0x1c6: {  	[sflag:s4] =	ssyncadd.s32 $0xFFFFFC00  }
0x1c7: {  	s30 =	sor.u32 $0x1C02, s2;
	[bflag:$0x0] =	sbarrier.arrive $0xFFFF  }
0x1c8: {  	[hbm:s5], [sflag:s30] =	dma.local [spmem:s3], $0x278  }
0x1c9: {  	_ =	swait.ge [sflag:s6], $0x278  }
0x1ca: {  	[sflag:s6] =	ssyncset.done $0x0  }
0x1cb: {  	[sflag:s6] =	ssyncadd.s32 $0xFFFFFD88  }
0x1cc: {  	_ =	sfence.sel $0x180000  }
0x1cd: {  	[bflag:$0x0] =	sbarrier.arrive $0xFFFF  }
0x1ce: {  	_ =	strace $0x90000047  }
0x1cf: {  	[bflag:$0x2] =	sbarrier.arrive $0xFFFF  }
0x1d0: {  	p0 =	sne.s32 s31, $0x0;
	s0 =	rddreg [dreg:$0x3]  }
0x1d1: {  	s0 =	sadd.s32 @!p0 $0x100000, s0  }
0x1d2: {  	[sflag:s0] =	ssyncadd.tile.s32 @!p0 $0x1;
	_ =	shalt  }
.LBB2_2:
.Ltmp3:
0x1d3: {  	(pc) =	sbr.rel .LBB2_5-.Ltmp3, $2  }
0x1d4: {  	_ =	sdelay $0x2  }
0x1d5: {  	s31 =	stileid.u32;
	s2 =	rddreg [dreg:$0xc]  }
.Lfunc_end2:
_tile_overlayer_lowered:
.L_overlay_start_2:
0x1d6: {  	(tag) =	ssettag $0x2  }
0x1d7: {  	s0 =	rddreg [dreg:$0x0];
	s2 =	stileid.u32  }
0x1d8: {  	s1 =	rddreg [dreg:$0x1];
	p0 =	sne.s32 s2, $0x0  }
0x1d9: {  	s3 =	rddreg [dreg:$0x2];
	[bflag:$0x3] =	sbarrier.arrive $0xFFFF;
	s2 =	simm.s32 @!p0 $0x1C02  }
0x1da: {  	[timem:s3], [sflag:s2] =	dma.local @!p0 [hbm:s0], s1  }
0x1db: {  	s0 =	simm.s32 @!p0 $0x2  }
0x1dc: {  	_ =	swait.ge @!p0 [sflag:s0], s1  }
0x1dd: {  	s1 =	ssub.s32 @!p0 $0x0, s1;
	[sflag:s0] =	ssyncset.done @!p0 $0x0  }
0x1de: {  	[sflag:s0] =	ssyncadd.s32 @!p0 s1  }
0x1df: {  	[bflag:$0x3] =	sbarrier.arrive $0xFFFF  }
0x1e0: {  	_ =	shalt  }

</sc_bundles>
